<compile_context>
chip_gen: v7x
topology: tpu7x:2x2x1
jax: 0.10.2.dev20260603
libtpu: 0.0.44.dev20260713+nightly
codegen_flags: <defaults>
</compile_context>

<pallas_src>
import functools

import jax
import jax.numpy as jnp
from jax import lax
from jax.experimental import pallas as pl
from jax.experimental.pallas import tpu as pltpu
from jax.experimental.pallas import tpu_sc as plsc

L = 128
H = 512
W = 512
NROWS = 6144
NW = 32
RPW = NROWS // NW

_PERMS = ((0, 1, 2, 3), (2, 0, 3, 1), (3, 2, 1, 0), (1, 3, 0, 2))
_GEOM = (
    (2, 1, 2, 2, 3, 1),
    (3, 0, 4, 0, 3, 3),
    (2, 3, 2, 4, 1, 3),
    (1, 0, 0, 0, 1, 1),
)

_MESH = plsc.VectorSubcoreMesh(core_axis_name="c", subcore_axis_name="s")
_CP = pltpu.CompilerParams(
    needs_layout_passes=False, use_tc_tiling_on_sc=False)


@functools.partial(
    pl.kernel,
    mesh=_MESH,
    out_type=(jax.ShapeDtypeStruct((8388608,), jnp.float32),
              jax.ShapeDtypeStruct((8388608,), jnp.float32)),
    compiler_params=_CP,
    scratch_types=[
        pltpu.VMEM((2 * 8192,), jnp.float32),
        pltpu.VMEM((2 * 8192,), jnp.float32),
        pltpu.SemaphoreType.DMA,
        pltpu.SemaphoreType.DMA,
        pltpu.SemaphoreType.DMA,
        pltpu.SemaphoreType.DMA,
    ],
)
def _reformat_sc(hw_n, lw_n, hw_o, lw_o, src_v, dst_v, ss0, ss1, ds0, ds1):
    wid = lax.axis_index("s") * 2 + lax.axis_index("c")
    iota = lax.iota(jnp.int32, 16)
    ssem = (ss0, ss1)
    dsem = (ds0, ds1)

    def table(src, dst):
        def fire_src(ci, s):
            t0 = wid * 512 + ci * 16
            for p in range(2):
                pltpu.async_copy(
                    src.at[pl.ds((p * 16384 + t0) * 256, 4096)],
                    src_v.at[pl.ds(s * 8192 + p * 4096, 4096)], ssem[s])

        def wait_src(s):
            pltpu.make_async_copy(src.at[pl.ds(0, 8192)],
                                  src_v.at[pl.ds(s * 8192, 8192)],
                                  ssem[s]).wait()

        def wait_dst(s):
            pltpu.make_async_copy(src.at[pl.ds(0, 8192)],
                                  dst_v.at[pl.ds(s * 8192, 8192)],
                                  dsem[s]).wait()

        def interleave(ci, s):
            sb = s * 8192
            db = s * 8192

            def grp_body(g, c2):
                tt = g // 8
                base_c = (g - tt * 8) * 16
                dstbase = db + (tt * 128 + base_c) * 4 + iota * 4
                for p in range(2):
                    for q in range(2):
                        v = src_v[pl.ds(sb + p * 4096 + tt * 256 + q * 128
                                        + base_c, 16)]
                        plsc.store_scatter(dst_v, [dstbase + (2 * p + q)], v)
                return c2

            lax.fori_loop(0, 128, grp_body, 0, unroll=2)
            t0 = wid * 512 + ci * 16
            pltpu.async_copy(dst_v.at[pl.ds(db, 8192)],
                             dst.at[pl.ds(t0 * 512, 8192)], dsem[s])

        fire_src(0, 0)

        def chunk_body(k, carry):
            ciA = 2 * k
            fire_src(ciA + 1, 1)
            wait_src(0)

            @pl.when(k > 0)
            def _():
                wait_dst(0)

            interleave(ciA, 0)

            @pl.when(ciA + 2 < 32)
            def _():
                fire_src(ciA + 2, 0)

            wait_src(1)

            @pl.when(k > 0)
            def _():
                wait_dst(1)

            interleave(ciA + 1, 1)
            return carry

        lax.fori_loop(0, 16, chunk_body, 0, unroll=False)
        wait_dst(0)
        wait_dst(1)

    table(hw_n, hw_o)
    table(lw_n, lw_o)


def _sc_body(img, hw, lw, out, rows_v, ih0, ih1, il0, il1, par_v,
             gh_v, gl_v, outb_v, rs0, rs1, gs0, gs1, os0, os1):
    wid = lax.axis_index("s") * 2 + lax.axis_index("c")
    iota = lax.iota(jnp.int32, 16)
    rsem = (rs0, rs1)
    gsem = (gs0, gs1)
    osem = (os0, os1)
    ih = (ih0, ih1)
    il = (il0, il1)

    def fire_rows(rl, s):
        rglob = wid * RPW + rl
        ch = rglob // H
        i = rglob - ch * H
        base = ch * H
        for d in range(-2, 3):
            src = (base + jnp.clip(i + d, 0, H - 1)) * W
            pltpu.async_copy(img.at[pl.ds(src, W)],
                             rows_v.at[pl.ds(s * 2560 + (d + 2) * W, W)],
                             rsem[s])

    def wait_rows(s):
        pltpu.make_async_copy(img.at[pl.ds(0, 2560)],
                              rows_v.at[pl.ds(s * 2560, 2560)],
                              rsem[s]).wait()

    def idx_compute(s):
        rb = s * 2560
        pb = s * 4096

        def idx_body(k, carry2):
            j0 = k * 16
            jv = j0 + iota
            colv = (jv, jnp.minimum(jv + 1, W - 1),
                    jnp.minimum(jv + 2, W - 1),
                    jnp.maximum(jv - 1, 0), jnp.maximum(jv - 2, 0))

            def ld(slot, cv):
                if cv == 0:
                    return rows_v[pl.ds(rb + slot * W + j0, 16)]
                return plsc.load_gather(rows_v, [colv[cv] + (rb + slot * W)])

            a = rows_v[pl.ds(rb + 2 * W + j0, 16)]
            av = a * (L * L)
            for r, (bs, bc, hs, hc, ls, lc) in enumerate(_GEOM):
                bb = av + ld(bs, bc) * L
                ihv = bb + ld(hs, hc)
                ilv = bb + ld(ls, lc)
                off = r * 512 + j0
                ih[s][pl.ds(off, 16)] = ihv >> 1
                il[s][pl.ds(off, 16)] = ilv >> 1
                par_v[pl.ds(pb + 2 * off, 16)] = (ihv << 2) & 4
                par_v[pl.ds(pb + 2 * off + 16, 16)] = (ilv << 2) & 4
            return carry2

        lax.fori_loop(0, 32, idx_body, 0, unroll=2)

    def fire_gath(s):
        pltpu.async_copy(hw.at[ih[s]], gh_v.at[pl.ds(s * 2048, 2048)],
                         gsem[s])
        pltpu.async_copy(lw.at[il[s]], gl_v.at[pl.ds(s * 2048, 2048)],
                         gsem[s])

    def wait_gath(s):
        pltpu.make_async_copy(hw.at[pl.ds(0, 2048)],
                              gh_v.at[pl.ds(s * 2048, 2048)],
                              gsem[s]).wait()
        pltpu.make_async_copy(lw.at[pl.ds(0, 2048)],
                              gl_v.at[pl.ds(s * 2048, 2048)],
                              gsem[s]).wait()

    def combine(rl, s):
        gb = s * 2048
        pb = s * 4096
        ob = s * 2048

        @pl.when(rl >= 2)
        def _():
            pltpu.make_async_copy(out.at[pl.ds(0, 2048)],
                                  outb_v.at[pl.ds(ob, 2048)],
                                  osem[s]).wait()

        def comb_body(k, carry2):
            j0 = k * 16
            jv = j0 + iota
            acc = [jnp.zeros((16,), jnp.float32) for _ in range(4)]
            for r in range(4):
                perm = _PERMS[r]
                rowv = gb + r * 512 + jv
                off = pb + 2 * (r * 512 + j0)
                ph = par_v[pl.ds(off, 16)]
                plv = par_v[pl.ds(off + 16, 16)]
                for pos in range(4):
                    vh = plsc.load_gather(gh_v, [rowv, ph + perm[pos]])
                    vl = plsc.load_gather(gl_v, [rowv, plv + perm[pos]])
                    acc[pos] = acc[pos] + (vh + vl)
            jv2 = ob + jv * 2
            plsc.store_scatter(outb_v, [jv2], acc[0] * 0.5)
            plsc.store_scatter(outb_v, [jv2 + 1], acc[1] * 0.5)
            plsc.store_scatter(outb_v, [jv2 + 1024], acc[2] * 0.5)
            plsc.store_scatter(outb_v, [jv2 + 1025], acc[3] * 0.5)
            return carry2

        lax.fori_loop(0, 32, comb_body, 0, unroll=2)
        rglob = wid * RPW + rl
        pltpu.async_copy(outb_v.at[pl.ds(ob, 2048)],
                         out.at[pl.ds(rglob * 2048, 2048)], osem[s])

    fire_rows(0, 0)
    fire_rows(1, 1)
    wait_rows(0)
    idx_compute(0)
    fire_gath(0)

    def iter_body(k, carry):
        rA = 2 * k

        @pl.when(rA + 2 < RPW)
        def _():
            fire_rows(rA + 2, 0)

        wait_rows(1)
        idx_compute(1)
        fire_gath(1)

        wait_gath(0)
        combine(rA, 0)

        @pl.when(rA + 3 < RPW)
        def _():
            fire_rows(rA + 3, 1)

        @pl.when(rA + 2 < RPW)
        def _():
            wait_rows(0)
            idx_compute(0)
            fire_gath(0)

        wait_gath(1)
        combine(rA + 1, 1)
        return carry

    lax.fori_loop(0, RPW // 2, iter_body, 0, unroll=False)
    for s in range(2):
        pltpu.make_async_copy(out.at[pl.ds(0, 2048)],
                              outb_v.at[pl.ds(s * 2048, 2048)],
                              osem[s]).wait()


@functools.partial(
    pl.kernel,
    mesh=_MESH,
    out_type=jax.ShapeDtypeStruct((NROWS * 2 * W * 2,), jnp.float32),
    compiler_params=_CP,
    scratch_types=[
        pltpu.VMEM((2 * 5 * W,), jnp.int32),
        pltpu.VMEM((4 * W,), jnp.int32),
        pltpu.VMEM((4 * W,), jnp.int32),
        pltpu.VMEM((4 * W,), jnp.int32),
        pltpu.VMEM((4 * W,), jnp.int32),
        pltpu.VMEM((2 * 8 * W,), jnp.int32),
        pltpu.VMEM((8 * W, 8), jnp.float32),
        pltpu.VMEM((8 * W, 8), jnp.float32),
        pltpu.VMEM((2 * 2 * 2 * W,), jnp.float32),
        pltpu.SemaphoreType.DMA,
        pltpu.SemaphoreType.DMA,
        pltpu.SemaphoreType.DMA,
        pltpu.SemaphoreType.DMA,
        pltpu.SemaphoreType.DMA,
        pltpu.SemaphoreType.DMA,
    ],
)
def _hllut_sc(img, hw, lw, out, *refs):
    _sc_body(img, hw, lw, out, *refs)


def _native_view(w):
    return w.reshape(16384, 128, 2, 2).transpose(2, 0, 3, 1).reshape(-1)


def kernel(img_lr, h_weight, l_weight):
    B, C, _, _ = img_lr.shape
    img = img_lr.reshape(-1)
    hw_lin, lw_lin = _reformat_sc(_native_view(h_weight),
                                  _native_view(l_weight))
    out = _hllut_sc(img, hw_lin.reshape(-1, 8), lw_lin.reshape(-1, 8))
    return out.reshape(B, C, 2 * H, 2 * W)

# --- scband reference (transcript-rebuilt; emitter-appended) ---
"""Pipeline reference for scband-hllut-13477607375178 (READ-ONLY COPY).

The authoritative reference and input builder live on the scoring server;
editing this copy changes nothing except your own understanding.
"""

import jax, jax.numpy as jnp
import numpy as np

L = 128
UPSCALE = 2


def setup_inputs(seed: int = 0) -> dict:
    key = jax.random.key(seed)
    k1, k2, k3 = jax.random.split(key, 3)
    img_lr = jax.random.randint(k1, (4, 3, 512, 512), 0, L, dtype=jnp.int32)
    h_weight = jax.random.normal(k2, (L * L * L, UPSCALE, UPSCALE), dtype=jnp.float32)
    l_weight = jax.random.normal(k3, (L * L * L, UPSCALE, UPSCALE), dtype=jnp.float32)
    return {"img_lr": img_lr, "h_weight": h_weight, "l_weight": l_weight}


def reference(img_lr, h_weight, l_weight):
    out = 0.0
    for ktype in ['h', 'l']:
        weight = h_weight if ktype == 'h' else l_weight
        for r in [0, 1, 2, 3]:
            img_lr_rot = jnp.rot90(img_lr, r, axes=(2, 3))
            B, C, H, W = img_lr_rot.shape
            # replicate pad (0,2,0,2): 2 on right of W, 2 on bottom of H
            img_in = jnp.pad(img_lr_rot, ((0, 0), (0, 0), (0, 2), (0, 2)), mode='edge').astype(jnp.int32)
            if ktype == 'h':
                img_a = img_in[:, :, 0:0 + H, 0:0 + W]
                img_b = img_in[:, :, 0:0 + H, 1:1 + W]
                img_c = img_in[:, :, 0:0 + H, 2:2 + W]
            else:
                img_a = img_in[:, :, 0:0 + H, 0:0 + W]
                img_b = img_in[:, :, 0:0 + H, 1:1 + W]
                img_c = img_in[:, :, 1:1 + H, 1:1 + W]
            idx = img_a.reshape(-1) * (L * L) + img_b.reshape(-1) * L + img_c.reshape(-1)
            tmp = jnp.take(weight, idx, axis=0).reshape((B, C, H, W, UPSCALE, UPSCALE))
            tmp = jnp.transpose(tmp, (0, 1, 2, 4, 3, 5)).reshape((B, C, H * UPSCALE, W * UPSCALE))
            out = out + jnp.rot90(tmp, 4 - r, axes=(2, 3))
    return out / 2.0

if __name__ == "__main__":
    import jax
    _d = setup_inputs()
    print(jax.jit(kernel)(*tuple(_d.values())))

</pallas_src>

<mosaic_0001>
#map = affine_map<(d0, d1) -> (0)>
module attributes {stable_mosaic.version = 14 : i64} {
  func.func @_reformat_sc(%arg0: i32, %arg1: i32, %arg2: memref<8388608xf32, #tpu.memory_space<hbm>>, %arg3: memref<8388608xf32, #tpu.memory_space<hbm>>, %arg4: memref<8388608xf32, #tpu.memory_space<hbm>>, %arg5: memref<8388608xf32, #tpu.memory_space<hbm>>, %arg6: memref<16384xf32, #tpu.memory_space<vmem>>, %arg7: memref<16384xf32, #tpu.memory_space<vmem>>, %arg8: memref<!tpu.dma_semaphore, #tpu.memory_space<semaphore_mem>>, %arg9: memref<!tpu.dma_semaphore, #tpu.memory_space<semaphore_mem>>, %arg10: memref<!tpu.dma_semaphore, #tpu.memory_space<semaphore_mem>>, %arg11: memref<!tpu.dma_semaphore, #tpu.memory_space<semaphore_mem>>) attributes {dimension_semantics = [#tpu.dimension_semantics<core_parallel>, #tpu.dimension_semantics<subcore_parallel>], iteration_bounds = array<i64: 2, 16>, scalar_prefetch = 0 : i64, scratch_operands = 6 : i64, tpu.core_type = #tpu.core_type<sc_vector_subcore>, window_params = [{transform_indices = #map}, {transform_indices = #map}, {transform_indices = #map}, {transform_indices = #map}]} {
    %mul3A = arith.constant 2 : i32
    %mul3A_0 = arith.muli %arg1, %mul3A : i32
    %add3A = arith.addi %mul3A_0, %arg0 : i32
    %iota3A = tpu.iota {dimensions = array<i32: 0>} : vector<16xi32>
    %mul3A_1 = arith.constant 512 : i32
    %mul3A_2 = arith.muli %add3A, %mul3A_1 : i32
    %add3A_3 = arith.constant 0 : i32
    %add3A_4 = arith.addi %mul3A_2, %add3A_3 : i32
    %add3A_5 = arith.constant 0 : i32
    %add3A_6 = arith.addi %add3A_5, %add3A_4 : i32
    %mul3A_7 = arith.constant 256 : i32
    %mul3A_8 = arith.muli %add3A_6, %mul3A_7 : i32
    %dma_start3A = arith.constant 0 : i32
    %dma_start3A_9 = tpu.memref_slice %arg6[%dma_start3A] : memref<16384xf32, #tpu.memory_space<vmem>> -> memref<4096xf32, #tpu.memory_space<vmem>>
    %dma_start3A_10 = tpu.memref_slice %arg2[%mul3A_8] : memref<8388608xf32, #tpu.memory_space<hbm>> -> memref<4096xf32, #tpu.memory_space<hbm>>
    %dma_start3A_11 = arith.constant 0 : i32
    %dma_start3A_12 = tpu.memref_slice %arg6[%dma_start3A_11] : memref<16384xf32, #tpu.memory_space<vmem>> -> memref<4096xf32, #tpu.memory_space<vmem>>
    %dma_start3A_13 = tpu.memref_slice %arg2[%mul3A_8] : memref<8388608xf32, #tpu.memory_space<hbm>> -> memref<4096xf32, #tpu.memory_space<hbm>>
    tpu.enqueue_dma source(%dma_start3A_13 : memref<4096xf32, #tpu.memory_space<hbm>>) target(%dma_start3A_12 : memref<4096xf32, #tpu.memory_space<vmem>>) target_semaphore(%arg8 : memref<!tpu.dma_semaphore, #tpu.memory_space<semaphore_mem>>)
    %add3A_14 = arith.constant 16384 : i32
    %add3A_15 = arith.addi %add3A_14, %add3A_4 : i32
    %mul3A_16 = arith.constant 256 : i32
    %mul3A_17 = arith.muli %add3A_15, %mul3A_16 : i32
    %dma_start3A_18 = arith.constant 4096 : i32
    %dma_start3A_19 = tpu.memref_slice %arg6[%dma_start3A_18] : memref<16384xf32, #tpu.memory_space<vmem>> -> memref<4096xf32, #tpu.memory_space<vmem>>
    %dma_start3A_20 = tpu.memref_slice %arg2[%mul3A_17] : memref<8388608xf32, #tpu.memory_space<hbm>> -> memref<4096xf32, #tpu.memory_space<hbm>>
    %dma_start3A_21 = arith.constant 4096 : i32
    %dma_start3A_22 = tpu.memref_slice %arg6[%dma_start3A_21] : memref<16384xf32, #tpu.memory_space<vmem>> -> memref<4096xf32, #tpu.memory_space<vmem>>
    %dma_start3A_23 = tpu.memref_slice %arg2[%mul3A_17] : memref<8388608xf32, #tpu.memory_space<hbm>> -> memref<4096xf32, #tpu.memory_space<hbm>>
    tpu.enqueue_dma source(%dma_start3A_23 : memref<4096xf32, #tpu.memory_space<hbm>>) target(%dma_start3A_22 : memref<4096xf32, #tpu.memory_space<vmem>>) target_semaphore(%arg8 : memref<!tpu.dma_semaphore, #tpu.memory_space<semaphore_mem>>)
    %scan3A = arith.constant 0 : i32
    %scan3A_24 = arith.constant 0 : i32
    %scan3A_25 = arith.constant 16 : i32
    %scan3A_26 = arith.addi %scan3A_24, %scan3A_25 : i32
    %scan3A_27 = arith.constant 1 : i32
    scf.for %scan3A_90 = %scan3A_24 to %scan3A_26 step %scan3A_27  : i32 {
      %mul3A_91 = arith.constant 2 : i32
      %mul3A_92 = arith.muli %mul3A_91, %scan3A_90 : i32
      %add3A_93 = arith.constant 1 : i32
      %add3A_94 = arith.addi %mul3A_92, %add3A_93 : i32
      %mul3A_95 = arith.constant 512 : i32
      %mul3A_96 = arith.muli %add3A, %mul3A_95 : i32
      %mul3A_97 = arith.constant 16 : i32
      %mul3A_98 = arith.muli %add3A_94, %mul3A_97 : i32
      %add3A_99 = arith.addi %mul3A_96, %mul3A_98 : i32
      %add3A_100 = arith.constant 0 : i32
      %add3A_101 = arith.addi %add3A_100, %add3A_99 : i32
      %mul3A_102 = arith.constant 256 : i32
      %mul3A_103 = arith.muli %add3A_101, %mul3A_102 : i32
      %dma_start3A_104 = arith.constant 8192 : i32
      %dma_start3A_105 = tpu.memref_slice %arg6[%dma_start3A_104] : memref<16384xf32, #tpu.memory_space<vmem>> -> memref<4096xf32, #tpu.memory_space<vmem>>
      %dma_start3A_106 = tpu.memref_slice %arg2[%mul3A_103] : memref<8388608xf32, #tpu.memory_space<hbm>> -> memref<4096xf32, #tpu.memory_space<hbm>>
      %dma_start3A_107 = arith.constant 8192 : i32
      %dma_start3A_108 = tpu.memref_slice %arg6[%dma_start3A_107] : memref<16384xf32, #tpu.memory_space<vmem>> -> memref<4096xf32, #tpu.memory_space<vmem>>
      %dma_start3A_109 = tpu.memref_slice %arg2[%mul3A_103] : memref<8388608xf32, #tpu.memory_space<hbm>> -> memref<4096xf32, #tpu.memory_space<hbm>>
      tpu.enqueue_dma source(%dma_start3A_109 : memref<4096xf32, #tpu.memory_space<hbm>>) target(%dma_start3A_108 : memref<4096xf32, #tpu.memory_space<vmem>>) target_semaphore(%arg9 : memref<!tpu.dma_semaphore, #tpu.memory_space<semaphore_mem>>)
      %add3A_110 = arith.constant 16384 : i32
      %add3A_111 = arith.addi %add3A_110, %add3A_99 : i32
      %mul3A_112 = arith.constant 256 : i32
      %mul3A_113 = arith.muli %add3A_111, %mul3A_112 : i32
      %dma_start3A_114 = arith.constant 12288 : i32
      %dma_start3A_115 = tpu.memref_slice %arg6[%dma_start3A_114] : memref<16384xf32, #tpu.memory_space<vmem>> -> memref<4096xf32, #tpu.memory_space<vmem>>
      %dma_start3A_116 = tpu.memref_slice %arg2[%mul3A_113] : memref<8388608xf32, #tpu.memory_space<hbm>> -> memref<4096xf32, #tpu.memory_space<hbm>>
      %dma_start3A_117 = arith.constant 12288 : i32
      %dma_start3A_118 = tpu.memref_slice %arg6[%dma_start3A_117] : memref<16384xf32, #tpu.memory_space<vmem>> -> memref<4096xf32, #tpu.memory_space<vmem>>
      %dma_start3A_119 = tpu.memref_slice %arg2[%mul3A_113] : memref<8388608xf32, #tpu.memory_space<hbm>> -> memref<4096xf32, #tpu.memory_space<hbm>>
      tpu.enqueue_dma source(%dma_start3A_119 : memref<4096xf32, #tpu.memory_space<hbm>>) target(%dma_start3A_118 : memref<4096xf32, #tpu.memory_space<vmem>>) target_semaphore(%arg9 : memref<!tpu.dma_semaphore, #tpu.memory_space<semaphore_mem>>)
      %dma_wait3A_120 = arith.constant 0 : i32
      %dma_wait3A_121 = tpu.memref_slice %arg6[%dma_wait3A_120] : memref<16384xf32, #tpu.memory_space<vmem>> -> memref<8192xf32, #tpu.memory_space<vmem>>
      %dma_wait3A_122 = arith.constant 0 : i32
      %dma_wait3A_123 = tpu.memref_slice %arg2[%dma_wait3A_122] : memref<8388608xf32, #tpu.memory_space<hbm>> -> memref<8192xf32, #tpu.memory_space<hbm>>
      %dma_wait3A_124 = arith.constant 0 : i32
      %dma_wait3A_125 = tpu.memref_slice %arg6[%dma_wait3A_124] : memref<16384xf32, #tpu.memory_space<vmem>> -> memref<8192xf32, #tpu.memory_space<vmem>>
      %dma_wait3A_126 = arith.constant 0 : i32
      %dma_wait3A_127 = tpu.memref_slice %arg2[%dma_wait3A_126] : memref<8388608xf32, #tpu.memory_space<hbm>> -> memref<8192xf32, #tpu.memory_space<hbm>>
      tpu.wait_dma2 semaphore(%arg8 : memref<!tpu.dma_semaphore, #tpu.memory_space<semaphore_mem>>) src(%dma_wait3A_127 : memref<8192xf32, #tpu.memory_space<hbm>>) dst(%dma_wait3A_125 : memref<8192xf32, #tpu.memory_space<vmem>>)
      %gt3A = arith.constant 0 : i32
      %gt3A_128 = arith.cmpi sgt, %scan3A_90, %gt3A : i32
      %convert_element_type3A = arith.extui %gt3A_128 : i1 to i32
      %cond3A = arith.constant 0 : i32
      %cond3A_129 = arith.cmpi ne, %convert_element_type3A, %cond3A : i32
      scf.if %cond3A_129 {
        %dma_wait3A_189 = arith.constant 0 : i32
        %dma_wait3A_190 = tpu.memref_slice %arg7[%dma_wait3A_189] : memref<16384xf32, #tpu.memory_space<vmem>> -> memref<8192xf32, #tpu.memory_space<vmem>>
        %dma_wait3A_191 = arith.constant 0 : i32
        %dma_wait3A_192 = tpu.memref_slice %arg2[%dma_wait3A_191] : memref<8388608xf32, #tpu.memory_space<hbm>> -> memref<8192xf32, #tpu.memory_space<hbm>>
        %dma_wait3A_193 = arith.constant 0 : i32
        %dma_wait3A_194 = tpu.memref_slice %arg7[%dma_wait3A_193] : memref<16384xf32, #tpu.memory_space<vmem>> -> memref<8192xf32, #tpu.memory_space<vmem>>
        %dma_wait3A_195 = arith.constant 0 : i32
        %dma_wait3A_196 = tpu.memref_slice %arg2[%dma_wait3A_195] : memref<8388608xf32, #tpu.memory_space<hbm>> -> memref<8192xf32, #tpu.memory_space<hbm>>
        tpu.wait_dma2 semaphore(%arg10 : memref<!tpu.dma_semaphore, #tpu.memory_space<semaphore_mem>>) src(%dma_wait3A_196 : memref<8192xf32, #tpu.memory_space<hbm>>) dst(%dma_wait3A_194 : memref<8192xf32, #tpu.memory_space<vmem>>)
      } else {
      }
      %scan3A_130 = arith.constant 0 : i32
      %scan3A_131 = arith.constant 0 : i32
      %scan3A_132 = arith.constant 128 : i32
      %scan3A_133 = arith.addi %scan3A_131, %scan3A_132 : i32
      %scan3A_134 = arith.constant 2 : i32
      scf.for %scan3A_189 = %scan3A_131 to %scan3A_133 step %scan3A_134  : i32 {
        %jit3A = arith.constant 8 : i32
        %div3A = arith.divsi %scan3A_189, %jit3A : i32
        %sign3A = arith.constant 0 : i32
        %sign3A_190 = arith.cmpi sgt, %scan3A_189, %sign3A : i32
        %sign3A_191 = arith.extui %sign3A_190 : i1 to i32
        %sign3A_192 = arith.constant 0 : i32
        %sign3A_193 = arith.cmpi slt, %scan3A_189, %sign3A_192 : i32
        %sign3A_194 = arith.extui %sign3A_193 : i1 to i32
        %sign3A_195 = arith.subi %sign3A_191, %sign3A_194 : i32
        %sign3A_196 = arith.constant 0 : i32
        %sign3A_197 = arith.cmpi sgt, %jit3A, %sign3A_196 : i32
        %sign3A_198 = arith.extui %sign3A_197 : i1 to i32
        %sign3A_199 = arith.constant 0 : i32
        %sign3A_200 = arith.cmpi slt, %jit3A, %sign3A_199 : i32
        %sign3A_201 = arith.extui %sign3A_200 : i1 to i32
        %sign3A_202 = arith.subi %sign3A_198, %sign3A_201 : i32
        %ne3A = arith.cmpi ne, %sign3A_195, %sign3A_202 : i32
        %rem3A = arith.remsi %scan3A_189, %jit3A : i32
        %ne3A_203 = arith.constant 0 : i32
        %ne3A_204 = arith.cmpi ne, %rem3A, %ne3A_203 : i32
        %and3A = arith.andi %ne3A, %ne3A_204 : i1
        %sub3A = arith.constant 1 : i32
        %sub3A_205 = arith.subi %div3A, %sub3A : i32
        %select_n3A = arith.select %and3A, %sub3A_205, %div3A : i32
        %mul3A_206 = arith.constant 8 : i32
        %mul3A_207 = arith.muli %select_n3A, %mul3A_206 : i32
        %sub3A_208 = arith.subi %scan3A_189, %mul3A_207 : i32
        %mul3A_209 = arith.constant 16 : i32
        %mul3A_210 = arith.muli %sub3A_208, %mul3A_209 : i32
        %mul3A_211 = arith.constant 128 : i32
        %mul3A_212 = arith.muli %select_n3A, %mul3A_211 : i32
        %add3A_213 = arith.addi %mul3A_212, %mul3A_210 : i32
        %mul3A_214 = arith.constant 4 : i32
        %mul3A_215 = arith.muli %add3A_213, %mul3A_214 : i32
        %add3A_216 = arith.constant 0 : i32
        %add3A_217 = arith.addi %add3A_216, %mul3A_215 : i32
        %mul3A_218 = arith.constant 4 : i32
        %mul3A_219 = vector.broadcast %mul3A_218 : i32 to vector<16xi32>
        %mul3A_220 = arith.muli %iota3A, %mul3A_219 : vector<16xi32>
        %add3A_221 = vector.broadcast %add3A_217 : i32 to vector<16xi32>
        %add3A_222 = arith.addi %add3A_221, %mul3A_220 : vector<16xi32>
        %mul3A_223 = arith.constant 256 : i32
        %mul3A_224 = arith.muli %select_n3A, %mul3A_223 : i32
        %add3A_225 = arith.constant 0 : i32
        %add3A_226 = arith.addi %add3A_225, %mul3A_224 : i32
        %add3A_227 = arith.constant 0 : i32
        %add3A_228 = arith.addi %add3A_226, %add3A_227 : i32
        %add3A_229 = arith.addi %add3A_228, %mul3A_210 : i32
        %get3A = arith.index_cast %add3A_229 : i32 to index
        %get3A_230 = tpu.vector_load %arg6[%get3A] {strides = array<i32>} : memref<16384xf32, #tpu.memory_space<vmem>>, vector<16xf32>,
        %add3A_231 = arith.constant 0 : i32
        %add3A_232 = vector.broadcast %add3A_231 : i32 to vector<16xi32>
        %add3A_233 = arith.addi %add3A_222, %add3A_232 : vector<16xi32>
        tpu.vector_store_idx %arg7[%add3A_233], %get3A_230 : memref<16384xf32, #tpu.memory_space<vmem>>[vector<16xi32>], vector<16xf32>,
        %mul3A_234 = arith.constant 256 : i32
        %mul3A_235 = arith.muli %select_n3A, %mul3A_234 : i32
        %add3A_236 = arith.constant 0 : i32
        %add3A_237 = arith.addi %add3A_236, %mul3A_235 : i32
        %add3A_238 = arith.constant 128 : i32
        %add3A_239 = arith.addi %add3A_237, %add3A_238 : i32
        %add3A_240 = arith.addi %add3A_239, %mul3A_210 : i32
        %get3A_241 = arith.index_cast %add3A_240 : i32 to index
        %get3A_242 = tpu.vector_load %arg6[%get3A_241] {strides = array<i32>} : memref<16384xf32, #tpu.memory_space<vmem>>, vector<16xf32>,
        %add3A_243 = arith.constant 1 : i32
        %add3A_244 = vector.broadcast %add3A_243 : i32 to vector<16xi32>
        %add3A_245 = arith.addi %add3A_222, %add3A_244 : vector<16xi32>
        tpu.vector_store_idx %arg7[%add3A_245], %get3A_242 : memref<16384xf32, #tpu.memory_space<vmem>>[vector<16xi32>], vector<16xf32>,
        %mul3A_246 = arith.constant 256 : i32
        %mul3A_247 = arith.muli %select_n3A, %mul3A_246 : i32
        %add3A_248 = arith.constant 4096 : i32
        %add3A_249 = arith.addi %add3A_248, %mul3A_247 : i32
        %add3A_250 = arith.constant 0 : i32
        %add3A_251 = arith.addi %add3A_249, %add3A_250 : i32
        %add3A_252 = arith.addi %add3A_251, %mul3A_210 : i32
        %get3A_253 = arith.index_cast %add3A_252 : i32 to index
        %get3A_254 = tpu.vector_load %arg6[%get3A_253] {strides = array<i32>} : memref<16384xf32, #tpu.memory_space<vmem>>, vector<16xf32>,
        %add3A_255 = arith.constant 2 : i32
        %add3A_256 = vector.broadcast %add3A_255 : i32 to vector<16xi32>
        %add3A_257 = arith.addi %add3A_222, %add3A_256 : vector<16xi32>
        tpu.vector_store_idx %arg7[%add3A_257], %get3A_254 : memref<16384xf32, #tpu.memory_space<vmem>>[vector<16xi32>], vector<16xf32>,
        %mul3A_258 = arith.constant 256 : i32
        %mul3A_259 = arith.muli %select_n3A, %mul3A_258 : i32
        %add3A_260 = arith.constant 4096 : i32
        %add3A_261 = arith.addi %add3A_260, %mul3A_259 : i32
        %add3A_262 = arith.constant 128 : i32
        %add3A_263 = arith.addi %add3A_261, %add3A_262 : i32
        %add3A_264 = arith.addi %add3A_263, %mul3A_210 : i32
        %get3A_265 = arith.index_cast %add3A_264 : i32 to index
        %get3A_266 = tpu.vector_load %arg6[%get3A_265] {strides = array<i32>} : memref<16384xf32, #tpu.memory_space<vmem>>, vector<16xf32>,
        %add3A_267 = arith.constant 3 : i32
        %add3A_268 = vector.broadcast %add3A_267 : i32 to vector<16xi32>
        %add3A_269 = arith.addi %add3A_222, %add3A_268 : vector<16xi32>
        tpu.vector_store_idx %arg7[%add3A_269], %get3A_266 : memref<16384xf32, #tpu.memory_space<vmem>>[vector<16xi32>], vector<16xf32>,
        %scan3A_270 = arith.constant 1 : i32
        %scan3A_271 = arith.addi %scan3A_189, %scan3A_270 : i32
        %jit3A_272 = arith.constant 8 : i32
        %div3A_273 = arith.divsi %scan3A_271, %jit3A_272 : i32
        %sign3A_274 = arith.constant 0 : i32
        %sign3A_275 = arith.cmpi sgt, %scan3A_271, %sign3A_274 : i32
        %sign3A_276 = arith.extui %sign3A_275 : i1 to i32
        %sign3A_277 = arith.constant 0 : i32
        %sign3A_278 = arith.cmpi slt, %scan3A_271, %sign3A_277 : i32
        %sign3A_279 = arith.extui %sign3A_278 : i1 to i32
        %sign3A_280 = arith.subi %sign3A_276, %sign3A_279 : i32
        %sign3A_281 = arith.constant 0 : i32
        %sign3A_282 = arith.cmpi sgt, %jit3A_272, %sign3A_281 : i32
        %sign3A_283 = arith.extui %sign3A_282 : i1 to i32
        %sign3A_284 = arith.constant 0 : i32
        %sign3A_285 = arith.cmpi slt, %jit3A_272, %sign3A_284 : i32
        %sign3A_286 = arith.extui %sign3A_285 : i1 to i32
        %sign3A_287 = arith.subi %sign3A_283, %sign3A_286 : i32
        %ne3A_288 = arith.cmpi ne, %sign3A_280, %sign3A_287 : i32
        %rem3A_289 = arith.remsi %scan3A_271, %jit3A_272 : i32
        %ne3A_290 = arith.constant 0 : i32
        %ne3A_291 = arith.cmpi ne, %rem3A_289, %ne3A_290 : i32
        %and3A_292 = arith.andi %ne3A_288, %ne3A_291 : i1
        %sub3A_293 = arith.constant 1 : i32
        %sub3A_294 = arith.subi %div3A_273, %sub3A_293 : i32
        %select_n3A_295 = arith.select %and3A_292, %sub3A_294, %div3A_273 : i32
        %mul3A_296 = arith.constant 8 : i32
        %mul3A_297 = arith.muli %select_n3A_295, %mul3A_296 : i32
        %sub3A_298 = arith.subi %scan3A_271, %mul3A_297 : i32
        %mul3A_299 = arith.constant 16 : i32
        %mul3A_300 = arith.muli %sub3A_298, %mul3A_299 : i32
        %mul3A_301 = arith.constant 128 : i32
        %mul3A_302 = arith.muli %select_n3A_295, %mul3A_301 : i32
        %add3A_303 = arith.addi %mul3A_302, %mul3A_300 : i32
        %mul3A_304 = arith.constant 4 : i32
        %mul3A_305 = arith.muli %add3A_303, %mul3A_304 : i32
        %add3A_306 = arith.constant 0 : i32
        %add3A_307 = arith.addi %add3A_306, %mul3A_305 : i32
        %mul3A_308 = arith.constant 4 : i32
        %mul3A_309 = vector.broadcast %mul3A_308 : i32 to vector<16xi32>
        %mul3A_310 = arith.muli %iota3A, %mul3A_309 : vector<16xi32>
        %add3A_311 = vector.broadcast %add3A_307 : i32 to vector<16xi32>
        %add3A_312 = arith.addi %add3A_311, %mul3A_310 : vector<16xi32>
        %mul3A_313 = arith.constant 256 : i32
        %mul3A_314 = arith.muli %select_n3A_295, %mul3A_313 : i32
        %add3A_315 = arith.constant 0 : i32
        %add3A_316 = arith.addi %add3A_315, %mul3A_314 : i32
        %add3A_317 = arith.constant 0 : i32
        %add3A_318 = arith.addi %add3A_316, %add3A_317 : i32
        %add3A_319 = arith.addi %add3A_318, %mul3A_300 : i32
        %get3A_320 = arith.index_cast %add3A_319 : i32 to index
        %get3A_321 = tpu.vector_load %arg6[%get3A_320] {strides = array<i32>} : memref<16384xf32, #tpu.memory_space<vmem>>, vector<16xf32>,
        %add3A_322 = arith.constant 0 : i32
        %add3A_323 = vector.broadcast %add3A_322 : i32 to vector<16xi32>
        %add3A_324 = arith.addi %add3A_312, %add3A_323 : vector<16xi32>
        tpu.vector_store_idx %arg7[%add3A_324], %get3A_321 : memref<16384xf32, #tpu.memory_space<vmem>>[vector<16xi32>], vector<16xf32>,
        %mul3A_325 = arith.constant 256 : i32
        %mul3A_326 = arith.muli %select_n3A_295, %mul3A_325 : i32
        %add3A_327 = arith.constant 0 : i32
        %add3A_328 = arith.addi %add3A_327, %mul3A_326 : i32
        %add3A_329 = arith.constant 128 : i32
        %add3A_330 = arith.addi %add3A_328, %add3A_329 : i32
        %add3A_331 = arith.addi %add3A_330, %mul3A_300 : i32
        %get3A_332 = arith.index_cast %add3A_331 : i32 to index
        %get3A_333 = tpu.vector_load %arg6[%get3A_332] {strides = array<i32>} : memref<16384xf32, #tpu.memory_space<vmem>>, vector<16xf32>,
        %add3A_334 = arith.constant 1 : i32
        %add3A_335 = vector.broadcast %add3A_334 : i32 to vector<16xi32>
        %add3A_336 = arith.addi %add3A_312, %add3A_335 : vector<16xi32>
        tpu.vector_store_idx %arg7[%add3A_336], %get3A_333 : memref<16384xf32, #tpu.memory_space<vmem>>[vector<16xi32>], vector<16xf32>,
        %mul3A_337 = arith.constant 256 : i32
        %mul3A_338 = arith.muli %select_n3A_295, %mul3A_337 : i32
        %add3A_339 = arith.constant 4096 : i32
        %add3A_340 = arith.addi %add3A_339, %mul3A_338 : i32
        %add3A_341 = arith.constant 0 : i32
        %add3A_342 = arith.addi %add3A_340, %add3A_341 : i32
        %add3A_343 = arith.addi %add3A_342, %mul3A_300 : i32
        %get3A_344 = arith.index_cast %add3A_343 : i32 to index
        %get3A_345 = tpu.vector_load %arg6[%get3A_344] {strides = array<i32>} : memref<16384xf32, #tpu.memory_space<vmem>>, vector<16xf32>,
        %add3A_346 = arith.constant 2 : i32
        %add3A_347 = vector.broadcast %add3A_346 : i32 to vector<16xi32>
        %add3A_348 = arith.addi %add3A_312, %add3A_347 : vector<16xi32>
        tpu.vector_store_idx %arg7[%add3A_348], %get3A_345 : memref<16384xf32, #tpu.memory_space<vmem>>[vector<16xi32>], vector<16xf32>,
        %mul3A_349 = arith.constant 256 : i32
        %mul3A_350 = arith.muli %select_n3A_295, %mul3A_349 : i32
        %add3A_351 = arith.constant 4096 : i32
        %add3A_352 = arith.addi %add3A_351, %mul3A_350 : i32
        %add3A_353 = arith.constant 128 : i32
        %add3A_354 = arith.addi %add3A_352, %add3A_353 : i32
        %add3A_355 = arith.addi %add3A_354, %mul3A_300 : i32
        %get3A_356 = arith.index_cast %add3A_355 : i32 to index
        %get3A_357 = tpu.vector_load %arg6[%get3A_356] {strides = array<i32>} : memref<16384xf32, #tpu.memory_space<vmem>>, vector<16xf32>,
        %add3A_358 = arith.constant 3 : i32
        %add3A_359 = vector.broadcast %add3A_358 : i32 to vector<16xi32>
        %add3A_360 = arith.addi %add3A_312, %add3A_359 : vector<16xi32>
        tpu.vector_store_idx %arg7[%add3A_360], %get3A_357 : memref<16384xf32, #tpu.memory_space<vmem>>[vector<16xi32>], vector<16xf32>,
      }
      %scan3A_135 = arith.constant 128 : i32
      %mul3A_136 = arith.constant 512 : i32
      %mul3A_137 = arith.muli %add3A, %mul3A_136 : i32
      %mul3A_138 = arith.constant 16 : i32
      %mul3A_139 = arith.muli %mul3A_92, %mul3A_138 : i32
      %add3A_140 = arith.addi %mul3A_137, %mul3A_139 : i32
      %mul3A_141 = arith.constant 512 : i32
      %mul3A_142 = arith.muli %add3A_140, %mul3A_141 : i32
      %dma_start3A_143 = arith.constant 0 : i32
      %dma_start3A_144 = tpu.memref_slice %arg7[%dma_start3A_143] : memref<16384xf32, #tpu.memory_space<vmem>> -> memref<8192xf32, #tpu.memory_space<vmem>>
      %dma_start3A_145 = tpu.memref_slice %arg4[%mul3A_142] : memref<8388608xf32, #tpu.memory_space<hbm>> -> memref<8192xf32, #tpu.memory_space<hbm>>
      %dma_start3A_146 = tpu.memref_slice %arg4[%mul3A_142] : memref<8388608xf32, #tpu.memory_space<hbm>> -> memref<8192xf32, #tpu.memory_space<hbm>>
      %dma_start3A_147 = arith.constant 0 : i32
      %dma_start3A_148 = tpu.memref_slice %arg7[%dma_start3A_147] : memref<16384xf32, #tpu.memory_space<vmem>> -> memref<8192xf32, #tpu.memory_space<vmem>>
      tpu.enqueue_dma source(%dma_start3A_148 : memref<8192xf32, #tpu.memory_space<vmem>>) target(%dma_start3A_146 : memref<8192xf32, #tpu.memory_space<hbm>>) target_semaphore(%arg10 : memref<!tpu.dma_semaphore, #tpu.memory_space<semaphore_mem>>)
      %add3A_149 = arith.constant 2 : i32
      %add3A_150 = arith.addi %mul3A_92, %add3A_149 : i32
      %lt3A = arith.constant 32 : i32
      %lt3A_151 = arith.cmpi slt, %add3A_150, %lt3A : i32
      %convert_element_type3A_152 = arith.extui %lt3A_151 : i1 to i32
      %cond3A_153 = arith.constant 0 : i32
      %cond3A_154 = arith.cmpi ne, %convert_element_type3A_152, %cond3A_153 : i32
      scf.if %cond3A_154 {
        %add3A_189 = arith.constant 2 : i32
        %add3A_190 = arith.addi %mul3A_92, %add3A_189 : i32
        %mul3A_191 = arith.constant 512 : i32
        %mul3A_192 = arith.muli %add3A, %mul3A_191 : i32
        %mul3A_193 = arith.constant 16 : i32
        %mul3A_194 = arith.muli %add3A_190, %mul3A_193 : i32
        %add3A_195 = arith.addi %mul3A_192, %mul3A_194 : i32
        %add3A_196 = arith.constant 0 : i32
        %add3A_197 = arith.addi %add3A_196, %add3A_195 : i32
        %mul3A_198 = arith.constant 256 : i32
        %mul3A_199 = arith.muli %add3A_197, %mul3A_198 : i32
        %dma_start3A_200 = arith.constant 0 : i32
        %dma_start3A_201 = tpu.memref_slice %arg6[%dma_start3A_200] : memref<16384xf32, #tpu.memory_space<vmem>> -> memref<4096xf32, #tpu.memory_space<vmem>>
        %dma_start3A_202 = tpu.memref_slice %arg2[%mul3A_199] : memref<8388608xf32, #tpu.memory_space<hbm>> -> memref<4096xf32, #tpu.memory_space<hbm>>
        %dma_start3A_203 = arith.constant 0 : i32
        %dma_start3A_204 = tpu.memref_slice %arg6[%dma_start3A_203] : memref<16384xf32, #tpu.memory_space<vmem>> -> memref<4096xf32, #tpu.memory_space<vmem>>
        %dma_start3A_205 = tpu.memref_slice %arg2[%mul3A_199] : memref<8388608xf32, #tpu.memory_space<hbm>> -> memref<4096xf32, #tpu.memory_space<hbm>>
        tpu.enqueue_dma source(%dma_start3A_205 : memref<4096xf32, #tpu.memory_space<hbm>>) target(%dma_start3A_204 : memref<4096xf32, #tpu.memory_space<vmem>>) target_semaphore(%arg8 : memref<!tpu.dma_semaphore, #tpu.memory_space<semaphore_mem>>)
        %add3A_206 = arith.constant 16384 : i32
        %add3A_207 = arith.addi %add3A_206, %add3A_195 : i32
        %mul3A_208 = arith.constant 256 : i32
        %mul3A_209 = arith.muli %add3A_207, %mul3A_208 : i32
        %dma_start3A_210 = arith.constant 4096 : i32
        %dma_start3A_211 = tpu.memref_slice %arg6[%dma_start3A_210] : memref<16384xf32, #tpu.memory_space<vmem>> -> memref<4096xf32, #tpu.memory_space<vmem>>
        %dma_start3A_212 = tpu.memref_slice %arg2[%mul3A_209] : memref<8388608xf32, #tpu.memory_space<hbm>> -> memref<4096xf32, #tpu.memory_space<hbm>>
        %dma_start3A_213 = arith.constant 4096 : i32
        %dma_start3A_214 = tpu.memref_slice %arg6[%dma_start3A_213] : memref<16384xf32, #tpu.memory_space<vmem>> -> memref<4096xf32, #tpu.memory_space<vmem>>
        %dma_start3A_215 = tpu.memref_slice %arg2[%mul3A_209] : memref<8388608xf32, #tpu.memory_space<hbm>> -> memref<4096xf32, #tpu.memory_space<hbm>>
        tpu.enqueue_dma source(%dma_start3A_215 : memref<4096xf32, #tpu.memory_space<hbm>>) target(%dma_start3A_214 : memref<4096xf32, #tpu.memory_space<vmem>>) target_semaphore(%arg8 : memref<!tpu.dma_semaphore, #tpu.memory_space<semaphore_mem>>)
      } else {
      }
      %dma_wait3A_155 = arith.constant 8192 : i32
      %dma_wait3A_156 = tpu.memref_slice %arg6[%dma_wait3A_155] : memref<16384xf32, #tpu.memory_space<vmem>> -> memref<8192xf32, #tpu.memory_space<vmem>>
      %dma_wait3A_157 = arith.constant 0 : i32
      %dma_wait3A_158 = tpu.memref_slice %arg2[%dma_wait3A_157] : memref<8388608xf32, #tpu.memory_space<hbm>> -> memref<8192xf32, #tpu.memory_space<hbm>>
      %dma_wait3A_159 = arith.constant 8192 : i32
      %dma_wait3A_160 = tpu.memref_slice %arg6[%dma_wait3A_159] : memref<16384xf32, #tpu.memory_space<vmem>> -> memref<8192xf32, #tpu.memory_space<vmem>>
      %dma_wait3A_161 = arith.constant 0 : i32
      %dma_wait3A_162 = tpu.memref_slice %arg2[%dma_wait3A_161] : memref<8388608xf32, #tpu.memory_space<hbm>> -> memref<8192xf32, #tpu.memory_space<hbm>>
      tpu.wait_dma2 semaphore(%arg9 : memref<!tpu.dma_semaphore, #tpu.memory_space<semaphore_mem>>) src(%dma_wait3A_162 : memref<8192xf32, #tpu.memory_space<hbm>>) dst(%dma_wait3A_160 : memref<8192xf32, #tpu.memory_space<vmem>>)
      %gt3A_163 = arith.constant 0 : i32
      %gt3A_164 = arith.cmpi sgt, %scan3A_90, %gt3A_163 : i32
      %convert_element_type3A_165 = arith.extui %gt3A_164 : i1 to i32
      %cond3A_166 = arith.constant 0 : i32
      %cond3A_167 = arith.cmpi ne, %convert_element_type3A_165, %cond3A_166 : i32
      scf.if %cond3A_167 {
        %dma_wait3A_189 = arith.constant 8192 : i32
        %dma_wait3A_190 = tpu.memref_slice %arg7[%dma_wait3A_189] : memref<16384xf32, #tpu.memory_space<vmem>> -> memref<8192xf32, #tpu.memory_space<vmem>>
        %dma_wait3A_191 = arith.constant 0 : i32
        %dma_wait3A_192 = tpu.memref_slice %arg2[%dma_wait3A_191] : memref<8388608xf32, #tpu.memory_space<hbm>> -> memref<8192xf32, #tpu.memory_space<hbm>>
        %dma_wait3A_193 = arith.constant 8192 : i32
        %dma_wait3A_194 = tpu.memref_slice %arg7[%dma_wait3A_193] : memref<16384xf32, #tpu.memory_space<vmem>> -> memref<8192xf32, #tpu.memory_space<vmem>>
        %dma_wait3A_195 = arith.constant 0 : i32
        %dma_wait3A_196 = tpu.memref_slice %arg2[%dma_wait3A_195] : memref<8388608xf32, #tpu.memory_space<hbm>> -> memref<8192xf32, #tpu.memory_space<hbm>>
        tpu.wait_dma2 semaphore(%arg11 : memref<!tpu.dma_semaphore, #tpu.memory_space<semaphore_mem>>) src(%dma_wait3A_196 : memref<8192xf32, #tpu.memory_space<hbm>>) dst(%dma_wait3A_194 : memref<8192xf32, #tpu.memory_space<vmem>>)
      } else {
      }
      %add3A_168 = arith.constant 1 : i32
      %add3A_169 = arith.addi %mul3A_92, %add3A_168 : i32
      %scan3A_170 = arith.constant 0 : i32
      %scan3A_171 = arith.constant 0 : i32
      %scan3A_172 = arith.constant 128 : i32
      %scan3A_173 = arith.addi %scan3A_171, %scan3A_172 : i32
      %scan3A_174 = arith.constant 2 : i32
      scf.for %scan3A_189 = %scan3A_171 to %scan3A_173 step %scan3A_174  : i32 {
        %jit3A = arith.constant 8 : i32
        %div3A = arith.divsi %scan3A_189, %jit3A : i32
        %sign3A = arith.constant 0 : i32
        %sign3A_190 = arith.cmpi sgt, %scan3A_189, %sign3A : i32
        %sign3A_191 = arith.extui %sign3A_190 : i1 to i32
        %sign3A_192 = arith.constant 0 : i32
        %sign3A_193 = arith.cmpi slt, %scan3A_189, %sign3A_192 : i32
        %sign3A_194 = arith.extui %sign3A_193 : i1 to i32
        %sign3A_195 = arith.subi %sign3A_191, %sign3A_194 : i32
        %sign3A_196 = arith.constant 0 : i32
        %sign3A_197 = arith.cmpi sgt, %jit3A, %sign3A_196 : i32
        %sign3A_198 = arith.extui %sign3A_197 : i1 to i32
        %sign3A_199 = arith.constant 0 : i32
        %sign3A_200 = arith.cmpi slt, %jit3A, %sign3A_199 : i32
        %sign3A_201 = arith.extui %sign3A_200 : i1 to i32
        %sign3A_202 = arith.subi %sign3A_198, %sign3A_201 : i32
        %ne3A = arith.cmpi ne, %sign3A_195, %sign3A_202 : i32
        %rem3A = arith.remsi %scan3A_189, %jit3A : i32
        %ne3A_203 = arith.constant 0 : i32
        %ne3A_204 = arith.cmpi ne, %rem3A, %ne3A_203 : i32
        %and3A = arith.andi %ne3A, %ne3A_204 : i1
        %sub3A = arith.constant 1 : i32
        %sub3A_205 = arith.subi %div3A, %sub3A : i32
        %select_n3A = arith.select %and3A, %sub3A_205, %div3A : i32
        %mul3A_206 = arith.constant 8 : i32
        %mul3A_207 = arith.muli %select_n3A, %mul3A_206 : i32
        %sub3A_208 = arith.subi %scan3A_189, %mul3A_207 : i32
        %mul3A_209 = arith.constant 16 : i32
        %mul3A_210 = arith.muli %sub3A_208, %mul3A_209 : i32
        %mul3A_211 = arith.constant 128 : i32
        %mul3A_212 = arith.muli %select_n3A, %mul3A_211 : i32
        %add3A_213 = arith.addi %mul3A_212, %mul3A_210 : i32
        %mul3A_214 = arith.constant 4 : i32
        %mul3A_215 = arith.muli %add3A_213, %mul3A_214 : i32
        %add3A_216 = arith.constant 8192 : i32
        %add3A_217 = arith.addi %add3A_216, %mul3A_215 : i32
        %mul3A_218 = arith.constant 4 : i32
        %mul3A_219 = vector.broadcast %mul3A_218 : i32 to vector<16xi32>
        %mul3A_220 = arith.muli %iota3A, %mul3A_219 : vector<16xi32>
        %add3A_221 = vector.broadcast %add3A_217 : i32 to vector<16xi32>
        %add3A_222 = arith.addi %add3A_221, %mul3A_220 : vector<16xi32>
        %mul3A_223 = arith.constant 256 : i32
        %mul3A_224 = arith.muli %select_n3A, %mul3A_223 : i32
        %add3A_225 = arith.constant 8192 : i32
        %add3A_226 = arith.addi %add3A_225, %mul3A_224 : i32
        %add3A_227 = arith.constant 0 : i32
        %add3A_228 = arith.addi %add3A_226, %add3A_227 : i32
        %add3A_229 = arith.addi %add3A_228, %mul3A_210 : i32
        %get3A = arith.index_cast %add3A_229 : i32 to index
        %get3A_230 = tpu.vector_load %arg6[%get3A] {strides = array<i32>} : memref<16384xf32, #tpu.memory_space<vmem>>, vector<16xf32>,
        %add3A_231 = arith.constant 0 : i32
        %add3A_232 = vector.broadcast %add3A_231 : i32 to vector<16xi32>
        %add3A_233 = arith.addi %add3A_222, %add3A_232 : vector<16xi32>
        tpu.vector_store_idx %arg7[%add3A_233], %get3A_230 : memref<16384xf32, #tpu.memory_space<vmem>>[vector<16xi32>], vector<16xf32>,
        %mul3A_234 = arith.constant 256 : i32
        %mul3A_235 = arith.muli %select_n3A, %mul3A_234 : i32
        %add3A_236 = arith.constant 8192 : i32
        %add3A_237 = arith.addi %add3A_236, %mul3A_235 : i32
        %add3A_238 = arith.constant 128 : i32
        %add3A_239 = arith.addi %add3A_237, %add3A_238 : i32
        %add3A_240 = arith.addi %add3A_239, %mul3A_210 : i32
        %get3A_241 = arith.index_cast %add3A_240 : i32 to index
        %get3A_242 = tpu.vector_load %arg6[%get3A_241] {strides = array<i32>} : memref<16384xf32, #tpu.memory_space<vmem>>, vector<16xf32>,
        %add3A_243 = arith.constant 1 : i32
        %add3A_244 = vector.broadcast %add3A_243 : i32 to vector<16xi32>
        %add3A_245 = arith.addi %add3A_222, %add3A_244 : vector<16xi32>
        tpu.vector_store_idx %arg7[%add3A_245], %get3A_242 : memref<16384xf32, #tpu.memory_space<vmem>>[vector<16xi32>], vector<16xf32>,
        %mul3A_246 = arith.constant 256 : i32
        %mul3A_247 = arith.muli %select_n3A, %mul3A_246 : i32
        %add3A_248 = arith.constant 12288 : i32
        %add3A_249 = arith.addi %add3A_248, %mul3A_247 : i32
        %add3A_250 = arith.constant 0 : i32
        %add3A_251 = arith.addi %add3A_249, %add3A_250 : i32
        %add3A_252 = arith.addi %add3A_251, %mul3A_210 : i32
        %get3A_253 = arith.index_cast %add3A_252 : i32 to index
        %get3A_254 = tpu.vector_load %arg6[%get3A_253] {strides = array<i32>} : memref<16384xf32, #tpu.memory_space<vmem>>, vector<16xf32>,
        %add3A_255 = arith.constant 2 : i32
        %add3A_256 = vector.broadcast %add3A_255 : i32 to vector<16xi32>
        %add3A_257 = arith.addi %add3A_222, %add3A_256 : vector<16xi32>
        tpu.vector_store_idx %arg7[%add3A_257], %get3A_254 : memref<16384xf32, #tpu.memory_space<vmem>>[vector<16xi32>], vector<16xf32>,
        %mul3A_258 = arith.constant 256 : i32
        %mul3A_259 = arith.muli %select_n3A, %mul3A_258 : i32
        %add3A_260 = arith.constant 12288 : i32
        %add3A_261 = arith.addi %add3A_260, %mul3A_259 : i32
        %add3A_262 = arith.constant 128 : i32
        %add3A_263 = arith.addi %add3A_261, %add3A_262 : i32
        %add3A_264 = arith.addi %add3A_263, %mul3A_210 : i32
        %get3A_265 = arith.index_cast %add3A_264 : i32 to index
        %get3A_266 = tpu.vector_load %arg6[%get3A_265] {strides = array<i32>} : memref<16384xf32, #tpu.memory_space<vmem>>, vector<16xf32>,
        %add3A_267 = arith.constant 3 : i32
        %add3A_268 = vector.broadcast %add3A_267 : i32 to vector<16xi32>
        %add3A_269 = arith.addi %add3A_222, %add3A_268 : vector<16xi32>
        tpu.vector_store_idx %arg7[%add3A_269], %get3A_266 : memref<16384xf32, #tpu.memory_space<vmem>>[vector<16xi32>], vector<16xf32>,
        %scan3A_270 = arith.constant 1 : i32
        %scan3A_271 = arith.addi %scan3A_189, %scan3A_270 : i32
        %jit3A_272 = arith.constant 8 : i32
        %div3A_273 = arith.divsi %scan3A_271, %jit3A_272 : i32
        %sign3A_274 = arith.constant 0 : i32
        %sign3A_275 = arith.cmpi sgt, %scan3A_271, %sign3A_274 : i32
        %sign3A_276 = arith.extui %sign3A_275 : i1 to i32
        %sign3A_277 = arith.constant 0 : i32
        %sign3A_278 = arith.cmpi slt, %scan3A_271, %sign3A_277 : i32
        %sign3A_279 = arith.extui %sign3A_278 : i1 to i32
        %sign3A_280 = arith.subi %sign3A_276, %sign3A_279 : i32
        %sign3A_281 = arith.constant 0 : i32
        %sign3A_282 = arith.cmpi sgt, %jit3A_272, %sign3A_281 : i32
        %sign3A_283 = arith.extui %sign3A_282 : i1 to i32
        %sign3A_284 = arith.constant 0 : i32
        %sign3A_285 = arith.cmpi slt, %jit3A_272, %sign3A_284 : i32
        %sign3A_286 = arith.extui %sign3A_285 : i1 to i32
        %sign3A_287 = arith.subi %sign3A_283, %sign3A_286 : i32
        %ne3A_288 = arith.cmpi ne, %sign3A_280, %sign3A_287 : i32
        %rem3A_289 = arith.remsi %scan3A_271, %jit3A_272 : i32
        %ne3A_290 = arith.constant 0 : i32
        %ne3A_291 = arith.cmpi ne, %rem3A_289, %ne3A_290 : i32
        %and3A_292 = arith.andi %ne3A_288, %ne3A_291 : i1
        %sub3A_293 = arith.constant 1 : i32
        %sub3A_294 = arith.subi %div3A_273, %sub3A_293 : i32
        %select_n3A_295 = arith.select %and3A_292, %sub3A_294, %div3A_273 : i32
        %mul3A_296 = arith.constant 8 : i32
        %mul3A_297 = arith.muli %select_n3A_295, %mul3A_296 : i32
        %sub3A_298 = arith.subi %scan3A_271, %mul3A_297 : i32
        %mul3A_299 = arith.constant 16 : i32
        %mul3A_300 = arith.muli %sub3A_298, %mul3A_299 : i32
        %mul3A_301 = arith.constant 128 : i32
        %mul3A_302 = arith.muli %select_n3A_295, %mul3A_301 : i32
        %add3A_303 = arith.addi %mul3A_302, %mul3A_300 : i32
        %mul3A_304 = arith.constant 4 : i32
        %mul3A_305 = arith.muli %add3A_303, %mul3A_304 : i32
        %add3A_306 = arith.constant 8192 : i32
        %add3A_307 = arith.addi %add3A_306, %mul3A_305 : i32
        %mul3A_308 = arith.constant 4 : i32
        %mul3A_309 = vector.broadcast %mul3A_308 : i32 to vector<16xi32>
        %mul3A_310 = arith.muli %iota3A, %mul3A_309 : vector<16xi32>
        %add3A_311 = vector.broadcast %add3A_307 : i32 to vector<16xi32>
        %add3A_312 = arith.addi %add3A_311, %mul3A_310 : vector<16xi32>
        %mul3A_313 = arith.constant 256 : i32
        %mul3A_314 = arith.muli %select_n3A_295, %mul3A_313 : i32
        %add3A_315 = arith.constant 8192 : i32
        %add3A_316 = arith.addi %add3A_315, %mul3A_314 : i32
        %add3A_317 = arith.constant 0 : i32
        %add3A_318 = arith.addi %add3A_316, %add3A_317 : i32
        %add3A_319 = arith.addi %add3A_318, %mul3A_300 : i32
        %get3A_320 = arith.index_cast %add3A_319 : i32 to index
        %get3A_321 = tpu.vector_load %arg6[%get3A_320] {strides = array<i32>} : memref<16384xf32, #tpu.memory_space<vmem>>, vector<16xf32>,
        %add3A_322 = arith.constant 0 : i32
        %add3A_323 = vector.broadcast %add3A_322 : i32 to vector<16xi32>
        %add3A_324 = arith.addi %add3A_312, %add3A_323 : vector<16xi32>
        tpu.vector_store_idx %arg7[%add3A_324], %get3A_321 : memref<16384xf32, #tpu.memory_space<vmem>>[vector<16xi32>], vector<16xf32>,
        %mul3A_325 = arith.constant 256 : i32
        %mul3A_326 = arith.muli %select_n3A_295, %mul3A_325 : i32
        %add3A_327 = arith.constant 8192 : i32
        %add3A_328 = arith.addi %add3A_327, %mul3A_326 : i32
        %add3A_329 = arith.constant 128 : i32
        %add3A_330 = arith.addi %add3A_328, %add3A_329 : i32
        %add3A_331 = arith.addi %add3A_330, %mul3A_300 : i32
        %get3A_332 = arith.index_cast %add3A_331 : i32 to index
        %get3A_333 = tpu.vector_load %arg6[%get3A_332] {strides = array<i32>} : memref<16384xf32, #tpu.memory_space<vmem>>, vector<16xf32>,
        %add3A_334 = arith.constant 1 : i32
        %add3A_335 = vector.broadcast %add3A_334 : i32 to vector<16xi32>
        %add3A_336 = arith.addi %add3A_312, %add3A_335 : vector<16xi32>
        tpu.vector_store_idx %arg7[%add3A_336], %get3A_333 : memref<16384xf32, #tpu.memory_space<vmem>>[vector<16xi32>], vector<16xf32>,
        %mul3A_337 = arith.constant 256 : i32
        %mul3A_338 = arith.muli %select_n3A_295, %mul3A_337 : i32
        %add3A_339 = arith.constant 12288 : i32
        %add3A_340 = arith.addi %add3A_339, %mul3A_338 : i32
        %add3A_341 = arith.constant 0 : i32
        %add3A_342 = arith.addi %add3A_340, %add3A_341 : i32
        %add3A_343 = arith.addi %add3A_342, %mul3A_300 : i32
        %get3A_344 = arith.index_cast %add3A_343 : i32 to index
        %get3A_345 = tpu.vector_load %arg6[%get3A_344] {strides = array<i32>} : memref<16384xf32, #tpu.memory_space<vmem>>, vector<16xf32>,
        %add3A_346 = arith.constant 2 : i32
        %add3A_347 = vector.broadcast %add3A_346 : i32 to vector<16xi32>
        %add3A_348 = arith.addi %add3A_312, %add3A_347 : vector<16xi32>
        tpu.vector_store_idx %arg7[%add3A_348], %get3A_345 : memref<16384xf32, #tpu.memory_space<vmem>>[vector<16xi32>], vector<16xf32>,
        %mul3A_349 = arith.constant 256 : i32
        %mul3A_350 = arith.muli %select_n3A_295, %mul3A_349 : i32
        %add3A_351 = arith.constant 12288 : i32
        %add3A_352 = arith.addi %add3A_351, %mul3A_350 : i32
        %add3A_353 = arith.constant 128 : i32
        %add3A_354 = arith.addi %add3A_352, %add3A_353 : i32
        %add3A_355 = arith.addi %add3A_354, %mul3A_300 : i32
        %get3A_356 = arith.index_cast %add3A_355 : i32 to index
        %get3A_357 = tpu.vector_load %arg6[%get3A_356] {strides = array<i32>} : memref<16384xf32, #tpu.memory_space<vmem>>, vector<16xf32>,
        %add3A_358 = arith.constant 3 : i32
        %add3A_359 = vector.broadcast %add3A_358 : i32 to vector<16xi32>
        %add3A_360 = arith.addi %add3A_312, %add3A_359 : vector<16xi32>
        tpu.vector_store_idx %arg7[%add3A_360], %get3A_357 : memref<16384xf32, #tpu.memory_space<vmem>>[vector<16xi32>], vector<16xf32>,
      }
      %scan3A_175 = arith.constant 128 : i32
      %mul3A_176 = arith.constant 512 : i32
      %mul3A_177 = arith.muli %add3A, %mul3A_176 : i32
      %mul3A_178 = arith.constant 16 : i32
      %mul3A_179 = arith.muli %add3A_169, %mul3A_178 : i32
      %add3A_180 = arith.addi %mul3A_177, %mul3A_179 : i32
      %mul3A_181 = arith.constant 512 : i32
      %mul3A_182 = arith.muli %add3A_180, %mul3A_181 : i32
      %dma_start3A_183 = arith.constant 8192 : i32
      %dma_start3A_184 = tpu.memref_slice %arg7[%dma_start3A_183] : memref<16384xf32, #tpu.memory_space<vmem>> -> memref<8192xf32, #tpu.memory_space<vmem>>
      %dma_start3A_185 = tpu.memref_slice %arg4[%mul3A_182] : memref<8388608xf32, #tpu.memory_space<hbm>> -> memref<8192xf32, #tpu.memory_space<hbm>>
      %dma_start3A_186 = tpu.memref_slice %arg4[%mul3A_182] : memref<8388608xf32, #tpu.memory_space<hbm>> -> memref<8192xf32, #tpu.memory_space<hbm>>
      %dma_start3A_187 = arith.constant 8192 : i32
      %dma_start3A_188 = tpu.memref_slice %arg7[%dma_start3A_187] : memref<16384xf32, #tpu.memory_space<vmem>> -> memref<8192xf32, #tpu.memory_space<vmem>>
      tpu.enqueue_dma source(%dma_start3A_188 : memref<8192xf32, #tpu.memory_space<vmem>>) target(%dma_start3A_186 : memref<8192xf32, #tpu.memory_space<hbm>>) target_semaphore(%arg11 : memref<!tpu.dma_semaphore, #tpu.memory_space<semaphore_mem>>)
    }
    %scan3A_28 = arith.constant 16 : i32
    %dma_wait3A = arith.constant 0 : i32
    %dma_wait3A_29 = tpu.memref_slice %arg7[%dma_wait3A] : memref<16384xf32, #tpu.memory_space<vmem>> -> memref<8192xf32, #tpu.memory_space<vmem>>
    %dma_wait3A_30 = arith.constant 0 : i32
    %dma_wait3A_31 = tpu.memref_slice %arg2[%dma_wait3A_30] : memref<8388608xf32, #tpu.memory_space<hbm>> -> memref<8192xf32, #tpu.memory_space<hbm>>
    %dma_wait3A_32 = arith.constant 0 : i32
    %dma_wait3A_33 = tpu.memref_slice %arg7[%dma_wait3A_32] : memref<16384xf32, #tpu.memory_space<vmem>> -> memref<8192xf32, #tpu.memory_space<vmem>>
    %dma_wait3A_34 = arith.constant 0 : i32
    %dma_wait3A_35 = tpu.memref_slice %arg2[%dma_wait3A_34] : memref<8388608xf32, #tpu.memory_space<hbm>> -> memref<8192xf32, #tpu.memory_space<hbm>>
    tpu.wait_dma2 semaphore(%arg10 : memref<!tpu.dma_semaphore, #tpu.memory_space<semaphore_mem>>) src(%dma_wait3A_35 : memref<8192xf32, #tpu.memory_space<hbm>>) dst(%dma_wait3A_33 : memref<8192xf32, #tpu.memory_space<vmem>>)
    %dma_wait3A_36 = arith.constant 8192 : i32
    %dma_wait3A_37 = tpu.memref_slice %arg7[%dma_wait3A_36] : memref<16384xf32, #tpu.memory_space<vmem>> -> memref<8192xf32, #tpu.memory_space<vmem>>
    %dma_wait3A_38 = arith.constant 0 : i32
    %dma_wait3A_39 = tpu.memref_slice %arg2[%dma_wait3A_38] : memref<8388608xf32, #tpu.memory_space<hbm>> -> memref<8192xf32, #tpu.memory_space<hbm>>
    %dma_wait3A_40 = arith.constant 8192 : i32
    %dma_wait3A_41 = tpu.memref_slice %arg7[%dma_wait3A_40] : memref<16384xf32, #tpu.memory_space<vmem>> -> memref<8192xf32, #tpu.memory_space<vmem>>
    %dma_wait3A_42 = arith.constant 0 : i32
    %dma_wait3A_43 = tpu.memref_slice %arg2[%dma_wait3A_42] : memref<8388608xf32, #tpu.memory_space<hbm>> -> memref<8192xf32, #tpu.memory_space<hbm>>
    tpu.wait_dma2 semaphore(%arg11 : memref<!tpu.dma_semaphore, #tpu.memory_space<semaphore_mem>>) src(%dma_wait3A_43 : memref<8192xf32, #tpu.memory_space<hbm>>) dst(%dma_wait3A_41 : memref<8192xf32, #tpu.memory_space<vmem>>)
    %mul3A_44 = arith.constant 512 : i32
    %mul3A_45 = arith.muli %add3A, %mul3A_44 : i32
    %add3A_46 = arith.constant 0 : i32
    %add3A_47 = arith.addi %mul3A_45, %add3A_46 : i32
    %add3A_48 = arith.constant 0 : i32
    %add3A_49 = arith.addi %add3A_48, %add3A_47 : i32
    %mul3A_50 = arith.constant 256 : i32
    %mul3A_51 = arith.muli %add3A_49, %mul3A_50 : i32
    %dma_start3A_52 = arith.constant 0 : i32
    %dma_start3A_53 = tpu.memref_slice %arg6[%dma_start3A_52] : memref<16384xf32, #tpu.memory_space<vmem>> -> memref<4096xf32, #tpu.memory_space<vmem>>
    %dma_start3A_54 = tpu.memref_slice %arg3[%mul3A_51] : memref<8388608xf32, #tpu.memory_space<hbm>> -> memref<4096xf32, #tpu.memory_space<hbm>>
    %dma_start3A_55 = arith.constant 0 : i32
    %dma_start3A_56 = tpu.memref_slice %arg6[%dma_start3A_55] : memref<16384xf32, #tpu.memory_space<vmem>> -> memref<4096xf32, #tpu.memory_space<vmem>>
    %dma_start3A_57 = tpu.memref_slice %arg3[%mul3A_51] : memref<8388608xf32, #tpu.memory_space<hbm>> -> memref<4096xf32, #tpu.memory_space<hbm>>
    tpu.enqueue_dma source(%dma_start3A_57 : memref<4096xf32, #tpu.memory_space<hbm>>) target(%dma_start3A_56 : memref<4096xf32, #tpu.memory_space<vmem>>) target_semaphore(%arg8 : memref<!tpu.dma_semaphore, #tpu.memory_space<semaphore_mem>>)
    %add3A_58 = arith.constant 16384 : i32
    %add3A_59 = arith.addi %add3A_58, %add3A_47 : i32
    %mul3A_60 = arith.constant 256 : i32
    %mul3A_61 = arith.muli %add3A_59, %mul3A_60 : i32
    %dma_start3A_62 = arith.constant 4096 : i32
    %dma_start3A_63 = tpu.memref_slice %arg6[%dma_start3A_62] : memref<16384xf32, #tpu.memory_space<vmem>> -> memref<4096xf32, #tpu.memory_space<vmem>>
    %dma_start3A_64 = tpu.memref_slice %arg3[%mul3A_61] : memref<8388608xf32, #tpu.memory_space<hbm>> -> memref<4096xf32, #tpu.memory_space<hbm>>
    %dma_start3A_65 = arith.constant 4096 : i32
    %dma_start3A_66 = tpu.memref_slice %arg6[%dma_start3A_65] : memref<16384xf32, #tpu.memory_space<vmem>> -> memref<4096xf32, #tpu.memory_space<vmem>>
    %dma_start3A_67 = tpu.memref_slice %arg3[%mul3A_61] : memref<8388608xf32, #tpu.memory_space<hbm>> -> memref<4096xf32, #tpu.memory_space<hbm>>
    tpu.enqueue_dma source(%dma_start3A_67 : memref<4096xf32, #tpu.memory_space<hbm>>) target(%dma_start3A_66 : memref<4096xf32, #tpu.memory_space<vmem>>) target_semaphore(%arg8 : memref<!tpu.dma_semaphore, #tpu.memory_space<semaphore_mem>>)
    %scan3A_68 = arith.constant 0 : i32
    %scan3A_69 = arith.constant 0 : i32
    %scan3A_70 = arith.constant 16 : i32
    %scan3A_71 = arith.addi %scan3A_69, %scan3A_70 : i32
    %scan3A_72 = arith.constant 1 : i32
    scf.for %scan3A_90 = %scan3A_69 to %scan3A_71 step %scan3A_72  : i32 {
      %mul3A_91 = arith.constant 2 : i32
      %mul3A_92 = arith.muli %mul3A_91, %scan3A_90 : i32
      %add3A_93 = arith.constant 1 : i32
      %add3A_94 = arith.addi %mul3A_92, %add3A_93 : i32
      %mul3A_95 = arith.constant 512 : i32
      %mul3A_96 = arith.muli %add3A, %mul3A_95 : i32
      %mul3A_97 = arith.constant 16 : i32
      %mul3A_98 = arith.muli %add3A_94, %mul3A_97 : i32
      %add3A_99 = arith.addi %mul3A_96, %mul3A_98 : i32
      %add3A_100 = arith.constant 0 : i32
      %add3A_101 = arith.addi %add3A_100, %add3A_99 : i32
      %mul3A_102 = arith.constant 256 : i32
      %mul3A_103 = arith.muli %add3A_101, %mul3A_102 : i32
      %dma_start3A_104 = arith.constant 8192 : i32
      %dma_start3A_105 = tpu.memref_slice %arg6[%dma_start3A_104] : memref<16384xf32, #tpu.memory_space<vmem>> -> memref<4096xf32, #tpu.memory_space<vmem>>
      %dma_start3A_106 = tpu.memref_slice %arg3[%mul3A_103] : memref<8388608xf32, #tpu.memory_space<hbm>> -> memref<4096xf32, #tpu.memory_space<hbm>>
      %dma_start3A_107 = arith.constant 8192 : i32
      %dma_start3A_108 = tpu.memref_slice %arg6[%dma_start3A_107] : memref<16384xf32, #tpu.memory_space<vmem>> -> memref<4096xf32, #tpu.memory_space<vmem>>
      %dma_start3A_109 = tpu.memref_slice %arg3[%mul3A_103] : memref<8388608xf32, #tpu.memory_space<hbm>> -> memref<4096xf32, #tpu.memory_space<hbm>>
      tpu.enqueue_dma source(%dma_start3A_109 : memref<4096xf32, #tpu.memory_space<hbm>>) target(%dma_start3A_108 : memref<4096xf32, #tpu.memory_space<vmem>>) target_semaphore(%arg9 : memref<!tpu.dma_semaphore, #tpu.memory_space<semaphore_mem>>)
      %add3A_110 = arith.constant 16384 : i32
      %add3A_111 = arith.addi %add3A_110, %add3A_99 : i32
      %mul3A_112 = arith.constant 256 : i32
      %mul3A_113 = arith.muli %add3A_111, %mul3A_112 : i32
      %dma_start3A_114 = arith.constant 12288 : i32
      %dma_start3A_115 = tpu.memref_slice %arg6[%dma_start3A_114] : memref<16384xf32, #tpu.memory_space<vmem>> -> memref<4096xf32, #tpu.memory_space<vmem>>
      %dma_start3A_116 = tpu.memref_slice %arg3[%mul3A_113] : memref<8388608xf32, #tpu.memory_space<hbm>> -> memref<4096xf32, #tpu.memory_space<hbm>>
      %dma_start3A_117 = arith.constant 12288 : i32
      %dma_start3A_118 = tpu.memref_slice %arg6[%dma_start3A_117] : memref<16384xf32, #tpu.memory_space<vmem>> -> memref<4096xf32, #tpu.memory_space<vmem>>
      %dma_start3A_119 = tpu.memref_slice %arg3[%mul3A_113] : memref<8388608xf32, #tpu.memory_space<hbm>> -> memref<4096xf32, #tpu.memory_space<hbm>>
      tpu.enqueue_dma source(%dma_start3A_119 : memref<4096xf32, #tpu.memory_space<hbm>>) target(%dma_start3A_118 : memref<4096xf32, #tpu.memory_space<vmem>>) target_semaphore(%arg9 : memref<!tpu.dma_semaphore, #tpu.memory_space<semaphore_mem>>)
      %dma_wait3A_120 = arith.constant 0 : i32
      %dma_wait3A_121 = tpu.memref_slice %arg6[%dma_wait3A_120] : memref<16384xf32, #tpu.memory_space<vmem>> -> memref<8192xf32, #tpu.memory_space<vmem>>
      %dma_wait3A_122 = arith.constant 0 : i32
      %dma_wait3A_123 = tpu.memref_slice %arg3[%dma_wait3A_122] : memref<8388608xf32, #tpu.memory_space<hbm>> -> memref<8192xf32, #tpu.memory_space<hbm>>
      %dma_wait3A_124 = arith.constant 0 : i32
      %dma_wait3A_125 = tpu.memref_slice %arg6[%dma_wait3A_124] : memref<16384xf32, #tpu.memory_space<vmem>> -> memref<8192xf32, #tpu.memory_space<vmem>>
      %dma_wait3A_126 = arith.constant 0 : i32
      %dma_wait3A_127 = tpu.memref_slice %arg3[%dma_wait3A_126] : memref<8388608xf32, #tpu.memory_space<hbm>> -> memref<8192xf32, #tpu.memory_space<hbm>>
      tpu.wait_dma2 semaphore(%arg8 : memref<!tpu.dma_semaphore, #tpu.memory_space<semaphore_mem>>) src(%dma_wait3A_127 : memref<8192xf32, #tpu.memory_space<hbm>>) dst(%dma_wait3A_125 : memref<8192xf32, #tpu.memory_space<vmem>>)
      %gt3A = arith.constant 0 : i32
      %gt3A_128 = arith.cmpi sgt, %scan3A_90, %gt3A : i32
      %convert_element_type3A = arith.extui %gt3A_128 : i1 to i32
      %cond3A = arith.constant 0 : i32
      %cond3A_129 = arith.cmpi ne, %convert_element_type3A, %cond3A : i32
      scf.if %cond3A_129 {
        %dma_wait3A_189 = arith.constant 0 : i32
        %dma_wait3A_190 = tpu.memref_slice %arg7[%dma_wait3A_189] : memref<16384xf32, #tpu.memory_space<vmem>> -> memref<8192xf32, #tpu.memory_space<vmem>>
        %dma_wait3A_191 = arith.constant 0 : i32
        %dma_wait3A_192 = tpu.memref_slice %arg3[%dma_wait3A_191] : memref<8388608xf32, #tpu.memory_space<hbm>> -> memref<8192xf32, #tpu.memory_space<hbm>>
        %dma_wait3A_193 = arith.constant 0 : i32
        %dma_wait3A_194 = tpu.memref_slice %arg7[%dma_wait3A_193] : memref<16384xf32, #tpu.memory_space<vmem>> -> memref<8192xf32, #tpu.memory_space<vmem>>
        %dma_wait3A_195 = arith.constant 0 : i32
        %dma_wait3A_196 = tpu.memref_slice %arg3[%dma_wait3A_195] : memref<8388608xf32, #tpu.memory_space<hbm>> -> memref<8192xf32, #tpu.memory_space<hbm>>
        tpu.wait_dma2 semaphore(%arg10 : memref<!tpu.dma_semaphore, #tpu.memory_space<semaphore_mem>>) src(%dma_wait3A_196 : memref<8192xf32, #tpu.memory_space<hbm>>) dst(%dma_wait3A_194 : memref<8192xf32, #tpu.memory_space<vmem>>)
      } else {
      }
      %scan3A_130 = arith.constant 0 : i32
      %scan3A_131 = arith.constant 0 : i32
      %scan3A_132 = arith.constant 128 : i32
      %scan3A_133 = arith.addi %scan3A_131, %scan3A_132 : i32
      %scan3A_134 = arith.constant 2 : i32
      scf.for %scan3A_189 = %scan3A_131 to %scan3A_133 step %scan3A_134  : i32 {
        %jit3A = arith.constant 8 : i32
        %div3A = arith.divsi %scan3A_189, %jit3A : i32
        %sign3A = arith.constant 0 : i32
        %sign3A_190 = arith.cmpi sgt, %scan3A_189, %sign3A : i32
        %sign3A_191 = arith.extui %sign3A_190 : i1 to i32
        %sign3A_192 = arith.constant 0 : i32
        %sign3A_193 = arith.cmpi slt, %scan3A_189, %sign3A_192 : i32
        %sign3A_194 = arith.extui %sign3A_193 : i1 to i32
        %sign3A_195 = arith.subi %sign3A_191, %sign3A_194 : i32
        %sign3A_196 = arith.constant 0 : i32
        %sign3A_197 = arith.cmpi sgt, %jit3A, %sign3A_196 : i32
        %sign3A_198 = arith.extui %sign3A_197 : i1 to i32
        %sign3A_199 = arith.constant 0 : i32
        %sign3A_200 = arith.cmpi slt, %jit3A, %sign3A_199 : i32
        %sign3A_201 = arith.extui %sign3A_200 : i1 to i32
        %sign3A_202 = arith.subi %sign3A_198, %sign3A_201 : i32
        %ne3A = arith.cmpi ne, %sign3A_195, %sign3A_202 : i32
        %rem3A = arith.remsi %scan3A_189, %jit3A : i32
        %ne3A_203 = arith.constant 0 : i32
        %ne3A_204 = arith.cmpi ne, %rem3A, %ne3A_203 : i32
        %and3A = arith.andi %ne3A, %ne3A_204 : i1
        %sub3A = arith.constant 1 : i32
        %sub3A_205 = arith.subi %div3A, %sub3A : i32
        %select_n3A = arith.select %and3A, %sub3A_205, %div3A : i32
        %mul3A_206 = arith.constant 8 : i32
        %mul3A_207 = arith.muli %select_n3A, %mul3A_206 : i32
        %sub3A_208 = arith.subi %scan3A_189, %mul3A_207 : i32
        %mul3A_209 = arith.constant 16 : i32
        %mul3A_210 = arith.muli %sub3A_208, %mul3A_209 : i32
        %mul3A_211 = arith.constant 128 : i32
        %mul3A_212 = arith.muli %select_n3A, %mul3A_211 : i32
        %add3A_213 = arith.addi %mul3A_212, %mul3A_210 : i32
        %mul3A_214 = arith.constant 4 : i32
        %mul3A_215 = arith.muli %add3A_213, %mul3A_214 : i32
        %add3A_216 = arith.constant 0 : i32
        %add3A_217 = arith.addi %add3A_216, %mul3A_215 : i32
        %mul3A_218 = arith.constant 4 : i32
        %mul3A_219 = vector.broadcast %mul3A_218 : i32 to vector<16xi32>
        %mul3A_220 = arith.muli %iota3A, %mul3A_219 : vector<16xi32>
        %add3A_221 = vector.broadcast %add3A_217 : i32 to vector<16xi32>
        %add3A_222 = arith.addi %add3A_221, %mul3A_220 : vector<16xi32>
        %mul3A_223 = arith.constant 256 : i32
        %mul3A_224 = arith.muli %select_n3A, %mul3A_223 : i32
        %add3A_225 = arith.constant 0 : i32
        %add3A_226 = arith.addi %add3A_225, %mul3A_224 : i32
        %add3A_227 = arith.constant 0 : i32
        %add3A_228 = arith.addi %add3A_226, %add3A_227 : i32
        %add3A_229 = arith.addi %add3A_228, %mul3A_210 : i32
        %get3A = arith.index_cast %add3A_229 : i32 to index
        %get3A_230 = tpu.vector_load %arg6[%get3A] {strides = array<i32>} : memref<16384xf32, #tpu.memory_space<vmem>>, vector<16xf32>,
        %add3A_231 = arith.constant 0 : i32
        %add3A_232 = vector.broadcast %add3A_231 : i32 to vector<16xi32>
        %add3A_233 = arith.addi %add3A_222, %add3A_232 : vector<16xi32>
        tpu.vector_store_idx %arg7[%add3A_233], %get3A_230 : memref<16384xf32, #tpu.memory_space<vmem>>[vector<16xi32>], vector<16xf32>,
        %mul3A_234 = arith.constant 256 : i32
        %mul3A_235 = arith.muli %select_n3A, %mul3A_234 : i32
        %add3A_236 = arith.constant 0 : i32
        %add3A_237 = arith.addi %add3A_236, %mul3A_235 : i32
        %add3A_238 = arith.constant 128 : i32
        %add3A_239 = arith.addi %add3A_237, %add3A_238 : i32
        %add3A_240 = arith.addi %add3A_239, %mul3A_210 : i32
        %get3A_241 = arith.index_cast %add3A_240 : i32 to index
        %get3A_242 = tpu.vector_load %arg6[%get3A_241] {strides = array<i32>} : memref<16384xf32, #tpu.memory_space<vmem>>, vector<16xf32>,
        %add3A_243 = arith.constant 1 : i32
        %add3A_244 = vector.broadcast %add3A_243 : i32 to vector<16xi32>
        %add3A_245 = arith.addi %add3A_222, %add3A_244 : vector<16xi32>
        tpu.vector_store_idx %arg7[%add3A_245], %get3A_242 : memref<16384xf32, #tpu.memory_space<vmem>>[vector<16xi32>], vector<16xf32>,
        %mul3A_246 = arith.constant 256 : i32
        %mul3A_247 = arith.muli %select_n3A, %mul3A_246 : i32
        %add3A_248 = arith.constant 4096 : i32
        %add3A_249 = arith.addi %add3A_248, %mul3A_247 : i32
        %add3A_250 = arith.constant 0 : i32
        %add3A_251 = arith.addi %add3A_249, %add3A_250 : i32
        %add3A_252 = arith.addi %add3A_251, %mul3A_210 : i32
        %get3A_253 = arith.index_cast %add3A_252 : i32 to index
        %get3A_254 = tpu.vector_load %arg6[%get3A_253] {strides = array<i32>} : memref<16384xf32, #tpu.memory_space<vmem>>, vector<16xf32>,
        %add3A_255 = arith.constant 2 : i32
        %add3A_256 = vector.broadcast %add3A_255 : i32 to vector<16xi32>
        %add3A_257 = arith.addi %add3A_222, %add3A_256 : vector<16xi32>
        tpu.vector_store_idx %arg7[%add3A_257], %get3A_254 : memref<16384xf32, #tpu.memory_space<vmem>>[vector<16xi32>], vector<16xf32>,
        %mul3A_258 = arith.constant 256 : i32
        %mul3A_259 = arith.muli %select_n3A, %mul3A_258 : i32
        %add3A_260 = arith.constant 4096 : i32
        %add3A_261 = arith.addi %add3A_260, %mul3A_259 : i32
        %add3A_262 = arith.constant 128 : i32
        %add3A_263 = arith.addi %add3A_261, %add3A_262 : i32
        %add3A_264 = arith.addi %add3A_263, %mul3A_210 : i32
        %get3A_265 = arith.index_cast %add3A_264 : i32 to index
        %get3A_266 = tpu.vector_load %arg6[%get3A_265] {strides = array<i32>} : memref<16384xf32, #tpu.memory_space<vmem>>, vector<16xf32>,
        %add3A_267 = arith.constant 3 : i32
        %add3A_268 = vector.broadcast %add3A_267 : i32 to vector<16xi32>
        %add3A_269 = arith.addi %add3A_222, %add3A_268 : vector<16xi32>
        tpu.vector_store_idx %arg7[%add3A_269], %get3A_266 : memref<16384xf32, #tpu.memory_space<vmem>>[vector<16xi32>], vector<16xf32>,
        %scan3A_270 = arith.constant 1 : i32
        %scan3A_271 = arith.addi %scan3A_189, %scan3A_270 : i32
        %jit3A_272 = arith.constant 8 : i32
        %div3A_273 = arith.divsi %scan3A_271, %jit3A_272 : i32
        %sign3A_274 = arith.constant 0 : i32
        %sign3A_275 = arith.cmpi sgt, %scan3A_271, %sign3A_274 : i32
        %sign3A_276 = arith.extui %sign3A_275 : i1 to i32
        %sign3A_277 = arith.constant 0 : i32
        %sign3A_278 = arith.cmpi slt, %scan3A_271, %sign3A_277 : i32
        %sign3A_279 = arith.extui %sign3A_278 : i1 to i32
        %sign3A_280 = arith.subi %sign3A_276, %sign3A_279 : i32
        %sign3A_281 = arith.constant 0 : i32
        %sign3A_282 = arith.cmpi sgt, %jit3A_272, %sign3A_281 : i32
        %sign3A_283 = arith.extui %sign3A_282 : i1 to i32
        %sign3A_284 = arith.constant 0 : i32
        %sign3A_285 = arith.cmpi slt, %jit3A_272, %sign3A_284 : i32
        %sign3A_286 = arith.extui %sign3A_285 : i1 to i32
        %sign3A_287 = arith.subi %sign3A_283, %sign3A_286 : i32
        %ne3A_288 = arith.cmpi ne, %sign3A_280, %sign3A_287 : i32
        %rem3A_289 = arith.remsi %scan3A_271, %jit3A_272 : i32
        %ne3A_290 = arith.constant 0 : i32
        %ne3A_291 = arith.cmpi ne, %rem3A_289, %ne3A_290 : i32
        %and3A_292 = arith.andi %ne3A_288, %ne3A_291 : i1
        %sub3A_293 = arith.constant 1 : i32
        %sub3A_294 = arith.subi %div3A_273, %sub3A_293 : i32
        %select_n3A_295 = arith.select %and3A_292, %sub3A_294, %div3A_273 : i32
        %mul3A_296 = arith.constant 8 : i32
        %mul3A_297 = arith.muli %select_n3A_295, %mul3A_296 : i32
        %sub3A_298 = arith.subi %scan3A_271, %mul3A_297 : i32
        %mul3A_299 = arith.constant 16 : i32
        %mul3A_300 = arith.muli %sub3A_298, %mul3A_299 : i32
        %mul3A_301 = arith.constant 128 : i32
        %mul3A_302 = arith.muli %select_n3A_295, %mul3A_301 : i32
        %add3A_303 = arith.addi %mul3A_302, %mul3A_300 : i32
        %mul3A_304 = arith.constant 4 : i32
        %mul3A_305 = arith.muli %add3A_303, %mul3A_304 : i32
        %add3A_306 = arith.constant 0 : i32
        %add3A_307 = arith.addi %add3A_306, %mul3A_305 : i32
        %mul3A_308 = arith.constant 4 : i32
        %mul3A_309 = vector.broadcast %mul3A_308 : i32 to vector<16xi32>
        %mul3A_310 = arith.muli %iota3A, %mul3A_309 : vector<16xi32>
        %add3A_311 = vector.broadcast %add3A_307 : i32 to vector<16xi32>
        %add3A_312 = arith.addi %add3A_311, %mul3A_310 : vector<16xi32>
        %mul3A_313 = arith.constant 256 : i32
        %mul3A_314 = arith.muli %select_n3A_295, %mul3A_313 : i32
        %add3A_315 = arith.constant 0 : i32
        %add3A_316 = arith.addi %add3A_315, %mul3A_314 : i32
        %add3A_317 = arith.constant 0 : i32
        %add3A_318 = arith.addi %add3A_316, %add3A_317 : i32
        %add3A_319 = arith.addi %add3A_318, %mul3A_300 : i32
        %get3A_320 = arith.index_cast %add3A_319 : i32 to index
        %get3A_321 = tpu.vector_load %arg6[%get3A_320] {strides = array<i32>} : memref<16384xf32, #tpu.memory_space<vmem>>, vector<16xf32>,
        %add3A_322 = arith.constant 0 : i32
        %add3A_323 = vector.broadcast %add3A_322 : i32 to vector<16xi32>
        %add3A_324 = arith.addi %add3A_312, %add3A_323 : vector<16xi32>
        tpu.vector_store_idx %arg7[%add3A_324], %get3A_321 : memref<16384xf32, #tpu.memory_space<vmem>>[vector<16xi32>], vector<16xf32>,
        %mul3A_325 = arith.constant 256 : i32
        %mul3A_326 = arith.muli %select_n3A_295, %mul3A_325 : i32
        %add3A_327 = arith.constant 0 : i32
        %add3A_328 = arith.addi %add3A_327, %mul3A_326 : i32
        %add3A_329 = arith.constant 128 : i32
        %add3A_330 = arith.addi %add3A_328, %add3A_329 : i32
        %add3A_331 = arith.addi %add3A_330, %mul3A_300 : i32
        %get3A_332 = arith.index_cast %add3A_331 : i32 to index
        %get3A_333 = tpu.vector_load %arg6[%get3A_332] {strides = array<i32>} : memref<16384xf32, #tpu.memory_space<vmem>>, vector<16xf32>,
        %add3A_334 = arith.constant 1 : i32
        %add3A_335 = vector.broadcast %add3A_334 : i32 to vector<16xi32>
        %add3A_336 = arith.addi %add3A_312, %add3A_335 : vector<16xi32>
        tpu.vector_store_idx %arg7[%add3A_336], %get3A_333 : memref<16384xf32, #tpu.memory_space<vmem>>[vector<16xi32>], vector<16xf32>,
        %mul3A_337 = arith.constant 256 : i32
        %mul3A_338 = arith.muli %select_n3A_295, %mul3A_337 : i32
        %add3A_339 = arith.constant 4096 : i32
        %add3A_340 = arith.addi %add3A_339, %mul3A_338 : i32
        %add3A_341 = arith.constant 0 : i32
        %add3A_342 = arith.addi %add3A_340, %add3A_341 : i32
        %add3A_343 = arith.addi %add3A_342, %mul3A_300 : i32
        %get3A_344 = arith.index_cast %add3A_343 : i32 to index
        %get3A_345 = tpu.vector_load %arg6[%get3A_344] {strides = array<i32>} : memref<16384xf32, #tpu.memory_space<vmem>>, vector<16xf32>,
        %add3A_346 = arith.constant 2 : i32
        %add3A_347 = vector.broadcast %add3A_346 : i32 to vector<16xi32>
        %add3A_348 = arith.addi %add3A_312, %add3A_347 : vector<16xi32>
        tpu.vector_store_idx %arg7[%add3A_348], %get3A_345 : memref<16384xf32, #tpu.memory_space<vmem>>[vector<16xi32>], vector<16xf32>,
        %mul3A_349 = arith.constant 256 : i32
        %mul3A_350 = arith.muli %select_n3A_295, %mul3A_349 : i32
        %add3A_351 = arith.constant 4096 : i32
        %add3A_352 = arith.addi %add3A_351, %mul3A_350 : i32
        %add3A_353 = arith.constant 128 : i32
        %add3A_354 = arith.addi %add3A_352, %add3A_353 : i32
        %add3A_355 = arith.addi %add3A_354, %mul3A_300 : i32
        %get3A_356 = arith.index_cast %add3A_355 : i32 to index
        %get3A_357 = tpu.vector_load %arg6[%get3A_356] {strides = array<i32>} : memref<16384xf32, #tpu.memory_space<vmem>>, vector<16xf32>,
        %add3A_358 = arith.constant 3 : i32
        %add3A_359 = vector.broadcast %add3A_358 : i32 to vector<16xi32>
        %add3A_360 = arith.addi %add3A_312, %add3A_359 : vector<16xi32>
        tpu.vector_store_idx %arg7[%add3A_360], %get3A_357 : memref<16384xf32, #tpu.memory_space<vmem>>[vector<16xi32>], vector<16xf32>,
      }
      %scan3A_135 = arith.constant 128 : i32
      %mul3A_136 = arith.constant 512 : i32
      %mul3A_137 = arith.muli %add3A, %mul3A_136 : i32
      %mul3A_138 = arith.constant 16 : i32
      %mul3A_139 = arith.muli %mul3A_92, %mul3A_138 : i32
      %add3A_140 = arith.addi %mul3A_137, %mul3A_139 : i32
      %mul3A_141 = arith.constant 512 : i32
      %mul3A_142 = arith.muli %add3A_140, %mul3A_141 : i32
      %dma_start3A_143 = arith.constant 0 : i32
      %dma_start3A_144 = tpu.memref_slice %arg7[%dma_start3A_143] : memref<16384xf32, #tpu.memory_space<vmem>> -> memref<8192xf32, #tpu.memory_space<vmem>>
      %dma_start3A_145 = tpu.memref_slice %arg5[%mul3A_142] : memref<8388608xf32, #tpu.memory_space<hbm>> -> memref<8192xf32, #tpu.memory_space<hbm>>
      %dma_start3A_146 = tpu.memref_slice %arg5[%mul3A_142] : memref<8388608xf32, #tpu.memory_space<hbm>> -> memref<8192xf32, #tpu.memory_space<hbm>>
      %dma_start3A_147 = arith.constant 0 : i32
      %dma_start3A_148 = tpu.memref_slice %arg7[%dma_start3A_147] : memref<16384xf32, #tpu.memory_space<vmem>> -> memref<8192xf32, #tpu.memory_space<vmem>>
      tpu.enqueue_dma source(%dma_start3A_148 : memref<8192xf32, #tpu.memory_space<vmem>>) target(%dma_start3A_146 : memref<8192xf32, #tpu.memory_space<hbm>>) target_semaphore(%arg10 : memref<!tpu.dma_semaphore, #tpu.memory_space<semaphore_mem>>)
      %add3A_149 = arith.constant 2 : i32
      %add3A_150 = arith.addi %mul3A_92, %add3A_149 : i32
      %lt3A = arith.constant 32 : i32
      %lt3A_151 = arith.cmpi slt, %add3A_150, %lt3A : i32
      %convert_element_type3A_152 = arith.extui %lt3A_151 : i1 to i32
      %cond3A_153 = arith.constant 0 : i32
      %cond3A_154 = arith.cmpi ne, %convert_element_type3A_152, %cond3A_153 : i32
      scf.if %cond3A_154 {
        %add3A_189 = arith.constant 2 : i32
        %add3A_190 = arith.addi %mul3A_92, %add3A_189 : i32
        %mul3A_191 = arith.constant 512 : i32
        %mul3A_192 = arith.muli %add3A, %mul3A_191 : i32
        %mul3A_193 = arith.constant 16 : i32
        %mul3A_194 = arith.muli %add3A_190, %mul3A_193 : i32
        %add3A_195 = arith.addi %mul3A_192, %mul3A_194 : i32
        %add3A_196 = arith.constant 0 : i32
        %add3A_197 = arith.addi %add3A_196, %add3A_195 : i32
        %mul3A_198 = arith.constant 256 : i32
        %mul3A_199 = arith.muli %add3A_197, %mul3A_198 : i32
        %dma_start3A_200 = arith.constant 0 : i32
        %dma_start3A_201 = tpu.memref_slice %arg6[%dma_start3A_200] : memref<16384xf32, #tpu.memory_space<vmem>> -> memref<4096xf32, #tpu.memory_space<vmem>>
        %dma_start3A_202 = tpu.memref_slice %arg3[%mul3A_199] : memref<8388608xf32, #tpu.memory_space<hbm>> -> memref<4096xf32, #tpu.memory_space<hbm>>
        %dma_start3A_203 = arith.constant 0 : i32
        %dma_start3A_204 = tpu.memref_slice %arg6[%dma_start3A_203] : memref<16384xf32, #tpu.memory_space<vmem>> -> memref<4096xf32, #tpu.memory_space<vmem>>
        %dma_start3A_205 = tpu.memref_slice %arg3[%mul3A_199] : memref<8388608xf32, #tpu.memory_space<hbm>> -> memref<4096xf32, #tpu.memory_space<hbm>>
        tpu.enqueue_dma source(%dma_start3A_205 : memref<4096xf32, #tpu.memory_space<hbm>>) target(%dma_start3A_204 : memref<4096xf32, #tpu.memory_space<vmem>>) target_semaphore(%arg8 : memref<!tpu.dma_semaphore, #tpu.memory_space<semaphore_mem>>)
        %add3A_206 = arith.constant 16384 : i32
        %add3A_207 = arith.addi %add3A_206, %add3A_195 : i32
        %mul3A_208 = arith.constant 256 : i32
        %mul3A_209 = arith.muli %add3A_207, %mul3A_208 : i32
        %dma_start3A_210 = arith.constant 4096 : i32
        %dma_start3A_211 = tpu.memref_slice %arg6[%dma_start3A_210] : memref<16384xf32, #tpu.memory_space<vmem>> -> memref<4096xf32, #tpu.memory_space<vmem>>
        %dma_start3A_212 = tpu.memref_slice %arg3[%mul3A_209] : memref<8388608xf32, #tpu.memory_space<hbm>> -> memref<4096xf32, #tpu.memory_space<hbm>>
        %dma_start3A_213 = arith.constant 4096 : i32
        %dma_start3A_214 = tpu.memref_slice %arg6[%dma_start3A_213] : memref<16384xf32, #tpu.memory_space<vmem>> -> memref<4096xf32, #tpu.memory_space<vmem>>
        %dma_start3A_215 = tpu.memref_slice %arg3[%mul3A_209] : memref<8388608xf32, #tpu.memory_space<hbm>> -> memref<4096xf32, #tpu.memory_space<hbm>>
        tpu.enqueue_dma source(%dma_start3A_215 : memref<4096xf32, #tpu.memory_space<hbm>>) target(%dma_start3A_214 : memref<4096xf32, #tpu.memory_space<vmem>>) target_semaphore(%arg8 : memref<!tpu.dma_semaphore, #tpu.memory_space<semaphore_mem>>)
      } else {
      }
      %dma_wait3A_155 = arith.constant 8192 : i32
      %dma_wait3A_156 = tpu.memref_slice %arg6[%dma_wait3A_155] : memref<16384xf32, #tpu.memory_space<vmem>> -> memref<8192xf32, #tpu.memory_space<vmem>>
      %dma_wait3A_157 = arith.constant 0 : i32
      %dma_wait3A_158 = tpu.memref_slice %arg3[%dma_wait3A_157] : memref<8388608xf32, #tpu.memory_space<hbm>> -> memref<8192xf32, #tpu.memory_space<hbm>>
      %dma_wait3A_159 = arith.constant 8192 : i32
      %dma_wait3A_160 = tpu.memref_slice %arg6[%dma_wait3A_159] : memref<16384xf32, #tpu.memory_space<vmem>> -> memref<8192xf32, #tpu.memory_space<vmem>>
      %dma_wait3A_161 = arith.constant 0 : i32
      %dma_wait3A_162 = tpu.memref_slice %arg3[%dma_wait3A_161] : memref<8388608xf32, #tpu.memory_space<hbm>> -> memref<8192xf32, #tpu.memory_space<hbm>>
      tpu.wait_dma2 semaphore(%arg9 : memref<!tpu.dma_semaphore, #tpu.memory_space<semaphore_mem>>) src(%dma_wait3A_162 : memref<8192xf32, #tpu.memory_space<hbm>>) dst(%dma_wait3A_160 : memref<8192xf32, #tpu.memory_space<vmem>>)
      %gt3A_163 = arith.constant 0 : i32
      %gt3A_164 = arith.cmpi sgt, %scan3A_90, %gt3A_163 : i32
      %convert_element_type3A_165 = arith.extui %gt3A_164 : i1 to i32
      %cond3A_166 = arith.constant 0 : i32
      %cond3A_167 = arith.cmpi ne, %convert_element_type3A_165, %cond3A_166 : i32
      scf.if %cond3A_167 {
        %dma_wait3A_189 = arith.constant 8192 : i32
        %dma_wait3A_190 = tpu.memref_slice %arg7[%dma_wait3A_189] : memref<16384xf32, #tpu.memory_space<vmem>> -> memref<8192xf32, #tpu.memory_space<vmem>>
        %dma_wait3A_191 = arith.constant 0 : i32
        %dma_wait3A_192 = tpu.memref_slice %arg3[%dma_wait3A_191] : memref<8388608xf32, #tpu.memory_space<hbm>> -> memref<8192xf32, #tpu.memory_space<hbm>>
        %dma_wait3A_193 = arith.constant 8192 : i32
        %dma_wait3A_194 = tpu.memref_slice %arg7[%dma_wait3A_193] : memref<16384xf32, #tpu.memory_space<vmem>> -> memref<8192xf32, #tpu.memory_space<vmem>>
        %dma_wait3A_195 = arith.constant 0 : i32
        %dma_wait3A_196 = tpu.memref_slice %arg3[%dma_wait3A_195] : memref<8388608xf32, #tpu.memory_space<hbm>> -> memref<8192xf32, #tpu.memory_space<hbm>>
        tpu.wait_dma2 semaphore(%arg11 : memref<!tpu.dma_semaphore, #tpu.memory_space<semaphore_mem>>) src(%dma_wait3A_196 : memref<8192xf32, #tpu.memory_space<hbm>>) dst(%dma_wait3A_194 : memref<8192xf32, #tpu.memory_space<vmem>>)
      } else {
      }
      %add3A_168 = arith.constant 1 : i32
      %add3A_169 = arith.addi %mul3A_92, %add3A_168 : i32
      %scan3A_170 = arith.constant 0 : i32
      %scan3A_171 = arith.constant 0 : i32
      %scan3A_172 = arith.constant 128 : i32
      %scan3A_173 = arith.addi %scan3A_171, %scan3A_172 : i32
      %scan3A_174 = arith.constant 2 : i32
      scf.for %scan3A_189 = %scan3A_171 to %scan3A_173 step %scan3A_174  : i32 {
        %jit3A = arith.constant 8 : i32
        %div3A = arith.divsi %scan3A_189, %jit3A : i32
        %sign3A = arith.constant 0 : i32
        %sign3A_190 = arith.cmpi sgt, %scan3A_189, %sign3A : i32
        %sign3A_191 = arith.extui %sign3A_190 : i1 to i32
        %sign3A_192 = arith.constant 0 : i32
        %sign3A_193 = arith.cmpi slt, %scan3A_189, %sign3A_192 : i32
        %sign3A_194 = arith.extui %sign3A_193 : i1 to i32
        %sign3A_195 = arith.subi %sign3A_191, %sign3A_194 : i32
        %sign3A_196 = arith.constant 0 : i32
        %sign3A_197 = arith.cmpi sgt, %jit3A, %sign3A_196 : i32
        %sign3A_198 = arith.extui %sign3A_197 : i1 to i32
        %sign3A_199 = arith.constant 0 : i32
        %sign3A_200 = arith.cmpi slt, %jit3A, %sign3A_199 : i32
        %sign3A_201 = arith.extui %sign3A_200 : i1 to i32
        %sign3A_202 = arith.subi %sign3A_198, %sign3A_201 : i32
        %ne3A = arith.cmpi ne, %sign3A_195, %sign3A_202 : i32
        %rem3A = arith.remsi %scan3A_189, %jit3A : i32
        %ne3A_203 = arith.constant 0 : i32
        %ne3A_204 = arith.cmpi ne, %rem3A, %ne3A_203 : i32
        %and3A = arith.andi %ne3A, %ne3A_204 : i1
        %sub3A = arith.constant 1 : i32
        %sub3A_205 = arith.subi %div3A, %sub3A : i32
        %select_n3A = arith.select %and3A, %sub3A_205, %div3A : i32
        %mul3A_206 = arith.constant 8 : i32
        %mul3A_207 = arith.muli %select_n3A, %mul3A_206 : i32
        %sub3A_208 = arith.subi %scan3A_189, %mul3A_207 : i32
        %mul3A_209 = arith.constant 16 : i32
        %mul3A_210 = arith.muli %sub3A_208, %mul3A_209 : i32
        %mul3A_211 = arith.constant 128 : i32
        %mul3A_212 = arith.muli %select_n3A, %mul3A_211 : i32
        %add3A_213 = arith.addi %mul3A_212, %mul3A_210 : i32
        %mul3A_214 = arith.constant 4 : i32
        %mul3A_215 = arith.muli %add3A_213, %mul3A_214 : i32
        %add3A_216 = arith.constant 8192 : i32
        %add3A_217 = arith.addi %add3A_216, %mul3A_215 : i32
        %mul3A_218 = arith.constant 4 : i32
        %mul3A_219 = vector.broadcast %mul3A_218 : i32 to vector<16xi32>
        %mul3A_220 = arith.muli %iota3A, %mul3A_219 : vector<16xi32>
        %add3A_221 = vector.broadcast %add3A_217 : i32 to vector<16xi32>
        %add3A_222 = arith.addi %add3A_221, %mul3A_220 : vector<16xi32>
        %mul3A_223 = arith.constant 256 : i32
        %mul3A_224 = arith.muli %select_n3A, %mul3A_223 : i32
        %add3A_225 = arith.constant 8192 : i32
        %add3A_226 = arith.addi %add3A_225, %mul3A_224 : i32
        %add3A_227 = arith.constant 0 : i32
        %add3A_228 = arith.addi %add3A_226, %add3A_227 : i32
        %add3A_229 = arith.addi %add3A_228, %mul3A_210 : i32
        %get3A = arith.index_cast %add3A_229 : i32 to index
        %get3A_230 = tpu.vector_load %arg6[%get3A] {strides = array<i32>} : memref<16384xf32, #tpu.memory_space<vmem>>, vector<16xf32>,
        %add3A_231 = arith.constant 0 : i32
        %add3A_232 = vector.broadcast %add3A_231 : i32 to vector<16xi32>
        %add3A_233 = arith.addi %add3A_222, %add3A_232 : vector<16xi32>
        tpu.vector_store_idx %arg7[%add3A_233], %get3A_230 : memref<16384xf32, #tpu.memory_space<vmem>>[vector<16xi32>], vector<16xf32>,
        %mul3A_234 = arith.constant 256 : i32
        %mul3A_235 = arith.muli %select_n3A, %mul3A_234 : i32
        %add3A_236 = arith.constant 8192 : i32
        %add3A_237 = arith.addi %add3A_236, %mul3A_235 : i32
        %add3A_238 = arith.constant 128 : i32
        %add3A_239 = arith.addi %add3A_237, %add3A_238 : i32
        %add3A_240 = arith.addi %add3A_239, %mul3A_210 : i32
        %get3A_241 = arith.index_cast %add3A_240 : i32 to index
        %get3A_242 = tpu.vector_load %arg6[%get3A_241] {strides = array<i32>} : memref<16384xf32, #tpu.memory_space<vmem>>, vector<16xf32>,
        %add3A_243 = arith.constant 1 : i32
        %add3A_244 = vector.broadcast %add3A_243 : i32 to vector<16xi32>
        %add3A_245 = arith.addi %add3A_222, %add3A_244 : vector<16xi32>
        tpu.vector_store_idx %arg7[%add3A_245], %get3A_242 : memref<16384xf32, #tpu.memory_space<vmem>>[vector<16xi32>], vector<16xf32>,
        %mul3A_246 = arith.constant 256 : i32
        %mul3A_247 = arith.muli %select_n3A, %mul3A_246 : i32
        %add3A_248 = arith.constant 12288 : i32
        %add3A_249 = arith.addi %add3A_248, %mul3A_247 : i32
        %add3A_250 = arith.constant 0 : i32
        %add3A_251 = arith.addi %add3A_249, %add3A_250 : i32
        %add3A_252 = arith.addi %add3A_251, %mul3A_210 : i32
        %get3A_253 = arith.index_cast %add3A_252 : i32 to index
        %get3A_254 = tpu.vector_load %arg6[%get3A_253] {strides = array<i32>} : memref<16384xf32, #tpu.memory_space<vmem>>, vector<16xf32>,
        %add3A_255 = arith.constant 2 : i32
        %add3A_256 = vector.broadcast %add3A_255 : i32 to vector<16xi32>
        %add3A_257 = arith.addi %add3A_222, %add3A_256 : vector<16xi32>
        tpu.vector_store_idx %arg7[%add3A_257], %get3A_254 : memref<16384xf32, #tpu.memory_space<vmem>>[vector<16xi32>], vector<16xf32>,
        %mul3A_258 = arith.constant 256 : i32
        %mul3A_259 = arith.muli %select_n3A, %mul3A_258 : i32
        %add3A_260 = arith.constant 12288 : i32
        %add3A_261 = arith.addi %add3A_260, %mul3A_259 : i32
        %add3A_262 = arith.constant 128 : i32
        %add3A_263 = arith.addi %add3A_261, %add3A_262 : i32
        %add3A_264 = arith.addi %add3A_263, %mul3A_210 : i32
        %get3A_265 = arith.index_cast %add3A_264 : i32 to index
        %get3A_266 = tpu.vector_load %arg6[%get3A_265] {strides = array<i32>} : memref<16384xf32, #tpu.memory_space<vmem>>, vector<16xf32>,
        %add3A_267 = arith.constant 3 : i32
        %add3A_268 = vector.broadcast %add3A_267 : i32 to vector<16xi32>
        %add3A_269 = arith.addi %add3A_222, %add3A_268 : vector<16xi32>
        tpu.vector_store_idx %arg7[%add3A_269], %get3A_266 : memref<16384xf32, #tpu.memory_space<vmem>>[vector<16xi32>], vector<16xf32>,
        %scan3A_270 = arith.constant 1 : i32
        %scan3A_271 = arith.addi %scan3A_189, %scan3A_270 : i32
        %jit3A_272 = arith.constant 8 : i32
        %div3A_273 = arith.divsi %scan3A_271, %jit3A_272 : i32
        %sign3A_274 = arith.constant 0 : i32
        %sign3A_275 = arith.cmpi sgt, %scan3A_271, %sign3A_274 : i32
        %sign3A_276 = arith.extui %sign3A_275 : i1 to i32
        %sign3A_277 = arith.constant 0 : i32
        %sign3A_278 = arith.cmpi slt, %scan3A_271, %sign3A_277 : i32
        %sign3A_279 = arith.extui %sign3A_278 : i1 to i32
        %sign3A_280 = arith.subi %sign3A_276, %sign3A_279 : i32
        %sign3A_281 = arith.constant 0 : i32
        %sign3A_282 = arith.cmpi sgt, %jit3A_272, %sign3A_281 : i32
        %sign3A_283 = arith.extui %sign3A_282 : i1 to i32
        %sign3A_284 = arith.constant 0 : i32
        %sign3A_285 = arith.cmpi slt, %jit3A_272, %sign3A_284 : i32
        %sign3A_286 = arith.extui %sign3A_285 : i1 to i32
        %sign3A_287 = arith.subi %sign3A_283, %sign3A_286 : i32
        %ne3A_288 = arith.cmpi ne, %sign3A_280, %sign3A_287 : i32
        %rem3A_289 = arith.remsi %scan3A_271, %jit3A_272 : i32
        %ne3A_290 = arith.constant 0 : i32
        %ne3A_291 = arith.cmpi ne, %rem3A_289, %ne3A_290 : i32
        %and3A_292 = arith.andi %ne3A_288, %ne3A_291 : i1
        %sub3A_293 = arith.constant 1 : i32
        %sub3A_294 = arith.subi %div3A_273, %sub3A_293 : i32
        %select_n3A_295 = arith.select %and3A_292, %sub3A_294, %div3A_273 : i32
        %mul3A_296 = arith.constant 8 : i32
        %mul3A_297 = arith.muli %select_n3A_295, %mul3A_296 : i32
        %sub3A_298 = arith.subi %scan3A_271, %mul3A_297 : i32
        %mul3A_299 = arith.constant 16 : i32
        %mul3A_300 = arith.muli %sub3A_298, %mul3A_299 : i32
        %mul3A_301 = arith.constant 128 : i32
        %mul3A_302 = arith.muli %select_n3A_295, %mul3A_301 : i32
        %add3A_303 = arith.addi %mul3A_302, %mul3A_300 : i32
        %mul3A_304 = arith.constant 4 : i32
        %mul3A_305 = arith.muli %add3A_303, %mul3A_304 : i32
        %add3A_306 = arith.constant 8192 : i32
        %add3A_307 = arith.addi %add3A_306, %mul3A_305 : i32
        %mul3A_308 = arith.constant 4 : i32
        %mul3A_309 = vector.broadcast %mul3A_308 : i32 to vector<16xi32>
        %mul3A_310 = arith.muli %iota3A, %mul3A_309 : vector<16xi32>
        %add3A_311 = vector.broadcast %add3A_307 : i32 to vector<16xi32>
        %add3A_312 = arith.addi %add3A_311, %mul3A_310 : vector<16xi32>
        %mul3A_313 = arith.constant 256 : i32
        %mul3A_314 = arith.muli %select_n3A_295, %mul3A_313 : i32
        %add3A_315 = arith.constant 8192 : i32
        %add3A_316 = arith.addi %add3A_315, %mul3A_314 : i32
        %add3A_317 = arith.constant 0 : i32
        %add3A_318 = arith.addi %add3A_316, %add3A_317 : i32
        %add3A_319 = arith.addi %add3A_318, %mul3A_300 : i32
        %get3A_320 = arith.index_cast %add3A_319 : i32 to index
        %get3A_321 = tpu.vector_load %arg6[%get3A_320] {strides = array<i32>} : memref<16384xf32, #tpu.memory_space<vmem>>, vector<16xf32>,
        %add3A_322 = arith.constant 0 : i32
        %add3A_323 = vector.broadcast %add3A_322 : i32 to vector<16xi32>
        %add3A_324 = arith.addi %add3A_312, %add3A_323 : vector<16xi32>
        tpu.vector_store_idx %arg7[%add3A_324], %get3A_321 : memref<16384xf32, #tpu.memory_space<vmem>>[vector<16xi32>], vector<16xf32>,
        %mul3A_325 = arith.constant 256 : i32
        %mul3A_326 = arith.muli %select_n3A_295, %mul3A_325 : i32
        %add3A_327 = arith.constant 8192 : i32
        %add3A_328 = arith.addi %add3A_327, %mul3A_326 : i32
        %add3A_329 = arith.constant 128 : i32
        %add3A_330 = arith.addi %add3A_328, %add3A_329 : i32
        %add3A_331 = arith.addi %add3A_330, %mul3A_300 : i32
        %get3A_332 = arith.index_cast %add3A_331 : i32 to index
        %get3A_333 = tpu.vector_load %arg6[%get3A_332] {strides = array<i32>} : memref<16384xf32, #tpu.memory_space<vmem>>, vector<16xf32>,
        %add3A_334 = arith.constant 1 : i32
        %add3A_335 = vector.broadcast %add3A_334 : i32 to vector<16xi32>
        %add3A_336 = arith.addi %add3A_312, %add3A_335 : vector<16xi32>
        tpu.vector_store_idx %arg7[%add3A_336], %get3A_333 : memref<16384xf32, #tpu.memory_space<vmem>>[vector<16xi32>], vector<16xf32>,
        %mul3A_337 = arith.constant 256 : i32
        %mul3A_338 = arith.muli %select_n3A_295, %mul3A_337 : i32
        %add3A_339 = arith.constant 12288 : i32
        %add3A_340 = arith.addi %add3A_339, %mul3A_338 : i32
        %add3A_341 = arith.constant 0 : i32
        %add3A_342 = arith.addi %add3A_340, %add3A_341 : i32
        %add3A_343 = arith.addi %add3A_342, %mul3A_300 : i32
        %get3A_344 = arith.index_cast %add3A_343 : i32 to index
        %get3A_345 = tpu.vector_load %arg6[%get3A_344] {strides = array<i32>} : memref<16384xf32, #tpu.memory_space<vmem>>, vector<16xf32>,
        %add3A_346 = arith.constant 2 : i32
        %add3A_347 = vector.broadcast %add3A_346 : i32 to vector<16xi32>
        %add3A_348 = arith.addi %add3A_312, %add3A_347 : vector<16xi32>
        tpu.vector_store_idx %arg7[%add3A_348], %get3A_345 : memref<16384xf32, #tpu.memory_space<vmem>>[vector<16xi32>], vector<16xf32>,
        %mul3A_349 = arith.constant 256 : i32
        %mul3A_350 = arith.muli %select_n3A_295, %mul3A_349 : i32
        %add3A_351 = arith.constant 12288 : i32
        %add3A_352 = arith.addi %add3A_351, %mul3A_350 : i32
        %add3A_353 = arith.constant 128 : i32
        %add3A_354 = arith.addi %add3A_352, %add3A_353 : i32
        %add3A_355 = arith.addi %add3A_354, %mul3A_300 : i32
        %get3A_356 = arith.index_cast %add3A_355 : i32 to index
        %get3A_357 = tpu.vector_load %arg6[%get3A_356] {strides = array<i32>} : memref<16384xf32, #tpu.memory_space<vmem>>, vector<16xf32>,
        %add3A_358 = arith.constant 3 : i32
        %add3A_359 = vector.broadcast %add3A_358 : i32 to vector<16xi32>
        %add3A_360 = arith.addi %add3A_312, %add3A_359 : vector<16xi32>
        tpu.vector_store_idx %arg7[%add3A_360], %get3A_357 : memref<16384xf32, #tpu.memory_space<vmem>>[vector<16xi32>], vector<16xf32>,
      }
      %scan3A_175 = arith.constant 128 : i32
      %mul3A_176 = arith.constant 512 : i32
      %mul3A_177 = arith.muli %add3A, %mul3A_176 : i32
      %mul3A_178 = arith.constant 16 : i32
      %mul3A_179 = arith.muli %add3A_169, %mul3A_178 : i32
      %add3A_180 = arith.addi %mul3A_177, %mul3A_179 : i32
      %mul3A_181 = arith.constant 512 : i32
      %mul3A_182 = arith.muli %add3A_180, %mul3A_181 : i32
      %dma_start3A_183 = arith.constant 8192 : i32
      %dma_start3A_184 = tpu.memref_slice %arg7[%dma_start3A_183] : memref<16384xf32, #tpu.memory_space<vmem>> -> memref<8192xf32, #tpu.memory_space<vmem>>
      %dma_start3A_185 = tpu.memref_slice %arg5[%mul3A_182] : memref<8388608xf32, #tpu.memory_space<hbm>> -> memref<8192xf32, #tpu.memory_space<hbm>>
      %dma_start3A_186 = tpu.memref_slice %arg5[%mul3A_182] : memref<8388608xf32, #tpu.memory_space<hbm>> -> memref<8192xf32, #tpu.memory_space<hbm>>
      %dma_start3A_187 = arith.constant 8192 : i32
      %dma_start3A_188 = tpu.memref_slice %arg7[%dma_start3A_187] : memref<16384xf32, #tpu.memory_space<vmem>> -> memref<8192xf32, #tpu.memory_space<vmem>>
      tpu.enqueue_dma source(%dma_start3A_188 : memref<8192xf32, #tpu.memory_space<vmem>>) target(%dma_start3A_186 : memref<8192xf32, #tpu.memory_space<hbm>>) target_semaphore(%arg11 : memref<!tpu.dma_semaphore, #tpu.memory_space<semaphore_mem>>)
    }
    %scan3A_73 = arith.constant 16 : i32
    %dma_wait3A_74 = arith.constant 0 : i32
    %dma_wait3A_75 = tpu.memref_slice %arg7[%dma_wait3A_74] : memref<16384xf32, #tpu.memory_space<vmem>> -> memref<8192xf32, #tpu.memory_space<vmem>>
    %dma_wait3A_76 = arith.constant 0 : i32
    %dma_wait3A_77 = tpu.memref_slice %arg3[%dma_wait3A_76] : memref<8388608xf32, #tpu.memory_space<hbm>> -> memref<8192xf32, #tpu.memory_space<hbm>>
    %dma_wait3A_78 = arith.constant 0 : i32
    %dma_wait3A_79 = tpu.memref_slice %arg7[%dma_wait3A_78] : memref<16384xf32, #tpu.memory_space<vmem>> -> memref<8192xf32, #tpu.memory_space<vmem>>
    %dma_wait3A_80 = arith.constant 0 : i32
    %dma_wait3A_81 = tpu.memref_slice %arg3[%dma_wait3A_80] : memref<8388608xf32, #tpu.memory_space<hbm>> -> memref<8192xf32, #tpu.memory_space<hbm>>
    tpu.wait_dma2 semaphore(%arg10 : memref<!tpu.dma_semaphore, #tpu.memory_space<semaphore_mem>>) src(%dma_wait3A_81 : memref<8192xf32, #tpu.memory_space<hbm>>) dst(%dma_wait3A_79 : memref<8192xf32, #tpu.memory_space<vmem>>)
    %dma_wait3A_82 = arith.constant 8192 : i32
    %dma_wait3A_83 = tpu.memref_slice %arg7[%dma_wait3A_82] : memref<16384xf32, #tpu.memory_space<vmem>> -> memref<8192xf32, #tpu.memory_space<vmem>>
    %dma_wait3A_84 = arith.constant 0 : i32
    %dma_wait3A_85 = tpu.memref_slice %arg3[%dma_wait3A_84] : memref<8388608xf32, #tpu.memory_space<hbm>> -> memref<8192xf32, #tpu.memory_space<hbm>>
    %dma_wait3A_86 = arith.constant 8192 : i32
    %dma_wait3A_87 = tpu.memref_slice %arg7[%dma_wait3A_86] : memref<16384xf32, #tpu.memory_space<vmem>> -> memref<8192xf32, #tpu.memory_space<vmem>>
    %dma_wait3A_88 = arith.constant 0 : i32
    %dma_wait3A_89 = tpu.memref_slice %arg3[%dma_wait3A_88] : memref<8388608xf32, #tpu.memory_space<hbm>> -> memref<8192xf32, #tpu.memory_space<hbm>>
    tpu.wait_dma2 semaphore(%arg11 : memref<!tpu.dma_semaphore, #tpu.memory_space<semaphore_mem>>) src(%dma_wait3A_89 : memref<8192xf32, #tpu.memory_space<hbm>>) dst(%dma_wait3A_87 : memref<8192xf32, #tpu.memory_space<vmem>>)
    return
  }
}

#map = affine_map<(d0, d1) -> (0)>
#map1 = affine_map<(d0, d1) -> (0, 0)>
module attributes {stable_mosaic.version = 14 : i64} {
  func.func @_hllut_sc(%arg0: i32, %arg1: i32, %arg2: memref<3145728xi32, #tpu.memory_space<hbm>>, %arg3: memref<1048576x8xf32, #tpu.memory_space<hbm>>, %arg4: memref<1048576x8xf32, #tpu.memory_space<hbm>>, %arg5: memref<12582912xf32, #tpu.memory_space<hbm>>, %arg6: memref<5120xi32, #tpu.memory_space<vmem>>, %arg7: memref<2048xi32, #tpu.memory_space<vmem>>, %arg8: memref<2048xi32, #tpu.memory_space<vmem>>, %arg9: memref<2048xi32, #tpu.memory_space<vmem>>, %arg10: memref<2048xi32, #tpu.memory_space<vmem>>, %arg11: memref<8192xi32, #tpu.memory_space<vmem>>, %arg12: memref<4096x8xf32, #tpu.memory_space<vmem>>, %arg13: memref<4096x8xf32, #tpu.memory_space<vmem>>, %arg14: memref<4096xf32, #tpu.memory_space<vmem>>, %arg15: memref<!tpu.dma_semaphore, #tpu.memory_space<semaphore_mem>>, %arg16: memref<!tpu.dma_semaphore, #tpu.memory_space<semaphore_mem>>, %arg17: memref<!tpu.dma_semaphore, #tpu.memory_space<semaphore_mem>>, %arg18: memref<!tpu.dma_semaphore, #tpu.memory_space<semaphore_mem>>, %arg19: memref<!tpu.dma_semaphore, #tpu.memory_space<semaphore_mem>>, %arg20: memref<!tpu.dma_semaphore, #tpu.memory_space<semaphore_mem>>) attributes {dimension_semantics = [#tpu.dimension_semantics<core_parallel>, #tpu.dimension_semantics<subcore_parallel>], iteration_bounds = array<i64: 2, 16>, scalar_prefetch = 0 : i64, scratch_operands = 15 : i64, tpu.core_type = #tpu.core_type<sc_vector_subcore>, window_params = [{transform_indices = #map}, {transform_indices = #map1}, {transform_indices = #map1}, {transform_indices = #map}]} {
    %mul3A = arith.constant 2 : i32
    %mul3A_0 = arith.muli %arg1, %mul3A : i32
    %add3A = arith.addi %mul3A_0, %arg0 : i32
    %iota3A = tpu.iota {dimensions = array<i32: 0>} : vector<16xi32>
    %mul3A_1 = arith.constant 192 : i32
    %mul3A_2 = arith.muli %add3A, %mul3A_1 : i32
    %add3A_3 = arith.constant 0 : i32
    %add3A_4 = arith.addi %mul3A_2, %add3A_3 : i32
    %jit3A = arith.constant 512 : i32
    %div3A = arith.divsi %add3A_4, %jit3A : i32
    %sign3A = arith.constant 0 : i32
    %sign3A_5 = arith.cmpi sgt, %add3A_4, %sign3A : i32
    %sign3A_6 = arith.extui %sign3A_5 : i1 to i32
    %sign3A_7 = arith.constant 0 : i32
    %sign3A_8 = arith.cmpi slt, %add3A_4, %sign3A_7 : i32
    %sign3A_9 = arith.extui %sign3A_8 : i1 to i32
    %sign3A_10 = arith.subi %sign3A_6, %sign3A_9 : i32
    %sign3A_11 = arith.constant 0 : i32
    %sign3A_12 = arith.cmpi sgt, %jit3A, %sign3A_11 : i32
    %sign3A_13 = arith.extui %sign3A_12 : i1 to i32
    %sign3A_14 = arith.constant 0 : i32
    %sign3A_15 = arith.cmpi slt, %jit3A, %sign3A_14 : i32
    %sign3A_16 = arith.extui %sign3A_15 : i1 to i32
    %sign3A_17 = arith.subi %sign3A_13, %sign3A_16 : i32
    %ne3A = arith.cmpi ne, %sign3A_10, %sign3A_17 : i32
    %rem3A = arith.remsi %add3A_4, %jit3A : i32
    %ne3A_18 = arith.constant 0 : i32
    %ne3A_19 = arith.cmpi ne, %rem3A, %ne3A_18 : i32
    %and3A = arith.andi %ne3A, %ne3A_19 : i1
    %sub3A = arith.constant 1 : i32
    %sub3A_20 = arith.subi %div3A, %sub3A : i32
    %select_n3A = arith.select %and3A, %sub3A_20, %div3A : i32
    %mul3A_21 = arith.constant 512 : i32
    %mul3A_22 = arith.muli %select_n3A, %mul3A_21 : i32
    %sub3A_23 = arith.subi %add3A_4, %mul3A_22 : i32
    %mul3A_24 = arith.constant 512 : i32
    %mul3A_25 = arith.muli %select_n3A, %mul3A_24 : i32
    %add3A_26 = arith.constant -2 : i32
    %add3A_27 = arith.addi %sub3A_23, %add3A_26 : i32
    %jit3A_28 = arith.constant 0 : i32
    %jit3A_29 = arith.constant 511 : i32
    %max3A = arith.maxsi %jit3A_28, %add3A_27 : i32
    %min3A = arith.minsi %jit3A_29, %max3A : i32
    %add3A_30 = arith.addi %mul3A_25, %min3A : i32
    %mul3A_31 = arith.constant 512 : i32
    %mul3A_32 = arith.muli %add3A_30, %mul3A_31 : i32
    %dma_start3A = arith.constant 0 : i32
    %dma_start3A_33 = tpu.memref_slice %arg6[%dma_start3A] : memref<5120xi32, #tpu.memory_space<vmem>> -> memref<512xi32, #tpu.memory_space<vmem>>
    %dma_start3A_34 = tpu.memref_slice %arg2[%mul3A_32] : memref<3145728xi32, #tpu.memory_space<hbm>> -> memref<512xi32, #tpu.memory_space<hbm>>
    %dma_start3A_35 = arith.constant 0 : i32
    %dma_start3A_36 = tpu.memref_slice %arg6[%dma_start3A_35] : memref<5120xi32, #tpu.memory_space<vmem>> -> memref<512xi32, #tpu.memory_space<vmem>>
    %dma_start3A_37 = tpu.memref_slice %arg2[%mul3A_32] : memref<3145728xi32, #tpu.memory_space<hbm>> -> memref<512xi32, #tpu.memory_space<hbm>>
    tpu.enqueue_dma source(%dma_start3A_37 : memref<512xi32, #tpu.memory_space<hbm>>) target(%dma_start3A_36 : memref<512xi32, #tpu.memory_space<vmem>>) target_semaphore(%arg15 : memref<!tpu.dma_semaphore, #tpu.memory_space<semaphore_mem>>)
    %add3A_38 = arith.constant -1 : i32
    %add3A_39 = arith.addi %sub3A_23, %add3A_38 : i32
    %jit3A_40 = arith.constant 0 : i32
    %jit3A_41 = arith.constant 511 : i32
    %max3A_42 = arith.maxsi %jit3A_40, %add3A_39 : i32
    %min3A_43 = arith.minsi %jit3A_41, %max3A_42 : i32
    %add3A_44 = arith.addi %mul3A_25, %min3A_43 : i32
    %mul3A_45 = arith.constant 512 : i32
    %mul3A_46 = arith.muli %add3A_44, %mul3A_45 : i32
    %dma_start3A_47 = arith.constant 512 : i32
    %dma_start3A_48 = tpu.memref_slice %arg6[%dma_start3A_47] : memref<5120xi32, #tpu.memory_space<vmem>> -> memref<512xi32, #tpu.memory_space<vmem>>
    %dma_start3A_49 = tpu.memref_slice %arg2[%mul3A_46] : memref<3145728xi32, #tpu.memory_space<hbm>> -> memref<512xi32, #tpu.memory_space<hbm>>
    %dma_start3A_50 = arith.constant 512 : i32
    %dma_start3A_51 = tpu.memref_slice %arg6[%dma_start3A_50] : memref<5120xi32, #tpu.memory_space<vmem>> -> memref<512xi32, #tpu.memory_space<vmem>>
    %dma_start3A_52 = tpu.memref_slice %arg2[%mul3A_46] : memref<3145728xi32, #tpu.memory_space<hbm>> -> memref<512xi32, #tpu.memory_space<hbm>>
    tpu.enqueue_dma source(%dma_start3A_52 : memref<512xi32, #tpu.memory_space<hbm>>) target(%dma_start3A_51 : memref<512xi32, #tpu.memory_space<vmem>>) target_semaphore(%arg15 : memref<!tpu.dma_semaphore, #tpu.memory_space<semaphore_mem>>)
    %add3A_53 = arith.constant 0 : i32
    %add3A_54 = arith.addi %sub3A_23, %add3A_53 : i32
    %jit3A_55 = arith.constant 0 : i32
    %jit3A_56 = arith.constant 511 : i32
    %max3A_57 = arith.maxsi %jit3A_55, %add3A_54 : i32
    %min3A_58 = arith.minsi %jit3A_56, %max3A_57 : i32
    %add3A_59 = arith.addi %mul3A_25, %min3A_58 : i32
    %mul3A_60 = arith.constant 512 : i32
    %mul3A_61 = arith.muli %add3A_59, %mul3A_60 : i32
    %dma_start3A_62 = arith.constant 1024 : i32
    %dma_start3A_63 = tpu.memref_slice %arg6[%dma_start3A_62] : memref<5120xi32, #tpu.memory_space<vmem>> -> memref<512xi32, #tpu.memory_space<vmem>>
    %dma_start3A_64 = tpu.memref_slice %arg2[%mul3A_61] : memref<3145728xi32, #tpu.memory_space<hbm>> -> memref<512xi32, #tpu.memory_space<hbm>>
    %dma_start3A_65 = arith.constant 1024 : i32
    %dma_start3A_66 = tpu.memref_slice %arg6[%dma_start3A_65] : memref<5120xi32, #tpu.memory_space<vmem>> -> memref<512xi32, #tpu.memory_space<vmem>>
    %dma_start3A_67 = tpu.memref_slice %arg2[%mul3A_61] : memref<3145728xi32, #tpu.memory_space<hbm>> -> memref<512xi32, #tpu.memory_space<hbm>>
    tpu.enqueue_dma source(%dma_start3A_67 : memref<512xi32, #tpu.memory_space<hbm>>) target(%dma_start3A_66 : memref<512xi32, #tpu.memory_space<vmem>>) target_semaphore(%arg15 : memref<!tpu.dma_semaphore, #tpu.memory_space<semaphore_mem>>)
    %add3A_68 = arith.constant 1 : i32
    %add3A_69 = arith.addi %sub3A_23, %add3A_68 : i32
    %jit3A_70 = arith.constant 0 : i32
    %jit3A_71 = arith.constant 511 : i32
    %max3A_72 = arith.maxsi %jit3A_70, %add3A_69 : i32
    %min3A_73 = arith.minsi %jit3A_71, %max3A_72 : i32
    %add3A_74 = arith.addi %mul3A_25, %min3A_73 : i32
    %mul3A_75 = arith.constant 512 : i32
    %mul3A_76 = arith.muli %add3A_74, %mul3A_75 : i32
    %dma_start3A_77 = arith.constant 1536 : i32
    %dma_start3A_78 = tpu.memref_slice %arg6[%dma_start3A_77] : memref<5120xi32, #tpu.memory_space<vmem>> -> memref<512xi32, #tpu.memory_space<vmem>>
    %dma_start3A_79 = tpu.memref_slice %arg2[%mul3A_76] : memref<3145728xi32, #tpu.memory_space<hbm>> -> memref<512xi32, #tpu.memory_space<hbm>>
    %dma_start3A_80 = arith.constant 1536 : i32
    %dma_start3A_81 = tpu.memref_slice %arg6[%dma_start3A_80] : memref<5120xi32, #tpu.memory_space<vmem>> -> memref<512xi32, #tpu.memory_space<vmem>>
    %dma_start3A_82 = tpu.memref_slice %arg2[%mul3A_76] : memref<3145728xi32, #tpu.memory_space<hbm>> -> memref<512xi32, #tpu.memory_space<hbm>>
    tpu.enqueue_dma source(%dma_start3A_82 : memref<512xi32, #tpu.memory_space<hbm>>) target(%dma_start3A_81 : memref<512xi32, #tpu.memory_space<vmem>>) target_semaphore(%arg15 : memref<!tpu.dma_semaphore, #tpu.memory_space<semaphore_mem>>)
    %add3A_83 = arith.constant 2 : i32
    %add3A_84 = arith.addi %sub3A_23, %add3A_83 : i32
    %jit3A_85 = arith.constant 0 : i32
    %jit3A_86 = arith.constant 511 : i32
    %max3A_87 = arith.maxsi %jit3A_85, %add3A_84 : i32
    %min3A_88 = arith.minsi %jit3A_86, %max3A_87 : i32
    %add3A_89 = arith.addi %mul3A_25, %min3A_88 : i32
    %mul3A_90 = arith.constant 512 : i32
    %mul3A_91 = arith.muli %add3A_89, %mul3A_90 : i32
    %dma_start3A_92 = arith.constant 2048 : i32
    %dma_start3A_93 = tpu.memref_slice %arg6[%dma_start3A_92] : memref<5120xi32, #tpu.memory_space<vmem>> -> memref<512xi32, #tpu.memory_space<vmem>>
    %dma_start3A_94 = tpu.memref_slice %arg2[%mul3A_91] : memref<3145728xi32, #tpu.memory_space<hbm>> -> memref<512xi32, #tpu.memory_space<hbm>>
    %dma_start3A_95 = arith.constant 2048 : i32
    %dma_start3A_96 = tpu.memref_slice %arg6[%dma_start3A_95] : memref<5120xi32, #tpu.memory_space<vmem>> -> memref<512xi32, #tpu.memory_space<vmem>>
    %dma_start3A_97 = tpu.memref_slice %arg2[%mul3A_91] : memref<3145728xi32, #tpu.memory_space<hbm>> -> memref<512xi32, #tpu.memory_space<hbm>>
    tpu.enqueue_dma source(%dma_start3A_97 : memref<512xi32, #tpu.memory_space<hbm>>) target(%dma_start3A_96 : memref<512xi32, #tpu.memory_space<vmem>>) target_semaphore(%arg15 : memref<!tpu.dma_semaphore, #tpu.memory_space<semaphore_mem>>)
    %mul3A_98 = arith.constant 192 : i32
    %mul3A_99 = arith.muli %add3A, %mul3A_98 : i32
    %add3A_100 = arith.constant 1 : i32
    %add3A_101 = arith.addi %mul3A_99, %add3A_100 : i32
    %jit3A_102 = arith.constant 512 : i32
    %div3A_103 = arith.divsi %add3A_101, %jit3A_102 : i32
    %sign3A_104 = arith.constant 0 : i32
    %sign3A_105 = arith.cmpi sgt, %add3A_101, %sign3A_104 : i32
    %sign3A_106 = arith.extui %sign3A_105 : i1 to i32
    %sign3A_107 = arith.constant 0 : i32
    %sign3A_108 = arith.cmpi slt, %add3A_101, %sign3A_107 : i32
    %sign3A_109 = arith.extui %sign3A_108 : i1 to i32
    %sign3A_110 = arith.subi %sign3A_106, %sign3A_109 : i32
    %sign3A_111 = arith.constant 0 : i32
    %sign3A_112 = arith.cmpi sgt, %jit3A_102, %sign3A_111 : i32
    %sign3A_113 = arith.extui %sign3A_112 : i1 to i32
    %sign3A_114 = arith.constant 0 : i32
    %sign3A_115 = arith.cmpi slt, %jit3A_102, %sign3A_114 : i32
    %sign3A_116 = arith.extui %sign3A_115 : i1 to i32
    %sign3A_117 = arith.subi %sign3A_113, %sign3A_116 : i32
    %ne3A_118 = arith.cmpi ne, %sign3A_110, %sign3A_117 : i32
    %rem3A_119 = arith.remsi %add3A_101, %jit3A_102 : i32
    %ne3A_120 = arith.constant 0 : i32
    %ne3A_121 = arith.cmpi ne, %rem3A_119, %ne3A_120 : i32
    %and3A_122 = arith.andi %ne3A_118, %ne3A_121 : i1
    %sub3A_123 = arith.constant 1 : i32
    %sub3A_124 = arith.subi %div3A_103, %sub3A_123 : i32
    %select_n3A_125 = arith.select %and3A_122, %sub3A_124, %div3A_103 : i32
    %mul3A_126 = arith.constant 512 : i32
    %mul3A_127 = arith.muli %select_n3A_125, %mul3A_126 : i32
    %sub3A_128 = arith.subi %add3A_101, %mul3A_127 : i32
    %mul3A_129 = arith.constant 512 : i32
    %mul3A_130 = arith.muli %select_n3A_125, %mul3A_129 : i32
    %add3A_131 = arith.constant -2 : i32
    %add3A_132 = arith.addi %sub3A_128, %add3A_131 : i32
    %jit3A_133 = arith.constant 0 : i32
    %jit3A_134 = arith.constant 511 : i32
    %max3A_135 = arith.maxsi %jit3A_133, %add3A_132 : i32
    %min3A_136 = arith.minsi %jit3A_134, %max3A_135 : i32
    %add3A_137 = arith.addi %mul3A_130, %min3A_136 : i32
    %mul3A_138 = arith.constant 512 : i32
    %mul3A_139 = arith.muli %add3A_137, %mul3A_138 : i32
    %dma_start3A_140 = arith.constant 2560 : i32
    %dma_start3A_141 = tpu.memref_slice %arg6[%dma_start3A_140] : memref<5120xi32, #tpu.memory_space<vmem>> -> memref<512xi32, #tpu.memory_space<vmem>>
    %dma_start3A_142 = tpu.memref_slice %arg2[%mul3A_139] : memref<3145728xi32, #tpu.memory_space<hbm>> -> memref<512xi32, #tpu.memory_space<hbm>>
    %dma_start3A_143 = arith.constant 2560 : i32
    %dma_start3A_144 = tpu.memref_slice %arg6[%dma_start3A_143] : memref<5120xi32, #tpu.memory_space<vmem>> -> memref<512xi32, #tpu.memory_space<vmem>>
    %dma_start3A_145 = tpu.memref_slice %arg2[%mul3A_139] : memref<3145728xi32, #tpu.memory_space<hbm>> -> memref<512xi32, #tpu.memory_space<hbm>>
    tpu.enqueue_dma source(%dma_start3A_145 : memref<512xi32, #tpu.memory_space<hbm>>) target(%dma_start3A_144 : memref<512xi32, #tpu.memory_space<vmem>>) target_semaphore(%arg16 : memref<!tpu.dma_semaphore, #tpu.memory_space<semaphore_mem>>)
    %add3A_146 = arith.constant -1 : i32
    %add3A_147 = arith.addi %sub3A_128, %add3A_146 : i32
    %jit3A_148 = arith.constant 0 : i32
    %jit3A_149 = arith.constant 511 : i32
    %max3A_150 = arith.maxsi %jit3A_148, %add3A_147 : i32
    %min3A_151 = arith.minsi %jit3A_149, %max3A_150 : i32
    %add3A_152 = arith.addi %mul3A_130, %min3A_151 : i32
    %mul3A_153 = arith.constant 512 : i32
    %mul3A_154 = arith.muli %add3A_152, %mul3A_153 : i32
    %dma_start3A_155 = arith.constant 3072 : i32
    %dma_start3A_156 = tpu.memref_slice %arg6[%dma_start3A_155] : memref<5120xi32, #tpu.memory_space<vmem>> -> memref<512xi32, #tpu.memory_space<vmem>>
    %dma_start3A_157 = tpu.memref_slice %arg2[%mul3A_154] : memref<3145728xi32, #tpu.memory_space<hbm>> -> memref<512xi32, #tpu.memory_space<hbm>>
    %dma_start3A_158 = arith.constant 3072 : i32
    %dma_start3A_159 = tpu.memref_slice %arg6[%dma_start3A_158] : memref<5120xi32, #tpu.memory_space<vmem>> -> memref<512xi32, #tpu.memory_space<vmem>>
    %dma_start3A_160 = tpu.memref_slice %arg2[%mul3A_154] : memref<3145728xi32, #tpu.memory_space<hbm>> -> memref<512xi32, #tpu.memory_space<hbm>>
    tpu.enqueue_dma source(%dma_start3A_160 : memref<512xi32, #tpu.memory_space<hbm>>) target(%dma_start3A_159 : memref<512xi32, #tpu.memory_space<vmem>>) target_semaphore(%arg16 : memref<!tpu.dma_semaphore, #tpu.memory_space<semaphore_mem>>)
    %add3A_161 = arith.constant 0 : i32
    %add3A_162 = arith.addi %sub3A_128, %add3A_161 : i32
    %jit3A_163 = arith.constant 0 : i32
    %jit3A_164 = arith.constant 511 : i32
    %max3A_165 = arith.maxsi %jit3A_163, %add3A_162 : i32
    %min3A_166 = arith.minsi %jit3A_164, %max3A_165 : i32
    %add3A_167 = arith.addi %mul3A_130, %min3A_166 : i32
    %mul3A_168 = arith.constant 512 : i32
    %mul3A_169 = arith.muli %add3A_167, %mul3A_168 : i32
    %dma_start3A_170 = arith.constant 3584 : i32
    %dma_start3A_171 = tpu.memref_slice %arg6[%dma_start3A_170] : memref<5120xi32, #tpu.memory_space<vmem>> -> memref<512xi32, #tpu.memory_space<vmem>>
    %dma_start3A_172 = tpu.memref_slice %arg2[%mul3A_169] : memref<3145728xi32, #tpu.memory_space<hbm>> -> memref<512xi32, #tpu.memory_space<hbm>>
    %dma_start3A_173 = arith.constant 3584 : i32
    %dma_start3A_174 = tpu.memref_slice %arg6[%dma_start3A_173] : memref<5120xi32, #tpu.memory_space<vmem>> -> memref<512xi32, #tpu.memory_space<vmem>>
    %dma_start3A_175 = tpu.memref_slice %arg2[%mul3A_169] : memref<3145728xi32, #tpu.memory_space<hbm>> -> memref<512xi32, #tpu.memory_space<hbm>>
    tpu.enqueue_dma source(%dma_start3A_175 : memref<512xi32, #tpu.memory_space<hbm>>) target(%dma_start3A_174 : memref<512xi32, #tpu.memory_space<vmem>>) target_semaphore(%arg16 : memref<!tpu.dma_semaphore, #tpu.memory_space<semaphore_mem>>)
    %add3A_176 = arith.constant 1 : i32
    %add3A_177 = arith.addi %sub3A_128, %add3A_176 : i32
    %jit3A_178 = arith.constant 0 : i32
    %jit3A_179 = arith.constant 511 : i32
    %max3A_180 = arith.maxsi %jit3A_178, %add3A_177 : i32
    %min3A_181 = arith.minsi %jit3A_179, %max3A_180 : i32
    %add3A_182 = arith.addi %mul3A_130, %min3A_181 : i32
    %mul3A_183 = arith.constant 512 : i32
    %mul3A_184 = arith.muli %add3A_182, %mul3A_183 : i32
    %dma_start3A_185 = arith.constant 4096 : i32
    %dma_start3A_186 = tpu.memref_slice %arg6[%dma_start3A_185] : memref<5120xi32, #tpu.memory_space<vmem>> -> memref<512xi32, #tpu.memory_space<vmem>>
    %dma_start3A_187 = tpu.memref_slice %arg2[%mul3A_184] : memref<3145728xi32, #tpu.memory_space<hbm>> -> memref<512xi32, #tpu.memory_space<hbm>>
    %dma_start3A_188 = arith.constant 4096 : i32
    %dma_start3A_189 = tpu.memref_slice %arg6[%dma_start3A_188] : memref<5120xi32, #tpu.memory_space<vmem>> -> memref<512xi32, #tpu.memory_space<vmem>>
    %dma_start3A_190 = tpu.memref_slice %arg2[%mul3A_184] : memref<3145728xi32, #tpu.memory_space<hbm>> -> memref<512xi32, #tpu.memory_space<hbm>>
    tpu.enqueue_dma source(%dma_start3A_190 : memref<512xi32, #tpu.memory_space<hbm>>) target(%dma_start3A_189 : memref<512xi32, #tpu.memory_space<vmem>>) target_semaphore(%arg16 : memref<!tpu.dma_semaphore, #tpu.memory_space<semaphore_mem>>)
    %add3A_191 = arith.constant 2 : i32
    %add3A_192 = arith.addi %sub3A_128, %add3A_191 : i32
    %jit3A_193 = arith.constant 0 : i32
    %jit3A_194 = arith.constant 511 : i32
    %max3A_195 = arith.maxsi %jit3A_193, %add3A_192 : i32
    %min3A_196 = arith.minsi %jit3A_194, %max3A_195 : i32
    %add3A_197 = arith.addi %mul3A_130, %min3A_196 : i32
    %mul3A_198 = arith.constant 512 : i32
    %mul3A_199 = arith.muli %add3A_197, %mul3A_198 : i32
    %dma_start3A_200 = arith.constant 4608 : i32
    %dma_start3A_201 = tpu.memref_slice %arg6[%dma_start3A_200] : memref<5120xi32, #tpu.memory_space<vmem>> -> memref<512xi32, #tpu.memory_space<vmem>>
    %dma_start3A_202 = tpu.memref_slice %arg2[%mul3A_199] : memref<3145728xi32, #tpu.memory_space<hbm>> -> memref<512xi32, #tpu.memory_space<hbm>>
    %dma_start3A_203 = arith.constant 4608 : i32
    %dma_start3A_204 = tpu.memref_slice %arg6[%dma_start3A_203] : memref<5120xi32, #tpu.memory_space<vmem>> -> memref<512xi32, #tpu.memory_space<vmem>>
    %dma_start3A_205 = tpu.memref_slice %arg2[%mul3A_199] : memref<3145728xi32, #tpu.memory_space<hbm>> -> memref<512xi32, #tpu.memory_space<hbm>>
    tpu.enqueue_dma source(%dma_start3A_205 : memref<512xi32, #tpu.memory_space<hbm>>) target(%dma_start3A_204 : memref<512xi32, #tpu.memory_space<vmem>>) target_semaphore(%arg16 : memref<!tpu.dma_semaphore, #tpu.memory_space<semaphore_mem>>)
    %dma_wait3A = arith.constant 0 : i32
    %dma_wait3A_206 = tpu.memref_slice %arg6[%dma_wait3A] : memref<5120xi32, #tpu.memory_space<vmem>> -> memref<2560xi32, #tpu.memory_space<vmem>>
    %dma_wait3A_207 = arith.constant 0 : i32
    %dma_wait3A_208 = tpu.memref_slice %arg2[%dma_wait3A_207] : memref<3145728xi32, #tpu.memory_space<hbm>> -> memref<2560xi32, #tpu.memory_space<hbm>>
    %dma_wait3A_209 = arith.constant 0 : i32
    %dma_wait3A_210 = tpu.memref_slice %arg6[%dma_wait3A_209] : memref<5120xi32, #tpu.memory_space<vmem>> -> memref<2560xi32, #tpu.memory_space<vmem>>
    %dma_wait3A_211 = arith.constant 0 : i32
    %dma_wait3A_212 = tpu.memref_slice %arg2[%dma_wait3A_211] : memref<3145728xi32, #tpu.memory_space<hbm>> -> memref<2560xi32, #tpu.memory_space<hbm>>
    tpu.wait_dma2 semaphore(%arg15 : memref<!tpu.dma_semaphore, #tpu.memory_space<semaphore_mem>>) src(%dma_wait3A_212 : memref<2560xi32, #tpu.memory_space<hbm>>) dst(%dma_wait3A_210 : memref<2560xi32, #tpu.memory_space<vmem>>)
    %scan3A = arith.constant 0 : i32
    %scan3A_213 = arith.constant 0 : i32
    %scan3A_214 = arith.constant 32 : i32
    %scan3A_215 = arith.addi %scan3A_213, %scan3A_214 : i32
    %scan3A_216 = arith.constant 2 : i32
    scf.for %scan3A_252 = %scan3A_213 to %scan3A_215 step %scan3A_216  : i32 {
      %mul3A_253 = arith.constant 16 : i32
      %mul3A_254 = arith.muli %scan3A_252, %mul3A_253 : i32
      %add3A_255 = vector.broadcast %mul3A_254 : i32 to vector<16xi32>
      %add3A_256 = arith.addi %add3A_255, %iota3A : vector<16xi32>
      %add3A_257 = arith.constant 1 : i32
      %add3A_258 = vector.broadcast %add3A_257 : i32 to vector<16xi32>
      %add3A_259 = arith.addi %add3A_256, %add3A_258 : vector<16xi32>
      %min3A_260 = arith.constant 511 : i32
      %min3A_261 = vector.broadcast %min3A_260 : i32 to vector<16xi32>
      %min3A_262 = arith.minsi %add3A_259, %min3A_261 : vector<16xi32>
      %add3A_263 = arith.constant 2 : i32
      %add3A_264 = vector.broadcast %add3A_263 : i32 to vector<16xi32>
      %add3A_265 = arith.addi %add3A_256, %add3A_264 : vector<16xi32>
      %min3A_266 = arith.constant 511 : i32
      %min3A_267 = vector.broadcast %min3A_266 : i32 to vector<16xi32>
      %min3A_268 = arith.minsi %add3A_265, %min3A_267 : vector<16xi32>
      %sub3A_269 = arith.constant 1 : i32
      %sub3A_270 = vector.broadcast %sub3A_269 : i32 to vector<16xi32>
      %sub3A_271 = arith.subi %add3A_256, %sub3A_270 : vector<16xi32>
      %max3A_272 = arith.constant 0 : i32
      %max3A_273 = vector.broadcast %max3A_272 : i32 to vector<16xi32>
      %max3A_274 = arith.maxsi %sub3A_271, %max3A_273 : vector<16xi32>
      %sub3A_275 = arith.constant 2 : i32
      %sub3A_276 = vector.broadcast %sub3A_275 : i32 to vector<16xi32>
      %sub3A_277 = arith.subi %add3A_256, %sub3A_276 : vector<16xi32>
      %max3A_278 = arith.constant 0 : i32
      %max3A_279 = vector.broadcast %max3A_278 : i32 to vector<16xi32>
      %max3A_280 = arith.maxsi %sub3A_277, %max3A_279 : vector<16xi32>
      %add3A_281 = arith.constant 1024 : i32
      %add3A_282 = arith.addi %add3A_281, %mul3A_254 : i32
      %get3A = arith.index_cast %add3A_282 : i32 to index
      %get3A_283 = tpu.vector_load %arg6[%get3A] {strides = array<i32>} : memref<5120xi32, #tpu.memory_space<vmem>>, vector<16xi32>,
      %mul3A_284 = arith.constant 16384 : i32
      %mul3A_285 = vector.broadcast %mul3A_284 : i32 to vector<16xi32>
      %mul3A_286 = arith.muli %get3A_283, %mul3A_285 : vector<16xi32>
      %add3A_287 = arith.constant 1024 : i32
      %add3A_288 = vector.broadcast %add3A_287 : i32 to vector<16xi32>
      %add3A_289 = arith.addi %min3A_262, %add3A_288 : vector<16xi32>
      %gather3A = tpu.vector_load_idx %arg6[%add3A_289] : memref<5120xi32, #tpu.memory_space<vmem>>[vector<16xi32>], vector<16xi32>,
      %mul3A_290 = arith.constant 128 : i32
      %mul3A_291 = vector.broadcast %mul3A_290 : i32 to vector<16xi32>
      %mul3A_292 = arith.muli %gather3A, %mul3A_291 : vector<16xi32>
      %add3A_293 = arith.addi %mul3A_286, %mul3A_292 : vector<16xi32>
      %add3A_294 = arith.constant 1024 : i32
      %add3A_295 = vector.broadcast %add3A_294 : i32 to vector<16xi32>
      %add3A_296 = arith.addi %min3A_268, %add3A_295 : vector<16xi32>
      %gather3A_297 = tpu.vector_load_idx %arg6[%add3A_296] : memref<5120xi32, #tpu.memory_space<vmem>>[vector<16xi32>], vector<16xi32>,
      %add3A_298 = arith.addi %add3A_293, %gather3A_297 : vector<16xi32>
      %add3A_299 = arith.constant 1536 : i32
      %add3A_300 = vector.broadcast %add3A_299 : i32 to vector<16xi32>
      %add3A_301 = arith.addi %min3A_262, %add3A_300 : vector<16xi32>
      %gather3A_302 = tpu.vector_load_idx %arg6[%add3A_301] : memref<5120xi32, #tpu.memory_space<vmem>>[vector<16xi32>], vector<16xi32>,
      %add3A_303 = arith.addi %add3A_293, %gather3A_302 : vector<16xi32>
      %add3A_304 = arith.constant 0 : i32
      %add3A_305 = arith.addi %add3A_304, %mul3A_254 : i32
      %shift_right_arithmetic3A = arith.constant 1 : i32
      %shift_right_arithmetic3A_306 = vector.broadcast %shift_right_arithmetic3A : i32 to vector<16xi32>
      %shift_right_arithmetic3A_307 = arith.shrsi %add3A_298, %shift_right_arithmetic3A_306 : vector<16xi32>
      %swap3A = arith.index_cast %add3A_305 : i32 to index
      %swap3A_308 = tpu.vector_load %arg7[%swap3A] {strides = array<i32>} : memref<2048xi32, #tpu.memory_space<vmem>>, vector<16xi32>,
      tpu.vector_store %arg7[%swap3A], %shift_right_arithmetic3A_307 {strides = array<i32>} : memref<2048xi32, #tpu.memory_space<vmem>>, vector<16xi32>,
      %shift_right_arithmetic3A_309 = arith.constant 1 : i32
      %shift_right_arithmetic3A_310 = vector.broadcast %shift_right_arithmetic3A_309 : i32 to vector<16xi32>
      %shift_right_arithmetic3A_311 = arith.shrsi %add3A_303, %shift_right_arithmetic3A_310 : vector<16xi32>
      %swap3A_312 = arith.index_cast %add3A_305 : i32 to index
      %swap3A_313 = tpu.vector_load %arg9[%swap3A_312] {strides = array<i32>} : memref<2048xi32, #tpu.memory_space<vmem>>, vector<16xi32>,
      tpu.vector_store %arg9[%swap3A_312], %shift_right_arithmetic3A_311 {strides = array<i32>} : memref<2048xi32, #tpu.memory_space<vmem>>, vector<16xi32>,
      %shift_left3A = arith.constant 2 : i32
      %shift_left3A_314 = vector.broadcast %shift_left3A : i32 to vector<16xi32>
      %shift_left3A_315 = arith.shli %add3A_298, %shift_left3A_314 : vector<16xi32>
      %and3A_316 = arith.constant 4 : i32
      %and3A_317 = vector.broadcast %and3A_316 : i32 to vector<16xi32>
      %and3A_318 = arith.andi %shift_left3A_315, %and3A_317 : vector<16xi32>
      %mul3A_319 = arith.constant 2 : i32
      %mul3A_320 = arith.muli %mul3A_319, %add3A_305 : i32
      %add3A_321 = arith.constant 0 : i32
      %add3A_322 = arith.addi %add3A_321, %mul3A_320 : i32
      %swap3A_323 = arith.index_cast %add3A_322 : i32 to index
      %swap3A_324 = tpu.vector_load %arg11[%swap3A_323] {strides = array<i32>} : memref<8192xi32, #tpu.memory_space<vmem>>, vector<16xi32>,
      tpu.vector_store %arg11[%swap3A_323], %and3A_318 {strides = array<i32>} : memref<8192xi32, #tpu.memory_space<vmem>>, vector<16xi32>,
      %shift_left3A_325 = arith.constant 2 : i32
      %shift_left3A_326 = vector.broadcast %shift_left3A_325 : i32 to vector<16xi32>
      %shift_left3A_327 = arith.shli %add3A_303, %shift_left3A_326 : vector<16xi32>
      %and3A_328 = arith.constant 4 : i32
      %and3A_329 = vector.broadcast %and3A_328 : i32 to vector<16xi32>
      %and3A_330 = arith.andi %shift_left3A_327, %and3A_329 : vector<16xi32>
      %mul3A_331 = arith.constant 2 : i32
      %mul3A_332 = arith.muli %mul3A_331, %add3A_305 : i32
      %add3A_333 = arith.constant 0 : i32
      %add3A_334 = arith.addi %add3A_333, %mul3A_332 : i32
      %add3A_335 = arith.constant 16 : i32
      %add3A_336 = arith.addi %add3A_334, %add3A_335 : i32
      %swap3A_337 = arith.index_cast %add3A_336 : i32 to index
      %swap3A_338 = tpu.vector_load %arg11[%swap3A_337] {strides = array<i32>} : memref<8192xi32, #tpu.memory_space<vmem>>, vector<16xi32>,
      tpu.vector_store %arg11[%swap3A_337], %and3A_330 {strides = array<i32>} : memref<8192xi32, #tpu.memory_space<vmem>>, vector<16xi32>,
      %add3A_339 = arith.constant 1536 : i32
      %add3A_340 = arith.addi %add3A_339, %mul3A_254 : i32
      %get3A_341 = arith.index_cast %add3A_340 : i32 to index
      %get3A_342 = tpu.vector_load %arg6[%get3A_341] {strides = array<i32>} : memref<5120xi32, #tpu.memory_space<vmem>>, vector<16xi32>,
      %mul3A_343 = arith.constant 128 : i32
      %mul3A_344 = vector.broadcast %mul3A_343 : i32 to vector<16xi32>
      %mul3A_345 = arith.muli %get3A_342, %mul3A_344 : vector<16xi32>
      %add3A_346 = arith.addi %mul3A_286, %mul3A_345 : vector<16xi32>
      %add3A_347 = arith.constant 2048 : i32
      %add3A_348 = arith.addi %add3A_347, %mul3A_254 : i32
      %get3A_349 = arith.index_cast %add3A_348 : i32 to index
      %get3A_350 = tpu.vector_load %arg6[%get3A_349] {strides = array<i32>} : memref<5120xi32, #tpu.memory_space<vmem>>, vector<16xi32>,
      %add3A_351 = arith.addi %add3A_346, %get3A_350 : vector<16xi32>
      %add3A_352 = arith.constant 1536 : i32
      %add3A_353 = vector.broadcast %add3A_352 : i32 to vector<16xi32>
      %add3A_354 = arith.addi %max3A_274, %add3A_353 : vector<16xi32>
      %gather3A_355 = tpu.vector_load_idx %arg6[%add3A_354] : memref<5120xi32, #tpu.memory_space<vmem>>[vector<16xi32>], vector<16xi32>,
      %add3A_356 = arith.addi %add3A_346, %gather3A_355 : vector<16xi32>
      %add3A_357 = arith.constant 512 : i32
      %add3A_358 = arith.addi %add3A_357, %mul3A_254 : i32
      %shift_right_arithmetic3A_359 = arith.constant 1 : i32
      %shift_right_arithmetic3A_360 = vector.broadcast %shift_right_arithmetic3A_359 : i32 to vector<16xi32>
      %shift_right_arithmetic3A_361 = arith.shrsi %add3A_351, %shift_right_arithmetic3A_360 : vector<16xi32>
      %swap3A_362 = arith.index_cast %add3A_358 : i32 to index
      %swap3A_363 = tpu.vector_load %arg7[%swap3A_362] {strides = array<i32>} : memref<2048xi32, #tpu.memory_space<vmem>>, vector<16xi32>,
      tpu.vector_store %arg7[%swap3A_362], %shift_right_arithmetic3A_361 {strides = array<i32>} : memref<2048xi32, #tpu.memory_space<vmem>>, vector<16xi32>,
      %shift_right_arithmetic3A_364 = arith.constant 1 : i32
      %shift_right_arithmetic3A_365 = vector.broadcast %shift_right_arithmetic3A_364 : i32 to vector<16xi32>
      %shift_right_arithmetic3A_366 = arith.shrsi %add3A_356, %shift_right_arithmetic3A_365 : vector<16xi32>
      %swap3A_367 = arith.index_cast %add3A_358 : i32 to index
      %swap3A_368 = tpu.vector_load %arg9[%swap3A_367] {strides = array<i32>} : memref<2048xi32, #tpu.memory_space<vmem>>, vector<16xi32>,
      tpu.vector_store %arg9[%swap3A_367], %shift_right_arithmetic3A_366 {strides = array<i32>} : memref<2048xi32, #tpu.memory_space<vmem>>, vector<16xi32>,
      %shift_left3A_369 = arith.constant 2 : i32
      %shift_left3A_370 = vector.broadcast %shift_left3A_369 : i32 to vector<16xi32>
      %shift_left3A_371 = arith.shli %add3A_351, %shift_left3A_370 : vector<16xi32>
      %and3A_372 = arith.constant 4 : i32
      %and3A_373 = vector.broadcast %and3A_372 : i32 to vector<16xi32>
      %and3A_374 = arith.andi %shift_left3A_371, %and3A_373 : vector<16xi32>
      %mul3A_375 = arith.constant 2 : i32
      %mul3A_376 = arith.muli %mul3A_375, %add3A_358 : i32
      %add3A_377 = arith.constant 0 : i32
      %add3A_378 = arith.addi %add3A_377, %mul3A_376 : i32
      %swap3A_379 = arith.index_cast %add3A_378 : i32 to index
      %swap3A_380 = tpu.vector_load %arg11[%swap3A_379] {strides = array<i32>} : memref<8192xi32, #tpu.memory_space<vmem>>, vector<16xi32>,
      tpu.vector_store %arg11[%swap3A_379], %and3A_374 {strides = array<i32>} : memref<8192xi32, #tpu.memory_space<vmem>>, vector<16xi32>,
      %shift_left3A_381 = arith.constant 2 : i32
      %shift_left3A_382 = vector.broadcast %shift_left3A_381 : i32 to vector<16xi32>
      %shift_left3A_383 = arith.shli %add3A_356, %shift_left3A_382 : vector<16xi32>
      %and3A_384 = arith.constant 4 : i32
      %and3A_385 = vector.broadcast %and3A_384 : i32 to vector<16xi32>
      %and3A_386 = arith.andi %shift_left3A_383, %and3A_385 : vector<16xi32>
      %mul3A_387 = arith.constant 2 : i32
      %mul3A_388 = arith.muli %mul3A_387, %add3A_358 : i32
      %add3A_389 = arith.constant 0 : i32
      %add3A_390 = arith.addi %add3A_389, %mul3A_388 : i32
      %add3A_391 = arith.constant 16 : i32
      %add3A_392 = arith.addi %add3A_390, %add3A_391 : i32
      %swap3A_393 = arith.index_cast %add3A_392 : i32 to index
      %swap3A_394 = tpu.vector_load %arg11[%swap3A_393] {strides = array<i32>} : memref<8192xi32, #tpu.memory_space<vmem>>, vector<16xi32>,
      tpu.vector_store %arg11[%swap3A_393], %and3A_386 {strides = array<i32>} : memref<8192xi32, #tpu.memory_space<vmem>>, vector<16xi32>,
      %add3A_395 = arith.constant 1024 : i32
      %add3A_396 = vector.broadcast %add3A_395 : i32 to vector<16xi32>
      %add3A_397 = arith.addi %max3A_274, %add3A_396 : vector<16xi32>
      %gather3A_398 = tpu.vector_load_idx %arg6[%add3A_397] : memref<5120xi32, #tpu.memory_space<vmem>>[vector<16xi32>], vector<16xi32>,
      %mul3A_399 = arith.constant 128 : i32
      %mul3A_400 = vector.broadcast %mul3A_399 : i32 to vector<16xi32>
      %mul3A_401 = arith.muli %gather3A_398, %mul3A_400 : vector<16xi32>
      %add3A_402 = arith.addi %mul3A_286, %mul3A_401 : vector<16xi32>
      %add3A_403 = arith.constant 1024 : i32
      %add3A_404 = vector.broadcast %add3A_403 : i32 to vector<16xi32>
      %add3A_405 = arith.addi %max3A_280, %add3A_404 : vector<16xi32>
      %gather3A_406 = tpu.vector_load_idx %arg6[%add3A_405] : memref<5120xi32, #tpu.memory_space<vmem>>[vector<16xi32>], vector<16xi32>,
      %add3A_407 = arith.addi %add3A_402, %gather3A_406 : vector<16xi32>
      %add3A_408 = arith.constant 512 : i32
      %add3A_409 = vector.broadcast %add3A_408 : i32 to vector<16xi32>
      %add3A_410 = arith.addi %max3A_274, %add3A_409 : vector<16xi32>
      %gather3A_411 = tpu.vector_load_idx %arg6[%add3A_410] : memref<5120xi32, #tpu.memory_space<vmem>>[vector<16xi32>], vector<16xi32>,
      %add3A_412 = arith.addi %add3A_402, %gather3A_411 : vector<16xi32>
      %add3A_413 = arith.constant 1024 : i32
      %add3A_414 = arith.addi %add3A_413, %mul3A_254 : i32
      %shift_right_arithmetic3A_415 = arith.constant 1 : i32
      %shift_right_arithmetic3A_416 = vector.broadcast %shift_right_arithmetic3A_415 : i32 to vector<16xi32>
      %shift_right_arithmetic3A_417 = arith.shrsi %add3A_407, %shift_right_arithmetic3A_416 : vector<16xi32>
      %swap3A_418 = arith.index_cast %add3A_414 : i32 to index
      %swap3A_419 = tpu.vector_load %arg7[%swap3A_418] {strides = array<i32>} : memref<2048xi32, #tpu.memory_space<vmem>>, vector<16xi32>,
      tpu.vector_store %arg7[%swap3A_418], %shift_right_arithmetic3A_417 {strides = array<i32>} : memref<2048xi32, #tpu.memory_space<vmem>>, vector<16xi32>,
      %shift_right_arithmetic3A_420 = arith.constant 1 : i32
      %shift_right_arithmetic3A_421 = vector.broadcast %shift_right_arithmetic3A_420 : i32 to vector<16xi32>
      %shift_right_arithmetic3A_422 = arith.shrsi %add3A_412, %shift_right_arithmetic3A_421 : vector<16xi32>
      %swap3A_423 = arith.index_cast %add3A_414 : i32 to index
      %swap3A_424 = tpu.vector_load %arg9[%swap3A_423] {strides = array<i32>} : memref<2048xi32, #tpu.memory_space<vmem>>, vector<16xi32>,
      tpu.vector_store %arg9[%swap3A_423], %shift_right_arithmetic3A_422 {strides = array<i32>} : memref<2048xi32, #tpu.memory_space<vmem>>, vector<16xi32>,
      %shift_left3A_425 = arith.constant 2 : i32
      %shift_left3A_426 = vector.broadcast %shift_left3A_425 : i32 to vector<16xi32>
      %shift_left3A_427 = arith.shli %add3A_407, %shift_left3A_426 : vector<16xi32>
      %and3A_428 = arith.constant 4 : i32
      %and3A_429 = vector.broadcast %and3A_428 : i32 to vector<16xi32>
      %and3A_430 = arith.andi %shift_left3A_427, %and3A_429 : vector<16xi32>
      %mul3A_431 = arith.constant 2 : i32
      %mul3A_432 = arith.muli %mul3A_431, %add3A_414 : i32
      %add3A_433 = arith.constant 0 : i32
      %add3A_434 = arith.addi %add3A_433, %mul3A_432 : i32
      %swap3A_435 = arith.index_cast %add3A_434 : i32 to index
      %swap3A_436 = tpu.vector_load %arg11[%swap3A_435] {strides = array<i32>} : memref<8192xi32, #tpu.memory_space<vmem>>, vector<16xi32>,
      tpu.vector_store %arg11[%swap3A_435], %and3A_430 {strides = array<i32>} : memref<8192xi32, #tpu.memory_space<vmem>>, vector<16xi32>,
      %shift_left3A_437 = arith.constant 2 : i32
      %shift_left3A_438 = vector.broadcast %shift_left3A_437 : i32 to vector<16xi32>
      %shift_left3A_439 = arith.shli %add3A_412, %shift_left3A_438 : vector<16xi32>
      %and3A_440 = arith.constant 4 : i32
      %and3A_441 = vector.broadcast %and3A_440 : i32 to vector<16xi32>
      %and3A_442 = arith.andi %shift_left3A_439, %and3A_441 : vector<16xi32>
      %mul3A_443 = arith.constant 2 : i32
      %mul3A_444 = arith.muli %mul3A_443, %add3A_414 : i32
      %add3A_445 = arith.constant 0 : i32
      %add3A_446 = arith.addi %add3A_445, %mul3A_444 : i32
      %add3A_447 = arith.constant 16 : i32
      %add3A_448 = arith.addi %add3A_446, %add3A_447 : i32
      %swap3A_449 = arith.index_cast %add3A_448 : i32 to index
      %swap3A_450 = tpu.vector_load %arg11[%swap3A_449] {strides = array<i32>} : memref<8192xi32, #tpu.memory_space<vmem>>, vector<16xi32>,
      tpu.vector_store %arg11[%swap3A_449], %and3A_442 {strides = array<i32>} : memref<8192xi32, #tpu.memory_space<vmem>>, vector<16xi32>,
      %add3A_451 = arith.constant 512 : i32
      %add3A_452 = arith.addi %add3A_451, %mul3A_254 : i32
      %get3A_453 = arith.index_cast %add3A_452 : i32 to index
      %get3A_454 = tpu.vector_load %arg6[%get3A_453] {strides = array<i32>} : memref<5120xi32, #tpu.memory_space<vmem>>, vector<16xi32>,
      %mul3A_455 = arith.constant 128 : i32
      %mul3A_456 = vector.broadcast %mul3A_455 : i32 to vector<16xi32>
      %mul3A_457 = arith.muli %get3A_454, %mul3A_456 : vector<16xi32>
      %add3A_458 = arith.addi %mul3A_286, %mul3A_457 : vector<16xi32>
      %add3A_459 = arith.constant 0 : i32
      %add3A_460 = arith.addi %add3A_459, %mul3A_254 : i32
      %get3A_461 = arith.index_cast %add3A_460 : i32 to index
      %get3A_462 = tpu.vector_load %arg6[%get3A_461] {strides = array<i32>} : memref<5120xi32, #tpu.memory_space<vmem>>, vector<16xi32>,
      %add3A_463 = arith.addi %add3A_458, %get3A_462 : vector<16xi32>
      %add3A_464 = arith.constant 512 : i32
      %add3A_465 = vector.broadcast %add3A_464 : i32 to vector<16xi32>
      %add3A_466 = arith.addi %min3A_262, %add3A_465 : vector<16xi32>
      %gather3A_467 = tpu.vector_load_idx %arg6[%add3A_466] : memref<5120xi32, #tpu.memory_space<vmem>>[vector<16xi32>], vector<16xi32>,
      %add3A_468 = arith.addi %add3A_458, %gather3A_467 : vector<16xi32>
      %add3A_469 = arith.constant 1536 : i32
      %add3A_470 = arith.addi %add3A_469, %mul3A_254 : i32
      %shift_right_arithmetic3A_471 = arith.constant 1 : i32
      %shift_right_arithmetic3A_472 = vector.broadcast %shift_right_arithmetic3A_471 : i32 to vector<16xi32>
      %shift_right_arithmetic3A_473 = arith.shrsi %add3A_463, %shift_right_arithmetic3A_472 : vector<16xi32>
      %swap3A_474 = arith.index_cast %add3A_470 : i32 to index
      %swap3A_475 = tpu.vector_load %arg7[%swap3A_474] {strides = array<i32>} : memref<2048xi32, #tpu.memory_space<vmem>>, vector<16xi32>,
      tpu.vector_store %arg7[%swap3A_474], %shift_right_arithmetic3A_473 {strides = array<i32>} : memref<2048xi32, #tpu.memory_space<vmem>>, vector<16xi32>,
      %shift_right_arithmetic3A_476 = arith.constant 1 : i32
      %shift_right_arithmetic3A_477 = vector.broadcast %shift_right_arithmetic3A_476 : i32 to vector<16xi32>
      %shift_right_arithmetic3A_478 = arith.shrsi %add3A_468, %shift_right_arithmetic3A_477 : vector<16xi32>
      %swap3A_479 = arith.index_cast %add3A_470 : i32 to index
      %swap3A_480 = tpu.vector_load %arg9[%swap3A_479] {strides = array<i32>} : memref<2048xi32, #tpu.memory_space<vmem>>, vector<16xi32>,
      tpu.vector_store %arg9[%swap3A_479], %shift_right_arithmetic3A_478 {strides = array<i32>} : memref<2048xi32, #tpu.memory_space<vmem>>, vector<16xi32>,
      %shift_left3A_481 = arith.constant 2 : i32
      %shift_left3A_482 = vector.broadcast %shift_left3A_481 : i32 to vector<16xi32>
      %shift_left3A_483 = arith.shli %add3A_463, %shift_left3A_482 : vector<16xi32>
      %and3A_484 = arith.constant 4 : i32
      %and3A_485 = vector.broadcast %and3A_484 : i32 to vector<16xi32>
      %and3A_486 = arith.andi %shift_left3A_483, %and3A_485 : vector<16xi32>
      %mul3A_487 = arith.constant 2 : i32
      %mul3A_488 = arith.muli %mul3A_487, %add3A_470 : i32
      %add3A_489 = arith.constant 0 : i32
      %add3A_490 = arith.addi %add3A_489, %mul3A_488 : i32
      %swap3A_491 = arith.index_cast %add3A_490 : i32 to index
      %swap3A_492 = tpu.vector_load %arg11[%swap3A_491] {strides = array<i32>} : memref<8192xi32, #tpu.memory_space<vmem>>, vector<16xi32>,
      tpu.vector_store %arg11[%swap3A_491], %and3A_486 {strides = array<i32>} : memref<8192xi32, #tpu.memory_space<vmem>>, vector<16xi32>,
      %shift_left3A_493 = arith.constant 2 : i32
      %shift_left3A_494 = vector.broadcast %shift_left3A_493 : i32 to vector<16xi32>
      %shift_left3A_495 = arith.shli %add3A_468, %shift_left3A_494 : vector<16xi32>
      %and3A_496 = arith.constant 4 : i32
      %and3A_497 = vector.broadcast %and3A_496 : i32 to vector<16xi32>
      %and3A_498 = arith.andi %shift_left3A_495, %and3A_497 : vector<16xi32>
      %mul3A_499 = arith.constant 2 : i32
      %mul3A_500 = arith.muli %mul3A_499, %add3A_470 : i32
      %add3A_501 = arith.constant 0 : i32
      %add3A_502 = arith.addi %add3A_501, %mul3A_500 : i32
      %add3A_503 = arith.constant 16 : i32
      %add3A_504 = arith.addi %add3A_502, %add3A_503 : i32
      %swap3A_505 = arith.index_cast %add3A_504 : i32 to index
      %swap3A_506 = tpu.vector_load %arg11[%swap3A_505] {strides = array<i32>} : memref<8192xi32, #tpu.memory_space<vmem>>, vector<16xi32>,
      tpu.vector_store %arg11[%swap3A_505], %and3A_498 {strides = array<i32>} : memref<8192xi32, #tpu.memory_space<vmem>>, vector<16xi32>,
      %scan3A_507 = arith.constant 1 : i32
      %scan3A_508 = arith.addi %scan3A_252, %scan3A_507 : i32
      %mul3A_509 = arith.constant 16 : i32
      %mul3A_510 = arith.muli %scan3A_508, %mul3A_509 : i32
      %add3A_511 = vector.broadcast %mul3A_510 : i32 to vector<16xi32>
      %add3A_512 = arith.addi %add3A_511, %iota3A : vector<16xi32>
      %add3A_513 = arith.constant 1 : i32
      %add3A_514 = vector.broadcast %add3A_513 : i32 to vector<16xi32>
      %add3A_515 = arith.addi %add3A_512, %add3A_514 : vector<16xi32>
      %min3A_516 = arith.constant 511 : i32
      %min3A_517 = vector.broadcast %min3A_516 : i32 to vector<16xi32>
      %min3A_518 = arith.minsi %add3A_515, %min3A_517 : vector<16xi32>
      %add3A_519 = arith.constant 2 : i32
      %add3A_520 = vector.broadcast %add3A_519 : i32 to vector<16xi32>
      %add3A_521 = arith.addi %add3A_512, %add3A_520 : vector<16xi32>
      %min3A_522 = arith.constant 511 : i32
      %min3A_523 = vector.broadcast %min3A_522 : i32 to vector<16xi32>
      %min3A_524 = arith.minsi %add3A_521, %min3A_523 : vector<16xi32>
      %sub3A_525 = arith.constant 1 : i32
      %sub3A_526 = vector.broadcast %sub3A_525 : i32 to vector<16xi32>
      %sub3A_527 = arith.subi %add3A_512, %sub3A_526 : vector<16xi32>
      %max3A_528 = arith.constant 0 : i32
      %max3A_529 = vector.broadcast %max3A_528 : i32 to vector<16xi32>
      %max3A_530 = arith.maxsi %sub3A_527, %max3A_529 : vector<16xi32>
      %sub3A_531 = arith.constant 2 : i32
      %sub3A_532 = vector.broadcast %sub3A_531 : i32 to vector<16xi32>
      %sub3A_533 = arith.subi %add3A_512, %sub3A_532 : vector<16xi32>
      %max3A_534 = arith.constant 0 : i32
      %max3A_535 = vector.broadcast %max3A_534 : i32 to vector<16xi32>
      %max3A_536 = arith.maxsi %sub3A_533, %max3A_535 : vector<16xi32>
      %add3A_537 = arith.constant 1024 : i32
      %add3A_538 = arith.addi %add3A_537, %mul3A_510 : i32
      %get3A_539 = arith.index_cast %add3A_538 : i32 to index
      %get3A_540 = tpu.vector_load %arg6[%get3A_539] {strides = array<i32>} : memref<5120xi32, #tpu.memory_space<vmem>>, vector<16xi32>,
      %mul3A_541 = arith.constant 16384 : i32
      %mul3A_542 = vector.broadcast %mul3A_541 : i32 to vector<16xi32>
      %mul3A_543 = arith.muli %get3A_540, %mul3A_542 : vector<16xi32>
      %add3A_544 = arith.constant 1024 : i32
      %add3A_545 = vector.broadcast %add3A_544 : i32 to vector<16xi32>
      %add3A_546 = arith.addi %min3A_518, %add3A_545 : vector<16xi32>
      %gather3A_547 = tpu.vector_load_idx %arg6[%add3A_546] : memref<5120xi32, #tpu.memory_space<vmem>>[vector<16xi32>], vector<16xi32>,
      %mul3A_548 = arith.constant 128 : i32
      %mul3A_549 = vector.broadcast %mul3A_548 : i32 to vector<16xi32>
      %mul3A_550 = arith.muli %gather3A_547, %mul3A_549 : vector<16xi32>
      %add3A_551 = arith.addi %mul3A_543, %mul3A_550 : vector<16xi32>
      %add3A_552 = arith.constant 1024 : i32
      %add3A_553 = vector.broadcast %add3A_552 : i32 to vector<16xi32>
      %add3A_554 = arith.addi %min3A_524, %add3A_553 : vector<16xi32>
      %gather3A_555 = tpu.vector_load_idx %arg6[%add3A_554] : memref<5120xi32, #tpu.memory_space<vmem>>[vector<16xi32>], vector<16xi32>,
      %add3A_556 = arith.addi %add3A_551, %gather3A_555 : vector<16xi32>
      %add3A_557 = arith.constant 1536 : i32
      %add3A_558 = vector.broadcast %add3A_557 : i32 to vector<16xi32>
      %add3A_559 = arith.addi %min3A_518, %add3A_558 : vector<16xi32>
      %gather3A_560 = tpu.vector_load_idx %arg6[%add3A_559] : memref<5120xi32, #tpu.memory_space<vmem>>[vector<16xi32>], vector<16xi32>,
      %add3A_561 = arith.addi %add3A_551, %gather3A_560 : vector<16xi32>
      %add3A_562 = arith.constant 0 : i32
      %add3A_563 = arith.addi %add3A_562, %mul3A_510 : i32
      %shift_right_arithmetic3A_564 = arith.constant 1 : i32
      %shift_right_arithmetic3A_565 = vector.broadcast %shift_right_arithmetic3A_564 : i32 to vector<16xi32>
      %shift_right_arithmetic3A_566 = arith.shrsi %add3A_556, %shift_right_arithmetic3A_565 : vector<16xi32>
      %swap3A_567 = arith.index_cast %add3A_563 : i32 to index
      %swap3A_568 = tpu.vector_load %arg7[%swap3A_567] {strides = array<i32>} : memref<2048xi32, #tpu.memory_space<vmem>>, vector<16xi32>,
      tpu.vector_store %arg7[%swap3A_567], %shift_right_arithmetic3A_566 {strides = array<i32>} : memref<2048xi32, #tpu.memory_space<vmem>>, vector<16xi32>,
      %shift_right_arithmetic3A_569 = arith.constant 1 : i32
      %shift_right_arithmetic3A_570 = vector.broadcast %shift_right_arithmetic3A_569 : i32 to vector<16xi32>
      %shift_right_arithmetic3A_571 = arith.shrsi %add3A_561, %shift_right_arithmetic3A_570 : vector<16xi32>
      %swap3A_572 = arith.index_cast %add3A_563 : i32 to index
      %swap3A_573 = tpu.vector_load %arg9[%swap3A_572] {strides = array<i32>} : memref<2048xi32, #tpu.memory_space<vmem>>, vector<16xi32>,
      tpu.vector_store %arg9[%swap3A_572], %shift_right_arithmetic3A_571 {strides = array<i32>} : memref<2048xi32, #tpu.memory_space<vmem>>, vector<16xi32>,
      %shift_left3A_574 = arith.constant 2 : i32
      %shift_left3A_575 = vector.broadcast %shift_left3A_574 : i32 to vector<16xi32>
      %shift_left3A_576 = arith.shli %add3A_556, %shift_left3A_575 : vector<16xi32>
      %and3A_577 = arith.constant 4 : i32
      %and3A_578 = vector.broadcast %and3A_577 : i32 to vector<16xi32>
      %and3A_579 = arith.andi %shift_left3A_576, %and3A_578 : vector<16xi32>
      %mul3A_580 = arith.constant 2 : i32
      %mul3A_581 = arith.muli %mul3A_580, %add3A_563 : i32
      %add3A_582 = arith.constant 0 : i32
      %add3A_583 = arith.addi %add3A_582, %mul3A_581 : i32
      %swap3A_584 = arith.index_cast %add3A_583 : i32 to index
      %swap3A_585 = tpu.vector_load %arg11[%swap3A_584] {strides = array<i32>} : memref<8192xi32, #tpu.memory_space<vmem>>, vector<16xi32>,
      tpu.vector_store %arg11[%swap3A_584], %and3A_579 {strides = array<i32>} : memref<8192xi32, #tpu.memory_space<vmem>>, vector<16xi32>,
      %shift_left3A_586 = arith.constant 2 : i32
      %shift_left3A_587 = vector.broadcast %shift_left3A_586 : i32 to vector<16xi32>
      %shift_left3A_588 = arith.shli %add3A_561, %shift_left3A_587 : vector<16xi32>
      %and3A_589 = arith.constant 4 : i32
      %and3A_590 = vector.broadcast %and3A_589 : i32 to vector<16xi32>
      %and3A_591 = arith.andi %shift_left3A_588, %and3A_590 : vector<16xi32>
      %mul3A_592 = arith.constant 2 : i32
      %mul3A_593 = arith.muli %mul3A_592, %add3A_563 : i32
      %add3A_594 = arith.constant 0 : i32
      %add3A_595 = arith.addi %add3A_594, %mul3A_593 : i32
      %add3A_596 = arith.constant 16 : i32
      %add3A_597 = arith.addi %add3A_595, %add3A_596 : i32
      %swap3A_598 = arith.index_cast %add3A_597 : i32 to index
      %swap3A_599 = tpu.vector_load %arg11[%swap3A_598] {strides = array<i32>} : memref<8192xi32, #tpu.memory_space<vmem>>, vector<16xi32>,
      tpu.vector_store %arg11[%swap3A_598], %and3A_591 {strides = array<i32>} : memref<8192xi32, #tpu.memory_space<vmem>>, vector<16xi32>,
      %add3A_600 = arith.constant 1536 : i32
      %add3A_601 = arith.addi %add3A_600, %mul3A_510 : i32
      %get3A_602 = arith.index_cast %add3A_601 : i32 to index
      %get3A_603 = tpu.vector_load %arg6[%get3A_602] {strides = array<i32>} : memref<5120xi32, #tpu.memory_space<vmem>>, vector<16xi32>,
      %mul3A_604 = arith.constant 128 : i32
      %mul3A_605 = vector.broadcast %mul3A_604 : i32 to vector<16xi32>
      %mul3A_606 = arith.muli %get3A_603, %mul3A_605 : vector<16xi32>
      %add3A_607 = arith.addi %mul3A_543, %mul3A_606 : vector<16xi32>
      %add3A_608 = arith.constant 2048 : i32
      %add3A_609 = arith.addi %add3A_608, %mul3A_510 : i32
      %get3A_610 = arith.index_cast %add3A_609 : i32 to index
      %get3A_611 = tpu.vector_load %arg6[%get3A_610] {strides = array<i32>} : memref<5120xi32, #tpu.memory_space<vmem>>, vector<16xi32>,
      %add3A_612 = arith.addi %add3A_607, %get3A_611 : vector<16xi32>
      %add3A_613 = arith.constant 1536 : i32
      %add3A_614 = vector.broadcast %add3A_613 : i32 to vector<16xi32>
      %add3A_615 = arith.addi %max3A_530, %add3A_614 : vector<16xi32>
      %gather3A_616 = tpu.vector_load_idx %arg6[%add3A_615] : memref<5120xi32, #tpu.memory_space<vmem>>[vector<16xi32>], vector<16xi32>,
      %add3A_617 = arith.addi %add3A_607, %gather3A_616 : vector<16xi32>
      %add3A_618 = arith.constant 512 : i32
      %add3A_619 = arith.addi %add3A_618, %mul3A_510 : i32
      %shift_right_arithmetic3A_620 = arith.constant 1 : i32
      %shift_right_arithmetic3A_621 = vector.broadcast %shift_right_arithmetic3A_620 : i32 to vector<16xi32>
      %shift_right_arithmetic3A_622 = arith.shrsi %add3A_612, %shift_right_arithmetic3A_621 : vector<16xi32>
      %swap3A_623 = arith.index_cast %add3A_619 : i32 to index
      %swap3A_624 = tpu.vector_load %arg7[%swap3A_623] {strides = array<i32>} : memref<2048xi32, #tpu.memory_space<vmem>>, vector<16xi32>,
      tpu.vector_store %arg7[%swap3A_623], %shift_right_arithmetic3A_622 {strides = array<i32>} : memref<2048xi32, #tpu.memory_space<vmem>>, vector<16xi32>,
      %shift_right_arithmetic3A_625 = arith.constant 1 : i32
      %shift_right_arithmetic3A_626 = vector.broadcast %shift_right_arithmetic3A_625 : i32 to vector<16xi32>
      %shift_right_arithmetic3A_627 = arith.shrsi %add3A_617, %shift_right_arithmetic3A_626 : vector<16xi32>
      %swap3A_628 = arith.index_cast %add3A_619 : i32 to index
      %swap3A_629 = tpu.vector_load %arg9[%swap3A_628] {strides = array<i32>} : memref<2048xi32, #tpu.memory_space<vmem>>, vector<16xi32>,
      tpu.vector_store %arg9[%swap3A_628], %shift_right_arithmetic3A_627 {strides = array<i32>} : memref<2048xi32, #tpu.memory_space<vmem>>, vector<16xi32>,
      %shift_left3A_630 = arith.constant 2 : i32
      %shift_left3A_631 = vector.broadcast %shift_left3A_630 : i32 to vector<16xi32>
      %shift_left3A_632 = arith.shli %add3A_612, %shift_left3A_631 : vector<16xi32>
      %and3A_633 = arith.constant 4 : i32
      %and3A_634 = vector.broadcast %and3A_633 : i32 to vector<16xi32>
      %and3A_635 = arith.andi %shift_left3A_632, %and3A_634 : vector<16xi32>
      %mul3A_636 = arith.constant 2 : i32
      %mul3A_637 = arith.muli %mul3A_636, %add3A_619 : i32
      %add3A_638 = arith.constant 0 : i32
      %add3A_639 = arith.addi %add3A_638, %mul3A_637 : i32
      %swap3A_640 = arith.index_cast %add3A_639 : i32 to index
      %swap3A_641 = tpu.vector_load %arg11[%swap3A_640] {strides = array<i32>} : memref<8192xi32, #tpu.memory_space<vmem>>, vector<16xi32>,
      tpu.vector_store %arg11[%swap3A_640], %and3A_635 {strides = array<i32>} : memref<8192xi32, #tpu.memory_space<vmem>>, vector<16xi32>,
      %shift_left3A_642 = arith.constant 2 : i32
      %shift_left3A_643 = vector.broadcast %shift_left3A_642 : i32 to vector<16xi32>
      %shift_left3A_644 = arith.shli %add3A_617, %shift_left3A_643 : vector<16xi32>
      %and3A_645 = arith.constant 4 : i32
      %and3A_646 = vector.broadcast %and3A_645 : i32 to vector<16xi32>
      %and3A_647 = arith.andi %shift_left3A_644, %and3A_646 : vector<16xi32>
      %mul3A_648 = arith.constant 2 : i32
      %mul3A_649 = arith.muli %mul3A_648, %add3A_619 : i32
      %add3A_650 = arith.constant 0 : i32
      %add3A_651 = arith.addi %add3A_650, %mul3A_649 : i32
      %add3A_652 = arith.constant 16 : i32
      %add3A_653 = arith.addi %add3A_651, %add3A_652 : i32
      %swap3A_654 = arith.index_cast %add3A_653 : i32 to index
      %swap3A_655 = tpu.vector_load %arg11[%swap3A_654] {strides = array<i32>} : memref<8192xi32, #tpu.memory_space<vmem>>, vector<16xi32>,
      tpu.vector_store %arg11[%swap3A_654], %and3A_647 {strides = array<i32>} : memref<8192xi32, #tpu.memory_space<vmem>>, vector<16xi32>,
      %add3A_656 = arith.constant 1024 : i32
      %add3A_657 = vector.broadcast %add3A_656 : i32 to vector<16xi32>
      %add3A_658 = arith.addi %max3A_530, %add3A_657 : vector<16xi32>
      %gather3A_659 = tpu.vector_load_idx %arg6[%add3A_658] : memref<5120xi32, #tpu.memory_space<vmem>>[vector<16xi32>], vector<16xi32>,
      %mul3A_660 = arith.constant 128 : i32
      %mul3A_661 = vector.broadcast %mul3A_660 : i32 to vector<16xi32>
      %mul3A_662 = arith.muli %gather3A_659, %mul3A_661 : vector<16xi32>
      %add3A_663 = arith.addi %mul3A_543, %mul3A_662 : vector<16xi32>
      %add3A_664 = arith.constant 1024 : i32
      %add3A_665 = vector.broadcast %add3A_664 : i32 to vector<16xi32>
      %add3A_666 = arith.addi %max3A_536, %add3A_665 : vector<16xi32>
      %gather3A_667 = tpu.vector_load_idx %arg6[%add3A_666] : memref<5120xi32, #tpu.memory_space<vmem>>[vector<16xi32>], vector<16xi32>,
      %add3A_668 = arith.addi %add3A_663, %gather3A_667 : vector<16xi32>
      %add3A_669 = arith.constant 512 : i32
      %add3A_670 = vector.broadcast %add3A_669 : i32 to vector<16xi32>
      %add3A_671 = arith.addi %max3A_530, %add3A_670 : vector<16xi32>
      %gather3A_672 = tpu.vector_load_idx %arg6[%add3A_671] : memref<5120xi32, #tpu.memory_space<vmem>>[vector<16xi32>], vector<16xi32>,
      %add3A_673 = arith.addi %add3A_663, %gather3A_672 : vector<16xi32>
      %add3A_674 = arith.constant 1024 : i32
      %add3A_675 = arith.addi %add3A_674, %mul3A_510 : i32
      %shift_right_arithmetic3A_676 = arith.constant 1 : i32
      %shift_right_arithmetic3A_677 = vector.broadcast %shift_right_arithmetic3A_676 : i32 to vector<16xi32>
      %shift_right_arithmetic3A_678 = arith.shrsi %add3A_668, %shift_right_arithmetic3A_677 : vector<16xi32>
      %swap3A_679 = arith.index_cast %add3A_675 : i32 to index
      %swap3A_680 = tpu.vector_load %arg7[%swap3A_679] {strides = array<i32>} : memref<2048xi32, #tpu.memory_space<vmem>>, vector<16xi32>,
      tpu.vector_store %arg7[%swap3A_679], %shift_right_arithmetic3A_678 {strides = array<i32>} : memref<2048xi32, #tpu.memory_space<vmem>>, vector<16xi32>,
      %shift_right_arithmetic3A_681 = arith.constant 1 : i32
      %shift_right_arithmetic3A_682 = vector.broadcast %shift_right_arithmetic3A_681 : i32 to vector<16xi32>
      %shift_right_arithmetic3A_683 = arith.shrsi %add3A_673, %shift_right_arithmetic3A_682 : vector<16xi32>
      %swap3A_684 = arith.index_cast %add3A_675 : i32 to index
      %swap3A_685 = tpu.vector_load %arg9[%swap3A_684] {strides = array<i32>} : memref<2048xi32, #tpu.memory_space<vmem>>, vector<16xi32>,
      tpu.vector_store %arg9[%swap3A_684], %shift_right_arithmetic3A_683 {strides = array<i32>} : memref<2048xi32, #tpu.memory_space<vmem>>, vector<16xi32>,
      %shift_left3A_686 = arith.constant 2 : i32
      %shift_left3A_687 = vector.broadcast %shift_left3A_686 : i32 to vector<16xi32>
      %shift_left3A_688 = arith.shli %add3A_668, %shift_left3A_687 : vector<16xi32>
      %and3A_689 = arith.constant 4 : i32
      %and3A_690 = vector.broadcast %and3A_689 : i32 to vector<16xi32>
      %and3A_691 = arith.andi %shift_left3A_688, %and3A_690 : vector<16xi32>
      %mul3A_692 = arith.constant 2 : i32
      %mul3A_693 = arith.muli %mul3A_692, %add3A_675 : i32
      %add3A_694 = arith.constant 0 : i32
      %add3A_695 = arith.addi %add3A_694, %mul3A_693 : i32
      %swap3A_696 = arith.index_cast %add3A_695 : i32 to index
      %swap3A_697 = tpu.vector_load %arg11[%swap3A_696] {strides = array<i32>} : memref<8192xi32, #tpu.memory_space<vmem>>, vector<16xi32>,
      tpu.vector_store %arg11[%swap3A_696], %and3A_691 {strides = array<i32>} : memref<8192xi32, #tpu.memory_space<vmem>>, vector<16xi32>,
      %shift_left3A_698 = arith.constant 2 : i32
      %shift_left3A_699 = vector.broadcast %shift_left3A_698 : i32 to vector<16xi32>
      %shift_left3A_700 = arith.shli %add3A_673, %shift_left3A_699 : vector<16xi32>
      %and3A_701 = arith.constant 4 : i32
      %and3A_702 = vector.broadcast %and3A_701 : i32 to vector<16xi32>
      %and3A_703 = arith.andi %shift_left3A_700, %and3A_702 : vector<16xi32>
      %mul3A_704 = arith.constant 2 : i32
      %mul3A_705 = arith.muli %mul3A_704, %add3A_675 : i32
      %add3A_706 = arith.constant 0 : i32
      %add3A_707 = arith.addi %add3A_706, %mul3A_705 : i32
      %add3A_708 = arith.constant 16 : i32
      %add3A_709 = arith.addi %add3A_707, %add3A_708 : i32
      %swap3A_710 = arith.index_cast %add3A_709 : i32 to index
      %swap3A_711 = tpu.vector_load %arg11[%swap3A_710] {strides = array<i32>} : memref<8192xi32, #tpu.memory_space<vmem>>, vector<16xi32>,
      tpu.vector_store %arg11[%swap3A_710], %and3A_703 {strides = array<i32>} : memref<8192xi32, #tpu.memory_space<vmem>>, vector<16xi32>,
      %add3A_712 = arith.constant 512 : i32
      %add3A_713 = arith.addi %add3A_712, %mul3A_510 : i32
      %get3A_714 = arith.index_cast %add3A_713 : i32 to index
      %get3A_715 = tpu.vector_load %arg6[%get3A_714] {strides = array<i32>} : memref<5120xi32, #tpu.memory_space<vmem>>, vector<16xi32>,
      %mul3A_716 = arith.constant 128 : i32
      %mul3A_717 = vector.broadcast %mul3A_716 : i32 to vector<16xi32>
      %mul3A_718 = arith.muli %get3A_715, %mul3A_717 : vector<16xi32>
      %add3A_719 = arith.addi %mul3A_543, %mul3A_718 : vector<16xi32>
      %add3A_720 = arith.constant 0 : i32
      %add3A_721 = arith.addi %add3A_720, %mul3A_510 : i32
      %get3A_722 = arith.index_cast %add3A_721 : i32 to index
      %get3A_723 = tpu.vector_load %arg6[%get3A_722] {strides = array<i32>} : memref<5120xi32, #tpu.memory_space<vmem>>, vector<16xi32>,
      %add3A_724 = arith.addi %add3A_719, %get3A_723 : vector<16xi32>
      %add3A_725 = arith.constant 512 : i32
      %add3A_726 = vector.broadcast %add3A_725 : i32 to vector<16xi32>
      %add3A_727 = arith.addi %min3A_518, %add3A_726 : vector<16xi32>
      %gather3A_728 = tpu.vector_load_idx %arg6[%add3A_727] : memref<5120xi32, #tpu.memory_space<vmem>>[vector<16xi32>], vector<16xi32>,
      %add3A_729 = arith.addi %add3A_719, %gather3A_728 : vector<16xi32>
      %add3A_730 = arith.constant 1536 : i32
      %add3A_731 = arith.addi %add3A_730, %mul3A_510 : i32
      %shift_right_arithmetic3A_732 = arith.constant 1 : i32
      %shift_right_arithmetic3A_733 = vector.broadcast %shift_right_arithmetic3A_732 : i32 to vector<16xi32>
      %shift_right_arithmetic3A_734 = arith.shrsi %add3A_724, %shift_right_arithmetic3A_733 : vector<16xi32>
      %swap3A_735 = arith.index_cast %add3A_731 : i32 to index
      %swap3A_736 = tpu.vector_load %arg7[%swap3A_735] {strides = array<i32>} : memref<2048xi32, #tpu.memory_space<vmem>>, vector<16xi32>,
      tpu.vector_store %arg7[%swap3A_735], %shift_right_arithmetic3A_734 {strides = array<i32>} : memref<2048xi32, #tpu.memory_space<vmem>>, vector<16xi32>,
      %shift_right_arithmetic3A_737 = arith.constant 1 : i32
      %shift_right_arithmetic3A_738 = vector.broadcast %shift_right_arithmetic3A_737 : i32 to vector<16xi32>
      %shift_right_arithmetic3A_739 = arith.shrsi %add3A_729, %shift_right_arithmetic3A_738 : vector<16xi32>
      %swap3A_740 = arith.index_cast %add3A_731 : i32 to index
      %swap3A_741 = tpu.vector_load %arg9[%swap3A_740] {strides = array<i32>} : memref<2048xi32, #tpu.memory_space<vmem>>, vector<16xi32>,
      tpu.vector_store %arg9[%swap3A_740], %shift_right_arithmetic3A_739 {strides = array<i32>} : memref<2048xi32, #tpu.memory_space<vmem>>, vector<16xi32>,
      %shift_left3A_742 = arith.constant 2 : i32
      %shift_left3A_743 = vector.broadcast %shift_left3A_742 : i32 to vector<16xi32>
      %shift_left3A_744 = arith.shli %add3A_724, %shift_left3A_743 : vector<16xi32>
      %and3A_745 = arith.constant 4 : i32
      %and3A_746 = vector.broadcast %and3A_745 : i32 to vector<16xi32>
      %and3A_747 = arith.andi %shift_left3A_744, %and3A_746 : vector<16xi32>
      %mul3A_748 = arith.constant 2 : i32
      %mul3A_749 = arith.muli %mul3A_748, %add3A_731 : i32
      %add3A_750 = arith.constant 0 : i32
      %add3A_751 = arith.addi %add3A_750, %mul3A_749 : i32
      %swap3A_752 = arith.index_cast %add3A_751 : i32 to index
      %swap3A_753 = tpu.vector_load %arg11[%swap3A_752] {strides = array<i32>} : memref<8192xi32, #tpu.memory_space<vmem>>, vector<16xi32>,
      tpu.vector_store %arg11[%swap3A_752], %and3A_747 {strides = array<i32>} : memref<8192xi32, #tpu.memory_space<vmem>>, vector<16xi32>,
      %shift_left3A_754 = arith.constant 2 : i32
      %shift_left3A_755 = vector.broadcast %shift_left3A_754 : i32 to vector<16xi32>
      %shift_left3A_756 = arith.shli %add3A_729, %shift_left3A_755 : vector<16xi32>
      %and3A_757 = arith.constant 4 : i32
      %and3A_758 = vector.broadcast %and3A_757 : i32 to vector<16xi32>
      %and3A_759 = arith.andi %shift_left3A_756, %and3A_758 : vector<16xi32>
      %mul3A_760 = arith.constant 2 : i32
      %mul3A_761 = arith.muli %mul3A_760, %add3A_731 : i32
      %add3A_762 = arith.constant 0 : i32
      %add3A_763 = arith.addi %add3A_762, %mul3A_761 : i32
      %add3A_764 = arith.constant 16 : i32
      %add3A_765 = arith.addi %add3A_763, %add3A_764 : i32
      %swap3A_766 = arith.index_cast %add3A_765 : i32 to index
      %swap3A_767 = tpu.vector_load %arg11[%swap3A_766] {strides = array<i32>} : memref<8192xi32, #tpu.memory_space<vmem>>, vector<16xi32>,
      tpu.vector_store %arg11[%swap3A_766], %and3A_759 {strides = array<i32>} : memref<8192xi32, #tpu.memory_space<vmem>>, vector<16xi32>,
    }
    %scan3A_217 = arith.constant 32 : i32
    %dma_start3A_218 = arith.constant 0 : i32
    %dma_start3A_219 = arith.constant 0 : i32
    %dma_start3A_220 = tpu.memref_slice %arg12[%dma_start3A_218, %dma_start3A_219] : memref<4096x8xf32, #tpu.memory_space<vmem>> -> memref<2048x8xf32, #tpu.memory_space<vmem>>
    %dma_start3A_221 = arith.constant 0 : i32
    %dma_start3A_222 = arith.constant 0 : i32
    %dma_start3A_223 = tpu.memref_slice %arg3[%dma_start3A_221, %dma_start3A_222] : memref<1048576x8xf32, #tpu.memory_space<hbm>> -> memref<1048576x8xf32, #tpu.memory_space<hbm>>
    tpu.enqueue_indirect_dma source(%dma_start3A_223 : memref<1048576x8xf32, #tpu.memory_space<hbm>>) target(%dma_start3A_220 : memref<2048x8xf32, #tpu.memory_space<vmem>>) offsets(%arg7 : memref<2048xi32, #tpu.memory_space<vmem>>) semaphore(%arg17 : memref<!tpu.dma_semaphore, #tpu.memory_space<semaphore_mem>>)
    %dma_start3A_224 = arith.constant 0 : i32
    %dma_start3A_225 = arith.constant 0 : i32
    %dma_start3A_226 = tpu.memref_slice %arg13[%dma_start3A_224, %dma_start3A_225] : memref<4096x8xf32, #tpu.memory_space<vmem>> -> memref<2048x8xf32, #tpu.memory_space<vmem>>
    %dma_start3A_227 = arith.constant 0 : i32
    %dma_start3A_228 = arith.constant 0 : i32
    %dma_start3A_229 = tpu.memref_slice %arg4[%dma_start3A_227, %dma_start3A_228] : memref<1048576x8xf32, #tpu.memory_space<hbm>> -> memref<1048576x8xf32, #tpu.memory_space<hbm>>
    tpu.enqueue_indirect_dma source(%dma_start3A_229 : memref<1048576x8xf32, #tpu.memory_space<hbm>>) target(%dma_start3A_226 : memref<2048x8xf32, #tpu.memory_space<vmem>>) offsets(%arg9 : memref<2048xi32, #tpu.memory_space<vmem>>) semaphore(%arg17 : memref<!tpu.dma_semaphore, #tpu.memory_space<semaphore_mem>>)
    %scan3A_230 = arith.constant 0 : i32
    %scan3A_231 = arith.constant 0 : i32
    %scan3A_232 = arith.constant 96 : i32
    %scan3A_233 = arith.addi %scan3A_231, %scan3A_232 : i32
    %scan3A_234 = arith.constant 1 : i32
    scf.for %scan3A_252 = %scan3A_231 to %scan3A_233 step %scan3A_234  : i32 {
      %mul3A_253 = arith.constant 2 : i32
      %mul3A_254 = arith.muli %mul3A_253, %scan3A_252 : i32
      %add3A_255 = arith.constant 2 : i32
      %add3A_256 = arith.addi %mul3A_254, %add3A_255 : i32
      %lt3A = arith.constant 192 : i32
      %lt3A_257 = arith.cmpi slt, %add3A_256, %lt3A : i32
      %convert_element_type3A = arith.extui %lt3A_257 : i1 to i32
      %cond3A = arith.constant 0 : i32
      %cond3A_258 = arith.cmpi ne, %convert_element_type3A, %cond3A : i32
      scf.if %cond3A_258 {
        %add3A_392 = arith.constant 2 : i32
        %add3A_393 = arith.addi %mul3A_254, %add3A_392 : i32
        %mul3A_394 = arith.constant 192 : i32
        %mul3A_395 = arith.muli %add3A, %mul3A_394 : i32
        %add3A_396 = arith.addi %mul3A_395, %add3A_393 : i32
        %jit3A_397 = arith.constant 512 : i32
        %div3A_398 = arith.divsi %add3A_396, %jit3A_397 : i32
        %sign3A_399 = arith.constant 0 : i32
        %sign3A_400 = arith.cmpi sgt, %add3A_396, %sign3A_399 : i32
        %sign3A_401 = arith.extui %sign3A_400 : i1 to i32
        %sign3A_402 = arith.constant 0 : i32
        %sign3A_403 = arith.cmpi slt, %add3A_396, %sign3A_402 : i32
        %sign3A_404 = arith.extui %sign3A_403 : i1 to i32
        %sign3A_405 = arith.subi %sign3A_401, %sign3A_404 : i32
        %sign3A_406 = arith.constant 0 : i32
        %sign3A_407 = arith.cmpi sgt, %jit3A_397, %sign3A_406 : i32
        %sign3A_408 = arith.extui %sign3A_407 : i1 to i32
        %sign3A_409 = arith.constant 0 : i32
        %sign3A_410 = arith.cmpi slt, %jit3A_397, %sign3A_409 : i32
        %sign3A_411 = arith.extui %sign3A_410 : i1 to i32
        %sign3A_412 = arith.subi %sign3A_408, %sign3A_411 : i32
        %ne3A_413 = arith.cmpi ne, %sign3A_405, %sign3A_412 : i32
        %rem3A_414 = arith.remsi %add3A_396, %jit3A_397 : i32
        %ne3A_415 = arith.constant 0 : i32
        %ne3A_416 = arith.cmpi ne, %rem3A_414, %ne3A_415 : i32
        %and3A_417 = arith.andi %ne3A_413, %ne3A_416 : i1
        %sub3A_418 = arith.constant 1 : i32
        %sub3A_419 = arith.subi %div3A_398, %sub3A_418 : i32
        %select_n3A_420 = arith.select %and3A_417, %sub3A_419, %div3A_398 : i32
        %mul3A_421 = arith.constant 512 : i32
        %mul3A_422 = arith.muli %select_n3A_420, %mul3A_421 : i32
        %sub3A_423 = arith.subi %add3A_396, %mul3A_422 : i32
        %mul3A_424 = arith.constant 512 : i32
        %mul3A_425 = arith.muli %select_n3A_420, %mul3A_424 : i32
        %add3A_426 = arith.constant -2 : i32
        %add3A_427 = arith.addi %sub3A_423, %add3A_426 : i32
        %jit3A_428 = arith.constant 0 : i32
        %jit3A_429 = arith.constant 511 : i32
        %max3A_430 = arith.maxsi %jit3A_428, %add3A_427 : i32
        %min3A_431 = arith.minsi %jit3A_429, %max3A_430 : i32
        %add3A_432 = arith.addi %mul3A_425, %min3A_431 : i32
        %mul3A_433 = arith.constant 512 : i32
        %mul3A_434 = arith.muli %add3A_432, %mul3A_433 : i32
        %dma_start3A_435 = arith.constant 0 : i32
        %dma_start3A_436 = tpu.memref_slice %arg6[%dma_start3A_435] : memref<5120xi32, #tpu.memory_space<vmem>> -> memref<512xi32, #tpu.memory_space<vmem>>
        %dma_start3A_437 = tpu.memref_slice %arg2[%mul3A_434] : memref<3145728xi32, #tpu.memory_space<hbm>> -> memref<512xi32, #tpu.memory_space<hbm>>
        %dma_start3A_438 = arith.constant 0 : i32
        %dma_start3A_439 = tpu.memref_slice %arg6[%dma_start3A_438] : memref<5120xi32, #tpu.memory_space<vmem>> -> memref<512xi32, #tpu.memory_space<vmem>>
        %dma_start3A_440 = tpu.memref_slice %arg2[%mul3A_434] : memref<3145728xi32, #tpu.memory_space<hbm>> -> memref<512xi32, #tpu.memory_space<hbm>>
        tpu.enqueue_dma source(%dma_start3A_440 : memref<512xi32, #tpu.memory_space<hbm>>) target(%dma_start3A_439 : memref<512xi32, #tpu.memory_space<vmem>>) target_semaphore(%arg15 : memref<!tpu.dma_semaphore, #tpu.memory_space<semaphore_mem>>)
        %add3A_441 = arith.constant -1 : i32
        %add3A_442 = arith.addi %sub3A_423, %add3A_441 : i32
        %jit3A_443 = arith.constant 0 : i32
        %jit3A_444 = arith.constant 511 : i32
        %max3A_445 = arith.maxsi %jit3A_443, %add3A_442 : i32
        %min3A_446 = arith.minsi %jit3A_444, %max3A_445 : i32
        %add3A_447 = arith.addi %mul3A_425, %min3A_446 : i32
        %mul3A_448 = arith.constant 512 : i32
        %mul3A_449 = arith.muli %add3A_447, %mul3A_448 : i32
        %dma_start3A_450 = arith.constant 512 : i32
        %dma_start3A_451 = tpu.memref_slice %arg6[%dma_start3A_450] : memref<5120xi32, #tpu.memory_space<vmem>> -> memref<512xi32, #tpu.memory_space<vmem>>
        %dma_start3A_452 = tpu.memref_slice %arg2[%mul3A_449] : memref<3145728xi32, #tpu.memory_space<hbm>> -> memref<512xi32, #tpu.memory_space<hbm>>
        %dma_start3A_453 = arith.constant 512 : i32
        %dma_start3A_454 = tpu.memref_slice %arg6[%dma_start3A_453] : memref<5120xi32, #tpu.memory_space<vmem>> -> memref<512xi32, #tpu.memory_space<vmem>>
        %dma_start3A_455 = tpu.memref_slice %arg2[%mul3A_449] : memref<3145728xi32, #tpu.memory_space<hbm>> -> memref<512xi32, #tpu.memory_space<hbm>>
        tpu.enqueue_dma source(%dma_start3A_455 : memref<512xi32, #tpu.memory_space<hbm>>) target(%dma_start3A_454 : memref<512xi32, #tpu.memory_space<vmem>>) target_semaphore(%arg15 : memref<!tpu.dma_semaphore, #tpu.memory_space<semaphore_mem>>)
        %add3A_456 = arith.constant 0 : i32
        %add3A_457 = arith.addi %sub3A_423, %add3A_456 : i32
        %jit3A_458 = arith.constant 0 : i32
        %jit3A_459 = arith.constant 511 : i32
        %max3A_460 = arith.maxsi %jit3A_458, %add3A_457 : i32
        %min3A_461 = arith.minsi %jit3A_459, %max3A_460 : i32
        %add3A_462 = arith.addi %mul3A_425, %min3A_461 : i32
        %mul3A_463 = arith.constant 512 : i32
        %mul3A_464 = arith.muli %add3A_462, %mul3A_463 : i32
        %dma_start3A_465 = arith.constant 1024 : i32
        %dma_start3A_466 = tpu.memref_slice %arg6[%dma_start3A_465] : memref<5120xi32, #tpu.memory_space<vmem>> -> memref<512xi32, #tpu.memory_space<vmem>>
        %dma_start3A_467 = tpu.memref_slice %arg2[%mul3A_464] : memref<3145728xi32, #tpu.memory_space<hbm>> -> memref<512xi32, #tpu.memory_space<hbm>>
        %dma_start3A_468 = arith.constant 1024 : i32
        %dma_start3A_469 = tpu.memref_slice %arg6[%dma_start3A_468] : memref<5120xi32, #tpu.memory_space<vmem>> -> memref<512xi32, #tpu.memory_space<vmem>>
        %dma_start3A_470 = tpu.memref_slice %arg2[%mul3A_464] : memref<3145728xi32, #tpu.memory_space<hbm>> -> memref<512xi32, #tpu.memory_space<hbm>>
        tpu.enqueue_dma source(%dma_start3A_470 : memref<512xi32, #tpu.memory_space<hbm>>) target(%dma_start3A_469 : memref<512xi32, #tpu.memory_space<vmem>>) target_semaphore(%arg15 : memref<!tpu.dma_semaphore, #tpu.memory_space<semaphore_mem>>)
        %add3A_471 = arith.constant 1 : i32
        %add3A_472 = arith.addi %sub3A_423, %add3A_471 : i32
        %jit3A_473 = arith.constant 0 : i32
        %jit3A_474 = arith.constant 511 : i32
        %max3A_475 = arith.maxsi %jit3A_473, %add3A_472 : i32
        %min3A_476 = arith.minsi %jit3A_474, %max3A_475 : i32
        %add3A_477 = arith.addi %mul3A_425, %min3A_476 : i32
        %mul3A_478 = arith.constant 512 : i32
        %mul3A_479 = arith.muli %add3A_477, %mul3A_478 : i32
        %dma_start3A_480 = arith.constant 1536 : i32
        %dma_start3A_481 = tpu.memref_slice %arg6[%dma_start3A_480] : memref<5120xi32, #tpu.memory_space<vmem>> -> memref<512xi32, #tpu.memory_space<vmem>>
        %dma_start3A_482 = tpu.memref_slice %arg2[%mul3A_479] : memref<3145728xi32, #tpu.memory_space<hbm>> -> memref<512xi32, #tpu.memory_space<hbm>>
        %dma_start3A_483 = arith.constant 1536 : i32
        %dma_start3A_484 = tpu.memref_slice %arg6[%dma_start3A_483] : memref<5120xi32, #tpu.memory_space<vmem>> -> memref<512xi32, #tpu.memory_space<vmem>>
        %dma_start3A_485 = tpu.memref_slice %arg2[%mul3A_479] : memref<3145728xi32, #tpu.memory_space<hbm>> -> memref<512xi32, #tpu.memory_space<hbm>>
        tpu.enqueue_dma source(%dma_start3A_485 : memref<512xi32, #tpu.memory_space<hbm>>) target(%dma_start3A_484 : memref<512xi32, #tpu.memory_space<vmem>>) target_semaphore(%arg15 : memref<!tpu.dma_semaphore, #tpu.memory_space<semaphore_mem>>)
        %add3A_486 = arith.constant 2 : i32
        %add3A_487 = arith.addi %sub3A_423, %add3A_486 : i32
        %jit3A_488 = arith.constant 0 : i32
        %jit3A_489 = arith.constant 511 : i32
        %max3A_490 = arith.maxsi %jit3A_488, %add3A_487 : i32
        %min3A_491 = arith.minsi %jit3A_489, %max3A_490 : i32
        %add3A_492 = arith.addi %mul3A_425, %min3A_491 : i32
        %mul3A_493 = arith.constant 512 : i32
        %mul3A_494 = arith.muli %add3A_492, %mul3A_493 : i32
        %dma_start3A_495 = arith.constant 2048 : i32
        %dma_start3A_496 = tpu.memref_slice %arg6[%dma_start3A_495] : memref<5120xi32, #tpu.memory_space<vmem>> -> memref<512xi32, #tpu.memory_space<vmem>>
        %dma_start3A_497 = tpu.memref_slice %arg2[%mul3A_494] : memref<3145728xi32, #tpu.memory_space<hbm>> -> memref<512xi32, #tpu.memory_space<hbm>>
        %dma_start3A_498 = arith.constant 2048 : i32
        %dma_start3A_499 = tpu.memref_slice %arg6[%dma_start3A_498] : memref<5120xi32, #tpu.memory_space<vmem>> -> memref<512xi32, #tpu.memory_space<vmem>>
        %dma_start3A_500 = tpu.memref_slice %arg2[%mul3A_494] : memref<3145728xi32, #tpu.memory_space<hbm>> -> memref<512xi32, #tpu.memory_space<hbm>>
        tpu.enqueue_dma source(%dma_start3A_500 : memref<512xi32, #tpu.memory_space<hbm>>) target(%dma_start3A_499 : memref<512xi32, #tpu.memory_space<vmem>>) target_semaphore(%arg15 : memref<!tpu.dma_semaphore, #tpu.memory_space<semaphore_mem>>)
      } else {
      }
      %dma_wait3A_259 = arith.constant 2560 : i32
      %dma_wait3A_260 = tpu.memref_slice %arg6[%dma_wait3A_259] : memref<5120xi32, #tpu.memory_space<vmem>> -> memref<2560xi32, #tpu.memory_space<vmem>>
      %dma_wait3A_261 = arith.constant 0 : i32
      %dma_wait3A_262 = tpu.memref_slice %arg2[%dma_wait3A_261] : memref<3145728xi32, #tpu.memory_space<hbm>> -> memref<2560xi32, #tpu.memory_space<hbm>>
      %dma_wait3A_263 = arith.constant 2560 : i32
      %dma_wait3A_264 = tpu.memref_slice %arg6[%dma_wait3A_263] : memref<5120xi32, #tpu.memory_space<vmem>> -> memref<2560xi32, #tpu.memory_space<vmem>>
      %dma_wait3A_265 = arith.constant 0 : i32
      %dma_wait3A_266 = tpu.memref_slice %arg2[%dma_wait3A_265] : memref<3145728xi32, #tpu.memory_space<hbm>> -> memref<2560xi32, #tpu.memory_space<hbm>>
      tpu.wait_dma2 semaphore(%arg16 : memref<!tpu.dma_semaphore, #tpu.memory_space<semaphore_mem>>) src(%dma_wait3A_266 : memref<2560xi32, #tpu.memory_space<hbm>>) dst(%dma_wait3A_264 : memref<2560xi32, #tpu.memory_space<vmem>>)
      %scan3A_267 = arith.constant 0 : i32
      %scan3A_268 = arith.constant 0 : i32
      %scan3A_269 = arith.constant 32 : i32
      %scan3A_270 = arith.addi %scan3A_268, %scan3A_269 : i32
      %scan3A_271 = arith.constant 2 : i32
      scf.for %scan3A_392 = %scan3A_268 to %scan3A_270 step %scan3A_271  : i32 {
        %mul3A_393 = arith.constant 16 : i32
        %mul3A_394 = arith.muli %scan3A_392, %mul3A_393 : i32
        %add3A_395 = vector.broadcast %mul3A_394 : i32 to vector<16xi32>
        %add3A_396 = arith.addi %add3A_395, %iota3A : vector<16xi32>
        %add3A_397 = arith.constant 1 : i32
        %add3A_398 = vector.broadcast %add3A_397 : i32 to vector<16xi32>
        %add3A_399 = arith.addi %add3A_396, %add3A_398 : vector<16xi32>
        %min3A_400 = arith.constant 511 : i32
        %min3A_401 = vector.broadcast %min3A_400 : i32 to vector<16xi32>
        %min3A_402 = arith.minsi %add3A_399, %min3A_401 : vector<16xi32>
        %add3A_403 = arith.constant 2 : i32
        %add3A_404 = vector.broadcast %add3A_403 : i32 to vector<16xi32>
        %add3A_405 = arith.addi %add3A_396, %add3A_404 : vector<16xi32>
        %min3A_406 = arith.constant 511 : i32
        %min3A_407 = vector.broadcast %min3A_406 : i32 to vector<16xi32>
        %min3A_408 = arith.minsi %add3A_405, %min3A_407 : vector<16xi32>
        %sub3A_409 = arith.constant 1 : i32
        %sub3A_410 = vector.broadcast %sub3A_409 : i32 to vector<16xi32>
        %sub3A_411 = arith.subi %add3A_396, %sub3A_410 : vector<16xi32>
        %max3A_412 = arith.constant 0 : i32
        %max3A_413 = vector.broadcast %max3A_412 : i32 to vector<16xi32>
        %max3A_414 = arith.maxsi %sub3A_411, %max3A_413 : vector<16xi32>
        %sub3A_415 = arith.constant 2 : i32
        %sub3A_416 = vector.broadcast %sub3A_415 : i32 to vector<16xi32>
        %sub3A_417 = arith.subi %add3A_396, %sub3A_416 : vector<16xi32>
        %max3A_418 = arith.constant 0 : i32
        %max3A_419 = vector.broadcast %max3A_418 : i32 to vector<16xi32>
        %max3A_420 = arith.maxsi %sub3A_417, %max3A_419 : vector<16xi32>
        %add3A_421 = arith.constant 3584 : i32
        %add3A_422 = arith.addi %add3A_421, %mul3A_394 : i32
        %get3A = arith.index_cast %add3A_422 : i32 to index
        %get3A_423 = tpu.vector_load %arg6[%get3A] {strides = array<i32>} : memref<5120xi32, #tpu.memory_space<vmem>>, vector<16xi32>,
        %mul3A_424 = arith.constant 16384 : i32
        %mul3A_425 = vector.broadcast %mul3A_424 : i32 to vector<16xi32>
        %mul3A_426 = arith.muli %get3A_423, %mul3A_425 : vector<16xi32>
        %add3A_427 = arith.constant 3584 : i32
        %add3A_428 = vector.broadcast %add3A_427 : i32 to vector<16xi32>
        %add3A_429 = arith.addi %min3A_402, %add3A_428 : vector<16xi32>
        %gather3A = tpu.vector_load_idx %arg6[%add3A_429] : memref<5120xi32, #tpu.memory_space<vmem>>[vector<16xi32>], vector<16xi32>,
        %mul3A_430 = arith.constant 128 : i32
        %mul3A_431 = vector.broadcast %mul3A_430 : i32 to vector<16xi32>
        %mul3A_432 = arith.muli %gather3A, %mul3A_431 : vector<16xi32>
        %add3A_433 = arith.addi %mul3A_426, %mul3A_432 : vector<16xi32>
        %add3A_434 = arith.constant 3584 : i32
        %add3A_435 = vector.broadcast %add3A_434 : i32 to vector<16xi32>
        %add3A_436 = arith.addi %min3A_408, %add3A_435 : vector<16xi32>
        %gather3A_437 = tpu.vector_load_idx %arg6[%add3A_436] : memref<5120xi32, #tpu.memory_space<vmem>>[vector<16xi32>], vector<16xi32>,
        %add3A_438 = arith.addi %add3A_433, %gather3A_437 : vector<16xi32>
        %add3A_439 = arith.constant 4096 : i32
        %add3A_440 = vector.broadcast %add3A_439 : i32 to vector<16xi32>
        %add3A_441 = arith.addi %min3A_402, %add3A_440 : vector<16xi32>
        %gather3A_442 = tpu.vector_load_idx %arg6[%add3A_441] : memref<5120xi32, #tpu.memory_space<vmem>>[vector<16xi32>], vector<16xi32>,
        %add3A_443 = arith.addi %add3A_433, %gather3A_442 : vector<16xi32>
        %add3A_444 = arith.constant 0 : i32
        %add3A_445 = arith.addi %add3A_444, %mul3A_394 : i32
        %shift_right_arithmetic3A = arith.constant 1 : i32
        %shift_right_arithmetic3A_446 = vector.broadcast %shift_right_arithmetic3A : i32 to vector<16xi32>
        %shift_right_arithmetic3A_447 = arith.shrsi %add3A_438, %shift_right_arithmetic3A_446 : vector<16xi32>
        %swap3A = arith.index_cast %add3A_445 : i32 to index
        %swap3A_448 = tpu.vector_load %arg8[%swap3A] {strides = array<i32>} : memref<2048xi32, #tpu.memory_space<vmem>>, vector<16xi32>,
        tpu.vector_store %arg8[%swap3A], %shift_right_arithmetic3A_447 {strides = array<i32>} : memref<2048xi32, #tpu.memory_space<vmem>>, vector<16xi32>,
        %shift_right_arithmetic3A_449 = arith.constant 1 : i32
        %shift_right_arithmetic3A_450 = vector.broadcast %shift_right_arithmetic3A_449 : i32 to vector<16xi32>
        %shift_right_arithmetic3A_451 = arith.shrsi %add3A_443, %shift_right_arithmetic3A_450 : vector<16xi32>
        %swap3A_452 = arith.index_cast %add3A_445 : i32 to index
        %swap3A_453 = tpu.vector_load %arg10[%swap3A_452] {strides = array<i32>} : memref<2048xi32, #tpu.memory_space<vmem>>, vector<16xi32>,
        tpu.vector_store %arg10[%swap3A_452], %shift_right_arithmetic3A_451 {strides = array<i32>} : memref<2048xi32, #tpu.memory_space<vmem>>, vector<16xi32>,
        %shift_left3A = arith.constant 2 : i32
        %shift_left3A_454 = vector.broadcast %shift_left3A : i32 to vector<16xi32>
        %shift_left3A_455 = arith.shli %add3A_438, %shift_left3A_454 : vector<16xi32>
        %and3A_456 = arith.constant 4 : i32
        %and3A_457 = vector.broadcast %and3A_456 : i32 to vector<16xi32>
        %and3A_458 = arith.andi %shift_left3A_455, %and3A_457 : vector<16xi32>
        %mul3A_459 = arith.constant 2 : i32
        %mul3A_460 = arith.muli %mul3A_459, %add3A_445 : i32
        %add3A_461 = arith.constant 4096 : i32
        %add3A_462 = arith.addi %add3A_461, %mul3A_460 : i32
        %swap3A_463 = arith.index_cast %add3A_462 : i32 to index
        %swap3A_464 = tpu.vector_load %arg11[%swap3A_463] {strides = array<i32>} : memref<8192xi32, #tpu.memory_space<vmem>>, vector<16xi32>,
        tpu.vector_store %arg11[%swap3A_463], %and3A_458 {strides = array<i32>} : memref<8192xi32, #tpu.memory_space<vmem>>, vector<16xi32>,
        %shift_left3A_465 = arith.constant 2 : i32
        %shift_left3A_466 = vector.broadcast %shift_left3A_465 : i32 to vector<16xi32>
        %shift_left3A_467 = arith.shli %add3A_443, %shift_left3A_466 : vector<16xi32>
        %and3A_468 = arith.constant 4 : i32
        %and3A_469 = vector.broadcast %and3A_468 : i32 to vector<16xi32>
        %and3A_470 = arith.andi %shift_left3A_467, %and3A_469 : vector<16xi32>
        %mul3A_471 = arith.constant 2 : i32
        %mul3A_472 = arith.muli %mul3A_471, %add3A_445 : i32
        %add3A_473 = arith.constant 4096 : i32
        %add3A_474 = arith.addi %add3A_473, %mul3A_472 : i32
        %add3A_475 = arith.constant 16 : i32
        %add3A_476 = arith.addi %add3A_474, %add3A_475 : i32
        %swap3A_477 = arith.index_cast %add3A_476 : i32 to index
        %swap3A_478 = tpu.vector_load %arg11[%swap3A_477] {strides = array<i32>} : memref<8192xi32, #tpu.memory_space<vmem>>, vector<16xi32>,
        tpu.vector_store %arg11[%swap3A_477], %and3A_470 {strides = array<i32>} : memref<8192xi32, #tpu.memory_space<vmem>>, vector<16xi32>,
        %add3A_479 = arith.constant 4096 : i32
        %add3A_480 = arith.addi %add3A_479, %mul3A_394 : i32
        %get3A_481 = arith.index_cast %add3A_480 : i32 to index
        %get3A_482 = tpu.vector_load %arg6[%get3A_481] {strides = array<i32>} : memref<5120xi32, #tpu.memory_space<vmem>>, vector<16xi32>,
        %mul3A_483 = arith.constant 128 : i32
        %mul3A_484 = vector.broadcast %mul3A_483 : i32 to vector<16xi32>
        %mul3A_485 = arith.muli %get3A_482, %mul3A_484 : vector<16xi32>
        %add3A_486 = arith.addi %mul3A_426, %mul3A_485 : vector<16xi32>
        %add3A_487 = arith.constant 4608 : i32
        %add3A_488 = arith.addi %add3A_487, %mul3A_394 : i32
        %get3A_489 = arith.index_cast %add3A_488 : i32 to index
        %get3A_490 = tpu.vector_load %arg6[%get3A_489] {strides = array<i32>} : memref<5120xi32, #tpu.memory_space<vmem>>, vector<16xi32>,
        %add3A_491 = arith.addi %add3A_486, %get3A_490 : vector<16xi32>
        %add3A_492 = arith.constant 4096 : i32
        %add3A_493 = vector.broadcast %add3A_492 : i32 to vector<16xi32>
        %add3A_494 = arith.addi %max3A_414, %add3A_493 : vector<16xi32>
        %gather3A_495 = tpu.vector_load_idx %arg6[%add3A_494] : memref<5120xi32, #tpu.memory_space<vmem>>[vector<16xi32>], vector<16xi32>,
        %add3A_496 = arith.addi %add3A_486, %gather3A_495 : vector<16xi32>
        %add3A_497 = arith.constant 512 : i32
        %add3A_498 = arith.addi %add3A_497, %mul3A_394 : i32
        %shift_right_arithmetic3A_499 = arith.constant 1 : i32
        %shift_right_arithmetic3A_500 = vector.broadcast %shift_right_arithmetic3A_499 : i32 to vector<16xi32>
        %shift_right_arithmetic3A_501 = arith.shrsi %add3A_491, %shift_right_arithmetic3A_500 : vector<16xi32>
        %swap3A_502 = arith.index_cast %add3A_498 : i32 to index
        %swap3A_503 = tpu.vector_load %arg8[%swap3A_502] {strides = array<i32>} : memref<2048xi32, #tpu.memory_space<vmem>>, vector<16xi32>,
        tpu.vector_store %arg8[%swap3A_502], %shift_right_arithmetic3A_501 {strides = array<i32>} : memref<2048xi32, #tpu.memory_space<vmem>>, vector<16xi32>,
        %shift_right_arithmetic3A_504 = arith.constant 1 : i32
        %shift_right_arithmetic3A_505 = vector.broadcast %shift_right_arithmetic3A_504 : i32 to vector<16xi32>
        %shift_right_arithmetic3A_506 = arith.shrsi %add3A_496, %shift_right_arithmetic3A_505 : vector<16xi32>
        %swap3A_507 = arith.index_cast %add3A_498 : i32 to index
        %swap3A_508 = tpu.vector_load %arg10[%swap3A_507] {strides = array<i32>} : memref<2048xi32, #tpu.memory_space<vmem>>, vector<16xi32>,
        tpu.vector_store %arg10[%swap3A_507], %shift_right_arithmetic3A_506 {strides = array<i32>} : memref<2048xi32, #tpu.memory_space<vmem>>, vector<16xi32>,
        %shift_left3A_509 = arith.constant 2 : i32
        %shift_left3A_510 = vector.broadcast %shift_left3A_509 : i32 to vector<16xi32>
        %shift_left3A_511 = arith.shli %add3A_491, %shift_left3A_510 : vector<16xi32>
        %and3A_512 = arith.constant 4 : i32
        %and3A_513 = vector.broadcast %and3A_512 : i32 to vector<16xi32>
        %and3A_514 = arith.andi %shift_left3A_511, %and3A_513 : vector<16xi32>
        %mul3A_515 = arith.constant 2 : i32
        %mul3A_516 = arith.muli %mul3A_515, %add3A_498 : i32
        %add3A_517 = arith.constant 4096 : i32
        %add3A_518 = arith.addi %add3A_517, %mul3A_516 : i32
        %swap3A_519 = arith.index_cast %add3A_518 : i32 to index
        %swap3A_520 = tpu.vector_load %arg11[%swap3A_519] {strides = array<i32>} : memref<8192xi32, #tpu.memory_space<vmem>>, vector<16xi32>,
        tpu.vector_store %arg11[%swap3A_519], %and3A_514 {strides = array<i32>} : memref<8192xi32, #tpu.memory_space<vmem>>, vector<16xi32>,
        %shift_left3A_521 = arith.constant 2 : i32
        %shift_left3A_522 = vector.broadcast %shift_left3A_521 : i32 to vector<16xi32>
        %shift_left3A_523 = arith.shli %add3A_496, %shift_left3A_522 : vector<16xi32>
        %and3A_524 = arith.constant 4 : i32
        %and3A_525 = vector.broadcast %and3A_524 : i32 to vector<16xi32>
        %and3A_526 = arith.andi %shift_left3A_523, %and3A_525 : vector<16xi32>
        %mul3A_527 = arith.constant 2 : i32
        %mul3A_528 = arith.muli %mul3A_527, %add3A_498 : i32
        %add3A_529 = arith.constant 4096 : i32
        %add3A_530 = arith.addi %add3A_529, %mul3A_528 : i32
        %add3A_531 = arith.constant 16 : i32
        %add3A_532 = arith.addi %add3A_530, %add3A_531 : i32
        %swap3A_533 = arith.index_cast %add3A_532 : i32 to index
        %swap3A_534 = tpu.vector_load %arg11[%swap3A_533] {strides = array<i32>} : memref<8192xi32, #tpu.memory_space<vmem>>, vector<16xi32>,
        tpu.vector_store %arg11[%swap3A_533], %and3A_526 {strides = array<i32>} : memref<8192xi32, #tpu.memory_space<vmem>>, vector<16xi32>,
        %add3A_535 = arith.constant 3584 : i32
        %add3A_536 = vector.broadcast %add3A_535 : i32 to vector<16xi32>
        %add3A_537 = arith.addi %max3A_414, %add3A_536 : vector<16xi32>
        %gather3A_538 = tpu.vector_load_idx %arg6[%add3A_537] : memref<5120xi32, #tpu.memory_space<vmem>>[vector<16xi32>], vector<16xi32>,
        %mul3A_539 = arith.constant 128 : i32
        %mul3A_540 = vector.broadcast %mul3A_539 : i32 to vector<16xi32>
        %mul3A_541 = arith.muli %gather3A_538, %mul3A_540 : vector<16xi32>
        %add3A_542 = arith.addi %mul3A_426, %mul3A_541 : vector<16xi32>
        %add3A_543 = arith.constant 3584 : i32
        %add3A_544 = vector.broadcast %add3A_543 : i32 to vector<16xi32>
        %add3A_545 = arith.addi %max3A_420, %add3A_544 : vector<16xi32>
        %gather3A_546 = tpu.vector_load_idx %arg6[%add3A_545] : memref<5120xi32, #tpu.memory_space<vmem>>[vector<16xi32>], vector<16xi32>,
        %add3A_547 = arith.addi %add3A_542, %gather3A_546 : vector<16xi32>
        %add3A_548 = arith.constant 3072 : i32
        %add3A_549 = vector.broadcast %add3A_548 : i32 to vector<16xi32>
        %add3A_550 = arith.addi %max3A_414, %add3A_549 : vector<16xi32>
        %gather3A_551 = tpu.vector_load_idx %arg6[%add3A_550] : memref<5120xi32, #tpu.memory_space<vmem>>[vector<16xi32>], vector<16xi32>,
        %add3A_552 = arith.addi %add3A_542, %gather3A_551 : vector<16xi32>
        %add3A_553 = arith.constant 1024 : i32
        %add3A_554 = arith.addi %add3A_553, %mul3A_394 : i32
        %shift_right_arithmetic3A_555 = arith.constant 1 : i32
        %shift_right_arithmetic3A_556 = vector.broadcast %shift_right_arithmetic3A_555 : i32 to vector<16xi32>
        %shift_right_arithmetic3A_557 = arith.shrsi %add3A_547, %shift_right_arithmetic3A_556 : vector<16xi32>
        %swap3A_558 = arith.index_cast %add3A_554 : i32 to index
        %swap3A_559 = tpu.vector_load %arg8[%swap3A_558] {strides = array<i32>} : memref<2048xi32, #tpu.memory_space<vmem>>, vector<16xi32>,
        tpu.vector_store %arg8[%swap3A_558], %shift_right_arithmetic3A_557 {strides = array<i32>} : memref<2048xi32, #tpu.memory_space<vmem>>, vector<16xi32>,
        %shift_right_arithmetic3A_560 = arith.constant 1 : i32
        %shift_right_arithmetic3A_561 = vector.broadcast %shift_right_arithmetic3A_560 : i32 to vector<16xi32>
        %shift_right_arithmetic3A_562 = arith.shrsi %add3A_552, %shift_right_arithmetic3A_561 : vector<16xi32>
        %swap3A_563 = arith.index_cast %add3A_554 : i32 to index
        %swap3A_564 = tpu.vector_load %arg10[%swap3A_563] {strides = array<i32>} : memref<2048xi32, #tpu.memory_space<vmem>>, vector<16xi32>,
        tpu.vector_store %arg10[%swap3A_563], %shift_right_arithmetic3A_562 {strides = array<i32>} : memref<2048xi32, #tpu.memory_space<vmem>>, vector<16xi32>,
        %shift_left3A_565 = arith.constant 2 : i32
        %shift_left3A_566 = vector.broadcast %shift_left3A_565 : i32 to vector<16xi32>
        %shift_left3A_567 = arith.shli %add3A_547, %shift_left3A_566 : vector<16xi32>
        %and3A_568 = arith.constant 4 : i32
        %and3A_569 = vector.broadcast %and3A_568 : i32 to vector<16xi32>
        %and3A_570 = arith.andi %shift_left3A_567, %and3A_569 : vector<16xi32>
        %mul3A_571 = arith.constant 2 : i32
        %mul3A_572 = arith.muli %mul3A_571, %add3A_554 : i32
        %add3A_573 = arith.constant 4096 : i32
        %add3A_574 = arith.addi %add3A_573, %mul3A_572 : i32
        %swap3A_575 = arith.index_cast %add3A_574 : i32 to index
        %swap3A_576 = tpu.vector_load %arg11[%swap3A_575] {strides = array<i32>} : memref<8192xi32, #tpu.memory_space<vmem>>, vector<16xi32>,
        tpu.vector_store %arg11[%swap3A_575], %and3A_570 {strides = array<i32>} : memref<8192xi32, #tpu.memory_space<vmem>>, vector<16xi32>,
        %shift_left3A_577 = arith.constant 2 : i32
        %shift_left3A_578 = vector.broadcast %shift_left3A_577 : i32 to vector<16xi32>
        %shift_left3A_579 = arith.shli %add3A_552, %shift_left3A_578 : vector<16xi32>
        %and3A_580 = arith.constant 4 : i32
        %and3A_581 = vector.broadcast %and3A_580 : i32 to vector<16xi32>
        %and3A_582 = arith.andi %shift_left3A_579, %and3A_581 : vector<16xi32>
        %mul3A_583 = arith.constant 2 : i32
        %mul3A_584 = arith.muli %mul3A_583, %add3A_554 : i32
        %add3A_585 = arith.constant 4096 : i32
        %add3A_586 = arith.addi %add3A_585, %mul3A_584 : i32
        %add3A_587 = arith.constant 16 : i32
        %add3A_588 = arith.addi %add3A_586, %add3A_587 : i32
        %swap3A_589 = arith.index_cast %add3A_588 : i32 to index
        %swap3A_590 = tpu.vector_load %arg11[%swap3A_589] {strides = array<i32>} : memref<8192xi32, #tpu.memory_space<vmem>>, vector<16xi32>,
        tpu.vector_store %arg11[%swap3A_589], %and3A_582 {strides = array<i32>} : memref<8192xi32, #tpu.memory_space<vmem>>, vector<16xi32>,
        %add3A_591 = arith.constant 3072 : i32
        %add3A_592 = arith.addi %add3A_591, %mul3A_394 : i32
        %get3A_593 = arith.index_cast %add3A_592 : i32 to index
        %get3A_594 = tpu.vector_load %arg6[%get3A_593] {strides = array<i32>} : memref<5120xi32, #tpu.memory_space<vmem>>, vector<16xi32>,
        %mul3A_595 = arith.constant 128 : i32
        %mul3A_596 = vector.broadcast %mul3A_595 : i32 to vector<16xi32>
        %mul3A_597 = arith.muli %get3A_594, %mul3A_596 : vector<16xi32>
        %add3A_598 = arith.addi %mul3A_426, %mul3A_597 : vector<16xi32>
        %add3A_599 = arith.constant 2560 : i32
        %add3A_600 = arith.addi %add3A_599, %mul3A_394 : i32
        %get3A_601 = arith.index_cast %add3A_600 : i32 to index
        %get3A_602 = tpu.vector_load %arg6[%get3A_601] {strides = array<i32>} : memref<5120xi32, #tpu.memory_space<vmem>>, vector<16xi32>,
        %add3A_603 = arith.addi %add3A_598, %get3A_602 : vector<16xi32>
        %add3A_604 = arith.constant 3072 : i32
        %add3A_605 = vector.broadcast %add3A_604 : i32 to vector<16xi32>
        %add3A_606 = arith.addi %min3A_402, %add3A_605 : vector<16xi32>
        %gather3A_607 = tpu.vector_load_idx %arg6[%add3A_606] : memref<5120xi32, #tpu.memory_space<vmem>>[vector<16xi32>], vector<16xi32>,
        %add3A_608 = arith.addi %add3A_598, %gather3A_607 : vector<16xi32>
        %add3A_609 = arith.constant 1536 : i32
        %add3A_610 = arith.addi %add3A_609, %mul3A_394 : i32
        %shift_right_arithmetic3A_611 = arith.constant 1 : i32
        %shift_right_arithmetic3A_612 = vector.broadcast %shift_right_arithmetic3A_611 : i32 to vector<16xi32>
        %shift_right_arithmetic3A_613 = arith.shrsi %add3A_603, %shift_right_arithmetic3A_612 : vector<16xi32>
        %swap3A_614 = arith.index_cast %add3A_610 : i32 to index
        %swap3A_615 = tpu.vector_load %arg8[%swap3A_614] {strides = array<i32>} : memref<2048xi32, #tpu.memory_space<vmem>>, vector<16xi32>,
        tpu.vector_store %arg8[%swap3A_614], %shift_right_arithmetic3A_613 {strides = array<i32>} : memref<2048xi32, #tpu.memory_space<vmem>>, vector<16xi32>,
        %shift_right_arithmetic3A_616 = arith.constant 1 : i32
        %shift_right_arithmetic3A_617 = vector.broadcast %shift_right_arithmetic3A_616 : i32 to vector<16xi32>
        %shift_right_arithmetic3A_618 = arith.shrsi %add3A_608, %shift_right_arithmetic3A_617 : vector<16xi32>
        %swap3A_619 = arith.index_cast %add3A_610 : i32 to index
        %swap3A_620 = tpu.vector_load %arg10[%swap3A_619] {strides = array<i32>} : memref<2048xi32, #tpu.memory_space<vmem>>, vector<16xi32>,
        tpu.vector_store %arg10[%swap3A_619], %shift_right_arithmetic3A_618 {strides = array<i32>} : memref<2048xi32, #tpu.memory_space<vmem>>, vector<16xi32>,
        %shift_left3A_621 = arith.constant 2 : i32
        %shift_left3A_622 = vector.broadcast %shift_left3A_621 : i32 to vector<16xi32>
        %shift_left3A_623 = arith.shli %add3A_603, %shift_left3A_622 : vector<16xi32>
        %and3A_624 = arith.constant 4 : i32
        %and3A_625 = vector.broadcast %and3A_624 : i32 to vector<16xi32>
        %and3A_626 = arith.andi %shift_left3A_623, %and3A_625 : vector<16xi32>
        %mul3A_627 = arith.constant 2 : i32
        %mul3A_628 = arith.muli %mul3A_627, %add3A_610 : i32
        %add3A_629 = arith.constant 4096 : i32
        %add3A_630 = arith.addi %add3A_629, %mul3A_628 : i32
        %swap3A_631 = arith.index_cast %add3A_630 : i32 to index
        %swap3A_632 = tpu.vector_load %arg11[%swap3A_631] {strides = array<i32>} : memref<8192xi32, #tpu.memory_space<vmem>>, vector<16xi32>,
        tpu.vector_store %arg11[%swap3A_631], %and3A_626 {strides = array<i32>} : memref<8192xi32, #tpu.memory_space<vmem>>, vector<16xi32>,
        %shift_left3A_633 = arith.constant 2 : i32
        %shift_left3A_634 = vector.broadcast %shift_left3A_633 : i32 to vector<16xi32>
        %shift_left3A_635 = arith.shli %add3A_608, %shift_left3A_634 : vector<16xi32>
        %and3A_636 = arith.constant 4 : i32
        %and3A_637 = vector.broadcast %and3A_636 : i32 to vector<16xi32>
        %and3A_638 = arith.andi %shift_left3A_635, %and3A_637 : vector<16xi32>
        %mul3A_639 = arith.constant 2 : i32
        %mul3A_640 = arith.muli %mul3A_639, %add3A_610 : i32
        %add3A_641 = arith.constant 4096 : i32
        %add3A_642 = arith.addi %add3A_641, %mul3A_640 : i32
        %add3A_643 = arith.constant 16 : i32
        %add3A_644 = arith.addi %add3A_642, %add3A_643 : i32
        %swap3A_645 = arith.index_cast %add3A_644 : i32 to index
        %swap3A_646 = tpu.vector_load %arg11[%swap3A_645] {strides = array<i32>} : memref<8192xi32, #tpu.memory_space<vmem>>, vector<16xi32>,
        tpu.vector_store %arg11[%swap3A_645], %and3A_638 {strides = array<i32>} : memref<8192xi32, #tpu.memory_space<vmem>>, vector<16xi32>,
        %scan3A_647 = arith.constant 1 : i32
        %scan3A_648 = arith.addi %scan3A_392, %scan3A_647 : i32
        %mul3A_649 = arith.constant 16 : i32
        %mul3A_650 = arith.muli %scan3A_648, %mul3A_649 : i32
        %add3A_651 = vector.broadcast %mul3A_650 : i32 to vector<16xi32>
        %add3A_652 = arith.addi %add3A_651, %iota3A : vector<16xi32>
        %add3A_653 = arith.constant 1 : i32
        %add3A_654 = vector.broadcast %add3A_653 : i32 to vector<16xi32>
        %add3A_655 = arith.addi %add3A_652, %add3A_654 : vector<16xi32>
        %min3A_656 = arith.constant 511 : i32
        %min3A_657 = vector.broadcast %min3A_656 : i32 to vector<16xi32>
        %min3A_658 = arith.minsi %add3A_655, %min3A_657 : vector<16xi32>
        %add3A_659 = arith.constant 2 : i32
        %add3A_660 = vector.broadcast %add3A_659 : i32 to vector<16xi32>
        %add3A_661 = arith.addi %add3A_652, %add3A_660 : vector<16xi32>
        %min3A_662 = arith.constant 511 : i32
        %min3A_663 = vector.broadcast %min3A_662 : i32 to vector<16xi32>
        %min3A_664 = arith.minsi %add3A_661, %min3A_663 : vector<16xi32>
        %sub3A_665 = arith.constant 1 : i32
        %sub3A_666 = vector.broadcast %sub3A_665 : i32 to vector<16xi32>
        %sub3A_667 = arith.subi %add3A_652, %sub3A_666 : vector<16xi32>
        %max3A_668 = arith.constant 0 : i32
        %max3A_669 = vector.broadcast %max3A_668 : i32 to vector<16xi32>
        %max3A_670 = arith.maxsi %sub3A_667, %max3A_669 : vector<16xi32>
        %sub3A_671 = arith.constant 2 : i32
        %sub3A_672 = vector.broadcast %sub3A_671 : i32 to vector<16xi32>
        %sub3A_673 = arith.subi %add3A_652, %sub3A_672 : vector<16xi32>
        %max3A_674 = arith.constant 0 : i32
        %max3A_675 = vector.broadcast %max3A_674 : i32 to vector<16xi32>
        %max3A_676 = arith.maxsi %sub3A_673, %max3A_675 : vector<16xi32>
        %add3A_677 = arith.constant 3584 : i32
        %add3A_678 = arith.addi %add3A_677, %mul3A_650 : i32
        %get3A_679 = arith.index_cast %add3A_678 : i32 to index
        %get3A_680 = tpu.vector_load %arg6[%get3A_679] {strides = array<i32>} : memref<5120xi32, #tpu.memory_space<vmem>>, vector<16xi32>,
        %mul3A_681 = arith.constant 16384 : i32
        %mul3A_682 = vector.broadcast %mul3A_681 : i32 to vector<16xi32>
        %mul3A_683 = arith.muli %get3A_680, %mul3A_682 : vector<16xi32>
        %add3A_684 = arith.constant 3584 : i32
        %add3A_685 = vector.broadcast %add3A_684 : i32 to vector<16xi32>
        %add3A_686 = arith.addi %min3A_658, %add3A_685 : vector<16xi32>
        %gather3A_687 = tpu.vector_load_idx %arg6[%add3A_686] : memref<5120xi32, #tpu.memory_space<vmem>>[vector<16xi32>], vector<16xi32>,
        %mul3A_688 = arith.constant 128 : i32
        %mul3A_689 = vector.broadcast %mul3A_688 : i32 to vector<16xi32>
        %mul3A_690 = arith.muli %gather3A_687, %mul3A_689 : vector<16xi32>
        %add3A_691 = arith.addi %mul3A_683, %mul3A_690 : vector<16xi32>
        %add3A_692 = arith.constant 3584 : i32
        %add3A_693 = vector.broadcast %add3A_692 : i32 to vector<16xi32>
        %add3A_694 = arith.addi %min3A_664, %add3A_693 : vector<16xi32>
        %gather3A_695 = tpu.vector_load_idx %arg6[%add3A_694] : memref<5120xi32, #tpu.memory_space<vmem>>[vector<16xi32>], vector<16xi32>,
        %add3A_696 = arith.addi %add3A_691, %gather3A_695 : vector<16xi32>
        %add3A_697 = arith.constant 4096 : i32
        %add3A_698 = vector.broadcast %add3A_697 : i32 to vector<16xi32>
        %add3A_699 = arith.addi %min3A_658, %add3A_698 : vector<16xi32>
        %gather3A_700 = tpu.vector_load_idx %arg6[%add3A_699] : memref<5120xi32, #tpu.memory_space<vmem>>[vector<16xi32>], vector<16xi32>,
        %add3A_701 = arith.addi %add3A_691, %gather3A_700 : vector<16xi32>
        %add3A_702 = arith.constant 0 : i32
        %add3A_703 = arith.addi %add3A_702, %mul3A_650 : i32
        %shift_right_arithmetic3A_704 = arith.constant 1 : i32
        %shift_right_arithmetic3A_705 = vector.broadcast %shift_right_arithmetic3A_704 : i32 to vector<16xi32>
        %shift_right_arithmetic3A_706 = arith.shrsi %add3A_696, %shift_right_arithmetic3A_705 : vector<16xi32>
        %swap3A_707 = arith.index_cast %add3A_703 : i32 to index
        %swap3A_708 = tpu.vector_load %arg8[%swap3A_707] {strides = array<i32>} : memref<2048xi32, #tpu.memory_space<vmem>>, vector<16xi32>,
        tpu.vector_store %arg8[%swap3A_707], %shift_right_arithmetic3A_706 {strides = array<i32>} : memref<2048xi32, #tpu.memory_space<vmem>>, vector<16xi32>,
        %shift_right_arithmetic3A_709 = arith.constant 1 : i32
        %shift_right_arithmetic3A_710 = vector.broadcast %shift_right_arithmetic3A_709 : i32 to vector<16xi32>
        %shift_right_arithmetic3A_711 = arith.shrsi %add3A_701, %shift_right_arithmetic3A_710 : vector<16xi32>
        %swap3A_712 = arith.index_cast %add3A_703 : i32 to index
        %swap3A_713 = tpu.vector_load %arg10[%swap3A_712] {strides = array<i32>} : memref<2048xi32, #tpu.memory_space<vmem>>, vector<16xi32>,
        tpu.vector_store %arg10[%swap3A_712], %shift_right_arithmetic3A_711 {strides = array<i32>} : memref<2048xi32, #tpu.memory_space<vmem>>, vector<16xi32>,
        %shift_left3A_714 = arith.constant 2 : i32
        %shift_left3A_715 = vector.broadcast %shift_left3A_714 : i32 to vector<16xi32>
        %shift_left3A_716 = arith.shli %add3A_696, %shift_left3A_715 : vector<16xi32>
        %and3A_717 = arith.constant 4 : i32
        %and3A_718 = vector.broadcast %and3A_717 : i32 to vector<16xi32>
        %and3A_719 = arith.andi %shift_left3A_716, %and3A_718 : vector<16xi32>
        %mul3A_720 = arith.constant 2 : i32
        %mul3A_721 = arith.muli %mul3A_720, %add3A_703 : i32
        %add3A_722 = arith.constant 4096 : i32
        %add3A_723 = arith.addi %add3A_722, %mul3A_721 : i32
        %swap3A_724 = arith.index_cast %add3A_723 : i32 to index
        %swap3A_725 = tpu.vector_load %arg11[%swap3A_724] {strides = array<i32>} : memref<8192xi32, #tpu.memory_space<vmem>>, vector<16xi32>,
        tpu.vector_store %arg11[%swap3A_724], %and3A_719 {strides = array<i32>} : memref<8192xi32, #tpu.memory_space<vmem>>, vector<16xi32>,
        %shift_left3A_726 = arith.constant 2 : i32
        %shift_left3A_727 = vector.broadcast %shift_left3A_726 : i32 to vector<16xi32>
        %shift_left3A_728 = arith.shli %add3A_701, %shift_left3A_727 : vector<16xi32>
        %and3A_729 = arith.constant 4 : i32
        %and3A_730 = vector.broadcast %and3A_729 : i32 to vector<16xi32>
        %and3A_731 = arith.andi %shift_left3A_728, %and3A_730 : vector<16xi32>
        %mul3A_732 = arith.constant 2 : i32
        %mul3A_733 = arith.muli %mul3A_732, %add3A_703 : i32
        %add3A_734 = arith.constant 4096 : i32
        %add3A_735 = arith.addi %add3A_734, %mul3A_733 : i32
        %add3A_736 = arith.constant 16 : i32
        %add3A_737 = arith.addi %add3A_735, %add3A_736 : i32
        %swap3A_738 = arith.index_cast %add3A_737 : i32 to index
        %swap3A_739 = tpu.vector_load %arg11[%swap3A_738] {strides = array<i32>} : memref<8192xi32, #tpu.memory_space<vmem>>, vector<16xi32>,
        tpu.vector_store %arg11[%swap3A_738], %and3A_731 {strides = array<i32>} : memref<8192xi32, #tpu.memory_space<vmem>>, vector<16xi32>,
        %add3A_740 = arith.constant 4096 : i32
        %add3A_741 = arith.addi %add3A_740, %mul3A_650 : i32
        %get3A_742 = arith.index_cast %add3A_741 : i32 to index
        %get3A_743 = tpu.vector_load %arg6[%get3A_742] {strides = array<i32>} : memref<5120xi32, #tpu.memory_space<vmem>>, vector<16xi32>,
        %mul3A_744 = arith.constant 128 : i32
        %mul3A_745 = vector.broadcast %mul3A_744 : i32 to vector<16xi32>
        %mul3A_746 = arith.muli %get3A_743, %mul3A_745 : vector<16xi32>
        %add3A_747 = arith.addi %mul3A_683, %mul3A_746 : vector<16xi32>
        %add3A_748 = arith.constant 4608 : i32
        %add3A_749 = arith.addi %add3A_748, %mul3A_650 : i32
        %get3A_750 = arith.index_cast %add3A_749 : i32 to index
        %get3A_751 = tpu.vector_load %arg6[%get3A_750] {strides = array<i32>} : memref<5120xi32, #tpu.memory_space<vmem>>, vector<16xi32>,
        %add3A_752 = arith.addi %add3A_747, %get3A_751 : vector<16xi32>
        %add3A_753 = arith.constant 4096 : i32
        %add3A_754 = vector.broadcast %add3A_753 : i32 to vector<16xi32>
        %add3A_755 = arith.addi %max3A_670, %add3A_754 : vector<16xi32>
        %gather3A_756 = tpu.vector_load_idx %arg6[%add3A_755] : memref<5120xi32, #tpu.memory_space<vmem>>[vector<16xi32>], vector<16xi32>,
        %add3A_757 = arith.addi %add3A_747, %gather3A_756 : vector<16xi32>
        %add3A_758 = arith.constant 512 : i32
        %add3A_759 = arith.addi %add3A_758, %mul3A_650 : i32
        %shift_right_arithmetic3A_760 = arith.constant 1 : i32
        %shift_right_arithmetic3A_761 = vector.broadcast %shift_right_arithmetic3A_760 : i32 to vector<16xi32>
        %shift_right_arithmetic3A_762 = arith.shrsi %add3A_752, %shift_right_arithmetic3A_761 : vector<16xi32>
        %swap3A_763 = arith.index_cast %add3A_759 : i32 to index
        %swap3A_764 = tpu.vector_load %arg8[%swap3A_763] {strides = array<i32>} : memref<2048xi32, #tpu.memory_space<vmem>>, vector<16xi32>,
        tpu.vector_store %arg8[%swap3A_763], %shift_right_arithmetic3A_762 {strides = array<i32>} : memref<2048xi32, #tpu.memory_space<vmem>>, vector<16xi32>,
        %shift_right_arithmetic3A_765 = arith.constant 1 : i32
        %shift_right_arithmetic3A_766 = vector.broadcast %shift_right_arithmetic3A_765 : i32 to vector<16xi32>
        %shift_right_arithmetic3A_767 = arith.shrsi %add3A_757, %shift_right_arithmetic3A_766 : vector<16xi32>
        %swap3A_768 = arith.index_cast %add3A_759 : i32 to index
        %swap3A_769 = tpu.vector_load %arg10[%swap3A_768] {strides = array<i32>} : memref<2048xi32, #tpu.memory_space<vmem>>, vector<16xi32>,
        tpu.vector_store %arg10[%swap3A_768], %shift_right_arithmetic3A_767 {strides = array<i32>} : memref<2048xi32, #tpu.memory_space<vmem>>, vector<16xi32>,
        %shift_left3A_770 = arith.constant 2 : i32
        %shift_left3A_771 = vector.broadcast %shift_left3A_770 : i32 to vector<16xi32>
        %shift_left3A_772 = arith.shli %add3A_752, %shift_left3A_771 : vector<16xi32>
        %and3A_773 = arith.constant 4 : i32
        %and3A_774 = vector.broadcast %and3A_773 : i32 to vector<16xi32>
        %and3A_775 = arith.andi %shift_left3A_772, %and3A_774 : vector<16xi32>
        %mul3A_776 = arith.constant 2 : i32
        %mul3A_777 = arith.muli %mul3A_776, %add3A_759 : i32
        %add3A_778 = arith.constant 4096 : i32
        %add3A_779 = arith.addi %add3A_778, %mul3A_777 : i32
        %swap3A_780 = arith.index_cast %add3A_779 : i32 to index
        %swap3A_781 = tpu.vector_load %arg11[%swap3A_780] {strides = array<i32>} : memref<8192xi32, #tpu.memory_space<vmem>>, vector<16xi32>,
        tpu.vector_store %arg11[%swap3A_780], %and3A_775 {strides = array<i32>} : memref<8192xi32, #tpu.memory_space<vmem>>, vector<16xi32>,
        %shift_left3A_782 = arith.constant 2 : i32
        %shift_left3A_783 = vector.broadcast %shift_left3A_782 : i32 to vector<16xi32>
        %shift_left3A_784 = arith.shli %add3A_757, %shift_left3A_783 : vector<16xi32>
        %and3A_785 = arith.constant 4 : i32
        %and3A_786 = vector.broadcast %and3A_785 : i32 to vector<16xi32>
        %and3A_787 = arith.andi %shift_left3A_784, %and3A_786 : vector<16xi32>
        %mul3A_788 = arith.constant 2 : i32
        %mul3A_789 = arith.muli %mul3A_788, %add3A_759 : i32
        %add3A_790 = arith.constant 4096 : i32
        %add3A_791 = arith.addi %add3A_790, %mul3A_789 : i32
        %add3A_792 = arith.constant 16 : i32
        %add3A_793 = arith.addi %add3A_791, %add3A_792 : i32
        %swap3A_794 = arith.index_cast %add3A_793 : i32 to index
        %swap3A_795 = tpu.vector_load %arg11[%swap3A_794] {strides = array<i32>} : memref<8192xi32, #tpu.memory_space<vmem>>, vector<16xi32>,
        tpu.vector_store %arg11[%swap3A_794], %and3A_787 {strides = array<i32>} : memref<8192xi32, #tpu.memory_space<vmem>>, vector<16xi32>,
        %add3A_796 = arith.constant 3584 : i32
        %add3A_797 = vector.broadcast %add3A_796 : i32 to vector<16xi32>
        %add3A_798 = arith.addi %max3A_670, %add3A_797 : vector<16xi32>
        %gather3A_799 = tpu.vector_load_idx %arg6[%add3A_798] : memref<5120xi32, #tpu.memory_space<vmem>>[vector<16xi32>], vector<16xi32>,
        %mul3A_800 = arith.constant 128 : i32
        %mul3A_801 = vector.broadcast %mul3A_800 : i32 to vector<16xi32>
        %mul3A_802 = arith.muli %gather3A_799, %mul3A_801 : vector<16xi32>
        %add3A_803 = arith.addi %mul3A_683, %mul3A_802 : vector<16xi32>
        %add3A_804 = arith.constant 3584 : i32
        %add3A_805 = vector.broadcast %add3A_804 : i32 to vector<16xi32>
        %add3A_806 = arith.addi %max3A_676, %add3A_805 : vector<16xi32>
        %gather3A_807 = tpu.vector_load_idx %arg6[%add3A_806] : memref<5120xi32, #tpu.memory_space<vmem>>[vector<16xi32>], vector<16xi32>,
        %add3A_808 = arith.addi %add3A_803, %gather3A_807 : vector<16xi32>
        %add3A_809 = arith.constant 3072 : i32
        %add3A_810 = vector.broadcast %add3A_809 : i32 to vector<16xi32>
        %add3A_811 = arith.addi %max3A_670, %add3A_810 : vector<16xi32>
        %gather3A_812 = tpu.vector_load_idx %arg6[%add3A_811] : memref<5120xi32, #tpu.memory_space<vmem>>[vector<16xi32>], vector<16xi32>,
        %add3A_813 = arith.addi %add3A_803, %gather3A_812 : vector<16xi32>
        %add3A_814 = arith.constant 1024 : i32
        %add3A_815 = arith.addi %add3A_814, %mul3A_650 : i32
        %shift_right_arithmetic3A_816 = arith.constant 1 : i32
        %shift_right_arithmetic3A_817 = vector.broadcast %shift_right_arithmetic3A_816 : i32 to vector<16xi32>
        %shift_right_arithmetic3A_818 = arith.shrsi %add3A_808, %shift_right_arithmetic3A_817 : vector<16xi32>
        %swap3A_819 = arith.index_cast %add3A_815 : i32 to index
        %swap3A_820 = tpu.vector_load %arg8[%swap3A_819] {strides = array<i32>} : memref<2048xi32, #tpu.memory_space<vmem>>, vector<16xi32>,
        tpu.vector_store %arg8[%swap3A_819], %shift_right_arithmetic3A_818 {strides = array<i32>} : memref<2048xi32, #tpu.memory_space<vmem>>, vector<16xi32>,
        %shift_right_arithmetic3A_821 = arith.constant 1 : i32
        %shift_right_arithmetic3A_822 = vector.broadcast %shift_right_arithmetic3A_821 : i32 to vector<16xi32>
        %shift_right_arithmetic3A_823 = arith.shrsi %add3A_813, %shift_right_arithmetic3A_822 : vector<16xi32>
        %swap3A_824 = arith.index_cast %add3A_815 : i32 to index
        %swap3A_825 = tpu.vector_load %arg10[%swap3A_824] {strides = array<i32>} : memref<2048xi32, #tpu.memory_space<vmem>>, vector<16xi32>,
        tpu.vector_store %arg10[%swap3A_824], %shift_right_arithmetic3A_823 {strides = array<i32>} : memref<2048xi32, #tpu.memory_space<vmem>>, vector<16xi32>,
        %shift_left3A_826 = arith.constant 2 : i32
        %shift_left3A_827 = vector.broadcast %shift_left3A_826 : i32 to vector<16xi32>
        %shift_left3A_828 = arith.shli %add3A_808, %shift_left3A_827 : vector<16xi32>
        %and3A_829 = arith.constant 4 : i32
        %and3A_830 = vector.broadcast %and3A_829 : i32 to vector<16xi32>
        %and3A_831 = arith.andi %shift_left3A_828, %and3A_830 : vector<16xi32>
        %mul3A_832 = arith.constant 2 : i32
        %mul3A_833 = arith.muli %mul3A_832, %add3A_815 : i32
        %add3A_834 = arith.constant 4096 : i32
        %add3A_835 = arith.addi %add3A_834, %mul3A_833 : i32
        %swap3A_836 = arith.index_cast %add3A_835 : i32 to index
        %swap3A_837 = tpu.vector_load %arg11[%swap3A_836] {strides = array<i32>} : memref<8192xi32, #tpu.memory_space<vmem>>, vector<16xi32>,
        tpu.vector_store %arg11[%swap3A_836], %and3A_831 {strides = array<i32>} : memref<8192xi32, #tpu.memory_space<vmem>>, vector<16xi32>,
        %shift_left3A_838 = arith.constant 2 : i32
        %shift_left3A_839 = vector.broadcast %shift_left3A_838 : i32 to vector<16xi32>
        %shift_left3A_840 = arith.shli %add3A_813, %shift_left3A_839 : vector<16xi32>
        %and3A_841 = arith.constant 4 : i32
        %and3A_842 = vector.broadcast %and3A_841 : i32 to vector<16xi32>
        %and3A_843 = arith.andi %shift_left3A_840, %and3A_842 : vector<16xi32>
        %mul3A_844 = arith.constant 2 : i32
        %mul3A_845 = arith.muli %mul3A_844, %add3A_815 : i32
        %add3A_846 = arith.constant 4096 : i32
        %add3A_847 = arith.addi %add3A_846, %mul3A_845 : i32
        %add3A_848 = arith.constant 16 : i32
        %add3A_849 = arith.addi %add3A_847, %add3A_848 : i32
        %swap3A_850 = arith.index_cast %add3A_849 : i32 to index
        %swap3A_851 = tpu.vector_load %arg11[%swap3A_850] {strides = array<i32>} : memref<8192xi32, #tpu.memory_space<vmem>>, vector<16xi32>,
        tpu.vector_store %arg11[%swap3A_850], %and3A_843 {strides = array<i32>} : memref<8192xi32, #tpu.memory_space<vmem>>, vector<16xi32>,
        %add3A_852 = arith.constant 3072 : i32
        %add3A_853 = arith.addi %add3A_852, %mul3A_650 : i32
        %get3A_854 = arith.index_cast %add3A_853 : i32 to index
        %get3A_855 = tpu.vector_load %arg6[%get3A_854] {strides = array<i32>} : memref<5120xi32, #tpu.memory_space<vmem>>, vector<16xi32>,
        %mul3A_856 = arith.constant 128 : i32
        %mul3A_857 = vector.broadcast %mul3A_856 : i32 to vector<16xi32>
        %mul3A_858 = arith.muli %get3A_855, %mul3A_857 : vector<16xi32>
        %add3A_859 = arith.addi %mul3A_683, %mul3A_858 : vector<16xi32>
        %add3A_860 = arith.constant 2560 : i32
        %add3A_861 = arith.addi %add3A_860, %mul3A_650 : i32
        %get3A_862 = arith.index_cast %add3A_861 : i32 to index
        %get3A_863 = tpu.vector_load %arg6[%get3A_862] {strides = array<i32>} : memref<5120xi32, #tpu.memory_space<vmem>>, vector<16xi32>,
        %add3A_864 = arith.addi %add3A_859, %get3A_863 : vector<16xi32>
        %add3A_865 = arith.constant 3072 : i32
        %add3A_866 = vector.broadcast %add3A_865 : i32 to vector<16xi32>
        %add3A_867 = arith.addi %min3A_658, %add3A_866 : vector<16xi32>
        %gather3A_868 = tpu.vector_load_idx %arg6[%add3A_867] : memref<5120xi32, #tpu.memory_space<vmem>>[vector<16xi32>], vector<16xi32>,
        %add3A_869 = arith.addi %add3A_859, %gather3A_868 : vector<16xi32>
        %add3A_870 = arith.constant 1536 : i32
        %add3A_871 = arith.addi %add3A_870, %mul3A_650 : i32
        %shift_right_arithmetic3A_872 = arith.constant 1 : i32
        %shift_right_arithmetic3A_873 = vector.broadcast %shift_right_arithmetic3A_872 : i32 to vector<16xi32>
        %shift_right_arithmetic3A_874 = arith.shrsi %add3A_864, %shift_right_arithmetic3A_873 : vector<16xi32>
        %swap3A_875 = arith.index_cast %add3A_871 : i32 to index
        %swap3A_876 = tpu.vector_load %arg8[%swap3A_875] {strides = array<i32>} : memref<2048xi32, #tpu.memory_space<vmem>>, vector<16xi32>,
        tpu.vector_store %arg8[%swap3A_875], %shift_right_arithmetic3A_874 {strides = array<i32>} : memref<2048xi32, #tpu.memory_space<vmem>>, vector<16xi32>,
        %shift_right_arithmetic3A_877 = arith.constant 1 : i32
        %shift_right_arithmetic3A_878 = vector.broadcast %shift_right_arithmetic3A_877 : i32 to vector<16xi32>
        %shift_right_arithmetic3A_879 = arith.shrsi %add3A_869, %shift_right_arithmetic3A_878 : vector<16xi32>
        %swap3A_880 = arith.index_cast %add3A_871 : i32 to index
        %swap3A_881 = tpu.vector_load %arg10[%swap3A_880] {strides = array<i32>} : memref<2048xi32, #tpu.memory_space<vmem>>, vector<16xi32>,
        tpu.vector_store %arg10[%swap3A_880], %shift_right_arithmetic3A_879 {strides = array<i32>} : memref<2048xi32, #tpu.memory_space<vmem>>, vector<16xi32>,
        %shift_left3A_882 = arith.constant 2 : i32
        %shift_left3A_883 = vector.broadcast %shift_left3A_882 : i32 to vector<16xi32>
        %shift_left3A_884 = arith.shli %add3A_864, %shift_left3A_883 : vector<16xi32>
        %and3A_885 = arith.constant 4 : i32
        %and3A_886 = vector.broadcast %and3A_885 : i32 to vector<16xi32>
        %and3A_887 = arith.andi %shift_left3A_884, %and3A_886 : vector<16xi32>
        %mul3A_888 = arith.constant 2 : i32
        %mul3A_889 = arith.muli %mul3A_888, %add3A_871 : i32
        %add3A_890 = arith.constant 4096 : i32
        %add3A_891 = arith.addi %add3A_890, %mul3A_889 : i32
        %swap3A_892 = arith.index_cast %add3A_891 : i32 to index
        %swap3A_893 = tpu.vector_load %arg11[%swap3A_892] {strides = array<i32>} : memref<8192xi32, #tpu.memory_space<vmem>>, vector<16xi32>,
        tpu.vector_store %arg11[%swap3A_892], %and3A_887 {strides = array<i32>} : memref<8192xi32, #tpu.memory_space<vmem>>, vector<16xi32>,
        %shift_left3A_894 = arith.constant 2 : i32
        %shift_left3A_895 = vector.broadcast %shift_left3A_894 : i32 to vector<16xi32>
        %shift_left3A_896 = arith.shli %add3A_869, %shift_left3A_895 : vector<16xi32>
        %and3A_897 = arith.constant 4 : i32
        %and3A_898 = vector.broadcast %and3A_897 : i32 to vector<16xi32>
        %and3A_899 = arith.andi %shift_left3A_896, %and3A_898 : vector<16xi32>
        %mul3A_900 = arith.constant 2 : i32
        %mul3A_901 = arith.muli %mul3A_900, %add3A_871 : i32
        %add3A_902 = arith.constant 4096 : i32
        %add3A_903 = arith.addi %add3A_902, %mul3A_901 : i32
        %add3A_904 = arith.constant 16 : i32
        %add3A_905 = arith.addi %add3A_903, %add3A_904 : i32
        %swap3A_906 = arith.index_cast %add3A_905 : i32 to index
        %swap3A_907 = tpu.vector_load %arg11[%swap3A_906] {strides = array<i32>} : memref<8192xi32, #tpu.memory_space<vmem>>, vector<16xi32>,
        tpu.vector_store %arg11[%swap3A_906], %and3A_899 {strides = array<i32>} : memref<8192xi32, #tpu.memory_space<vmem>>, vector<16xi32>,
      }
      %scan3A_272 = arith.constant 32 : i32
      %dma_start3A_273 = arith.constant 2048 : i32
      %dma_start3A_274 = arith.constant 0 : i32
      %dma_start3A_275 = tpu.memref_slice %arg12[%dma_start3A_273, %dma_start3A_274] : memref<4096x8xf32, #tpu.memory_space<vmem>> -> memref<2048x8xf32, #tpu.memory_space<vmem>>
      %dma_start3A_276 = arith.constant 0 : i32
      %dma_start3A_277 = arith.constant 0 : i32
      %dma_start3A_278 = tpu.memref_slice %arg3[%dma_start3A_276, %dma_start3A_277] : memref<1048576x8xf32, #tpu.memory_space<hbm>> -> memref<1048576x8xf32, #tpu.memory_space<hbm>>
      tpu.enqueue_indirect_dma source(%dma_start3A_278 : memref<1048576x8xf32, #tpu.memory_space<hbm>>) target(%dma_start3A_275 : memref<2048x8xf32, #tpu.memory_space<vmem>>) offsets(%arg8 : memref<2048xi32, #tpu.memory_space<vmem>>) semaphore(%arg18 : memref<!tpu.dma_semaphore, #tpu.memory_space<semaphore_mem>>)
      %dma_start3A_279 = arith.constant 2048 : i32
      %dma_start3A_280 = arith.constant 0 : i32
      %dma_start3A_281 = tpu.memref_slice %arg13[%dma_start3A_279, %dma_start3A_280] : memref<4096x8xf32, #tpu.memory_space<vmem>> -> memref<2048x8xf32, #tpu.memory_space<vmem>>
      %dma_start3A_282 = arith.constant 0 : i32
      %dma_start3A_283 = arith.constant 0 : i32
      %dma_start3A_284 = tpu.memref_slice %arg4[%dma_start3A_282, %dma_start3A_283] : memref<1048576x8xf32, #tpu.memory_space<hbm>> -> memref<1048576x8xf32, #tpu.memory_space<hbm>>
      tpu.enqueue_indirect_dma source(%dma_start3A_284 : memref<1048576x8xf32, #tpu.memory_space<hbm>>) target(%dma_start3A_281 : memref<2048x8xf32, #tpu.memory_space<vmem>>) offsets(%arg10 : memref<2048xi32, #tpu.memory_space<vmem>>) semaphore(%arg18 : memref<!tpu.dma_semaphore, #tpu.memory_space<semaphore_mem>>)
      %dma_wait3A_285 = arith.constant 0 : i32
      %dma_wait3A_286 = arith.constant 0 : i32
      %dma_wait3A_287 = tpu.memref_slice %arg12[%dma_wait3A_285, %dma_wait3A_286] : memref<4096x8xf32, #tpu.memory_space<vmem>> -> memref<2048x8xf32, #tpu.memory_space<vmem>>
      %dma_wait3A_288 = arith.constant 0 : i32
      %dma_wait3A_289 = arith.constant 0 : i32
      %dma_wait3A_290 = tpu.memref_slice %arg3[%dma_wait3A_288, %dma_wait3A_289] : memref<1048576x8xf32, #tpu.memory_space<hbm>> -> memref<2048x8xf32, #tpu.memory_space<hbm>>
      %dma_wait3A_291 = arith.constant 0 : i32
      %dma_wait3A_292 = arith.constant 0 : i32
      %dma_wait3A_293 = tpu.memref_slice %arg12[%dma_wait3A_291, %dma_wait3A_292] : memref<4096x8xf32, #tpu.memory_space<vmem>> -> memref<2048x8xf32, #tpu.memory_space<vmem>>
      %dma_wait3A_294 = arith.constant 0 : i32
      %dma_wait3A_295 = arith.constant 0 : i32
      %dma_wait3A_296 = tpu.memref_slice %arg3[%dma_wait3A_294, %dma_wait3A_295] : memref<1048576x8xf32, #tpu.memory_space<hbm>> -> memref<2048x8xf32, #tpu.memory_space<hbm>>
      tpu.wait_dma2 semaphore(%arg17 : memref<!tpu.dma_semaphore, #tpu.memory_space<semaphore_mem>>) src(%dma_wait3A_296 : memref<2048x8xf32, #tpu.memory_space<hbm>>) dst(%dma_wait3A_293 : memref<2048x8xf32, #tpu.memory_space<vmem>>)
      %dma_wait3A_297 = arith.constant 0 : i32
      %dma_wait3A_298 = arith.constant 0 : i32
      %dma_wait3A_299 = tpu.memref_slice %arg13[%dma_wait3A_297, %dma_wait3A_298] : memref<4096x8xf32, #tpu.memory_space<vmem>> -> memref<2048x8xf32, #tpu.memory_space<vmem>>
      %dma_wait3A_300 = arith.constant 0 : i32
      %dma_wait3A_301 = arith.constant 0 : i32
      %dma_wait3A_302 = tpu.memref_slice %arg4[%dma_wait3A_300, %dma_wait3A_301] : memref<1048576x8xf32, #tpu.memory_space<hbm>> -> memref<2048x8xf32, #tpu.memory_space<hbm>>
      %dma_wait3A_303 = arith.constant 0 : i32
      %dma_wait3A_304 = arith.constant 0 : i32
      %dma_wait3A_305 = tpu.memref_slice %arg13[%dma_wait3A_303, %dma_wait3A_304] : memref<4096x8xf32, #tpu.memory_space<vmem>> -> memref<2048x8xf32, #tpu.memory_space<vmem>>
      %dma_wait3A_306 = arith.constant 0 : i32
      %dma_wait3A_307 = arith.constant 0 : i32
      %dma_wait3A_308 = tpu.memref_slice %arg4[%dma_wait3A_306, %dma_wait3A_307] : memref<1048576x8xf32, #tpu.memory_space<hbm>> -> memref<2048x8xf32, #tpu.memory_space<hbm>>
      tpu.wait_dma2 semaphore(%arg17 : memref<!tpu.dma_semaphore, #tpu.memory_space<semaphore_mem>>) src(%dma_wait3A_308 : memref<2048x8xf32, #tpu.memory_space<hbm>>) dst(%dma_wait3A_305 : memref<2048x8xf32, #tpu.memory_space<vmem>>)
      %ge3A = arith.constant 2 : i32
      %ge3A_309 = arith.cmpi sge, %mul3A_254, %ge3A : i32
      %convert_element_type3A_310 = arith.extui %ge3A_309 : i1 to i32
      %cond3A_311 = arith.constant 0 : i32
      %cond3A_312 = arith.cmpi ne, %convert_element_type3A_310, %cond3A_311 : i32
      scf.if %cond3A_312 {
        %dma_wait3A_392 = arith.constant 0 : i32
        %dma_wait3A_393 = tpu.memref_slice %arg14[%dma_wait3A_392] : memref<4096xf32, #tpu.memory_space<vmem>> -> memref<2048xf32, #tpu.memory_space<vmem>>
        %dma_wait3A_394 = arith.constant 0 : i32
        %dma_wait3A_395 = tpu.memref_slice %arg5[%dma_wait3A_394] : memref<12582912xf32, #tpu.memory_space<hbm>> -> memref<2048xf32, #tpu.memory_space<hbm>>
        %dma_wait3A_396 = arith.constant 0 : i32
        %dma_wait3A_397 = tpu.memref_slice %arg14[%dma_wait3A_396] : memref<4096xf32, #tpu.memory_space<vmem>> -> memref<2048xf32, #tpu.memory_space<vmem>>
        %dma_wait3A_398 = arith.constant 0 : i32
        %dma_wait3A_399 = tpu.memref_slice %arg5[%dma_wait3A_398] : memref<12582912xf32, #tpu.memory_space<hbm>> -> memref<2048xf32, #tpu.memory_space<hbm>>
        tpu.wait_dma2 semaphore(%arg19 : memref<!tpu.dma_semaphore, #tpu.memory_space<semaphore_mem>>) src(%dma_wait3A_399 : memref<2048xf32, #tpu.memory_space<hbm>>) dst(%dma_wait3A_397 : memref<2048xf32, #tpu.memory_space<vmem>>)
      } else {
      }
      %scan3A_313 = arith.constant 0 : i32
      %scan3A_314 = arith.constant 0 : i32
      %scan3A_315 = arith.constant 32 : i32
      %scan3A_316 = arith.addi %scan3A_314, %scan3A_315 : i32
      %scan3A_317 = arith.constant 2 : i32
      scf.for %scan3A_392 = %scan3A_314 to %scan3A_316 step %scan3A_317  : i32 {
        %mul3A_393 = arith.constant 16 : i32
        %mul3A_394 = arith.muli %scan3A_392, %mul3A_393 : i32
        %add3A_395 = vector.broadcast %mul3A_394 : i32 to vector<16xi32>
        %add3A_396 = arith.addi %add3A_395, %iota3A : vector<16xi32>
        %broadcast_in_dim3A = arith.constant 0.000000e+00 : f32
        %broadcast_in_dim3A_397 = vector.broadcast %broadcast_in_dim3A : f32 to vector<16xf32>
        %broadcast_in_dim3A_398 = arith.constant 0.000000e+00 : f32
        %broadcast_in_dim3A_399 = vector.broadcast %broadcast_in_dim3A_398 : f32 to vector<16xf32>
        %broadcast_in_dim3A_400 = arith.constant 0.000000e+00 : f32
        %broadcast_in_dim3A_401 = vector.broadcast %broadcast_in_dim3A_400 : f32 to vector<16xf32>
        %broadcast_in_dim3A_402 = arith.constant 0.000000e+00 : f32
        %broadcast_in_dim3A_403 = vector.broadcast %broadcast_in_dim3A_402 : f32 to vector<16xf32>
        %add3A_404 = arith.constant 0 : i32
        %add3A_405 = vector.broadcast %add3A_404 : i32 to vector<16xi32>
        %add3A_406 = arith.addi %add3A_405, %add3A_396 : vector<16xi32>
        %add3A_407 = arith.constant 0 : i32
        %add3A_408 = arith.addi %add3A_407, %mul3A_394 : i32
        %mul3A_409 = arith.constant 2 : i32
        %mul3A_410 = arith.muli %mul3A_409, %add3A_408 : i32
        %add3A_411 = arith.constant 0 : i32
        %add3A_412 = arith.addi %add3A_411, %mul3A_410 : i32
        %get3A = arith.index_cast %add3A_412 : i32 to index
        %get3A_413 = tpu.vector_load %arg11[%get3A] {strides = array<i32>} : memref<8192xi32, #tpu.memory_space<vmem>>, vector<16xi32>,
        %add3A_414 = arith.constant 16 : i32
        %add3A_415 = arith.addi %add3A_412, %add3A_414 : i32
        %get3A_416 = arith.index_cast %add3A_415 : i32 to index
        %get3A_417 = tpu.vector_load %arg11[%get3A_416] {strides = array<i32>} : memref<8192xi32, #tpu.memory_space<vmem>>, vector<16xi32>,
        %add3A_418 = arith.constant 0 : i32
        %add3A_419 = vector.broadcast %add3A_418 : i32 to vector<16xi32>
        %add3A_420 = arith.addi %get3A_413, %add3A_419 : vector<16xi32>
        %gather3A = tpu.vector_load_idx %arg12[%add3A_406, %add3A_420] : memref<4096x8xf32, #tpu.memory_space<vmem>>[vector<16xi32>, vector<16xi32>], vector<16xf32>,
        %add3A_421 = arith.constant 0 : i32
        %add3A_422 = vector.broadcast %add3A_421 : i32 to vector<16xi32>
        %add3A_423 = arith.addi %get3A_417, %add3A_422 : vector<16xi32>
        %gather3A_424 = tpu.vector_load_idx %arg13[%add3A_406, %add3A_423] : memref<4096x8xf32, #tpu.memory_space<vmem>>[vector<16xi32>, vector<16xi32>], vector<16xf32>,
        %add3A_425 = arith.addf %gather3A, %gather3A_424 : vector<16xf32>
        %add3A_426 = arith.addf %broadcast_in_dim3A_397, %add3A_425 : vector<16xf32>
        %add3A_427 = arith.constant 1 : i32
        %add3A_428 = vector.broadcast %add3A_427 : i32 to vector<16xi32>
        %add3A_429 = arith.addi %get3A_413, %add3A_428 : vector<16xi32>
        %gather3A_430 = tpu.vector_load_idx %arg12[%add3A_406, %add3A_429] : memref<4096x8xf32, #tpu.memory_space<vmem>>[vector<16xi32>, vector<16xi32>], vector<16xf32>,
        %add3A_431 = arith.constant 1 : i32
        %add3A_432 = vector.broadcast %add3A_431 : i32 to vector<16xi32>
        %add3A_433 = arith.addi %get3A_417, %add3A_432 : vector<16xi32>
        %gather3A_434 = tpu.vector_load_idx %arg13[%add3A_406, %add3A_433] : memref<4096x8xf32, #tpu.memory_space<vmem>>[vector<16xi32>, vector<16xi32>], vector<16xf32>,
        %add3A_435 = arith.addf %gather3A_430, %gather3A_434 : vector<16xf32>
        %add3A_436 = arith.addf %broadcast_in_dim3A_399, %add3A_435 : vector<16xf32>
        %add3A_437 = arith.constant 2 : i32
        %add3A_438 = vector.broadcast %add3A_437 : i32 to vector<16xi32>
        %add3A_439 = arith.addi %get3A_413, %add3A_438 : vector<16xi32>
        %gather3A_440 = tpu.vector_load_idx %arg12[%add3A_406, %add3A_439] : memref<4096x8xf32, #tpu.memory_space<vmem>>[vector<16xi32>, vector<16xi32>], vector<16xf32>,
        %add3A_441 = arith.constant 2 : i32
        %add3A_442 = vector.broadcast %add3A_441 : i32 to vector<16xi32>
        %add3A_443 = arith.addi %get3A_417, %add3A_442 : vector<16xi32>
        %gather3A_444 = tpu.vector_load_idx %arg13[%add3A_406, %add3A_443] : memref<4096x8xf32, #tpu.memory_space<vmem>>[vector<16xi32>, vector<16xi32>], vector<16xf32>,
        %add3A_445 = arith.addf %gather3A_440, %gather3A_444 : vector<16xf32>
        %add3A_446 = arith.addf %broadcast_in_dim3A_401, %add3A_445 : vector<16xf32>
        %add3A_447 = arith.constant 3 : i32
        %add3A_448 = vector.broadcast %add3A_447 : i32 to vector<16xi32>
        %add3A_449 = arith.addi %get3A_413, %add3A_448 : vector<16xi32>
        %gather3A_450 = tpu.vector_load_idx %arg12[%add3A_406, %add3A_449] : memref<4096x8xf32, #tpu.memory_space<vmem>>[vector<16xi32>, vector<16xi32>], vector<16xf32>,
        %add3A_451 = arith.constant 3 : i32
        %add3A_452 = vector.broadcast %add3A_451 : i32 to vector<16xi32>
        %add3A_453 = arith.addi %get3A_417, %add3A_452 : vector<16xi32>
        %gather3A_454 = tpu.vector_load_idx %arg13[%add3A_406, %add3A_453] : memref<4096x8xf32, #tpu.memory_space<vmem>>[vector<16xi32>, vector<16xi32>], vector<16xf32>,
        %add3A_455 = arith.addf %gather3A_450, %gather3A_454 : vector<16xf32>
        %add3A_456 = arith.addf %broadcast_in_dim3A_403, %add3A_455 : vector<16xf32>
        %add3A_457 = arith.constant 512 : i32
        %add3A_458 = vector.broadcast %add3A_457 : i32 to vector<16xi32>
        %add3A_459 = arith.addi %add3A_458, %add3A_396 : vector<16xi32>
        %add3A_460 = arith.constant 512 : i32
        %add3A_461 = arith.addi %add3A_460, %mul3A_394 : i32
        %mul3A_462 = arith.constant 2 : i32
        %mul3A_463 = arith.muli %mul3A_462, %add3A_461 : i32
        %add3A_464 = arith.constant 0 : i32
        %add3A_465 = arith.addi %add3A_464, %mul3A_463 : i32
        %get3A_466 = arith.index_cast %add3A_465 : i32 to index
        %get3A_467 = tpu.vector_load %arg11[%get3A_466] {strides = array<i32>} : memref<8192xi32, #tpu.memory_space<vmem>>, vector<16xi32>,
        %add3A_468 = arith.constant 16 : i32
        %add3A_469 = arith.addi %add3A_465, %add3A_468 : i32
        %get3A_470 = arith.index_cast %add3A_469 : i32 to index
        %get3A_471 = tpu.vector_load %arg11[%get3A_470] {strides = array<i32>} : memref<8192xi32, #tpu.memory_space<vmem>>, vector<16xi32>,
        %add3A_472 = arith.constant 2 : i32
        %add3A_473 = vector.broadcast %add3A_472 : i32 to vector<16xi32>
        %add3A_474 = arith.addi %get3A_467, %add3A_473 : vector<16xi32>
        %gather3A_475 = tpu.vector_load_idx %arg12[%add3A_459, %add3A_474] : memref<4096x8xf32, #tpu.memory_space<vmem>>[vector<16xi32>, vector<16xi32>], vector<16xf32>,
        %add3A_476 = arith.constant 2 : i32
        %add3A_477 = vector.broadcast %add3A_476 : i32 to vector<16xi32>
        %add3A_478 = arith.addi %get3A_471, %add3A_477 : vector<16xi32>
        %gather3A_479 = tpu.vector_load_idx %arg13[%add3A_459, %add3A_478] : memref<4096x8xf32, #tpu.memory_space<vmem>>[vector<16xi32>, vector<16xi32>], vector<16xf32>,
        %add3A_480 = arith.addf %gather3A_475, %gather3A_479 : vector<16xf32>
        %add3A_481 = arith.addf %add3A_426, %add3A_480 : vector<16xf32>
        %add3A_482 = arith.constant 0 : i32
        %add3A_483 = vector.broadcast %add3A_482 : i32 to vector<16xi32>
        %add3A_484 = arith.addi %get3A_467, %add3A_483 : vector<16xi32>
        %gather3A_485 = tpu.vector_load_idx %arg12[%add3A_459, %add3A_484] : memref<4096x8xf32, #tpu.memory_space<vmem>>[vector<16xi32>, vector<16xi32>], vector<16xf32>,
        %add3A_486 = arith.constant 0 : i32
        %add3A_487 = vector.broadcast %add3A_486 : i32 to vector<16xi32>
        %add3A_488 = arith.addi %get3A_471, %add3A_487 : vector<16xi32>
        %gather3A_489 = tpu.vector_load_idx %arg13[%add3A_459, %add3A_488] : memref<4096x8xf32, #tpu.memory_space<vmem>>[vector<16xi32>, vector<16xi32>], vector<16xf32>,
        %add3A_490 = arith.addf %gather3A_485, %gather3A_489 : vector<16xf32>
        %add3A_491 = arith.addf %add3A_436, %add3A_490 : vector<16xf32>
        %add3A_492 = arith.constant 3 : i32
        %add3A_493 = vector.broadcast %add3A_492 : i32 to vector<16xi32>
        %add3A_494 = arith.addi %get3A_467, %add3A_493 : vector<16xi32>
        %gather3A_495 = tpu.vector_load_idx %arg12[%add3A_459, %add3A_494] : memref<4096x8xf32, #tpu.memory_space<vmem>>[vector<16xi32>, vector<16xi32>], vector<16xf32>,
        %add3A_496 = arith.constant 3 : i32
        %add3A_497 = vector.broadcast %add3A_496 : i32 to vector<16xi32>
        %add3A_498 = arith.addi %get3A_471, %add3A_497 : vector<16xi32>
        %gather3A_499 = tpu.vector_load_idx %arg13[%add3A_459, %add3A_498] : memref<4096x8xf32, #tpu.memory_space<vmem>>[vector<16xi32>, vector<16xi32>], vector<16xf32>,
        %add3A_500 = arith.addf %gather3A_495, %gather3A_499 : vector<16xf32>
        %add3A_501 = arith.addf %add3A_446, %add3A_500 : vector<16xf32>
        %add3A_502 = arith.constant 1 : i32
        %add3A_503 = vector.broadcast %add3A_502 : i32 to vector<16xi32>
        %add3A_504 = arith.addi %get3A_467, %add3A_503 : vector<16xi32>
        %gather3A_505 = tpu.vector_load_idx %arg12[%add3A_459, %add3A_504] : memref<4096x8xf32, #tpu.memory_space<vmem>>[vector<16xi32>, vector<16xi32>], vector<16xf32>,
        %add3A_506 = arith.constant 1 : i32
        %add3A_507 = vector.broadcast %add3A_506 : i32 to vector<16xi32>
        %add3A_508 = arith.addi %get3A_471, %add3A_507 : vector<16xi32>
        %gather3A_509 = tpu.vector_load_idx %arg13[%add3A_459, %add3A_508] : memref<4096x8xf32, #tpu.memory_space<vmem>>[vector<16xi32>, vector<16xi32>], vector<16xf32>,
        %add3A_510 = arith.addf %gather3A_505, %gather3A_509 : vector<16xf32>
        %add3A_511 = arith.addf %add3A_456, %add3A_510 : vector<16xf32>
        %add3A_512 = arith.constant 1024 : i32
        %add3A_513 = vector.broadcast %add3A_512 : i32 to vector<16xi32>
        %add3A_514 = arith.addi %add3A_513, %add3A_396 : vector<16xi32>
        %add3A_515 = arith.constant 1024 : i32
        %add3A_516 = arith.addi %add3A_515, %mul3A_394 : i32
        %mul3A_517 = arith.constant 2 : i32
        %mul3A_518 = arith.muli %mul3A_517, %add3A_516 : i32
        %add3A_519 = arith.constant 0 : i32
        %add3A_520 = arith.addi %add3A_519, %mul3A_518 : i32
        %get3A_521 = arith.index_cast %add3A_520 : i32 to index
        %get3A_522 = tpu.vector_load %arg11[%get3A_521] {strides = array<i32>} : memref<8192xi32, #tpu.memory_space<vmem>>, vector<16xi32>,
        %add3A_523 = arith.constant 16 : i32
        %add3A_524 = arith.addi %add3A_520, %add3A_523 : i32
        %get3A_525 = arith.index_cast %add3A_524 : i32 to index
        %get3A_526 = tpu.vector_load %arg11[%get3A_525] {strides = array<i32>} : memref<8192xi32, #tpu.memory_space<vmem>>, vector<16xi32>,
        %add3A_527 = arith.constant 3 : i32
        %add3A_528 = vector.broadcast %add3A_527 : i32 to vector<16xi32>
        %add3A_529 = arith.addi %get3A_522, %add3A_528 : vector<16xi32>
        %gather3A_530 = tpu.vector_load_idx %arg12[%add3A_514, %add3A_529] : memref<4096x8xf32, #tpu.memory_space<vmem>>[vector<16xi32>, vector<16xi32>], vector<16xf32>,
        %add3A_531 = arith.constant 3 : i32
        %add3A_532 = vector.broadcast %add3A_531 : i32 to vector<16xi32>
        %add3A_533 = arith.addi %get3A_526, %add3A_532 : vector<16xi32>
        %gather3A_534 = tpu.vector_load_idx %arg13[%add3A_514, %add3A_533] : memref<4096x8xf32, #tpu.memory_space<vmem>>[vector<16xi32>, vector<16xi32>], vector<16xf32>,
        %add3A_535 = arith.addf %gather3A_530, %gather3A_534 : vector<16xf32>
        %add3A_536 = arith.addf %add3A_481, %add3A_535 : vector<16xf32>
        %add3A_537 = arith.constant 2 : i32
        %add3A_538 = vector.broadcast %add3A_537 : i32 to vector<16xi32>
        %add3A_539 = arith.addi %get3A_522, %add3A_538 : vector<16xi32>
        %gather3A_540 = tpu.vector_load_idx %arg12[%add3A_514, %add3A_539] : memref<4096x8xf32, #tpu.memory_space<vmem>>[vector<16xi32>, vector<16xi32>], vector<16xf32>,
        %add3A_541 = arith.constant 2 : i32
        %add3A_542 = vector.broadcast %add3A_541 : i32 to vector<16xi32>
        %add3A_543 = arith.addi %get3A_526, %add3A_542 : vector<16xi32>
        %gather3A_544 = tpu.vector_load_idx %arg13[%add3A_514, %add3A_543] : memref<4096x8xf32, #tpu.memory_space<vmem>>[vector<16xi32>, vector<16xi32>], vector<16xf32>,
        %add3A_545 = arith.addf %gather3A_540, %gather3A_544 : vector<16xf32>
        %add3A_546 = arith.addf %add3A_491, %add3A_545 : vector<16xf32>
        %add3A_547 = arith.constant 1 : i32
        %add3A_548 = vector.broadcast %add3A_547 : i32 to vector<16xi32>
        %add3A_549 = arith.addi %get3A_522, %add3A_548 : vector<16xi32>
        %gather3A_550 = tpu.vector_load_idx %arg12[%add3A_514, %add3A_549] : memref<4096x8xf32, #tpu.memory_space<vmem>>[vector<16xi32>, vector<16xi32>], vector<16xf32>,
        %add3A_551 = arith.constant 1 : i32
        %add3A_552 = vector.broadcast %add3A_551 : i32 to vector<16xi32>
        %add3A_553 = arith.addi %get3A_526, %add3A_552 : vector<16xi32>
        %gather3A_554 = tpu.vector_load_idx %arg13[%add3A_514, %add3A_553] : memref<4096x8xf32, #tpu.memory_space<vmem>>[vector<16xi32>, vector<16xi32>], vector<16xf32>,
        %add3A_555 = arith.addf %gather3A_550, %gather3A_554 : vector<16xf32>
        %add3A_556 = arith.addf %add3A_501, %add3A_555 : vector<16xf32>
        %add3A_557 = arith.constant 0 : i32
        %add3A_558 = vector.broadcast %add3A_557 : i32 to vector<16xi32>
        %add3A_559 = arith.addi %get3A_522, %add3A_558 : vector<16xi32>
        %gather3A_560 = tpu.vector_load_idx %arg12[%add3A_514, %add3A_559] : memref<4096x8xf32, #tpu.memory_space<vmem>>[vector<16xi32>, vector<16xi32>], vector<16xf32>,
        %add3A_561 = arith.constant 0 : i32
        %add3A_562 = vector.broadcast %add3A_561 : i32 to vector<16xi32>
        %add3A_563 = arith.addi %get3A_526, %add3A_562 : vector<16xi32>
        %gather3A_564 = tpu.vector_load_idx %arg13[%add3A_514, %add3A_563] : memref<4096x8xf32, #tpu.memory_space<vmem>>[vector<16xi32>, vector<16xi32>], vector<16xf32>,
        %add3A_565 = arith.addf %gather3A_560, %gather3A_564 : vector<16xf32>
        %add3A_566 = arith.addf %add3A_511, %add3A_565 : vector<16xf32>
        %add3A_567 = arith.constant 1536 : i32
        %add3A_568 = vector.broadcast %add3A_567 : i32 to vector<16xi32>
        %add3A_569 = arith.addi %add3A_568, %add3A_396 : vector<16xi32>
        %add3A_570 = arith.constant 1536 : i32
        %add3A_571 = arith.addi %add3A_570, %mul3A_394 : i32
        %mul3A_572 = arith.constant 2 : i32
        %mul3A_573 = arith.muli %mul3A_572, %add3A_571 : i32
        %add3A_574 = arith.constant 0 : i32
        %add3A_575 = arith.addi %add3A_574, %mul3A_573 : i32
        %get3A_576 = arith.index_cast %add3A_575 : i32 to index
        %get3A_577 = tpu.vector_load %arg11[%get3A_576] {strides = array<i32>} : memref<8192xi32, #tpu.memory_space<vmem>>, vector<16xi32>,
        %add3A_578 = arith.constant 16 : i32
        %add3A_579 = arith.addi %add3A_575, %add3A_578 : i32
        %get3A_580 = arith.index_cast %add3A_579 : i32 to index
        %get3A_581 = tpu.vector_load %arg11[%get3A_580] {strides = array<i32>} : memref<8192xi32, #tpu.memory_space<vmem>>, vector<16xi32>,
        %add3A_582 = arith.constant 1 : i32
        %add3A_583 = vector.broadcast %add3A_582 : i32 to vector<16xi32>
        %add3A_584 = arith.addi %get3A_577, %add3A_583 : vector<16xi32>
        %gather3A_585 = tpu.vector_load_idx %arg12[%add3A_569, %add3A_584] : memref<4096x8xf32, #tpu.memory_space<vmem>>[vector<16xi32>, vector<16xi32>], vector<16xf32>,
        %add3A_586 = arith.constant 1 : i32
        %add3A_587 = vector.broadcast %add3A_586 : i32 to vector<16xi32>
        %add3A_588 = arith.addi %get3A_581, %add3A_587 : vector<16xi32>
        %gather3A_589 = tpu.vector_load_idx %arg13[%add3A_569, %add3A_588] : memref<4096x8xf32, #tpu.memory_space<vmem>>[vector<16xi32>, vector<16xi32>], vector<16xf32>,
        %add3A_590 = arith.addf %gather3A_585, %gather3A_589 : vector<16xf32>
        %add3A_591 = arith.addf %add3A_536, %add3A_590 : vector<16xf32>
        %add3A_592 = arith.constant 3 : i32
        %add3A_593 = vector.broadcast %add3A_592 : i32 to vector<16xi32>
        %add3A_594 = arith.addi %get3A_577, %add3A_593 : vector<16xi32>
        %gather3A_595 = tpu.vector_load_idx %arg12[%add3A_569, %add3A_594] : memref<4096x8xf32, #tpu.memory_space<vmem>>[vector<16xi32>, vector<16xi32>], vector<16xf32>,
        %add3A_596 = arith.constant 3 : i32
        %add3A_597 = vector.broadcast %add3A_596 : i32 to vector<16xi32>
        %add3A_598 = arith.addi %get3A_581, %add3A_597 : vector<16xi32>
        %gather3A_599 = tpu.vector_load_idx %arg13[%add3A_569, %add3A_598] : memref<4096x8xf32, #tpu.memory_space<vmem>>[vector<16xi32>, vector<16xi32>], vector<16xf32>,
        %add3A_600 = arith.addf %gather3A_595, %gather3A_599 : vector<16xf32>
        %add3A_601 = arith.addf %add3A_546, %add3A_600 : vector<16xf32>
        %add3A_602 = arith.constant 0 : i32
        %add3A_603 = vector.broadcast %add3A_602 : i32 to vector<16xi32>
        %add3A_604 = arith.addi %get3A_577, %add3A_603 : vector<16xi32>
        %gather3A_605 = tpu.vector_load_idx %arg12[%add3A_569, %add3A_604] : memref<4096x8xf32, #tpu.memory_space<vmem>>[vector<16xi32>, vector<16xi32>], vector<16xf32>,
        %add3A_606 = arith.constant 0 : i32
        %add3A_607 = vector.broadcast %add3A_606 : i32 to vector<16xi32>
        %add3A_608 = arith.addi %get3A_581, %add3A_607 : vector<16xi32>
        %gather3A_609 = tpu.vector_load_idx %arg13[%add3A_569, %add3A_608] : memref<4096x8xf32, #tpu.memory_space<vmem>>[vector<16xi32>, vector<16xi32>], vector<16xf32>,
        %add3A_610 = arith.addf %gather3A_605, %gather3A_609 : vector<16xf32>
        %add3A_611 = arith.addf %add3A_556, %add3A_610 : vector<16xf32>
        %add3A_612 = arith.constant 2 : i32
        %add3A_613 = vector.broadcast %add3A_612 : i32 to vector<16xi32>
        %add3A_614 = arith.addi %get3A_577, %add3A_613 : vector<16xi32>
        %gather3A_615 = tpu.vector_load_idx %arg12[%add3A_569, %add3A_614] : memref<4096x8xf32, #tpu.memory_space<vmem>>[vector<16xi32>, vector<16xi32>], vector<16xf32>,
        %add3A_616 = arith.constant 2 : i32
        %add3A_617 = vector.broadcast %add3A_616 : i32 to vector<16xi32>
        %add3A_618 = arith.addi %get3A_581, %add3A_617 : vector<16xi32>
        %gather3A_619 = tpu.vector_load_idx %arg13[%add3A_569, %add3A_618] : memref<4096x8xf32, #tpu.memory_space<vmem>>[vector<16xi32>, vector<16xi32>], vector<16xf32>,
        %add3A_620 = arith.addf %gather3A_615, %gather3A_619 : vector<16xf32>
        %add3A_621 = arith.addf %add3A_566, %add3A_620 : vector<16xf32>
        %mul3A_622 = arith.constant 2 : i32
        %mul3A_623 = vector.broadcast %mul3A_622 : i32 to vector<16xi32>
        %mul3A_624 = arith.muli %add3A_396, %mul3A_623 : vector<16xi32>
        %add3A_625 = arith.constant 0 : i32
        %add3A_626 = vector.broadcast %add3A_625 : i32 to vector<16xi32>
        %add3A_627 = arith.addi %add3A_626, %mul3A_624 : vector<16xi32>
        %mul3A_628 = arith.constant 5.000000e-01 : f32
        %mul3A_629 = vector.broadcast %mul3A_628 : f32 to vector<16xf32>
        %mul3A_630 = arith.mulf %add3A_591, %mul3A_629 : vector<16xf32>
        tpu.vector_store_idx %arg14[%add3A_627], %mul3A_630 : memref<4096xf32, #tpu.memory_space<vmem>>[vector<16xi32>], vector<16xf32>,
        %add3A_631 = arith.constant 1 : i32
        %add3A_632 = vector.broadcast %add3A_631 : i32 to vector<16xi32>
        %add3A_633 = arith.addi %add3A_627, %add3A_632 : vector<16xi32>
        %mul3A_634 = arith.constant 5.000000e-01 : f32
        %mul3A_635 = vector.broadcast %mul3A_634 : f32 to vector<16xf32>
        %mul3A_636 = arith.mulf %add3A_601, %mul3A_635 : vector<16xf32>
        tpu.vector_store_idx %arg14[%add3A_633], %mul3A_636 : memref<4096xf32, #tpu.memory_space<vmem>>[vector<16xi32>], vector<16xf32>,
        %add3A_637 = arith.constant 1024 : i32
        %add3A_638 = vector.broadcast %add3A_637 : i32 to vector<16xi32>
        %add3A_639 = arith.addi %add3A_627, %add3A_638 : vector<16xi32>
        %mul3A_640 = arith.constant 5.000000e-01 : f32
        %mul3A_641 = vector.broadcast %mul3A_640 : f32 to vector<16xf32>
        %mul3A_642 = arith.mulf %add3A_611, %mul3A_641 : vector<16xf32>
        tpu.vector_store_idx %arg14[%add3A_639], %mul3A_642 : memref<4096xf32, #tpu.memory_space<vmem>>[vector<16xi32>], vector<16xf32>,
        %add3A_643 = arith.constant 1025 : i32
        %add3A_644 = vector.broadcast %add3A_643 : i32 to vector<16xi32>
        %add3A_645 = arith.addi %add3A_627, %add3A_644 : vector<16xi32>
        %mul3A_646 = arith.constant 5.000000e-01 : f32
        %mul3A_647 = vector.broadcast %mul3A_646 : f32 to vector<16xf32>
        %mul3A_648 = arith.mulf %add3A_621, %mul3A_647 : vector<16xf32>
        tpu.vector_store_idx %arg14[%add3A_645], %mul3A_648 : memref<4096xf32, #tpu.memory_space<vmem>>[vector<16xi32>], vector<16xf32>,
        %scan3A_649 = arith.constant 1 : i32
        %scan3A_650 = arith.addi %scan3A_392, %scan3A_649 : i32
        %mul3A_651 = arith.constant 16 : i32
        %mul3A_652 = arith.muli %scan3A_650, %mul3A_651 : i32
        %add3A_653 = vector.broadcast %mul3A_652 : i32 to vector<16xi32>
        %add3A_654 = arith.addi %add3A_653, %iota3A : vector<16xi32>
        %broadcast_in_dim3A_655 = arith.constant 0.000000e+00 : f32
        %broadcast_in_dim3A_656 = vector.broadcast %broadcast_in_dim3A_655 : f32 to vector<16xf32>
        %broadcast_in_dim3A_657 = arith.constant 0.000000e+00 : f32
        %broadcast_in_dim3A_658 = vector.broadcast %broadcast_in_dim3A_657 : f32 to vector<16xf32>
        %broadcast_in_dim3A_659 = arith.constant 0.000000e+00 : f32
        %broadcast_in_dim3A_660 = vector.broadcast %broadcast_in_dim3A_659 : f32 to vector<16xf32>
        %broadcast_in_dim3A_661 = arith.constant 0.000000e+00 : f32
        %broadcast_in_dim3A_662 = vector.broadcast %broadcast_in_dim3A_661 : f32 to vector<16xf32>
        %add3A_663 = arith.constant 0 : i32
        %add3A_664 = vector.broadcast %add3A_663 : i32 to vector<16xi32>
        %add3A_665 = arith.addi %add3A_664, %add3A_654 : vector<16xi32>
        %add3A_666 = arith.constant 0 : i32
        %add3A_667 = arith.addi %add3A_666, %mul3A_652 : i32
        %mul3A_668 = arith.constant 2 : i32
        %mul3A_669 = arith.muli %mul3A_668, %add3A_667 : i32
        %add3A_670 = arith.constant 0 : i32
        %add3A_671 = arith.addi %add3A_670, %mul3A_669 : i32
        %get3A_672 = arith.index_cast %add3A_671 : i32 to index
        %get3A_673 = tpu.vector_load %arg11[%get3A_672] {strides = array<i32>} : memref<8192xi32, #tpu.memory_space<vmem>>, vector<16xi32>,
        %add3A_674 = arith.constant 16 : i32
        %add3A_675 = arith.addi %add3A_671, %add3A_674 : i32
        %get3A_676 = arith.index_cast %add3A_675 : i32 to index
        %get3A_677 = tpu.vector_load %arg11[%get3A_676] {strides = array<i32>} : memref<8192xi32, #tpu.memory_space<vmem>>, vector<16xi32>,
        %add3A_678 = arith.constant 0 : i32
        %add3A_679 = vector.broadcast %add3A_678 : i32 to vector<16xi32>
        %add3A_680 = arith.addi %get3A_673, %add3A_679 : vector<16xi32>
        %gather3A_681 = tpu.vector_load_idx %arg12[%add3A_665, %add3A_680] : memref<4096x8xf32, #tpu.memory_space<vmem>>[vector<16xi32>, vector<16xi32>], vector<16xf32>,
        %add3A_682 = arith.constant 0 : i32
        %add3A_683 = vector.broadcast %add3A_682 : i32 to vector<16xi32>
        %add3A_684 = arith.addi %get3A_677, %add3A_683 : vector<16xi32>
        %gather3A_685 = tpu.vector_load_idx %arg13[%add3A_665, %add3A_684] : memref<4096x8xf32, #tpu.memory_space<vmem>>[vector<16xi32>, vector<16xi32>], vector<16xf32>,
        %add3A_686 = arith.addf %gather3A_681, %gather3A_685 : vector<16xf32>
        %add3A_687 = arith.addf %broadcast_in_dim3A_656, %add3A_686 : vector<16xf32>
        %add3A_688 = arith.constant 1 : i32
        %add3A_689 = vector.broadcast %add3A_688 : i32 to vector<16xi32>
        %add3A_690 = arith.addi %get3A_673, %add3A_689 : vector<16xi32>
        %gather3A_691 = tpu.vector_load_idx %arg12[%add3A_665, %add3A_690] : memref<4096x8xf32, #tpu.memory_space<vmem>>[vector<16xi32>, vector<16xi32>], vector<16xf32>,
        %add3A_692 = arith.constant 1 : i32
        %add3A_693 = vector.broadcast %add3A_692 : i32 to vector<16xi32>
        %add3A_694 = arith.addi %get3A_677, %add3A_693 : vector<16xi32>
        %gather3A_695 = tpu.vector_load_idx %arg13[%add3A_665, %add3A_694] : memref<4096x8xf32, #tpu.memory_space<vmem>>[vector<16xi32>, vector<16xi32>], vector<16xf32>,
        %add3A_696 = arith.addf %gather3A_691, %gather3A_695 : vector<16xf32>
        %add3A_697 = arith.addf %broadcast_in_dim3A_658, %add3A_696 : vector<16xf32>
        %add3A_698 = arith.constant 2 : i32
        %add3A_699 = vector.broadcast %add3A_698 : i32 to vector<16xi32>
        %add3A_700 = arith.addi %get3A_673, %add3A_699 : vector<16xi32>
        %gather3A_701 = tpu.vector_load_idx %arg12[%add3A_665, %add3A_700] : memref<4096x8xf32, #tpu.memory_space<vmem>>[vector<16xi32>, vector<16xi32>], vector<16xf32>,
        %add3A_702 = arith.constant 2 : i32
        %add3A_703 = vector.broadcast %add3A_702 : i32 to vector<16xi32>
        %add3A_704 = arith.addi %get3A_677, %add3A_703 : vector<16xi32>
        %gather3A_705 = tpu.vector_load_idx %arg13[%add3A_665, %add3A_704] : memref<4096x8xf32, #tpu.memory_space<vmem>>[vector<16xi32>, vector<16xi32>], vector<16xf32>,
        %add3A_706 = arith.addf %gather3A_701, %gather3A_705 : vector<16xf32>
        %add3A_707 = arith.addf %broadcast_in_dim3A_660, %add3A_706 : vector<16xf32>
        %add3A_708 = arith.constant 3 : i32
        %add3A_709 = vector.broadcast %add3A_708 : i32 to vector<16xi32>
        %add3A_710 = arith.addi %get3A_673, %add3A_709 : vector<16xi32>
        %gather3A_711 = tpu.vector_load_idx %arg12[%add3A_665, %add3A_710] : memref<4096x8xf32, #tpu.memory_space<vmem>>[vector<16xi32>, vector<16xi32>], vector<16xf32>,
        %add3A_712 = arith.constant 3 : i32
        %add3A_713 = vector.broadcast %add3A_712 : i32 to vector<16xi32>
        %add3A_714 = arith.addi %get3A_677, %add3A_713 : vector<16xi32>
        %gather3A_715 = tpu.vector_load_idx %arg13[%add3A_665, %add3A_714] : memref<4096x8xf32, #tpu.memory_space<vmem>>[vector<16xi32>, vector<16xi32>], vector<16xf32>,
        %add3A_716 = arith.addf %gather3A_711, %gather3A_715 : vector<16xf32>
        %add3A_717 = arith.addf %broadcast_in_dim3A_662, %add3A_716 : vector<16xf32>
        %add3A_718 = arith.constant 512 : i32
        %add3A_719 = vector.broadcast %add3A_718 : i32 to vector<16xi32>
        %add3A_720 = arith.addi %add3A_719, %add3A_654 : vector<16xi32>
        %add3A_721 = arith.constant 512 : i32
        %add3A_722 = arith.addi %add3A_721, %mul3A_652 : i32
        %mul3A_723 = arith.constant 2 : i32
        %mul3A_724 = arith.muli %mul3A_723, %add3A_722 : i32
        %add3A_725 = arith.constant 0 : i32
        %add3A_726 = arith.addi %add3A_725, %mul3A_724 : i32
        %get3A_727 = arith.index_cast %add3A_726 : i32 to index
        %get3A_728 = tpu.vector_load %arg11[%get3A_727] {strides = array<i32>} : memref<8192xi32, #tpu.memory_space<vmem>>, vector<16xi32>,
        %add3A_729 = arith.constant 16 : i32
        %add3A_730 = arith.addi %add3A_726, %add3A_729 : i32
        %get3A_731 = arith.index_cast %add3A_730 : i32 to index
        %get3A_732 = tpu.vector_load %arg11[%get3A_731] {strides = array<i32>} : memref<8192xi32, #tpu.memory_space<vmem>>, vector<16xi32>,
        %add3A_733 = arith.constant 2 : i32
        %add3A_734 = vector.broadcast %add3A_733 : i32 to vector<16xi32>
        %add3A_735 = arith.addi %get3A_728, %add3A_734 : vector<16xi32>
        %gather3A_736 = tpu.vector_load_idx %arg12[%add3A_720, %add3A_735] : memref<4096x8xf32, #tpu.memory_space<vmem>>[vector<16xi32>, vector<16xi32>], vector<16xf32>,
        %add3A_737 = arith.constant 2 : i32
        %add3A_738 = vector.broadcast %add3A_737 : i32 to vector<16xi32>
        %add3A_739 = arith.addi %get3A_732, %add3A_738 : vector<16xi32>
        %gather3A_740 = tpu.vector_load_idx %arg13[%add3A_720, %add3A_739] : memref<4096x8xf32, #tpu.memory_space<vmem>>[vector<16xi32>, vector<16xi32>], vector<16xf32>,
        %add3A_741 = arith.addf %gather3A_736, %gather3A_740 : vector<16xf32>
        %add3A_742 = arith.addf %add3A_687, %add3A_741 : vector<16xf32>
        %add3A_743 = arith.constant 0 : i32
        %add3A_744 = vector.broadcast %add3A_743 : i32 to vector<16xi32>
        %add3A_745 = arith.addi %get3A_728, %add3A_744 : vector<16xi32>
        %gather3A_746 = tpu.vector_load_idx %arg12[%add3A_720, %add3A_745] : memref<4096x8xf32, #tpu.memory_space<vmem>>[vector<16xi32>, vector<16xi32>], vector<16xf32>,
        %add3A_747 = arith.constant 0 : i32
        %add3A_748 = vector.broadcast %add3A_747 : i32 to vector<16xi32>
        %add3A_749 = arith.addi %get3A_732, %add3A_748 : vector<16xi32>
        %gather3A_750 = tpu.vector_load_idx %arg13[%add3A_720, %add3A_749] : memref<4096x8xf32, #tpu.memory_space<vmem>>[vector<16xi32>, vector<16xi32>], vector<16xf32>,
        %add3A_751 = arith.addf %gather3A_746, %gather3A_750 : vector<16xf32>
        %add3A_752 = arith.addf %add3A_697, %add3A_751 : vector<16xf32>
        %add3A_753 = arith.constant 3 : i32
        %add3A_754 = vector.broadcast %add3A_753 : i32 to vector<16xi32>
        %add3A_755 = arith.addi %get3A_728, %add3A_754 : vector<16xi32>
        %gather3A_756 = tpu.vector_load_idx %arg12[%add3A_720, %add3A_755] : memref<4096x8xf32, #tpu.memory_space<vmem>>[vector<16xi32>, vector<16xi32>], vector<16xf32>,
        %add3A_757 = arith.constant 3 : i32
        %add3A_758 = vector.broadcast %add3A_757 : i32 to vector<16xi32>
        %add3A_759 = arith.addi %get3A_732, %add3A_758 : vector<16xi32>
        %gather3A_760 = tpu.vector_load_idx %arg13[%add3A_720, %add3A_759] : memref<4096x8xf32, #tpu.memory_space<vmem>>[vector<16xi32>, vector<16xi32>], vector<16xf32>,
        %add3A_761 = arith.addf %gather3A_756, %gather3A_760 : vector<16xf32>
        %add3A_762 = arith.addf %add3A_707, %add3A_761 : vector<16xf32>
        %add3A_763 = arith.constant 1 : i32
        %add3A_764 = vector.broadcast %add3A_763 : i32 to vector<16xi32>
        %add3A_765 = arith.addi %get3A_728, %add3A_764 : vector<16xi32>
        %gather3A_766 = tpu.vector_load_idx %arg12[%add3A_720, %add3A_765] : memref<4096x8xf32, #tpu.memory_space<vmem>>[vector<16xi32>, vector<16xi32>], vector<16xf32>,
        %add3A_767 = arith.constant 1 : i32
        %add3A_768 = vector.broadcast %add3A_767 : i32 to vector<16xi32>
        %add3A_769 = arith.addi %get3A_732, %add3A_768 : vector<16xi32>
        %gather3A_770 = tpu.vector_load_idx %arg13[%add3A_720, %add3A_769] : memref<4096x8xf32, #tpu.memory_space<vmem>>[vector<16xi32>, vector<16xi32>], vector<16xf32>,
        %add3A_771 = arith.addf %gather3A_766, %gather3A_770 : vector<16xf32>
        %add3A_772 = arith.addf %add3A_717, %add3A_771 : vector<16xf32>
        %add3A_773 = arith.constant 1024 : i32
        %add3A_774 = vector.broadcast %add3A_773 : i32 to vector<16xi32>
        %add3A_775 = arith.addi %add3A_774, %add3A_654 : vector<16xi32>
        %add3A_776 = arith.constant 1024 : i32
        %add3A_777 = arith.addi %add3A_776, %mul3A_652 : i32
        %mul3A_778 = arith.constant 2 : i32
        %mul3A_779 = arith.muli %mul3A_778, %add3A_777 : i32
        %add3A_780 = arith.constant 0 : i32
        %add3A_781 = arith.addi %add3A_780, %mul3A_779 : i32
        %get3A_782 = arith.index_cast %add3A_781 : i32 to index
        %get3A_783 = tpu.vector_load %arg11[%get3A_782] {strides = array<i32>} : memref<8192xi32, #tpu.memory_space<vmem>>, vector<16xi32>,
        %add3A_784 = arith.constant 16 : i32
        %add3A_785 = arith.addi %add3A_781, %add3A_784 : i32
        %get3A_786 = arith.index_cast %add3A_785 : i32 to index
        %get3A_787 = tpu.vector_load %arg11[%get3A_786] {strides = array<i32>} : memref<8192xi32, #tpu.memory_space<vmem>>, vector<16xi32>,
        %add3A_788 = arith.constant 3 : i32
        %add3A_789 = vector.broadcast %add3A_788 : i32 to vector<16xi32>
        %add3A_790 = arith.addi %get3A_783, %add3A_789 : vector<16xi32>
        %gather3A_791 = tpu.vector_load_idx %arg12[%add3A_775, %add3A_790] : memref<4096x8xf32, #tpu.memory_space<vmem>>[vector<16xi32>, vector<16xi32>], vector<16xf32>,
        %add3A_792 = arith.constant 3 : i32
        %add3A_793 = vector.broadcast %add3A_792 : i32 to vector<16xi32>
        %add3A_794 = arith.addi %get3A_787, %add3A_793 : vector<16xi32>
        %gather3A_795 = tpu.vector_load_idx %arg13[%add3A_775, %add3A_794] : memref<4096x8xf32, #tpu.memory_space<vmem>>[vector<16xi32>, vector<16xi32>], vector<16xf32>,
        %add3A_796 = arith.addf %gather3A_791, %gather3A_795 : vector<16xf32>
        %add3A_797 = arith.addf %add3A_742, %add3A_796 : vector<16xf32>
        %add3A_798 = arith.constant 2 : i32
        %add3A_799 = vector.broadcast %add3A_798 : i32 to vector<16xi32>
        %add3A_800 = arith.addi %get3A_783, %add3A_799 : vector<16xi32>
        %gather3A_801 = tpu.vector_load_idx %arg12[%add3A_775, %add3A_800] : memref<4096x8xf32, #tpu.memory_space<vmem>>[vector<16xi32>, vector<16xi32>], vector<16xf32>,
        %add3A_802 = arith.constant 2 : i32
        %add3A_803 = vector.broadcast %add3A_802 : i32 to vector<16xi32>
        %add3A_804 = arith.addi %get3A_787, %add3A_803 : vector<16xi32>
        %gather3A_805 = tpu.vector_load_idx %arg13[%add3A_775, %add3A_804] : memref<4096x8xf32, #tpu.memory_space<vmem>>[vector<16xi32>, vector<16xi32>], vector<16xf32>,
        %add3A_806 = arith.addf %gather3A_801, %gather3A_805 : vector<16xf32>
        %add3A_807 = arith.addf %add3A_752, %add3A_806 : vector<16xf32>
        %add3A_808 = arith.constant 1 : i32
        %add3A_809 = vector.broadcast %add3A_808 : i32 to vector<16xi32>
        %add3A_810 = arith.addi %get3A_783, %add3A_809 : vector<16xi32>
        %gather3A_811 = tpu.vector_load_idx %arg12[%add3A_775, %add3A_810] : memref<4096x8xf32, #tpu.memory_space<vmem>>[vector<16xi32>, vector<16xi32>], vector<16xf32>,
        %add3A_812 = arith.constant 1 : i32
        %add3A_813 = vector.broadcast %add3A_812 : i32 to vector<16xi32>
        %add3A_814 = arith.addi %get3A_787, %add3A_813 : vector<16xi32>
        %gather3A_815 = tpu.vector_load_idx %arg13[%add3A_775, %add3A_814] : memref<4096x8xf32, #tpu.memory_space<vmem>>[vector<16xi32>, vector<16xi32>], vector<16xf32>,
        %add3A_816 = arith.addf %gather3A_811, %gather3A_815 : vector<16xf32>
        %add3A_817 = arith.addf %add3A_762, %add3A_816 : vector<16xf32>
        %add3A_818 = arith.constant 0 : i32
        %add3A_819 = vector.broadcast %add3A_818 : i32 to vector<16xi32>
        %add3A_820 = arith.addi %get3A_783, %add3A_819 : vector<16xi32>
        %gather3A_821 = tpu.vector_load_idx %arg12[%add3A_775, %add3A_820] : memref<4096x8xf32, #tpu.memory_space<vmem>>[vector<16xi32>, vector<16xi32>], vector<16xf32>,
        %add3A_822 = arith.constant 0 : i32
        %add3A_823 = vector.broadcast %add3A_822 : i32 to vector<16xi32>
        %add3A_824 = arith.addi %get3A_787, %add3A_823 : vector<16xi32>
        %gather3A_825 = tpu.vector_load_idx %arg13[%add3A_775, %add3A_824] : memref<4096x8xf32, #tpu.memory_space<vmem>>[vector<16xi32>, vector<16xi32>], vector<16xf32>,
        %add3A_826 = arith.addf %gather3A_821, %gather3A_825 : vector<16xf32>
        %add3A_827 = arith.addf %add3A_772, %add3A_826 : vector<16xf32>
        %add3A_828 = arith.constant 1536 : i32
        %add3A_829 = vector.broadcast %add3A_828 : i32 to vector<16xi32>
        %add3A_830 = arith.addi %add3A_829, %add3A_654 : vector<16xi32>
        %add3A_831 = arith.constant 1536 : i32
        %add3A_832 = arith.addi %add3A_831, %mul3A_652 : i32
        %mul3A_833 = arith.constant 2 : i32
        %mul3A_834 = arith.muli %mul3A_833, %add3A_832 : i32
        %add3A_835 = arith.constant 0 : i32
        %add3A_836 = arith.addi %add3A_835, %mul3A_834 : i32
        %get3A_837 = arith.index_cast %add3A_836 : i32 to index
        %get3A_838 = tpu.vector_load %arg11[%get3A_837] {strides = array<i32>} : memref<8192xi32, #tpu.memory_space<vmem>>, vector<16xi32>,
        %add3A_839 = arith.constant 16 : i32
        %add3A_840 = arith.addi %add3A_836, %add3A_839 : i32
        %get3A_841 = arith.index_cast %add3A_840 : i32 to index
        %get3A_842 = tpu.vector_load %arg11[%get3A_841] {strides = array<i32>} : memref<8192xi32, #tpu.memory_space<vmem>>, vector<16xi32>,
        %add3A_843 = arith.constant 1 : i32
        %add3A_844 = vector.broadcast %add3A_843 : i32 to vector<16xi32>
        %add3A_845 = arith.addi %get3A_838, %add3A_844 : vector<16xi32>
        %gather3A_846 = tpu.vector_load_idx %arg12[%add3A_830, %add3A_845] : memref<4096x8xf32, #tpu.memory_space<vmem>>[vector<16xi32>, vector<16xi32>], vector<16xf32>,
        %add3A_847 = arith.constant 1 : i32
        %add3A_848 = vector.broadcast %add3A_847 : i32 to vector<16xi32>
        %add3A_849 = arith.addi %get3A_842, %add3A_848 : vector<16xi32>
        %gather3A_850 = tpu.vector_load_idx %arg13[%add3A_830, %add3A_849] : memref<4096x8xf32, #tpu.memory_space<vmem>>[vector<16xi32>, vector<16xi32>], vector<16xf32>,
        %add3A_851 = arith.addf %gather3A_846, %gather3A_850 : vector<16xf32>
        %add3A_852 = arith.addf %add3A_797, %add3A_851 : vector<16xf32>
        %add3A_853 = arith.constant 3 : i32
        %add3A_854 = vector.broadcast %add3A_853 : i32 to vector<16xi32>
        %add3A_855 = arith.addi %get3A_838, %add3A_854 : vector<16xi32>
        %gather3A_856 = tpu.vector_load_idx %arg12[%add3A_830, %add3A_855] : memref<4096x8xf32, #tpu.memory_space<vmem>>[vector<16xi32>, vector<16xi32>], vector<16xf32>,
        %add3A_857 = arith.constant 3 : i32
        %add3A_858 = vector.broadcast %add3A_857 : i32 to vector<16xi32>
        %add3A_859 = arith.addi %get3A_842, %add3A_858 : vector<16xi32>
        %gather3A_860 = tpu.vector_load_idx %arg13[%add3A_830, %add3A_859] : memref<4096x8xf32, #tpu.memory_space<vmem>>[vector<16xi32>, vector<16xi32>], vector<16xf32>,
        %add3A_861 = arith.addf %gather3A_856, %gather3A_860 : vector<16xf32>
        %add3A_862 = arith.addf %add3A_807, %add3A_861 : vector<16xf32>
        %add3A_863 = arith.constant 0 : i32
        %add3A_864 = vector.broadcast %add3A_863 : i32 to vector<16xi32>
        %add3A_865 = arith.addi %get3A_838, %add3A_864 : vector<16xi32>
        %gather3A_866 = tpu.vector_load_idx %arg12[%add3A_830, %add3A_865] : memref<4096x8xf32, #tpu.memory_space<vmem>>[vector<16xi32>, vector<16xi32>], vector<16xf32>,
        %add3A_867 = arith.constant 0 : i32
        %add3A_868 = vector.broadcast %add3A_867 : i32 to vector<16xi32>
        %add3A_869 = arith.addi %get3A_842, %add3A_868 : vector<16xi32>
        %gather3A_870 = tpu.vector_load_idx %arg13[%add3A_830, %add3A_869] : memref<4096x8xf32, #tpu.memory_space<vmem>>[vector<16xi32>, vector<16xi32>], vector<16xf32>,
        %add3A_871 = arith.addf %gather3A_866, %gather3A_870 : vector<16xf32>
        %add3A_872 = arith.addf %add3A_817, %add3A_871 : vector<16xf32>
        %add3A_873 = arith.constant 2 : i32
        %add3A_874 = vector.broadcast %add3A_873 : i32 to vector<16xi32>
        %add3A_875 = arith.addi %get3A_838, %add3A_874 : vector<16xi32>
        %gather3A_876 = tpu.vector_load_idx %arg12[%add3A_830, %add3A_875] : memref<4096x8xf32, #tpu.memory_space<vmem>>[vector<16xi32>, vector<16xi32>], vector<16xf32>,
        %add3A_877 = arith.constant 2 : i32
        %add3A_878 = vector.broadcast %add3A_877 : i32 to vector<16xi32>
        %add3A_879 = arith.addi %get3A_842, %add3A_878 : vector<16xi32>
        %gather3A_880 = tpu.vector_load_idx %arg13[%add3A_830, %add3A_879] : memref<4096x8xf32, #tpu.memory_space<vmem>>[vector<16xi32>, vector<16xi32>], vector<16xf32>,
        %add3A_881 = arith.addf %gather3A_876, %gather3A_880 : vector<16xf32>
        %add3A_882 = arith.addf %add3A_827, %add3A_881 : vector<16xf32>
        %mul3A_883 = arith.constant 2 : i32
        %mul3A_884 = vector.broadcast %mul3A_883 : i32 to vector<16xi32>
        %mul3A_885 = arith.muli %add3A_654, %mul3A_884 : vector<16xi32>
        %add3A_886 = arith.constant 0 : i32
        %add3A_887 = vector.broadcast %add3A_886 : i32 to vector<16xi32>
        %add3A_888 = arith.addi %add3A_887, %mul3A_885 : vector<16xi32>
        %mul3A_889 = arith.constant 5.000000e-01 : f32
        %mul3A_890 = vector.broadcast %mul3A_889 : f32 to vector<16xf32>
        %mul3A_891 = arith.mulf %add3A_852, %mul3A_890 : vector<16xf32>
        tpu.vector_store_idx %arg14[%add3A_888], %mul3A_891 : memref<4096xf32, #tpu.memory_space<vmem>>[vector<16xi32>], vector<16xf32>,
        %add3A_892 = arith.constant 1 : i32
        %add3A_893 = vector.broadcast %add3A_892 : i32 to vector<16xi32>
        %add3A_894 = arith.addi %add3A_888, %add3A_893 : vector<16xi32>
        %mul3A_895 = arith.constant 5.000000e-01 : f32
        %mul3A_896 = vector.broadcast %mul3A_895 : f32 to vector<16xf32>
        %mul3A_897 = arith.mulf %add3A_862, %mul3A_896 : vector<16xf32>
        tpu.vector_store_idx %arg14[%add3A_894], %mul3A_897 : memref<4096xf32, #tpu.memory_space<vmem>>[vector<16xi32>], vector<16xf32>,
        %add3A_898 = arith.constant 1024 : i32
        %add3A_899 = vector.broadcast %add3A_898 : i32 to vector<16xi32>
        %add3A_900 = arith.addi %add3A_888, %add3A_899 : vector<16xi32>
        %mul3A_901 = arith.constant 5.000000e-01 : f32
        %mul3A_902 = vector.broadcast %mul3A_901 : f32 to vector<16xf32>
        %mul3A_903 = arith.mulf %add3A_872, %mul3A_902 : vector<16xf32>
        tpu.vector_store_idx %arg14[%add3A_900], %mul3A_903 : memref<4096xf32, #tpu.memory_space<vmem>>[vector<16xi32>], vector<16xf32>,
        %add3A_904 = arith.constant 1025 : i32
        %add3A_905 = vector.broadcast %add3A_904 : i32 to vector<16xi32>
        %add3A_906 = arith.addi %add3A_888, %add3A_905 : vector<16xi32>
        %mul3A_907 = arith.constant 5.000000e-01 : f32
        %mul3A_908 = vector.broadcast %mul3A_907 : f32 to vector<16xf32>
        %mul3A_909 = arith.mulf %add3A_882, %mul3A_908 : vector<16xf32>
        tpu.vector_store_idx %arg14[%add3A_906], %mul3A_909 : memref<4096xf32, #tpu.memory_space<vmem>>[vector<16xi32>], vector<16xf32>,
      }
      %scan3A_318 = arith.constant 32 : i32
      %mul3A_319 = arith.constant 192 : i32
      %mul3A_320 = arith.muli %add3A, %mul3A_319 : i32
      %add3A_321 = arith.addi %mul3A_320, %mul3A_254 : i32
      %mul3A_322 = arith.constant 2048 : i32
      %mul3A_323 = arith.muli %add3A_321, %mul3A_322 : i32
      %dma_start3A_324 = arith.constant 0 : i32
      %dma_start3A_325 = tpu.memref_slice %arg14[%dma_start3A_324] : memref<4096xf32, #tpu.memory_space<vmem>> -> memref<2048xf32, #tpu.memory_space<vmem>>
      %dma_start3A_326 = tpu.memref_slice %arg5[%mul3A_323] : memref<12582912xf32, #tpu.memory_space<hbm>> -> memref<2048xf32, #tpu.memory_space<hbm>>
      %dma_start3A_327 = tpu.memref_slice %arg5[%mul3A_323] : memref<12582912xf32, #tpu.memory_space<hbm>> -> memref<2048xf32, #tpu.memory_space<hbm>>
      %dma_start3A_328 = arith.constant 0 : i32
      %dma_start3A_329 = tpu.memref_slice %arg14[%dma_start3A_328] : memref<4096xf32, #tpu.memory_space<vmem>> -> memref<2048xf32, #tpu.memory_space<vmem>>
      tpu.enqueue_dma source(%dma_start3A_329 : memref<2048xf32, #tpu.memory_space<vmem>>) target(%dma_start3A_327 : memref<2048xf32, #tpu.memory_space<hbm>>) target_semaphore(%arg19 : memref<!tpu.dma_semaphore, #tpu.memory_space<semaphore_mem>>)
      %add3A_330 = arith.constant 3 : i32
      %add3A_331 = arith.addi %mul3A_254, %add3A_330 : i32
      %lt3A_332 = arith.constant 192 : i32
      %lt3A_333 = arith.cmpi slt, %add3A_331, %lt3A_332 : i32
      %convert_element_type3A_334 = arith.extui %lt3A_333 : i1 to i32
      %cond3A_335 = arith.constant 0 : i32
      %cond3A_336 = arith.cmpi ne, %convert_element_type3A_334, %cond3A_335 : i32
      scf.if %cond3A_336 {
        %add3A_392 = arith.constant 3 : i32
        %add3A_393 = arith.addi %mul3A_254, %add3A_392 : i32
        %mul3A_394 = arith.constant 192 : i32
        %mul3A_395 = arith.muli %add3A, %mul3A_394 : i32
        %add3A_396 = arith.addi %mul3A_395, %add3A_393 : i32
        %jit3A_397 = arith.constant 512 : i32
        %div3A_398 = arith.divsi %add3A_396, %jit3A_397 : i32
        %sign3A_399 = arith.constant 0 : i32
        %sign3A_400 = arith.cmpi sgt, %add3A_396, %sign3A_399 : i32
        %sign3A_401 = arith.extui %sign3A_400 : i1 to i32
        %sign3A_402 = arith.constant 0 : i32
        %sign3A_403 = arith.cmpi slt, %add3A_396, %sign3A_402 : i32
        %sign3A_404 = arith.extui %sign3A_403 : i1 to i32
        %sign3A_405 = arith.subi %sign3A_401, %sign3A_404 : i32
        %sign3A_406 = arith.constant 0 : i32
        %sign3A_407 = arith.cmpi sgt, %jit3A_397, %sign3A_406 : i32
        %sign3A_408 = arith.extui %sign3A_407 : i1 to i32
        %sign3A_409 = arith.constant 0 : i32
        %sign3A_410 = arith.cmpi slt, %jit3A_397, %sign3A_409 : i32
        %sign3A_411 = arith.extui %sign3A_410 : i1 to i32
        %sign3A_412 = arith.subi %sign3A_408, %sign3A_411 : i32
        %ne3A_413 = arith.cmpi ne, %sign3A_405, %sign3A_412 : i32
        %rem3A_414 = arith.remsi %add3A_396, %jit3A_397 : i32
        %ne3A_415 = arith.constant 0 : i32
        %ne3A_416 = arith.cmpi ne, %rem3A_414, %ne3A_415 : i32
        %and3A_417 = arith.andi %ne3A_413, %ne3A_416 : i1
        %sub3A_418 = arith.constant 1 : i32
        %sub3A_419 = arith.subi %div3A_398, %sub3A_418 : i32
        %select_n3A_420 = arith.select %and3A_417, %sub3A_419, %div3A_398 : i32
        %mul3A_421 = arith.constant 512 : i32
        %mul3A_422 = arith.muli %select_n3A_420, %mul3A_421 : i32
        %sub3A_423 = arith.subi %add3A_396, %mul3A_422 : i32
        %mul3A_424 = arith.constant 512 : i32
        %mul3A_425 = arith.muli %select_n3A_420, %mul3A_424 : i32
        %add3A_426 = arith.constant -2 : i32
        %add3A_427 = arith.addi %sub3A_423, %add3A_426 : i32
        %jit3A_428 = arith.constant 0 : i32
        %jit3A_429 = arith.constant 511 : i32
        %max3A_430 = arith.maxsi %jit3A_428, %add3A_427 : i32
        %min3A_431 = arith.minsi %jit3A_429, %max3A_430 : i32
        %add3A_432 = arith.addi %mul3A_425, %min3A_431 : i32
        %mul3A_433 = arith.constant 512 : i32
        %mul3A_434 = arith.muli %add3A_432, %mul3A_433 : i32
        %dma_start3A_435 = arith.constant 2560 : i32
        %dma_start3A_436 = tpu.memref_slice %arg6[%dma_start3A_435] : memref<5120xi32, #tpu.memory_space<vmem>> -> memref<512xi32, #tpu.memory_space<vmem>>
        %dma_start3A_437 = tpu.memref_slice %arg2[%mul3A_434] : memref<3145728xi32, #tpu.memory_space<hbm>> -> memref<512xi32, #tpu.memory_space<hbm>>
        %dma_start3A_438 = arith.constant 2560 : i32
        %dma_start3A_439 = tpu.memref_slice %arg6[%dma_start3A_438] : memref<5120xi32, #tpu.memory_space<vmem>> -> memref<512xi32, #tpu.memory_space<vmem>>
        %dma_start3A_440 = tpu.memref_slice %arg2[%mul3A_434] : memref<3145728xi32, #tpu.memory_space<hbm>> -> memref<512xi32, #tpu.memory_space<hbm>>
        tpu.enqueue_dma source(%dma_start3A_440 : memref<512xi32, #tpu.memory_space<hbm>>) target(%dma_start3A_439 : memref<512xi32, #tpu.memory_space<vmem>>) target_semaphore(%arg16 : memref<!tpu.dma_semaphore, #tpu.memory_space<semaphore_mem>>)
        %add3A_441 = arith.constant -1 : i32
        %add3A_442 = arith.addi %sub3A_423, %add3A_441 : i32
        %jit3A_443 = arith.constant 0 : i32
        %jit3A_444 = arith.constant 511 : i32
        %max3A_445 = arith.maxsi %jit3A_443, %add3A_442 : i32
        %min3A_446 = arith.minsi %jit3A_444, %max3A_445 : i32
        %add3A_447 = arith.addi %mul3A_425, %min3A_446 : i32
        %mul3A_448 = arith.constant 512 : i32
        %mul3A_449 = arith.muli %add3A_447, %mul3A_448 : i32
        %dma_start3A_450 = arith.constant 3072 : i32
        %dma_start3A_451 = tpu.memref_slice %arg6[%dma_start3A_450] : memref<5120xi32, #tpu.memory_space<vmem>> -> memref<512xi32, #tpu.memory_space<vmem>>
        %dma_start3A_452 = tpu.memref_slice %arg2[%mul3A_449] : memref<3145728xi32, #tpu.memory_space<hbm>> -> memref<512xi32, #tpu.memory_space<hbm>>
        %dma_start3A_453 = arith.constant 3072 : i32
        %dma_start3A_454 = tpu.memref_slice %arg6[%dma_start3A_453] : memref<5120xi32, #tpu.memory_space<vmem>> -> memref<512xi32, #tpu.memory_space<vmem>>
        %dma_start3A_455 = tpu.memref_slice %arg2[%mul3A_449] : memref<3145728xi32, #tpu.memory_space<hbm>> -> memref<512xi32, #tpu.memory_space<hbm>>
        tpu.enqueue_dma source(%dma_start3A_455 : memref<512xi32, #tpu.memory_space<hbm>>) target(%dma_start3A_454 : memref<512xi32, #tpu.memory_space<vmem>>) target_semaphore(%arg16 : memref<!tpu.dma_semaphore, #tpu.memory_space<semaphore_mem>>)
        %add3A_456 = arith.constant 0 : i32
        %add3A_457 = arith.addi %sub3A_423, %add3A_456 : i32
        %jit3A_458 = arith.constant 0 : i32
        %jit3A_459 = arith.constant 511 : i32
        %max3A_460 = arith.maxsi %jit3A_458, %add3A_457 : i32
        %min3A_461 = arith.minsi %jit3A_459, %max3A_460 : i32
        %add3A_462 = arith.addi %mul3A_425, %min3A_461 : i32
        %mul3A_463 = arith.constant 512 : i32
        %mul3A_464 = arith.muli %add3A_462, %mul3A_463 : i32
        %dma_start3A_465 = arith.constant 3584 : i32
        %dma_start3A_466 = tpu.memref_slice %arg6[%dma_start3A_465] : memref<5120xi32, #tpu.memory_space<vmem>> -> memref<512xi32, #tpu.memory_space<vmem>>
        %dma_start3A_467 = tpu.memref_slice %arg2[%mul3A_464] : memref<3145728xi32, #tpu.memory_space<hbm>> -> memref<512xi32, #tpu.memory_space<hbm>>
        %dma_start3A_468 = arith.constant 3584 : i32
        %dma_start3A_469 = tpu.memref_slice %arg6[%dma_start3A_468] : memref<5120xi32, #tpu.memory_space<vmem>> -> memref<512xi32, #tpu.memory_space<vmem>>
        %dma_start3A_470 = tpu.memref_slice %arg2[%mul3A_464] : memref<3145728xi32, #tpu.memory_space<hbm>> -> memref<512xi32, #tpu.memory_space<hbm>>
        tpu.enqueue_dma source(%dma_start3A_470 : memref<512xi32, #tpu.memory_space<hbm>>) target(%dma_start3A_469 : memref<512xi32, #tpu.memory_space<vmem>>) target_semaphore(%arg16 : memref<!tpu.dma_semaphore, #tpu.memory_space<semaphore_mem>>)
        %add3A_471 = arith.constant 1 : i32
        %add3A_472 = arith.addi %sub3A_423, %add3A_471 : i32
        %jit3A_473 = arith.constant 0 : i32
        %jit3A_474 = arith.constant 511 : i32
        %max3A_475 = arith.maxsi %jit3A_473, %add3A_472 : i32
        %min3A_476 = arith.minsi %jit3A_474, %max3A_475 : i32
        %add3A_477 = arith.addi %mul3A_425, %min3A_476 : i32
        %mul3A_478 = arith.constant 512 : i32
        %mul3A_479 = arith.muli %add3A_477, %mul3A_478 : i32
        %dma_start3A_480 = arith.constant 4096 : i32
        %dma_start3A_481 = tpu.memref_slice %arg6[%dma_start3A_480] : memref<5120xi32, #tpu.memory_space<vmem>> -> memref<512xi32, #tpu.memory_space<vmem>>
        %dma_start3A_482 = tpu.memref_slice %arg2[%mul3A_479] : memref<3145728xi32, #tpu.memory_space<hbm>> -> memref<512xi32, #tpu.memory_space<hbm>>
        %dma_start3A_483 = arith.constant 4096 : i32
        %dma_start3A_484 = tpu.memref_slice %arg6[%dma_start3A_483] : memref<5120xi32, #tpu.memory_space<vmem>> -> memref<512xi32, #tpu.memory_space<vmem>>
        %dma_start3A_485 = tpu.memref_slice %arg2[%mul3A_479] : memref<3145728xi32, #tpu.memory_space<hbm>> -> memref<512xi32, #tpu.memory_space<hbm>>
        tpu.enqueue_dma source(%dma_start3A_485 : memref<512xi32, #tpu.memory_space<hbm>>) target(%dma_start3A_484 : memref<512xi32, #tpu.memory_space<vmem>>) target_semaphore(%arg16 : memref<!tpu.dma_semaphore, #tpu.memory_space<semaphore_mem>>)
        %add3A_486 = arith.constant 2 : i32
        %add3A_487 = arith.addi %sub3A_423, %add3A_486 : i32
        %jit3A_488 = arith.constant 0 : i32
        %jit3A_489 = arith.constant 511 : i32
        %max3A_490 = arith.maxsi %jit3A_488, %add3A_487 : i32
        %min3A_491 = arith.minsi %jit3A_489, %max3A_490 : i32
        %add3A_492 = arith.addi %mul3A_425, %min3A_491 : i32
        %mul3A_493 = arith.constant 512 : i32
        %mul3A_494 = arith.muli %add3A_492, %mul3A_493 : i32
        %dma_start3A_495 = arith.constant 4608 : i32
        %dma_start3A_496 = tpu.memref_slice %arg6[%dma_start3A_495] : memref<5120xi32, #tpu.memory_space<vmem>> -> memref<512xi32, #tpu.memory_space<vmem>>
        %dma_start3A_497 = tpu.memref_slice %arg2[%mul3A_494] : memref<3145728xi32, #tpu.memory_space<hbm>> -> memref<512xi32, #tpu.memory_space<hbm>>
        %dma_start3A_498 = arith.constant 4608 : i32
        %dma_start3A_499 = tpu.memref_slice %arg6[%dma_start3A_498] : memref<5120xi32, #tpu.memory_space<vmem>> -> memref<512xi32, #tpu.memory_space<vmem>>
        %dma_start3A_500 = tpu.memref_slice %arg2[%mul3A_494] : memref<3145728xi32, #tpu.memory_space<hbm>> -> memref<512xi32, #tpu.memory_space<hbm>>
        tpu.enqueue_dma source(%dma_start3A_500 : memref<512xi32, #tpu.memory_space<hbm>>) target(%dma_start3A_499 : memref<512xi32, #tpu.memory_space<vmem>>) target_semaphore(%arg16 : memref<!tpu.dma_semaphore, #tpu.memory_space<semaphore_mem>>)
      } else {
      }
      %add3A_337 = arith.constant 2 : i32
      %add3A_338 = arith.addi %mul3A_254, %add3A_337 : i32
      %lt3A_339 = arith.constant 192 : i32
      %lt3A_340 = arith.cmpi slt, %add3A_338, %lt3A_339 : i32
      %convert_element_type3A_341 = arith.extui %lt3A_340 : i1 to i32
      %cond3A_342 = arith.constant 0 : i32
      %cond3A_343 = arith.cmpi ne, %convert_element_type3A_341, %cond3A_342 : i32
      scf.if %cond3A_343 {
        %dma_wait3A_392 = arith.constant 0 : i32
        %dma_wait3A_393 = tpu.memref_slice %arg6[%dma_wait3A_392] : memref<5120xi32, #tpu.memory_space<vmem>> -> memref<2560xi32, #tpu.memory_space<vmem>>
        %dma_wait3A_394 = arith.constant 0 : i32
        %dma_wait3A_395 = tpu.memref_slice %arg2[%dma_wait3A_394] : memref<3145728xi32, #tpu.memory_space<hbm>> -> memref<2560xi32, #tpu.memory_space<hbm>>
        %dma_wait3A_396 = arith.constant 0 : i32
        %dma_wait3A_397 = tpu.memref_slice %arg6[%dma_wait3A_396] : memref<5120xi32, #tpu.memory_space<vmem>> -> memref<2560xi32, #tpu.memory_space<vmem>>
        %dma_wait3A_398 = arith.constant 0 : i32
        %dma_wait3A_399 = tpu.memref_slice %arg2[%dma_wait3A_398] : memref<3145728xi32, #tpu.memory_space<hbm>> -> memref<2560xi32, #tpu.memory_space<hbm>>
        tpu.wait_dma2 semaphore(%arg15 : memref<!tpu.dma_semaphore, #tpu.memory_space<semaphore_mem>>) src(%dma_wait3A_399 : memref<2560xi32, #tpu.memory_space<hbm>>) dst(%dma_wait3A_397 : memref<2560xi32, #tpu.memory_space<vmem>>)
        %scan3A_400 = arith.constant 0 : i32
        %scan3A_401 = arith.constant 0 : i32
        %scan3A_402 = arith.constant 32 : i32
        %scan3A_403 = arith.addi %scan3A_401, %scan3A_402 : i32
        %scan3A_404 = arith.constant 2 : i32
        scf.for %scan3A_418 = %scan3A_401 to %scan3A_403 step %scan3A_404  : i32 {
          %mul3A_419 = arith.constant 16 : i32
          %mul3A_420 = arith.muli %scan3A_418, %mul3A_419 : i32
          %add3A_421 = vector.broadcast %mul3A_420 : i32 to vector<16xi32>
          %add3A_422 = arith.addi %add3A_421, %iota3A : vector<16xi32>
          %add3A_423 = arith.constant 1 : i32
          %add3A_424 = vector.broadcast %add3A_423 : i32 to vector<16xi32>
          %add3A_425 = arith.addi %add3A_422, %add3A_424 : vector<16xi32>
          %min3A_426 = arith.constant 511 : i32
          %min3A_427 = vector.broadcast %min3A_426 : i32 to vector<16xi32>
          %min3A_428 = arith.minsi %add3A_425, %min3A_427 : vector<16xi32>
          %add3A_429 = arith.constant 2 : i32
          %add3A_430 = vector.broadcast %add3A_429 : i32 to vector<16xi32>
          %add3A_431 = arith.addi %add3A_422, %add3A_430 : vector<16xi32>
          %min3A_432 = arith.constant 511 : i32
          %min3A_433 = vector.broadcast %min3A_432 : i32 to vector<16xi32>
          %min3A_434 = arith.minsi %add3A_431, %min3A_433 : vector<16xi32>
          %sub3A_435 = arith.constant 1 : i32
          %sub3A_436 = vector.broadcast %sub3A_435 : i32 to vector<16xi32>
          %sub3A_437 = arith.subi %add3A_422, %sub3A_436 : vector<16xi32>
          %max3A_438 = arith.constant 0 : i32
          %max3A_439 = vector.broadcast %max3A_438 : i32 to vector<16xi32>
          %max3A_440 = arith.maxsi %sub3A_437, %max3A_439 : vector<16xi32>
          %sub3A_441 = arith.constant 2 : i32
          %sub3A_442 = vector.broadcast %sub3A_441 : i32 to vector<16xi32>
          %sub3A_443 = arith.subi %add3A_422, %sub3A_442 : vector<16xi32>
          %max3A_444 = arith.constant 0 : i32
          %max3A_445 = vector.broadcast %max3A_444 : i32 to vector<16xi32>
          %max3A_446 = arith.maxsi %sub3A_443, %max3A_445 : vector<16xi32>
          %add3A_447 = arith.constant 1024 : i32
          %add3A_448 = arith.addi %add3A_447, %mul3A_420 : i32
          %get3A = arith.index_cast %add3A_448 : i32 to index
          %get3A_449 = tpu.vector_load %arg6[%get3A] {strides = array<i32>} : memref<5120xi32, #tpu.memory_space<vmem>>, vector<16xi32>,
          %mul3A_450 = arith.constant 16384 : i32
          %mul3A_451 = vector.broadcast %mul3A_450 : i32 to vector<16xi32>
          %mul3A_452 = arith.muli %get3A_449, %mul3A_451 : vector<16xi32>
          %add3A_453 = arith.constant 1024 : i32
          %add3A_454 = vector.broadcast %add3A_453 : i32 to vector<16xi32>
          %add3A_455 = arith.addi %min3A_428, %add3A_454 : vector<16xi32>
          %gather3A = tpu.vector_load_idx %arg6[%add3A_455] : memref<5120xi32, #tpu.memory_space<vmem>>[vector<16xi32>], vector<16xi32>,
          %mul3A_456 = arith.constant 128 : i32
          %mul3A_457 = vector.broadcast %mul3A_456 : i32 to vector<16xi32>
          %mul3A_458 = arith.muli %gather3A, %mul3A_457 : vector<16xi32>
          %add3A_459 = arith.addi %mul3A_452, %mul3A_458 : vector<16xi32>
          %add3A_460 = arith.constant 1024 : i32
          %add3A_461 = vector.broadcast %add3A_460 : i32 to vector<16xi32>
          %add3A_462 = arith.addi %min3A_434, %add3A_461 : vector<16xi32>
          %gather3A_463 = tpu.vector_load_idx %arg6[%add3A_462] : memref<5120xi32, #tpu.memory_space<vmem>>[vector<16xi32>], vector<16xi32>,
          %add3A_464 = arith.addi %add3A_459, %gather3A_463 : vector<16xi32>
          %add3A_465 = arith.constant 1536 : i32
          %add3A_466 = vector.broadcast %add3A_465 : i32 to vector<16xi32>
          %add3A_467 = arith.addi %min3A_428, %add3A_466 : vector<16xi32>
          %gather3A_468 = tpu.vector_load_idx %arg6[%add3A_467] : memref<5120xi32, #tpu.memory_space<vmem>>[vector<16xi32>], vector<16xi32>,
          %add3A_469 = arith.addi %add3A_459, %gather3A_468 : vector<16xi32>
          %add3A_470 = arith.constant 0 : i32
          %add3A_471 = arith.addi %add3A_470, %mul3A_420 : i32
          %shift_right_arithmetic3A = arith.constant 1 : i32
          %shift_right_arithmetic3A_472 = vector.broadcast %shift_right_arithmetic3A : i32 to vector<16xi32>
          %shift_right_arithmetic3A_473 = arith.shrsi %add3A_464, %shift_right_arithmetic3A_472 : vector<16xi32>
          %swap3A = arith.index_cast %add3A_471 : i32 to index
          %swap3A_474 = tpu.vector_load %arg7[%swap3A] {strides = array<i32>} : memref<2048xi32, #tpu.memory_space<vmem>>, vector<16xi32>,
          tpu.vector_store %arg7[%swap3A], %shift_right_arithmetic3A_473 {strides = array<i32>} : memref<2048xi32, #tpu.memory_space<vmem>>, vector<16xi32>,
          %shift_right_arithmetic3A_475 = arith.constant 1 : i32
          %shift_right_arithmetic3A_476 = vector.broadcast %shift_right_arithmetic3A_475 : i32 to vector<16xi32>
          %shift_right_arithmetic3A_477 = arith.shrsi %add3A_469, %shift_right_arithmetic3A_476 : vector<16xi32>
          %swap3A_478 = arith.index_cast %add3A_471 : i32 to index
          %swap3A_479 = tpu.vector_load %arg9[%swap3A_478] {strides = array<i32>} : memref<2048xi32, #tpu.memory_space<vmem>>, vector<16xi32>,
          tpu.vector_store %arg9[%swap3A_478], %shift_right_arithmetic3A_477 {strides = array<i32>} : memref<2048xi32, #tpu.memory_space<vmem>>, vector<16xi32>,
          %shift_left3A = arith.constant 2 : i32
          %shift_left3A_480 = vector.broadcast %shift_left3A : i32 to vector<16xi32>
          %shift_left3A_481 = arith.shli %add3A_464, %shift_left3A_480 : vector<16xi32>
          %and3A_482 = arith.constant 4 : i32
          %and3A_483 = vector.broadcast %and3A_482 : i32 to vector<16xi32>
          %and3A_484 = arith.andi %shift_left3A_481, %and3A_483 : vector<16xi32>
          %mul3A_485 = arith.constant 2 : i32
          %mul3A_486 = arith.muli %mul3A_485, %add3A_471 : i32
          %add3A_487 = arith.constant 0 : i32
          %add3A_488 = arith.addi %add3A_487, %mul3A_486 : i32
          %swap3A_489 = arith.index_cast %add3A_488 : i32 to index
          %swap3A_490 = tpu.vector_load %arg11[%swap3A_489] {strides = array<i32>} : memref<8192xi32, #tpu.memory_space<vmem>>, vector<16xi32>,
          tpu.vector_store %arg11[%swap3A_489], %and3A_484 {strides = array<i32>} : memref<8192xi32, #tpu.memory_space<vmem>>, vector<16xi32>,
          %shift_left3A_491 = arith.constant 2 : i32
          %shift_left3A_492 = vector.broadcast %shift_left3A_491 : i32 to vector<16xi32>
          %shift_left3A_493 = arith.shli %add3A_469, %shift_left3A_492 : vector<16xi32>
          %and3A_494 = arith.constant 4 : i32
          %and3A_495 = vector.broadcast %and3A_494 : i32 to vector<16xi32>
          %and3A_496 = arith.andi %shift_left3A_493, %and3A_495 : vector<16xi32>
          %mul3A_497 = arith.constant 2 : i32
          %mul3A_498 = arith.muli %mul3A_497, %add3A_471 : i32
          %add3A_499 = arith.constant 0 : i32
          %add3A_500 = arith.addi %add3A_499, %mul3A_498 : i32
          %add3A_501 = arith.constant 16 : i32
          %add3A_502 = arith.addi %add3A_500, %add3A_501 : i32
          %swap3A_503 = arith.index_cast %add3A_502 : i32 to index
          %swap3A_504 = tpu.vector_load %arg11[%swap3A_503] {strides = array<i32>} : memref<8192xi32, #tpu.memory_space<vmem>>, vector<16xi32>,
          tpu.vector_store %arg11[%swap3A_503], %and3A_496 {strides = array<i32>} : memref<8192xi32, #tpu.memory_space<vmem>>, vector<16xi32>,
          %add3A_505 = arith.constant 1536 : i32
          %add3A_506 = arith.addi %add3A_505, %mul3A_420 : i32
          %get3A_507 = arith.index_cast %add3A_506 : i32 to index
          %get3A_508 = tpu.vector_load %arg6[%get3A_507] {strides = array<i32>} : memref<5120xi32, #tpu.memory_space<vmem>>, vector<16xi32>,
          %mul3A_509 = arith.constant 128 : i32
          %mul3A_510 = vector.broadcast %mul3A_509 : i32 to vector<16xi32>
          %mul3A_511 = arith.muli %get3A_508, %mul3A_510 : vector<16xi32>
          %add3A_512 = arith.addi %mul3A_452, %mul3A_511 : vector<16xi32>
          %add3A_513 = arith.constant 2048 : i32
          %add3A_514 = arith.addi %add3A_513, %mul3A_420 : i32
          %get3A_515 = arith.index_cast %add3A_514 : i32 to index
          %get3A_516 = tpu.vector_load %arg6[%get3A_515] {strides = array<i32>} : memref<5120xi32, #tpu.memory_space<vmem>>, vector<16xi32>,
          %add3A_517 = arith.addi %add3A_512, %get3A_516 : vector<16xi32>
          %add3A_518 = arith.constant 1536 : i32
          %add3A_519 = vector.broadcast %add3A_518 : i32 to vector<16xi32>
          %add3A_520 = arith.addi %max3A_440, %add3A_519 : vector<16xi32>
          %gather3A_521 = tpu.vector_load_idx %arg6[%add3A_520] : memref<5120xi32, #tpu.memory_space<vmem>>[vector<16xi32>], vector<16xi32>,
          %add3A_522 = arith.addi %add3A_512, %gather3A_521 : vector<16xi32>
          %add3A_523 = arith.constant 512 : i32
          %add3A_524 = arith.addi %add3A_523, %mul3A_420 : i32
          %shift_right_arithmetic3A_525 = arith.constant 1 : i32
          %shift_right_arithmetic3A_526 = vector.broadcast %shift_right_arithmetic3A_525 : i32 to vector<16xi32>
          %shift_right_arithmetic3A_527 = arith.shrsi %add3A_517, %shift_right_arithmetic3A_526 : vector<16xi32>
          %swap3A_528 = arith.index_cast %add3A_524 : i32 to index
          %swap3A_529 = tpu.vector_load %arg7[%swap3A_528] {strides = array<i32>} : memref<2048xi32, #tpu.memory_space<vmem>>, vector<16xi32>,
          tpu.vector_store %arg7[%swap3A_528], %shift_right_arithmetic3A_527 {strides = array<i32>} : memref<2048xi32, #tpu.memory_space<vmem>>, vector<16xi32>,
          %shift_right_arithmetic3A_530 = arith.constant 1 : i32
          %shift_right_arithmetic3A_531 = vector.broadcast %shift_right_arithmetic3A_530 : i32 to vector<16xi32>
          %shift_right_arithmetic3A_532 = arith.shrsi %add3A_522, %shift_right_arithmetic3A_531 : vector<16xi32>
          %swap3A_533 = arith.index_cast %add3A_524 : i32 to index
          %swap3A_534 = tpu.vector_load %arg9[%swap3A_533] {strides = array<i32>} : memref<2048xi32, #tpu.memory_space<vmem>>, vector<16xi32>,
          tpu.vector_store %arg9[%swap3A_533], %shift_right_arithmetic3A_532 {strides = array<i32>} : memref<2048xi32, #tpu.memory_space<vmem>>, vector<16xi32>,
          %shift_left3A_535 = arith.constant 2 : i32
          %shift_left3A_536 = vector.broadcast %shift_left3A_535 : i32 to vector<16xi32>
          %shift_left3A_537 = arith.shli %add3A_517, %shift_left3A_536 : vector<16xi32>
          %and3A_538 = arith.constant 4 : i32
          %and3A_539 = vector.broadcast %and3A_538 : i32 to vector<16xi32>
          %and3A_540 = arith.andi %shift_left3A_537, %and3A_539 : vector<16xi32>
          %mul3A_541 = arith.constant 2 : i32
          %mul3A_542 = arith.muli %mul3A_541, %add3A_524 : i32
          %add3A_543 = arith.constant 0 : i32
          %add3A_544 = arith.addi %add3A_543, %mul3A_542 : i32
          %swap3A_545 = arith.index_cast %add3A_544 : i32 to index
          %swap3A_546 = tpu.vector_load %arg11[%swap3A_545] {strides = array<i32>} : memref<8192xi32, #tpu.memory_space<vmem>>, vector<16xi32>,
          tpu.vector_store %arg11[%swap3A_545], %and3A_540 {strides = array<i32>} : memref<8192xi32, #tpu.memory_space<vmem>>, vector<16xi32>,
          %shift_left3A_547 = arith.constant 2 : i32
          %shift_left3A_548 = vector.broadcast %shift_left3A_547 : i32 to vector<16xi32>
          %shift_left3A_549 = arith.shli %add3A_522, %shift_left3A_548 : vector<16xi32>
          %and3A_550 = arith.constant 4 : i32
          %and3A_551 = vector.broadcast %and3A_550 : i32 to vector<16xi32>
          %and3A_552 = arith.andi %shift_left3A_549, %and3A_551 : vector<16xi32>
          %mul3A_553 = arith.constant 2 : i32
          %mul3A_554 = arith.muli %mul3A_553, %add3A_524 : i32
          %add3A_555 = arith.constant 0 : i32
          %add3A_556 = arith.addi %add3A_555, %mul3A_554 : i32
          %add3A_557 = arith.constant 16 : i32
          %add3A_558 = arith.addi %add3A_556, %add3A_557 : i32
          %swap3A_559 = arith.index_cast %add3A_558 : i32 to index
          %swap3A_560 = tpu.vector_load %arg11[%swap3A_559] {strides = array<i32>} : memref<8192xi32, #tpu.memory_space<vmem>>, vector<16xi32>,
          tpu.vector_store %arg11[%swap3A_559], %and3A_552 {strides = array<i32>} : memref<8192xi32, #tpu.memory_space<vmem>>, vector<16xi32>,
          %add3A_561 = arith.constant 1024 : i32
          %add3A_562 = vector.broadcast %add3A_561 : i32 to vector<16xi32>
          %add3A_563 = arith.addi %max3A_440, %add3A_562 : vector<16xi32>
          %gather3A_564 = tpu.vector_load_idx %arg6[%add3A_563] : memref<5120xi32, #tpu.memory_space<vmem>>[vector<16xi32>], vector<16xi32>,
          %mul3A_565 = arith.constant 128 : i32
          %mul3A_566 = vector.broadcast %mul3A_565 : i32 to vector<16xi32>
          %mul3A_567 = arith.muli %gather3A_564, %mul3A_566 : vector<16xi32>
          %add3A_568 = arith.addi %mul3A_452, %mul3A_567 : vector<16xi32>
          %add3A_569 = arith.constant 1024 : i32
          %add3A_570 = vector.broadcast %add3A_569 : i32 to vector<16xi32>
          %add3A_571 = arith.addi %max3A_446, %add3A_570 : vector<16xi32>
          %gather3A_572 = tpu.vector_load_idx %arg6[%add3A_571] : memref<5120xi32, #tpu.memory_space<vmem>>[vector<16xi32>], vector<16xi32>,
          %add3A_573 = arith.addi %add3A_568, %gather3A_572 : vector<16xi32>
          %add3A_574 = arith.constant 512 : i32
          %add3A_575 = vector.broadcast %add3A_574 : i32 to vector<16xi32>
          %add3A_576 = arith.addi %max3A_440, %add3A_575 : vector<16xi32>
          %gather3A_577 = tpu.vector_load_idx %arg6[%add3A_576] : memref<5120xi32, #tpu.memory_space<vmem>>[vector<16xi32>], vector<16xi32>,
          %add3A_578 = arith.addi %add3A_568, %gather3A_577 : vector<16xi32>
          %add3A_579 = arith.constant 1024 : i32
          %add3A_580 = arith.addi %add3A_579, %mul3A_420 : i32
          %shift_right_arithmetic3A_581 = arith.constant 1 : i32
          %shift_right_arithmetic3A_582 = vector.broadcast %shift_right_arithmetic3A_581 : i32 to vector<16xi32>
          %shift_right_arithmetic3A_583 = arith.shrsi %add3A_573, %shift_right_arithmetic3A_582 : vector<16xi32>
          %swap3A_584 = arith.index_cast %add3A_580 : i32 to index
          %swap3A_585 = tpu.vector_load %arg7[%swap3A_584] {strides = array<i32>} : memref<2048xi32, #tpu.memory_space<vmem>>, vector<16xi32>,
          tpu.vector_store %arg7[%swap3A_584], %shift_right_arithmetic3A_583 {strides = array<i32>} : memref<2048xi32, #tpu.memory_space<vmem>>, vector<16xi32>,
          %shift_right_arithmetic3A_586 = arith.constant 1 : i32
          %shift_right_arithmetic3A_587 = vector.broadcast %shift_right_arithmetic3A_586 : i32 to vector<16xi32>
          %shift_right_arithmetic3A_588 = arith.shrsi %add3A_578, %shift_right_arithmetic3A_587 : vector<16xi32>
          %swap3A_589 = arith.index_cast %add3A_580 : i32 to index
          %swap3A_590 = tpu.vector_load %arg9[%swap3A_589] {strides = array<i32>} : memref<2048xi32, #tpu.memory_space<vmem>>, vector<16xi32>,
          tpu.vector_store %arg9[%swap3A_589], %shift_right_arithmetic3A_588 {strides = array<i32>} : memref<2048xi32, #tpu.memory_space<vmem>>, vector<16xi32>,
          %shift_left3A_591 = arith.constant 2 : i32
          %shift_left3A_592 = vector.broadcast %shift_left3A_591 : i32 to vector<16xi32>
          %shift_left3A_593 = arith.shli %add3A_573, %shift_left3A_592 : vector<16xi32>
          %and3A_594 = arith.constant 4 : i32
          %and3A_595 = vector.broadcast %and3A_594 : i32 to vector<16xi32>
          %and3A_596 = arith.andi %shift_left3A_593, %and3A_595 : vector<16xi32>
          %mul3A_597 = arith.constant 2 : i32
          %mul3A_598 = arith.muli %mul3A_597, %add3A_580 : i32
          %add3A_599 = arith.constant 0 : i32
          %add3A_600 = arith.addi %add3A_599, %mul3A_598 : i32
          %swap3A_601 = arith.index_cast %add3A_600 : i32 to index
          %swap3A_602 = tpu.vector_load %arg11[%swap3A_601] {strides = array<i32>} : memref<8192xi32, #tpu.memory_space<vmem>>, vector<16xi32>,
          tpu.vector_store %arg11[%swap3A_601], %and3A_596 {strides = array<i32>} : memref<8192xi32, #tpu.memory_space<vmem>>, vector<16xi32>,
          %shift_left3A_603 = arith.constant 2 : i32
          %shift_left3A_604 = vector.broadcast %shift_left3A_603 : i32 to vector<16xi32>
          %shift_left3A_605 = arith.shli %add3A_578, %shift_left3A_604 : vector<16xi32>
          %and3A_606 = arith.constant 4 : i32
          %and3A_607 = vector.broadcast %and3A_606 : i32 to vector<16xi32>
          %and3A_608 = arith.andi %shift_left3A_605, %and3A_607 : vector<16xi32>
          %mul3A_609 = arith.constant 2 : i32
          %mul3A_610 = arith.muli %mul3A_609, %add3A_580 : i32
          %add3A_611 = arith.constant 0 : i32
          %add3A_612 = arith.addi %add3A_611, %mul3A_610 : i32
          %add3A_613 = arith.constant 16 : i32
          %add3A_614 = arith.addi %add3A_612, %add3A_613 : i32
          %swap3A_615 = arith.index_cast %add3A_614 : i32 to index
          %swap3A_616 = tpu.vector_load %arg11[%swap3A_615] {strides = array<i32>} : memref<8192xi32, #tpu.memory_space<vmem>>, vector<16xi32>,
          tpu.vector_store %arg11[%swap3A_615], %and3A_608 {strides = array<i32>} : memref<8192xi32, #tpu.memory_space<vmem>>, vector<16xi32>,
          %add3A_617 = arith.constant 512 : i32
          %add3A_618 = arith.addi %add3A_617, %mul3A_420 : i32
          %get3A_619 = arith.index_cast %add3A_618 : i32 to index
          %get3A_620 = tpu.vector_load %arg6[%get3A_619] {strides = array<i32>} : memref<5120xi32, #tpu.memory_space<vmem>>, vector<16xi32>,
          %mul3A_621 = arith.constant 128 : i32
          %mul3A_622 = vector.broadcast %mul3A_621 : i32 to vector<16xi32>
          %mul3A_623 = arith.muli %get3A_620, %mul3A_622 : vector<16xi32>
          %add3A_624 = arith.addi %mul3A_452, %mul3A_623 : vector<16xi32>
          %add3A_625 = arith.constant 0 : i32
          %add3A_626 = arith.addi %add3A_625, %mul3A_420 : i32
          %get3A_627 = arith.index_cast %add3A_626 : i32 to index
          %get3A_628 = tpu.vector_load %arg6[%get3A_627] {strides = array<i32>} : memref<5120xi32, #tpu.memory_space<vmem>>, vector<16xi32>,
          %add3A_629 = arith.addi %add3A_624, %get3A_628 : vector<16xi32>
          %add3A_630 = arith.constant 512 : i32
          %add3A_631 = vector.broadcast %add3A_630 : i32 to vector<16xi32>
          %add3A_632 = arith.addi %min3A_428, %add3A_631 : vector<16xi32>
          %gather3A_633 = tpu.vector_load_idx %arg6[%add3A_632] : memref<5120xi32, #tpu.memory_space<vmem>>[vector<16xi32>], vector<16xi32>,
          %add3A_634 = arith.addi %add3A_624, %gather3A_633 : vector<16xi32>
          %add3A_635 = arith.constant 1536 : i32
          %add3A_636 = arith.addi %add3A_635, %mul3A_420 : i32
          %shift_right_arithmetic3A_637 = arith.constant 1 : i32
          %shift_right_arithmetic3A_638 = vector.broadcast %shift_right_arithmetic3A_637 : i32 to vector<16xi32>
          %shift_right_arithmetic3A_639 = arith.shrsi %add3A_629, %shift_right_arithmetic3A_638 : vector<16xi32>
          %swap3A_640 = arith.index_cast %add3A_636 : i32 to index
          %swap3A_641 = tpu.vector_load %arg7[%swap3A_640] {strides = array<i32>} : memref<2048xi32, #tpu.memory_space<vmem>>, vector<16xi32>,
          tpu.vector_store %arg7[%swap3A_640], %shift_right_arithmetic3A_639 {strides = array<i32>} : memref<2048xi32, #tpu.memory_space<vmem>>, vector<16xi32>,
          %shift_right_arithmetic3A_642 = arith.constant 1 : i32
          %shift_right_arithmetic3A_643 = vector.broadcast %shift_right_arithmetic3A_642 : i32 to vector<16xi32>
          %shift_right_arithmetic3A_644 = arith.shrsi %add3A_634, %shift_right_arithmetic3A_643 : vector<16xi32>
          %swap3A_645 = arith.index_cast %add3A_636 : i32 to index
          %swap3A_646 = tpu.vector_load %arg9[%swap3A_645] {strides = array<i32>} : memref<2048xi32, #tpu.memory_space<vmem>>, vector<16xi32>,
          tpu.vector_store %arg9[%swap3A_645], %shift_right_arithmetic3A_644 {strides = array<i32>} : memref<2048xi32, #tpu.memory_space<vmem>>, vector<16xi32>,
          %shift_left3A_647 = arith.constant 2 : i32
          %shift_left3A_648 = vector.broadcast %shift_left3A_647 : i32 to vector<16xi32>
          %shift_left3A_649 = arith.shli %add3A_629, %shift_left3A_648 : vector<16xi32>
          %and3A_650 = arith.constant 4 : i32
          %and3A_651 = vector.broadcast %and3A_650 : i32 to vector<16xi32>
          %and3A_652 = arith.andi %shift_left3A_649, %and3A_651 : vector<16xi32>
          %mul3A_653 = arith.constant 2 : i32
          %mul3A_654 = arith.muli %mul3A_653, %add3A_636 : i32
          %add3A_655 = arith.constant 0 : i32
          %add3A_656 = arith.addi %add3A_655, %mul3A_654 : i32
          %swap3A_657 = arith.index_cast %add3A_656 : i32 to index
          %swap3A_658 = tpu.vector_load %arg11[%swap3A_657] {strides = array<i32>} : memref<8192xi32, #tpu.memory_space<vmem>>, vector<16xi32>,
          tpu.vector_store %arg11[%swap3A_657], %and3A_652 {strides = array<i32>} : memref<8192xi32, #tpu.memory_space<vmem>>, vector<16xi32>,
          %shift_left3A_659 = arith.constant 2 : i32
          %shift_left3A_660 = vector.broadcast %shift_left3A_659 : i32 to vector<16xi32>
          %shift_left3A_661 = arith.shli %add3A_634, %shift_left3A_660 : vector<16xi32>
          %and3A_662 = arith.constant 4 : i32
          %and3A_663 = vector.broadcast %and3A_662 : i32 to vector<16xi32>
          %and3A_664 = arith.andi %shift_left3A_661, %and3A_663 : vector<16xi32>
          %mul3A_665 = arith.constant 2 : i32
          %mul3A_666 = arith.muli %mul3A_665, %add3A_636 : i32
          %add3A_667 = arith.constant 0 : i32
          %add3A_668 = arith.addi %add3A_667, %mul3A_666 : i32
          %add3A_669 = arith.constant 16 : i32
          %add3A_670 = arith.addi %add3A_668, %add3A_669 : i32
          %swap3A_671 = arith.index_cast %add3A_670 : i32 to index
          %swap3A_672 = tpu.vector_load %arg11[%swap3A_671] {strides = array<i32>} : memref<8192xi32, #tpu.memory_space<vmem>>, vector<16xi32>,
          tpu.vector_store %arg11[%swap3A_671], %and3A_664 {strides = array<i32>} : memref<8192xi32, #tpu.memory_space<vmem>>, vector<16xi32>,
          %scan3A_673 = arith.constant 1 : i32
          %scan3A_674 = arith.addi %scan3A_418, %scan3A_673 : i32
          %mul3A_675 = arith.constant 16 : i32
          %mul3A_676 = arith.muli %scan3A_674, %mul3A_675 : i32
          %add3A_677 = vector.broadcast %mul3A_676 : i32 to vector<16xi32>
          %add3A_678 = arith.addi %add3A_677, %iota3A : vector<16xi32>
          %add3A_679 = arith.constant 1 : i32
          %add3A_680 = vector.broadcast %add3A_679 : i32 to vector<16xi32>
          %add3A_681 = arith.addi %add3A_678, %add3A_680 : vector<16xi32>
          %min3A_682 = arith.constant 511 : i32
          %min3A_683 = vector.broadcast %min3A_682 : i32 to vector<16xi32>
          %min3A_684 = arith.minsi %add3A_681, %min3A_683 : vector<16xi32>
          %add3A_685 = arith.constant 2 : i32
          %add3A_686 = vector.broadcast %add3A_685 : i32 to vector<16xi32>
          %add3A_687 = arith.addi %add3A_678, %add3A_686 : vector<16xi32>
          %min3A_688 = arith.constant 511 : i32
          %min3A_689 = vector.broadcast %min3A_688 : i32 to vector<16xi32>
          %min3A_690 = arith.minsi %add3A_687, %min3A_689 : vector<16xi32>
          %sub3A_691 = arith.constant 1 : i32
          %sub3A_692 = vector.broadcast %sub3A_691 : i32 to vector<16xi32>
          %sub3A_693 = arith.subi %add3A_678, %sub3A_692 : vector<16xi32>
          %max3A_694 = arith.constant 0 : i32
          %max3A_695 = vector.broadcast %max3A_694 : i32 to vector<16xi32>
          %max3A_696 = arith.maxsi %sub3A_693, %max3A_695 : vector<16xi32>
          %sub3A_697 = arith.constant 2 : i32
          %sub3A_698 = vector.broadcast %sub3A_697 : i32 to vector<16xi32>
          %sub3A_699 = arith.subi %add3A_678, %sub3A_698 : vector<16xi32>
          %max3A_700 = arith.constant 0 : i32
          %max3A_701 = vector.broadcast %max3A_700 : i32 to vector<16xi32>
          %max3A_702 = arith.maxsi %sub3A_699, %max3A_701 : vector<16xi32>
          %add3A_703 = arith.constant 1024 : i32
          %add3A_704 = arith.addi %add3A_703, %mul3A_676 : i32
          %get3A_705 = arith.index_cast %add3A_704 : i32 to index
          %get3A_706 = tpu.vector_load %arg6[%get3A_705] {strides = array<i32>} : memref<5120xi32, #tpu.memory_space<vmem>>, vector<16xi32>,
          %mul3A_707 = arith.constant 16384 : i32
          %mul3A_708 = vector.broadcast %mul3A_707 : i32 to vector<16xi32>
          %mul3A_709 = arith.muli %get3A_706, %mul3A_708 : vector<16xi32>
          %add3A_710 = arith.constant 1024 : i32
          %add3A_711 = vector.broadcast %add3A_710 : i32 to vector<16xi32>
          %add3A_712 = arith.addi %min3A_684, %add3A_711 : vector<16xi32>
          %gather3A_713 = tpu.vector_load_idx %arg6[%add3A_712] : memref<5120xi32, #tpu.memory_space<vmem>>[vector<16xi32>], vector<16xi32>,
          %mul3A_714 = arith.constant 128 : i32
          %mul3A_715 = vector.broadcast %mul3A_714 : i32 to vector<16xi32>
          %mul3A_716 = arith.muli %gather3A_713, %mul3A_715 : vector<16xi32>
          %add3A_717 = arith.addi %mul3A_709, %mul3A_716 : vector<16xi32>
          %add3A_718 = arith.constant 1024 : i32
          %add3A_719 = vector.broadcast %add3A_718 : i32 to vector<16xi32>
          %add3A_720 = arith.addi %min3A_690, %add3A_719 : vector<16xi32>
          %gather3A_721 = tpu.vector_load_idx %arg6[%add3A_720] : memref<5120xi32, #tpu.memory_space<vmem>>[vector<16xi32>], vector<16xi32>,
          %add3A_722 = arith.addi %add3A_717, %gather3A_721 : vector<16xi32>
          %add3A_723 = arith.constant 1536 : i32
          %add3A_724 = vector.broadcast %add3A_723 : i32 to vector<16xi32>
          %add3A_725 = arith.addi %min3A_684, %add3A_724 : vector<16xi32>
          %gather3A_726 = tpu.vector_load_idx %arg6[%add3A_725] : memref<5120xi32, #tpu.memory_space<vmem>>[vector<16xi32>], vector<16xi32>,
          %add3A_727 = arith.addi %add3A_717, %gather3A_726 : vector<16xi32>
          %add3A_728 = arith.constant 0 : i32
          %add3A_729 = arith.addi %add3A_728, %mul3A_676 : i32
          %shift_right_arithmetic3A_730 = arith.constant 1 : i32
          %shift_right_arithmetic3A_731 = vector.broadcast %shift_right_arithmetic3A_730 : i32 to vector<16xi32>
          %shift_right_arithmetic3A_732 = arith.shrsi %add3A_722, %shift_right_arithmetic3A_731 : vector<16xi32>
          %swap3A_733 = arith.index_cast %add3A_729 : i32 to index
          %swap3A_734 = tpu.vector_load %arg7[%swap3A_733] {strides = array<i32>} : memref<2048xi32, #tpu.memory_space<vmem>>, vector<16xi32>,
          tpu.vector_store %arg7[%swap3A_733], %shift_right_arithmetic3A_732 {strides = array<i32>} : memref<2048xi32, #tpu.memory_space<vmem>>, vector<16xi32>,
          %shift_right_arithmetic3A_735 = arith.constant 1 : i32
          %shift_right_arithmetic3A_736 = vector.broadcast %shift_right_arithmetic3A_735 : i32 to vector<16xi32>
          %shift_right_arithmetic3A_737 = arith.shrsi %add3A_727, %shift_right_arithmetic3A_736 : vector<16xi32>
          %swap3A_738 = arith.index_cast %add3A_729 : i32 to index
          %swap3A_739 = tpu.vector_load %arg9[%swap3A_738] {strides = array<i32>} : memref<2048xi32, #tpu.memory_space<vmem>>, vector<16xi32>,
          tpu.vector_store %arg9[%swap3A_738], %shift_right_arithmetic3A_737 {strides = array<i32>} : memref<2048xi32, #tpu.memory_space<vmem>>, vector<16xi32>,
          %shift_left3A_740 = arith.constant 2 : i32
          %shift_left3A_741 = vector.broadcast %shift_left3A_740 : i32 to vector<16xi32>
          %shift_left3A_742 = arith.shli %add3A_722, %shift_left3A_741 : vector<16xi32>
          %and3A_743 = arith.constant 4 : i32
          %and3A_744 = vector.broadcast %and3A_743 : i32 to vector<16xi32>
          %and3A_745 = arith.andi %shift_left3A_742, %and3A_744 : vector<16xi32>
          %mul3A_746 = arith.constant 2 : i32
          %mul3A_747 = arith.muli %mul3A_746, %add3A_729 : i32
          %add3A_748 = arith.constant 0 : i32
          %add3A_749 = arith.addi %add3A_748, %mul3A_747 : i32
          %swap3A_750 = arith.index_cast %add3A_749 : i32 to index
          %swap3A_751 = tpu.vector_load %arg11[%swap3A_750] {strides = array<i32>} : memref<8192xi32, #tpu.memory_space<vmem>>, vector<16xi32>,
          tpu.vector_store %arg11[%swap3A_750], %and3A_745 {strides = array<i32>} : memref<8192xi32, #tpu.memory_space<vmem>>, vector<16xi32>,
          %shift_left3A_752 = arith.constant 2 : i32
          %shift_left3A_753 = vector.broadcast %shift_left3A_752 : i32 to vector<16xi32>
          %shift_left3A_754 = arith.shli %add3A_727, %shift_left3A_753 : vector<16xi32>
          %and3A_755 = arith.constant 4 : i32
          %and3A_756 = vector.broadcast %and3A_755 : i32 to vector<16xi32>
          %and3A_757 = arith.andi %shift_left3A_754, %and3A_756 : vector<16xi32>
          %mul3A_758 = arith.constant 2 : i32
          %mul3A_759 = arith.muli %mul3A_758, %add3A_729 : i32
          %add3A_760 = arith.constant 0 : i32
          %add3A_761 = arith.addi %add3A_760, %mul3A_759 : i32
          %add3A_762 = arith.constant 16 : i32
          %add3A_763 = arith.addi %add3A_761, %add3A_762 : i32
          %swap3A_764 = arith.index_cast %add3A_763 : i32 to index
          %swap3A_765 = tpu.vector_load %arg11[%swap3A_764] {strides = array<i32>} : memref<8192xi32, #tpu.memory_space<vmem>>, vector<16xi32>,
          tpu.vector_store %arg11[%swap3A_764], %and3A_757 {strides = array<i32>} : memref<8192xi32, #tpu.memory_space<vmem>>, vector<16xi32>,
          %add3A_766 = arith.constant 1536 : i32
          %add3A_767 = arith.addi %add3A_766, %mul3A_676 : i32
          %get3A_768 = arith.index_cast %add3A_767 : i32 to index
          %get3A_769 = tpu.vector_load %arg6[%get3A_768] {strides = array<i32>} : memref<5120xi32, #tpu.memory_space<vmem>>, vector<16xi32>,
          %mul3A_770 = arith.constant 128 : i32
          %mul3A_771 = vector.broadcast %mul3A_770 : i32 to vector<16xi32>
          %mul3A_772 = arith.muli %get3A_769, %mul3A_771 : vector<16xi32>
          %add3A_773 = arith.addi %mul3A_709, %mul3A_772 : vector<16xi32>
          %add3A_774 = arith.constant 2048 : i32
          %add3A_775 = arith.addi %add3A_774, %mul3A_676 : i32
          %get3A_776 = arith.index_cast %add3A_775 : i32 to index
          %get3A_777 = tpu.vector_load %arg6[%get3A_776] {strides = array<i32>} : memref<5120xi32, #tpu.memory_space<vmem>>, vector<16xi32>,
          %add3A_778 = arith.addi %add3A_773, %get3A_777 : vector<16xi32>
          %add3A_779 = arith.constant 1536 : i32
          %add3A_780 = vector.broadcast %add3A_779 : i32 to vector<16xi32>
          %add3A_781 = arith.addi %max3A_696, %add3A_780 : vector<16xi32>
          %gather3A_782 = tpu.vector_load_idx %arg6[%add3A_781] : memref<5120xi32, #tpu.memory_space<vmem>>[vector<16xi32>], vector<16xi32>,
          %add3A_783 = arith.addi %add3A_773, %gather3A_782 : vector<16xi32>
          %add3A_784 = arith.constant 512 : i32
          %add3A_785 = arith.addi %add3A_784, %mul3A_676 : i32
          %shift_right_arithmetic3A_786 = arith.constant 1 : i32
          %shift_right_arithmetic3A_787 = vector.broadcast %shift_right_arithmetic3A_786 : i32 to vector<16xi32>
          %shift_right_arithmetic3A_788 = arith.shrsi %add3A_778, %shift_right_arithmetic3A_787 : vector<16xi32>
          %swap3A_789 = arith.index_cast %add3A_785 : i32 to index
          %swap3A_790 = tpu.vector_load %arg7[%swap3A_789] {strides = array<i32>} : memref<2048xi32, #tpu.memory_space<vmem>>, vector<16xi32>,
          tpu.vector_store %arg7[%swap3A_789], %shift_right_arithmetic3A_788 {strides = array<i32>} : memref<2048xi32, #tpu.memory_space<vmem>>, vector<16xi32>,
          %shift_right_arithmetic3A_791 = arith.constant 1 : i32
          %shift_right_arithmetic3A_792 = vector.broadcast %shift_right_arithmetic3A_791 : i32 to vector<16xi32>
          %shift_right_arithmetic3A_793 = arith.shrsi %add3A_783, %shift_right_arithmetic3A_792 : vector<16xi32>
          %swap3A_794 = arith.index_cast %add3A_785 : i32 to index
          %swap3A_795 = tpu.vector_load %arg9[%swap3A_794] {strides = array<i32>} : memref<2048xi32, #tpu.memory_space<vmem>>, vector<16xi32>,
          tpu.vector_store %arg9[%swap3A_794], %shift_right_arithmetic3A_793 {strides = array<i32>} : memref<2048xi32, #tpu.memory_space<vmem>>, vector<16xi32>,
          %shift_left3A_796 = arith.constant 2 : i32
          %shift_left3A_797 = vector.broadcast %shift_left3A_796 : i32 to vector<16xi32>
          %shift_left3A_798 = arith.shli %add3A_778, %shift_left3A_797 : vector<16xi32>
          %and3A_799 = arith.constant 4 : i32
          %and3A_800 = vector.broadcast %and3A_799 : i32 to vector<16xi32>
          %and3A_801 = arith.andi %shift_left3A_798, %and3A_800 : vector<16xi32>
          %mul3A_802 = arith.constant 2 : i32
          %mul3A_803 = arith.muli %mul3A_802, %add3A_785 : i32
          %add3A_804 = arith.constant 0 : i32
          %add3A_805 = arith.addi %add3A_804, %mul3A_803 : i32
          %swap3A_806 = arith.index_cast %add3A_805 : i32 to index
          %swap3A_807 = tpu.vector_load %arg11[%swap3A_806] {strides = array<i32>} : memref<8192xi32, #tpu.memory_space<vmem>>, vector<16xi32>,
          tpu.vector_store %arg11[%swap3A_806], %and3A_801 {strides = array<i32>} : memref<8192xi32, #tpu.memory_space<vmem>>, vector<16xi32>,
          %shift_left3A_808 = arith.constant 2 : i32
          %shift_left3A_809 = vector.broadcast %shift_left3A_808 : i32 to vector<16xi32>
          %shift_left3A_810 = arith.shli %add3A_783, %shift_left3A_809 : vector<16xi32>
          %and3A_811 = arith.constant 4 : i32
          %and3A_812 = vector.broadcast %and3A_811 : i32 to vector<16xi32>
          %and3A_813 = arith.andi %shift_left3A_810, %and3A_812 : vector<16xi32>
          %mul3A_814 = arith.constant 2 : i32
          %mul3A_815 = arith.muli %mul3A_814, %add3A_785 : i32
          %add3A_816 = arith.constant 0 : i32
          %add3A_817 = arith.addi %add3A_816, %mul3A_815 : i32
          %add3A_818 = arith.constant 16 : i32
          %add3A_819 = arith.addi %add3A_817, %add3A_818 : i32
          %swap3A_820 = arith.index_cast %add3A_819 : i32 to index
          %swap3A_821 = tpu.vector_load %arg11[%swap3A_820] {strides = array<i32>} : memref<8192xi32, #tpu.memory_space<vmem>>, vector<16xi32>,
          tpu.vector_store %arg11[%swap3A_820], %and3A_813 {strides = array<i32>} : memref<8192xi32, #tpu.memory_space<vmem>>, vector<16xi32>,
          %add3A_822 = arith.constant 1024 : i32
          %add3A_823 = vector.broadcast %add3A_822 : i32 to vector<16xi32>
          %add3A_824 = arith.addi %max3A_696, %add3A_823 : vector<16xi32>
          %gather3A_825 = tpu.vector_load_idx %arg6[%add3A_824] : memref<5120xi32, #tpu.memory_space<vmem>>[vector<16xi32>], vector<16xi32>,
          %mul3A_826 = arith.constant 128 : i32
          %mul3A_827 = vector.broadcast %mul3A_826 : i32 to vector<16xi32>
          %mul3A_828 = arith.muli %gather3A_825, %mul3A_827 : vector<16xi32>
          %add3A_829 = arith.addi %mul3A_709, %mul3A_828 : vector<16xi32>
          %add3A_830 = arith.constant 1024 : i32
          %add3A_831 = vector.broadcast %add3A_830 : i32 to vector<16xi32>
          %add3A_832 = arith.addi %max3A_702, %add3A_831 : vector<16xi32>
          %gather3A_833 = tpu.vector_load_idx %arg6[%add3A_832] : memref<5120xi32, #tpu.memory_space<vmem>>[vector<16xi32>], vector<16xi32>,
          %add3A_834 = arith.addi %add3A_829, %gather3A_833 : vector<16xi32>
          %add3A_835 = arith.constant 512 : i32
          %add3A_836 = vector.broadcast %add3A_835 : i32 to vector<16xi32>
          %add3A_837 = arith.addi %max3A_696, %add3A_836 : vector<16xi32>
          %gather3A_838 = tpu.vector_load_idx %arg6[%add3A_837] : memref<5120xi32, #tpu.memory_space<vmem>>[vector<16xi32>], vector<16xi32>,
          %add3A_839 = arith.addi %add3A_829, %gather3A_838 : vector<16xi32>
          %add3A_840 = arith.constant 1024 : i32
          %add3A_841 = arith.addi %add3A_840, %mul3A_676 : i32
          %shift_right_arithmetic3A_842 = arith.constant 1 : i32
          %shift_right_arithmetic3A_843 = vector.broadcast %shift_right_arithmetic3A_842 : i32 to vector<16xi32>
          %shift_right_arithmetic3A_844 = arith.shrsi %add3A_834, %shift_right_arithmetic3A_843 : vector<16xi32>
          %swap3A_845 = arith.index_cast %add3A_841 : i32 to index
          %swap3A_846 = tpu.vector_load %arg7[%swap3A_845] {strides = array<i32>} : memref<2048xi32, #tpu.memory_space<vmem>>, vector<16xi32>,
          tpu.vector_store %arg7[%swap3A_845], %shift_right_arithmetic3A_844 {strides = array<i32>} : memref<2048xi32, #tpu.memory_space<vmem>>, vector<16xi32>,
          %shift_right_arithmetic3A_847 = arith.constant 1 : i32
          %shift_right_arithmetic3A_848 = vector.broadcast %shift_right_arithmetic3A_847 : i32 to vector<16xi32>
          %shift_right_arithmetic3A_849 = arith.shrsi %add3A_839, %shift_right_arithmetic3A_848 : vector<16xi32>
          %swap3A_850 = arith.index_cast %add3A_841 : i32 to index
          %swap3A_851 = tpu.vector_load %arg9[%swap3A_850] {strides = array<i32>} : memref<2048xi32, #tpu.memory_space<vmem>>, vector<16xi32>,
          tpu.vector_store %arg9[%swap3A_850], %shift_right_arithmetic3A_849 {strides = array<i32>} : memref<2048xi32, #tpu.memory_space<vmem>>, vector<16xi32>,
          %shift_left3A_852 = arith.constant 2 : i32
          %shift_left3A_853 = vector.broadcast %shift_left3A_852 : i32 to vector<16xi32>
          %shift_left3A_854 = arith.shli %add3A_834, %shift_left3A_853 : vector<16xi32>
          %and3A_855 = arith.constant 4 : i32
          %and3A_856 = vector.broadcast %and3A_855 : i32 to vector<16xi32>
          %and3A_857 = arith.andi %shift_left3A_854, %and3A_856 : vector<16xi32>
          %mul3A_858 = arith.constant 2 : i32
          %mul3A_859 = arith.muli %mul3A_858, %add3A_841 : i32
          %add3A_860 = arith.constant 0 : i32
          %add3A_861 = arith.addi %add3A_860, %mul3A_859 : i32
          %swap3A_862 = arith.index_cast %add3A_861 : i32 to index
          %swap3A_863 = tpu.vector_load %arg11[%swap3A_862] {strides = array<i32>} : memref<8192xi32, #tpu.memory_space<vmem>>, vector<16xi32>,
          tpu.vector_store %arg11[%swap3A_862], %and3A_857 {strides = array<i32>} : memref<8192xi32, #tpu.memory_space<vmem>>, vector<16xi32>,
          %shift_left3A_864 = arith.constant 2 : i32
          %shift_left3A_865 = vector.broadcast %shift_left3A_864 : i32 to vector<16xi32>
          %shift_left3A_866 = arith.shli %add3A_839, %shift_left3A_865 : vector<16xi32>
          %and3A_867 = arith.constant 4 : i32
          %and3A_868 = vector.broadcast %and3A_867 : i32 to vector<16xi32>
          %and3A_869 = arith.andi %shift_left3A_866, %and3A_868 : vector<16xi32>
          %mul3A_870 = arith.constant 2 : i32
          %mul3A_871 = arith.muli %mul3A_870, %add3A_841 : i32
          %add3A_872 = arith.constant 0 : i32
          %add3A_873 = arith.addi %add3A_872, %mul3A_871 : i32
          %add3A_874 = arith.constant 16 : i32
          %add3A_875 = arith.addi %add3A_873, %add3A_874 : i32
          %swap3A_876 = arith.index_cast %add3A_875 : i32 to index
          %swap3A_877 = tpu.vector_load %arg11[%swap3A_876] {strides = array<i32>} : memref<8192xi32, #tpu.memory_space<vmem>>, vector<16xi32>,
          tpu.vector_store %arg11[%swap3A_876], %and3A_869 {strides = array<i32>} : memref<8192xi32, #tpu.memory_space<vmem>>, vector<16xi32>,
          %add3A_878 = arith.constant 512 : i32
          %add3A_879 = arith.addi %add3A_878, %mul3A_676 : i32
          %get3A_880 = arith.index_cast %add3A_879 : i32 to index
          %get3A_881 = tpu.vector_load %arg6[%get3A_880] {strides = array<i32>} : memref<5120xi32, #tpu.memory_space<vmem>>, vector<16xi32>,
          %mul3A_882 = arith.constant 128 : i32
          %mul3A_883 = vector.broadcast %mul3A_882 : i32 to vector<16xi32>
          %mul3A_884 = arith.muli %get3A_881, %mul3A_883 : vector<16xi32>
          %add3A_885 = arith.addi %mul3A_709, %mul3A_884 : vector<16xi32>
          %add3A_886 = arith.constant 0 : i32
          %add3A_887 = arith.addi %add3A_886, %mul3A_676 : i32
          %get3A_888 = arith.index_cast %add3A_887 : i32 to index
          %get3A_889 = tpu.vector_load %arg6[%get3A_888] {strides = array<i32>} : memref<5120xi32, #tpu.memory_space<vmem>>, vector<16xi32>,
          %add3A_890 = arith.addi %add3A_885, %get3A_889 : vector<16xi32>
          %add3A_891 = arith.constant 512 : i32
          %add3A_892 = vector.broadcast %add3A_891 : i32 to vector<16xi32>
          %add3A_893 = arith.addi %min3A_684, %add3A_892 : vector<16xi32>
          %gather3A_894 = tpu.vector_load_idx %arg6[%add3A_893] : memref<5120xi32, #tpu.memory_space<vmem>>[vector<16xi32>], vector<16xi32>,
          %add3A_895 = arith.addi %add3A_885, %gather3A_894 : vector<16xi32>
          %add3A_896 = arith.constant 1536 : i32
          %add3A_897 = arith.addi %add3A_896, %mul3A_676 : i32
          %shift_right_arithmetic3A_898 = arith.constant 1 : i32
          %shift_right_arithmetic3A_899 = vector.broadcast %shift_right_arithmetic3A_898 : i32 to vector<16xi32>
          %shift_right_arithmetic3A_900 = arith.shrsi %add3A_890, %shift_right_arithmetic3A_899 : vector<16xi32>
          %swap3A_901 = arith.index_cast %add3A_897 : i32 to index
          %swap3A_902 = tpu.vector_load %arg7[%swap3A_901] {strides = array<i32>} : memref<2048xi32, #tpu.memory_space<vmem>>, vector<16xi32>,
          tpu.vector_store %arg7[%swap3A_901], %shift_right_arithmetic3A_900 {strides = array<i32>} : memref<2048xi32, #tpu.memory_space<vmem>>, vector<16xi32>,
          %shift_right_arithmetic3A_903 = arith.constant 1 : i32
          %shift_right_arithmetic3A_904 = vector.broadcast %shift_right_arithmetic3A_903 : i32 to vector<16xi32>
          %shift_right_arithmetic3A_905 = arith.shrsi %add3A_895, %shift_right_arithmetic3A_904 : vector<16xi32>
          %swap3A_906 = arith.index_cast %add3A_897 : i32 to index
          %swap3A_907 = tpu.vector_load %arg9[%swap3A_906] {strides = array<i32>} : memref<2048xi32, #tpu.memory_space<vmem>>, vector<16xi32>,
          tpu.vector_store %arg9[%swap3A_906], %shift_right_arithmetic3A_905 {strides = array<i32>} : memref<2048xi32, #tpu.memory_space<vmem>>, vector<16xi32>,
          %shift_left3A_908 = arith.constant 2 : i32
          %shift_left3A_909 = vector.broadcast %shift_left3A_908 : i32 to vector<16xi32>
          %shift_left3A_910 = arith.shli %add3A_890, %shift_left3A_909 : vector<16xi32>
          %and3A_911 = arith.constant 4 : i32
          %and3A_912 = vector.broadcast %and3A_911 : i32 to vector<16xi32>
          %and3A_913 = arith.andi %shift_left3A_910, %and3A_912 : vector<16xi32>
          %mul3A_914 = arith.constant 2 : i32
          %mul3A_915 = arith.muli %mul3A_914, %add3A_897 : i32
          %add3A_916 = arith.constant 0 : i32
          %add3A_917 = arith.addi %add3A_916, %mul3A_915 : i32
          %swap3A_918 = arith.index_cast %add3A_917 : i32 to index
          %swap3A_919 = tpu.vector_load %arg11[%swap3A_918] {strides = array<i32>} : memref<8192xi32, #tpu.memory_space<vmem>>, vector<16xi32>,
          tpu.vector_store %arg11[%swap3A_918], %and3A_913 {strides = array<i32>} : memref<8192xi32, #tpu.memory_space<vmem>>, vector<16xi32>,
          %shift_left3A_920 = arith.constant 2 : i32
          %shift_left3A_921 = vector.broadcast %shift_left3A_920 : i32 to vector<16xi32>
          %shift_left3A_922 = arith.shli %add3A_895, %shift_left3A_921 : vector<16xi32>
          %and3A_923 = arith.constant 4 : i32
          %and3A_924 = vector.broadcast %and3A_923 : i32 to vector<16xi32>
          %and3A_925 = arith.andi %shift_left3A_922, %and3A_924 : vector<16xi32>
          %mul3A_926 = arith.constant 2 : i32
          %mul3A_927 = arith.muli %mul3A_926, %add3A_897 : i32
          %add3A_928 = arith.constant 0 : i32
          %add3A_929 = arith.addi %add3A_928, %mul3A_927 : i32
          %add3A_930 = arith.constant 16 : i32
          %add3A_931 = arith.addi %add3A_929, %add3A_930 : i32
          %swap3A_932 = arith.index_cast %add3A_931 : i32 to index
          %swap3A_933 = tpu.vector_load %arg11[%swap3A_932] {strides = array<i32>} : memref<8192xi32, #tpu.memory_space<vmem>>, vector<16xi32>,
          tpu.vector_store %arg11[%swap3A_932], %and3A_925 {strides = array<i32>} : memref<8192xi32, #tpu.memory_space<vmem>>, vector<16xi32>,
        }
        %scan3A_405 = arith.constant 32 : i32
        %dma_start3A_406 = arith.constant 0 : i32
        %dma_start3A_407 = arith.constant 0 : i32
        %dma_start3A_408 = tpu.memref_slice %arg12[%dma_start3A_406, %dma_start3A_407] : memref<4096x8xf32, #tpu.memory_space<vmem>> -> memref<2048x8xf32, #tpu.memory_space<vmem>>
        %dma_start3A_409 = arith.constant 0 : i32
        %dma_start3A_410 = arith.constant 0 : i32
        %dma_start3A_411 = tpu.memref_slice %arg3[%dma_start3A_409, %dma_start3A_410] : memref<1048576x8xf32, #tpu.memory_space<hbm>> -> memref<1048576x8xf32, #tpu.memory_space<hbm>>
        tpu.enqueue_indirect_dma source(%dma_start3A_411 : memref<1048576x8xf32, #tpu.memory_space<hbm>>) target(%dma_start3A_408 : memref<2048x8xf32, #tpu.memory_space<vmem>>) offsets(%arg7 : memref<2048xi32, #tpu.memory_space<vmem>>) semaphore(%arg17 : memref<!tpu.dma_semaphore, #tpu.memory_space<semaphore_mem>>)
        %dma_start3A_412 = arith.constant 0 : i32
        %dma_start3A_413 = arith.constant 0 : i32
        %dma_start3A_414 = tpu.memref_slice %arg13[%dma_start3A_412, %dma_start3A_413] : memref<4096x8xf32, #tpu.memory_space<vmem>> -> memref<2048x8xf32, #tpu.memory_space<vmem>>
        %dma_start3A_415 = arith.constant 0 : i32
        %dma_start3A_416 = arith.constant 0 : i32
        %dma_start3A_417 = tpu.memref_slice %arg4[%dma_start3A_415, %dma_start3A_416] : memref<1048576x8xf32, #tpu.memory_space<hbm>> -> memref<1048576x8xf32, #tpu.memory_space<hbm>>
        tpu.enqueue_indirect_dma source(%dma_start3A_417 : memref<1048576x8xf32, #tpu.memory_space<hbm>>) target(%dma_start3A_414 : memref<2048x8xf32, #tpu.memory_space<vmem>>) offsets(%arg9 : memref<2048xi32, #tpu.memory_space<vmem>>) semaphore(%arg17 : memref<!tpu.dma_semaphore, #tpu.memory_space<semaphore_mem>>)
      } else {
      }
      %dma_wait3A_344 = arith.constant 2048 : i32
      %dma_wait3A_345 = arith.constant 0 : i32
      %dma_wait3A_346 = tpu.memref_slice %arg12[%dma_wait3A_344, %dma_wait3A_345] : memref<4096x8xf32, #tpu.memory_space<vmem>> -> memref<2048x8xf32, #tpu.memory_space<vmem>>
      %dma_wait3A_347 = arith.constant 0 : i32
      %dma_wait3A_348 = arith.constant 0 : i32
      %dma_wait3A_349 = tpu.memref_slice %arg3[%dma_wait3A_347, %dma_wait3A_348] : memref<1048576x8xf32, #tpu.memory_space<hbm>> -> memref<2048x8xf32, #tpu.memory_space<hbm>>
      %dma_wait3A_350 = arith.constant 2048 : i32
      %dma_wait3A_351 = arith.constant 0 : i32
      %dma_wait3A_352 = tpu.memref_slice %arg12[%dma_wait3A_350, %dma_wait3A_351] : memref<4096x8xf32, #tpu.memory_space<vmem>> -> memref<2048x8xf32, #tpu.memory_space<vmem>>
      %dma_wait3A_353 = arith.constant 0 : i32
      %dma_wait3A_354 = arith.constant 0 : i32
      %dma_wait3A_355 = tpu.memref_slice %arg3[%dma_wait3A_353, %dma_wait3A_354] : memref<1048576x8xf32, #tpu.memory_space<hbm>> -> memref<2048x8xf32, #tpu.memory_space<hbm>>
      tpu.wait_dma2 semaphore(%arg18 : memref<!tpu.dma_semaphore, #tpu.memory_space<semaphore_mem>>) src(%dma_wait3A_355 : memref<2048x8xf32, #tpu.memory_space<hbm>>) dst(%dma_wait3A_352 : memref<2048x8xf32, #tpu.memory_space<vmem>>)
      %dma_wait3A_356 = arith.constant 2048 : i32
      %dma_wait3A_357 = arith.constant 0 : i32
      %dma_wait3A_358 = tpu.memref_slice %arg13[%dma_wait3A_356, %dma_wait3A_357] : memref<4096x8xf32, #tpu.memory_space<vmem>> -> memref<2048x8xf32, #tpu.memory_space<vmem>>
      %dma_wait3A_359 = arith.constant 0 : i32
      %dma_wait3A_360 = arith.constant 0 : i32
      %dma_wait3A_361 = tpu.memref_slice %arg4[%dma_wait3A_359, %dma_wait3A_360] : memref<1048576x8xf32, #tpu.memory_space<hbm>> -> memref<2048x8xf32, #tpu.memory_space<hbm>>
      %dma_wait3A_362 = arith.constant 2048 : i32
      %dma_wait3A_363 = arith.constant 0 : i32
      %dma_wait3A_364 = tpu.memref_slice %arg13[%dma_wait3A_362, %dma_wait3A_363] : memref<4096x8xf32, #tpu.memory_space<vmem>> -> memref<2048x8xf32, #tpu.memory_space<vmem>>
      %dma_wait3A_365 = arith.constant 0 : i32
      %dma_wait3A_366 = arith.constant 0 : i32
      %dma_wait3A_367 = tpu.memref_slice %arg4[%dma_wait3A_365, %dma_wait3A_366] : memref<1048576x8xf32, #tpu.memory_space<hbm>> -> memref<2048x8xf32, #tpu.memory_space<hbm>>
      tpu.wait_dma2 semaphore(%arg18 : memref<!tpu.dma_semaphore, #tpu.memory_space<semaphore_mem>>) src(%dma_wait3A_367 : memref<2048x8xf32, #tpu.memory_space<hbm>>) dst(%dma_wait3A_364 : memref<2048x8xf32, #tpu.memory_space<vmem>>)
      %add3A_368 = arith.constant 1 : i32
      %add3A_369 = arith.addi %mul3A_254, %add3A_368 : i32
      %ge3A_370 = arith.constant 2 : i32
      %ge3A_371 = arith.cmpi sge, %add3A_369, %ge3A_370 : i32
      %convert_element_type3A_372 = arith.extui %ge3A_371 : i1 to i32
      %cond3A_373 = arith.constant 0 : i32
      %cond3A_374 = arith.cmpi ne, %convert_element_type3A_372, %cond3A_373 : i32
      scf.if %cond3A_374 {
        %dma_wait3A_392 = arith.constant 2048 : i32
        %dma_wait3A_393 = tpu.memref_slice %arg14[%dma_wait3A_392] : memref<4096xf32, #tpu.memory_space<vmem>> -> memref<2048xf32, #tpu.memory_space<vmem>>
        %dma_wait3A_394 = arith.constant 0 : i32
        %dma_wait3A_395 = tpu.memref_slice %arg5[%dma_wait3A_394] : memref<12582912xf32, #tpu.memory_space<hbm>> -> memref<2048xf32, #tpu.memory_space<hbm>>
        %dma_wait3A_396 = arith.constant 2048 : i32
        %dma_wait3A_397 = tpu.memref_slice %arg14[%dma_wait3A_396] : memref<4096xf32, #tpu.memory_space<vmem>> -> memref<2048xf32, #tpu.memory_space<vmem>>
        %dma_wait3A_398 = arith.constant 0 : i32
        %dma_wait3A_399 = tpu.memref_slice %arg5[%dma_wait3A_398] : memref<12582912xf32, #tpu.memory_space<hbm>> -> memref<2048xf32, #tpu.memory_space<hbm>>
        tpu.wait_dma2 semaphore(%arg20 : memref<!tpu.dma_semaphore, #tpu.memory_space<semaphore_mem>>) src(%dma_wait3A_399 : memref<2048xf32, #tpu.memory_space<hbm>>) dst(%dma_wait3A_397 : memref<2048xf32, #tpu.memory_space<vmem>>)
      } else {
      }
      %scan3A_375 = arith.constant 0 : i32
      %scan3A_376 = arith.constant 0 : i32
      %scan3A_377 = arith.constant 32 : i32
      %scan3A_378 = arith.addi %scan3A_376, %scan3A_377 : i32
      %scan3A_379 = arith.constant 2 : i32
      scf.for %scan3A_392 = %scan3A_376 to %scan3A_378 step %scan3A_379  : i32 {
        %mul3A_393 = arith.constant 16 : i32
        %mul3A_394 = arith.muli %scan3A_392, %mul3A_393 : i32
        %add3A_395 = vector.broadcast %mul3A_394 : i32 to vector<16xi32>
        %add3A_396 = arith.addi %add3A_395, %iota3A : vector<16xi32>
        %broadcast_in_dim3A = arith.constant 0.000000e+00 : f32
        %broadcast_in_dim3A_397 = vector.broadcast %broadcast_in_dim3A : f32 to vector<16xf32>
        %broadcast_in_dim3A_398 = arith.constant 0.000000e+00 : f32
        %broadcast_in_dim3A_399 = vector.broadcast %broadcast_in_dim3A_398 : f32 to vector<16xf32>
        %broadcast_in_dim3A_400 = arith.constant 0.000000e+00 : f32
        %broadcast_in_dim3A_401 = vector.broadcast %broadcast_in_dim3A_400 : f32 to vector<16xf32>
        %broadcast_in_dim3A_402 = arith.constant 0.000000e+00 : f32
        %broadcast_in_dim3A_403 = vector.broadcast %broadcast_in_dim3A_402 : f32 to vector<16xf32>
        %add3A_404 = arith.constant 2048 : i32
        %add3A_405 = vector.broadcast %add3A_404 : i32 to vector<16xi32>
        %add3A_406 = arith.addi %add3A_405, %add3A_396 : vector<16xi32>
        %add3A_407 = arith.constant 0 : i32
        %add3A_408 = arith.addi %add3A_407, %mul3A_394 : i32
        %mul3A_409 = arith.constant 2 : i32
        %mul3A_410 = arith.muli %mul3A_409, %add3A_408 : i32
        %add3A_411 = arith.constant 4096 : i32
        %add3A_412 = arith.addi %add3A_411, %mul3A_410 : i32
        %get3A = arith.index_cast %add3A_412 : i32 to index
        %get3A_413 = tpu.vector_load %arg11[%get3A] {strides = array<i32>} : memref<8192xi32, #tpu.memory_space<vmem>>, vector<16xi32>,
        %add3A_414 = arith.constant 16 : i32
        %add3A_415 = arith.addi %add3A_412, %add3A_414 : i32
        %get3A_416 = arith.index_cast %add3A_415 : i32 to index
        %get3A_417 = tpu.vector_load %arg11[%get3A_416] {strides = array<i32>} : memref<8192xi32, #tpu.memory_space<vmem>>, vector<16xi32>,
        %add3A_418 = arith.constant 0 : i32
        %add3A_419 = vector.broadcast %add3A_418 : i32 to vector<16xi32>
        %add3A_420 = arith.addi %get3A_413, %add3A_419 : vector<16xi32>
        %gather3A = tpu.vector_load_idx %arg12[%add3A_406, %add3A_420] : memref<4096x8xf32, #tpu.memory_space<vmem>>[vector<16xi32>, vector<16xi32>], vector<16xf32>,
        %add3A_421 = arith.constant 0 : i32
        %add3A_422 = vector.broadcast %add3A_421 : i32 to vector<16xi32>
        %add3A_423 = arith.addi %get3A_417, %add3A_422 : vector<16xi32>
        %gather3A_424 = tpu.vector_load_idx %arg13[%add3A_406, %add3A_423] : memref<4096x8xf32, #tpu.memory_space<vmem>>[vector<16xi32>, vector<16xi32>], vector<16xf32>,
        %add3A_425 = arith.addf %gather3A, %gather3A_424 : vector<16xf32>
        %add3A_426 = arith.addf %broadcast_in_dim3A_397, %add3A_425 : vector<16xf32>
        %add3A_427 = arith.constant 1 : i32
        %add3A_428 = vector.broadcast %add3A_427 : i32 to vector<16xi32>
        %add3A_429 = arith.addi %get3A_413, %add3A_428 : vector<16xi32>
        %gather3A_430 = tpu.vector_load_idx %arg12[%add3A_406, %add3A_429] : memref<4096x8xf32, #tpu.memory_space<vmem>>[vector<16xi32>, vector<16xi32>], vector<16xf32>,
        %add3A_431 = arith.constant 1 : i32
        %add3A_432 = vector.broadcast %add3A_431 : i32 to vector<16xi32>
        %add3A_433 = arith.addi %get3A_417, %add3A_432 : vector<16xi32>
        %gather3A_434 = tpu.vector_load_idx %arg13[%add3A_406, %add3A_433] : memref<4096x8xf32, #tpu.memory_space<vmem>>[vector<16xi32>, vector<16xi32>], vector<16xf32>,
        %add3A_435 = arith.addf %gather3A_430, %gather3A_434 : vector<16xf32>
        %add3A_436 = arith.addf %broadcast_in_dim3A_399, %add3A_435 : vector<16xf32>
        %add3A_437 = arith.constant 2 : i32
        %add3A_438 = vector.broadcast %add3A_437 : i32 to vector<16xi32>
        %add3A_439 = arith.addi %get3A_413, %add3A_438 : vector<16xi32>
        %gather3A_440 = tpu.vector_load_idx %arg12[%add3A_406, %add3A_439] : memref<4096x8xf32, #tpu.memory_space<vmem>>[vector<16xi32>, vector<16xi32>], vector<16xf32>,
        %add3A_441 = arith.constant 2 : i32
        %add3A_442 = vector.broadcast %add3A_441 : i32 to vector<16xi32>
        %add3A_443 = arith.addi %get3A_417, %add3A_442 : vector<16xi32>
        %gather3A_444 = tpu.vector_load_idx %arg13[%add3A_406, %add3A_443] : memref<4096x8xf32, #tpu.memory_space<vmem>>[vector<16xi32>, vector<16xi32>], vector<16xf32>,
        %add3A_445 = arith.addf %gather3A_440, %gather3A_444 : vector<16xf32>
        %add3A_446 = arith.addf %broadcast_in_dim3A_401, %add3A_445 : vector<16xf32>
        %add3A_447 = arith.constant 3 : i32
        %add3A_448 = vector.broadcast %add3A_447 : i32 to vector<16xi32>
        %add3A_449 = arith.addi %get3A_413, %add3A_448 : vector<16xi32>
        %gather3A_450 = tpu.vector_load_idx %arg12[%add3A_406, %add3A_449] : memref<4096x8xf32, #tpu.memory_space<vmem>>[vector<16xi32>, vector<16xi32>], vector<16xf32>,
        %add3A_451 = arith.constant 3 : i32
        %add3A_452 = vector.broadcast %add3A_451 : i32 to vector<16xi32>
        %add3A_453 = arith.addi %get3A_417, %add3A_452 : vector<16xi32>
        %gather3A_454 = tpu.vector_load_idx %arg13[%add3A_406, %add3A_453] : memref<4096x8xf32, #tpu.memory_space<vmem>>[vector<16xi32>, vector<16xi32>], vector<16xf32>,
        %add3A_455 = arith.addf %gather3A_450, %gather3A_454 : vector<16xf32>
        %add3A_456 = arith.addf %broadcast_in_dim3A_403, %add3A_455 : vector<16xf32>
        %add3A_457 = arith.constant 2560 : i32
        %add3A_458 = vector.broadcast %add3A_457 : i32 to vector<16xi32>
        %add3A_459 = arith.addi %add3A_458, %add3A_396 : vector<16xi32>
        %add3A_460 = arith.constant 512 : i32
        %add3A_461 = arith.addi %add3A_460, %mul3A_394 : i32
        %mul3A_462 = arith.constant 2 : i32
        %mul3A_463 = arith.muli %mul3A_462, %add3A_461 : i32
        %add3A_464 = arith.constant 4096 : i32
        %add3A_465 = arith.addi %add3A_464, %mul3A_463 : i32
        %get3A_466 = arith.index_cast %add3A_465 : i32 to index
        %get3A_467 = tpu.vector_load %arg11[%get3A_466] {strides = array<i32>} : memref<8192xi32, #tpu.memory_space<vmem>>, vector<16xi32>,
        %add3A_468 = arith.constant 16 : i32
        %add3A_469 = arith.addi %add3A_465, %add3A_468 : i32
        %get3A_470 = arith.index_cast %add3A_469 : i32 to index
        %get3A_471 = tpu.vector_load %arg11[%get3A_470] {strides = array<i32>} : memref<8192xi32, #tpu.memory_space<vmem>>, vector<16xi32>,
        %add3A_472 = arith.constant 2 : i32
        %add3A_473 = vector.broadcast %add3A_472 : i32 to vector<16xi32>
        %add3A_474 = arith.addi %get3A_467, %add3A_473 : vector<16xi32>
        %gather3A_475 = tpu.vector_load_idx %arg12[%add3A_459, %add3A_474] : memref<4096x8xf32, #tpu.memory_space<vmem>>[vector<16xi32>, vector<16xi32>], vector<16xf32>,
        %add3A_476 = arith.constant 2 : i32
        %add3A_477 = vector.broadcast %add3A_476 : i32 to vector<16xi32>
        %add3A_478 = arith.addi %get3A_471, %add3A_477 : vector<16xi32>
        %gather3A_479 = tpu.vector_load_idx %arg13[%add3A_459, %add3A_478] : memref<4096x8xf32, #tpu.memory_space<vmem>>[vector<16xi32>, vector<16xi32>], vector<16xf32>,
        %add3A_480 = arith.addf %gather3A_475, %gather3A_479 : vector<16xf32>
        %add3A_481 = arith.addf %add3A_426, %add3A_480 : vector<16xf32>
        %add3A_482 = arith.constant 0 : i32
        %add3A_483 = vector.broadcast %add3A_482 : i32 to vector<16xi32>
        %add3A_484 = arith.addi %get3A_467, %add3A_483 : vector<16xi32>
        %gather3A_485 = tpu.vector_load_idx %arg12[%add3A_459, %add3A_484] : memref<4096x8xf32, #tpu.memory_space<vmem>>[vector<16xi32>, vector<16xi32>], vector<16xf32>,
        %add3A_486 = arith.constant 0 : i32
        %add3A_487 = vector.broadcast %add3A_486 : i32 to vector<16xi32>
        %add3A_488 = arith.addi %get3A_471, %add3A_487 : vector<16xi32>
        %gather3A_489 = tpu.vector_load_idx %arg13[%add3A_459, %add3A_488] : memref<4096x8xf32, #tpu.memory_space<vmem>>[vector<16xi32>, vector<16xi32>], vector<16xf32>,
        %add3A_490 = arith.addf %gather3A_485, %gather3A_489 : vector<16xf32>
        %add3A_491 = arith.addf %add3A_436, %add3A_490 : vector<16xf32>
        %add3A_492 = arith.constant 3 : i32
        %add3A_493 = vector.broadcast %add3A_492 : i32 to vector<16xi32>
        %add3A_494 = arith.addi %get3A_467, %add3A_493 : vector<16xi32>
        %gather3A_495 = tpu.vector_load_idx %arg12[%add3A_459, %add3A_494] : memref<4096x8xf32, #tpu.memory_space<vmem>>[vector<16xi32>, vector<16xi32>], vector<16xf32>,
        %add3A_496 = arith.constant 3 : i32
        %add3A_497 = vector.broadcast %add3A_496 : i32 to vector<16xi32>
        %add3A_498 = arith.addi %get3A_471, %add3A_497 : vector<16xi32>
        %gather3A_499 = tpu.vector_load_idx %arg13[%add3A_459, %add3A_498] : memref<4096x8xf32, #tpu.memory_space<vmem>>[vector<16xi32>, vector<16xi32>], vector<16xf32>,
        %add3A_500 = arith.addf %gather3A_495, %gather3A_499 : vector<16xf32>
        %add3A_501 = arith.addf %add3A_446, %add3A_500 : vector<16xf32>
        %add3A_502 = arith.constant 1 : i32
        %add3A_503 = vector.broadcast %add3A_502 : i32 to vector<16xi32>
        %add3A_504 = arith.addi %get3A_467, %add3A_503 : vector<16xi32>
        %gather3A_505 = tpu.vector_load_idx %arg12[%add3A_459, %add3A_504] : memref<4096x8xf32, #tpu.memory_space<vmem>>[vector<16xi32>, vector<16xi32>], vector<16xf32>,
        %add3A_506 = arith.constant 1 : i32
        %add3A_507 = vector.broadcast %add3A_506 : i32 to vector<16xi32>
        %add3A_508 = arith.addi %get3A_471, %add3A_507 : vector<16xi32>
        %gather3A_509 = tpu.vector_load_idx %arg13[%add3A_459, %add3A_508] : memref<4096x8xf32, #tpu.memory_space<vmem>>[vector<16xi32>, vector<16xi32>], vector<16xf32>,
        %add3A_510 = arith.addf %gather3A_505, %gather3A_509 : vector<16xf32>
        %add3A_511 = arith.addf %add3A_456, %add3A_510 : vector<16xf32>
        %add3A_512 = arith.constant 3072 : i32
        %add3A_513 = vector.broadcast %add3A_512 : i32 to vector<16xi32>
        %add3A_514 = arith.addi %add3A_513, %add3A_396 : vector<16xi32>
        %add3A_515 = arith.constant 1024 : i32
        %add3A_516 = arith.addi %add3A_515, %mul3A_394 : i32
        %mul3A_517 = arith.constant 2 : i32
        %mul3A_518 = arith.muli %mul3A_517, %add3A_516 : i32
        %add3A_519 = arith.constant 4096 : i32
        %add3A_520 = arith.addi %add3A_519, %mul3A_518 : i32
        %get3A_521 = arith.index_cast %add3A_520 : i32 to index
        %get3A_522 = tpu.vector_load %arg11[%get3A_521] {strides = array<i32>} : memref<8192xi32, #tpu.memory_space<vmem>>, vector<16xi32>,
        %add3A_523 = arith.constant 16 : i32
        %add3A_524 = arith.addi %add3A_520, %add3A_523 : i32
        %get3A_525 = arith.index_cast %add3A_524 : i32 to index
        %get3A_526 = tpu.vector_load %arg11[%get3A_525] {strides = array<i32>} : memref<8192xi32, #tpu.memory_space<vmem>>, vector<16xi32>,
        %add3A_527 = arith.constant 3 : i32
        %add3A_528 = vector.broadcast %add3A_527 : i32 to vector<16xi32>
        %add3A_529 = arith.addi %get3A_522, %add3A_528 : vector<16xi32>
        %gather3A_530 = tpu.vector_load_idx %arg12[%add3A_514, %add3A_529] : memref<4096x8xf32, #tpu.memory_space<vmem>>[vector<16xi32>, vector<16xi32>], vector<16xf32>,
        %add3A_531 = arith.constant 3 : i32
        %add3A_532 = vector.broadcast %add3A_531 : i32 to vector<16xi32>
        %add3A_533 = arith.addi %get3A_526, %add3A_532 : vector<16xi32>
        %gather3A_534 = tpu.vector_load_idx %arg13[%add3A_514, %add3A_533] : memref<4096x8xf32, #tpu.memory_space<vmem>>[vector<16xi32>, vector<16xi32>], vector<16xf32>,
        %add3A_535 = arith.addf %gather3A_530, %gather3A_534 : vector<16xf32>
        %add3A_536 = arith.addf %add3A_481, %add3A_535 : vector<16xf32>
        %add3A_537 = arith.constant 2 : i32
        %add3A_538 = vector.broadcast %add3A_537 : i32 to vector<16xi32>
        %add3A_539 = arith.addi %get3A_522, %add3A_538 : vector<16xi32>
        %gather3A_540 = tpu.vector_load_idx %arg12[%add3A_514, %add3A_539] : memref<4096x8xf32, #tpu.memory_space<vmem>>[vector<16xi32>, vector<16xi32>], vector<16xf32>,
        %add3A_541 = arith.constant 2 : i32
        %add3A_542 = vector.broadcast %add3A_541 : i32 to vector<16xi32>
        %add3A_543 = arith.addi %get3A_526, %add3A_542 : vector<16xi32>
        %gather3A_544 = tpu.vector_load_idx %arg13[%add3A_514, %add3A_543] : memref<4096x8xf32, #tpu.memory_space<vmem>>[vector<16xi32>, vector<16xi32>], vector<16xf32>,
        %add3A_545 = arith.addf %gather3A_540, %gather3A_544 : vector<16xf32>
        %add3A_546 = arith.addf %add3A_491, %add3A_545 : vector<16xf32>
        %add3A_547 = arith.constant 1 : i32
        %add3A_548 = vector.broadcast %add3A_547 : i32 to vector<16xi32>
        %add3A_549 = arith.addi %get3A_522, %add3A_548 : vector<16xi32>
        %gather3A_550 = tpu.vector_load_idx %arg12[%add3A_514, %add3A_549] : memref<4096x8xf32, #tpu.memory_space<vmem>>[vector<16xi32>, vector<16xi32>], vector<16xf32>,
        %add3A_551 = arith.constant 1 : i32
        %add3A_552 = vector.broadcast %add3A_551 : i32 to vector<16xi32>
        %add3A_553 = arith.addi %get3A_526, %add3A_552 : vector<16xi32>
        %gather3A_554 = tpu.vector_load_idx %arg13[%add3A_514, %add3A_553] : memref<4096x8xf32, #tpu.memory_space<vmem>>[vector<16xi32>, vector<16xi32>], vector<16xf32>,
        %add3A_555 = arith.addf %gather3A_550, %gather3A_554 : vector<16xf32>
        %add3A_556 = arith.addf %add3A_501, %add3A_555 : vector<16xf32>
        %add3A_557 = arith.constant 0 : i32
        %add3A_558 = vector.broadcast %add3A_557 : i32 to vector<16xi32>
        %add3A_559 = arith.addi %get3A_522, %add3A_558 : vector<16xi32>
        %gather3A_560 = tpu.vector_load_idx %arg12[%add3A_514, %add3A_559] : memref<4096x8xf32, #tpu.memory_space<vmem>>[vector<16xi32>, vector<16xi32>], vector<16xf32>,
        %add3A_561 = arith.constant 0 : i32
        %add3A_562 = vector.broadcast %add3A_561 : i32 to vector<16xi32>
        %add3A_563 = arith.addi %get3A_526, %add3A_562 : vector<16xi32>
        %gather3A_564 = tpu.vector_load_idx %arg13[%add3A_514, %add3A_563] : memref<4096x8xf32, #tpu.memory_space<vmem>>[vector<16xi32>, vector<16xi32>], vector<16xf32>,
        %add3A_565 = arith.addf %gather3A_560, %gather3A_564 : vector<16xf32>
        %add3A_566 = arith.addf %add3A_511, %add3A_565 : vector<16xf32>
        %add3A_567 = arith.constant 3584 : i32
        %add3A_568 = vector.broadcast %add3A_567 : i32 to vector<16xi32>
        %add3A_569 = arith.addi %add3A_568, %add3A_396 : vector<16xi32>
        %add3A_570 = arith.constant 1536 : i32
        %add3A_571 = arith.addi %add3A_570, %mul3A_394 : i32
        %mul3A_572 = arith.constant 2 : i32
        %mul3A_573 = arith.muli %mul3A_572, %add3A_571 : i32
        %add3A_574 = arith.constant 4096 : i32
        %add3A_575 = arith.addi %add3A_574, %mul3A_573 : i32
        %get3A_576 = arith.index_cast %add3A_575 : i32 to index
        %get3A_577 = tpu.vector_load %arg11[%get3A_576] {strides = array<i32>} : memref<8192xi32, #tpu.memory_space<vmem>>, vector<16xi32>,
        %add3A_578 = arith.constant 16 : i32
        %add3A_579 = arith.addi %add3A_575, %add3A_578 : i32
        %get3A_580 = arith.index_cast %add3A_579 : i32 to index
        %get3A_581 = tpu.vector_load %arg11[%get3A_580] {strides = array<i32>} : memref<8192xi32, #tpu.memory_space<vmem>>, vector<16xi32>,
        %add3A_582 = arith.constant 1 : i32
        %add3A_583 = vector.broadcast %add3A_582 : i32 to vector<16xi32>
        %add3A_584 = arith.addi %get3A_577, %add3A_583 : vector<16xi32>
        %gather3A_585 = tpu.vector_load_idx %arg12[%add3A_569, %add3A_584] : memref<4096x8xf32, #tpu.memory_space<vmem>>[vector<16xi32>, vector<16xi32>], vector<16xf32>,
        %add3A_586 = arith.constant 1 : i32
        %add3A_587 = vector.broadcast %add3A_586 : i32 to vector<16xi32>
        %add3A_588 = arith.addi %get3A_581, %add3A_587 : vector<16xi32>
        %gather3A_589 = tpu.vector_load_idx %arg13[%add3A_569, %add3A_588] : memref<4096x8xf32, #tpu.memory_space<vmem>>[vector<16xi32>, vector<16xi32>], vector<16xf32>,
        %add3A_590 = arith.addf %gather3A_585, %gather3A_589 : vector<16xf32>
        %add3A_591 = arith.addf %add3A_536, %add3A_590 : vector<16xf32>
        %add3A_592 = arith.constant 3 : i32
        %add3A_593 = vector.broadcast %add3A_592 : i32 to vector<16xi32>
        %add3A_594 = arith.addi %get3A_577, %add3A_593 : vector<16xi32>
        %gather3A_595 = tpu.vector_load_idx %arg12[%add3A_569, %add3A_594] : memref<4096x8xf32, #tpu.memory_space<vmem>>[vector<16xi32>, vector<16xi32>], vector<16xf32>,
        %add3A_596 = arith.constant 3 : i32
        %add3A_597 = vector.broadcast %add3A_596 : i32 to vector<16xi32>
        %add3A_598 = arith.addi %get3A_581, %add3A_597 : vector<16xi32>
        %gather3A_599 = tpu.vector_load_idx %arg13[%add3A_569, %add3A_598] : memref<4096x8xf32, #tpu.memory_space<vmem>>[vector<16xi32>, vector<16xi32>], vector<16xf32>,
        %add3A_600 = arith.addf %gather3A_595, %gather3A_599 : vector<16xf32>
        %add3A_601 = arith.addf %add3A_546, %add3A_600 : vector<16xf32>
        %add3A_602 = arith.constant 0 : i32
        %add3A_603 = vector.broadcast %add3A_602 : i32 to vector<16xi32>
        %add3A_604 = arith.addi %get3A_577, %add3A_603 : vector<16xi32>
        %gather3A_605 = tpu.vector_load_idx %arg12[%add3A_569, %add3A_604] : memref<4096x8xf32, #tpu.memory_space<vmem>>[vector<16xi32>, vector<16xi32>], vector<16xf32>,
        %add3A_606 = arith.constant 0 : i32
        %add3A_607 = vector.broadcast %add3A_606 : i32 to vector<16xi32>
        %add3A_608 = arith.addi %get3A_581, %add3A_607 : vector<16xi32>
        %gather3A_609 = tpu.vector_load_idx %arg13[%add3A_569, %add3A_608] : memref<4096x8xf32, #tpu.memory_space<vmem>>[vector<16xi32>, vector<16xi32>], vector<16xf32>,
        %add3A_610 = arith.addf %gather3A_605, %gather3A_609 : vector<16xf32>
        %add3A_611 = arith.addf %add3A_556, %add3A_610 : vector<16xf32>
        %add3A_612 = arith.constant 2 : i32
        %add3A_613 = vector.broadcast %add3A_612 : i32 to vector<16xi32>
        %add3A_614 = arith.addi %get3A_577, %add3A_613 : vector<16xi32>
        %gather3A_615 = tpu.vector_load_idx %arg12[%add3A_569, %add3A_614] : memref<4096x8xf32, #tpu.memory_space<vmem>>[vector<16xi32>, vector<16xi32>], vector<16xf32>,
        %add3A_616 = arith.constant 2 : i32
        %add3A_617 = vector.broadcast %add3A_616 : i32 to vector<16xi32>
        %add3A_618 = arith.addi %get3A_581, %add3A_617 : vector<16xi32>
        %gather3A_619 = tpu.vector_load_idx %arg13[%add3A_569, %add3A_618] : memref<4096x8xf32, #tpu.memory_space<vmem>>[vector<16xi32>, vector<16xi32>], vector<16xf32>,
        %add3A_620 = arith.addf %gather3A_615, %gather3A_619 : vector<16xf32>
        %add3A_621 = arith.addf %add3A_566, %add3A_620 : vector<16xf32>
        %mul3A_622 = arith.constant 2 : i32
        %mul3A_623 = vector.broadcast %mul3A_622 : i32 to vector<16xi32>
        %mul3A_624 = arith.muli %add3A_396, %mul3A_623 : vector<16xi32>
        %add3A_625 = arith.constant 2048 : i32
        %add3A_626 = vector.broadcast %add3A_625 : i32 to vector<16xi32>
        %add3A_627 = arith.addi %add3A_626, %mul3A_624 : vector<16xi32>
        %mul3A_628 = arith.constant 5.000000e-01 : f32
        %mul3A_629 = vector.broadcast %mul3A_628 : f32 to vector<16xf32>
        %mul3A_630 = arith.mulf %add3A_591, %mul3A_629 : vector<16xf32>
        tpu.vector_store_idx %arg14[%add3A_627], %mul3A_630 : memref<4096xf32, #tpu.memory_space<vmem>>[vector<16xi32>], vector<16xf32>,
        %add3A_631 = arith.constant 1 : i32
        %add3A_632 = vector.broadcast %add3A_631 : i32 to vector<16xi32>
        %add3A_633 = arith.addi %add3A_627, %add3A_632 : vector<16xi32>
        %mul3A_634 = arith.constant 5.000000e-01 : f32
        %mul3A_635 = vector.broadcast %mul3A_634 : f32 to vector<16xf32>
        %mul3A_636 = arith.mulf %add3A_601, %mul3A_635 : vector<16xf32>
        tpu.vector_store_idx %arg14[%add3A_633], %mul3A_636 : memref<4096xf32, #tpu.memory_space<vmem>>[vector<16xi32>], vector<16xf32>,
        %add3A_637 = arith.constant 1024 : i32
        %add3A_638 = vector.broadcast %add3A_637 : i32 to vector<16xi32>
        %add3A_639 = arith.addi %add3A_627, %add3A_638 : vector<16xi32>
        %mul3A_640 = arith.constant 5.000000e-01 : f32
        %mul3A_641 = vector.broadcast %mul3A_640 : f32 to vector<16xf32>
        %mul3A_642 = arith.mulf %add3A_611, %mul3A_641 : vector<16xf32>
        tpu.vector_store_idx %arg14[%add3A_639], %mul3A_642 : memref<4096xf32, #tpu.memory_space<vmem>>[vector<16xi32>], vector<16xf32>,
        %add3A_643 = arith.constant 1025 : i32
        %add3A_644 = vector.broadcast %add3A_643 : i32 to vector<16xi32>
        %add3A_645 = arith.addi %add3A_627, %add3A_644 : vector<16xi32>
        %mul3A_646 = arith.constant 5.000000e-01 : f32
        %mul3A_647 = vector.broadcast %mul3A_646 : f32 to vector<16xf32>
        %mul3A_648 = arith.mulf %add3A_621, %mul3A_647 : vector<16xf32>
        tpu.vector_store_idx %arg14[%add3A_645], %mul3A_648 : memref<4096xf32, #tpu.memory_space<vmem>>[vector<16xi32>], vector<16xf32>,
        %scan3A_649 = arith.constant 1 : i32
        %scan3A_650 = arith.addi %scan3A_392, %scan3A_649 : i32
        %mul3A_651 = arith.constant 16 : i32
        %mul3A_652 = arith.muli %scan3A_650, %mul3A_651 : i32
        %add3A_653 = vector.broadcast %mul3A_652 : i32 to vector<16xi32>
        %add3A_654 = arith.addi %add3A_653, %iota3A : vector<16xi32>
        %broadcast_in_dim3A_655 = arith.constant 0.000000e+00 : f32
        %broadcast_in_dim3A_656 = vector.broadcast %broadcast_in_dim3A_655 : f32 to vector<16xf32>
        %broadcast_in_dim3A_657 = arith.constant 0.000000e+00 : f32
        %broadcast_in_dim3A_658 = vector.broadcast %broadcast_in_dim3A_657 : f32 to vector<16xf32>
        %broadcast_in_dim3A_659 = arith.constant 0.000000e+00 : f32
        %broadcast_in_dim3A_660 = vector.broadcast %broadcast_in_dim3A_659 : f32 to vector<16xf32>
        %broadcast_in_dim3A_661 = arith.constant 0.000000e+00 : f32
        %broadcast_in_dim3A_662 = vector.broadcast %broadcast_in_dim3A_661 : f32 to vector<16xf32>
        %add3A_663 = arith.constant 2048 : i32
        %add3A_664 = vector.broadcast %add3A_663 : i32 to vector<16xi32>
        %add3A_665 = arith.addi %add3A_664, %add3A_654 : vector<16xi32>
        %add3A_666 = arith.constant 0 : i32
        %add3A_667 = arith.addi %add3A_666, %mul3A_652 : i32
        %mul3A_668 = arith.constant 2 : i32
        %mul3A_669 = arith.muli %mul3A_668, %add3A_667 : i32
        %add3A_670 = arith.constant 4096 : i32
        %add3A_671 = arith.addi %add3A_670, %mul3A_669 : i32
        %get3A_672 = arith.index_cast %add3A_671 : i32 to index
        %get3A_673 = tpu.vector_load %arg11[%get3A_672] {strides = array<i32>} : memref<8192xi32, #tpu.memory_space<vmem>>, vector<16xi32>,
        %add3A_674 = arith.constant 16 : i32
        %add3A_675 = arith.addi %add3A_671, %add3A_674 : i32
        %get3A_676 = arith.index_cast %add3A_675 : i32 to index
        %get3A_677 = tpu.vector_load %arg11[%get3A_676] {strides = array<i32>} : memref<8192xi32, #tpu.memory_space<vmem>>, vector<16xi32>,
        %add3A_678 = arith.constant 0 : i32
        %add3A_679 = vector.broadcast %add3A_678 : i32 to vector<16xi32>
        %add3A_680 = arith.addi %get3A_673, %add3A_679 : vector<16xi32>
        %gather3A_681 = tpu.vector_load_idx %arg12[%add3A_665, %add3A_680] : memref<4096x8xf32, #tpu.memory_space<vmem>>[vector<16xi32>, vector<16xi32>], vector<16xf32>,
        %add3A_682 = arith.constant 0 : i32
        %add3A_683 = vector.broadcast %add3A_682 : i32 to vector<16xi32>
        %add3A_684 = arith.addi %get3A_677, %add3A_683 : vector<16xi32>
        %gather3A_685 = tpu.vector_load_idx %arg13[%add3A_665, %add3A_684] : memref<4096x8xf32, #tpu.memory_space<vmem>>[vector<16xi32>, vector<16xi32>], vector<16xf32>,
        %add3A_686 = arith.addf %gather3A_681, %gather3A_685 : vector<16xf32>
        %add3A_687 = arith.addf %broadcast_in_dim3A_656, %add3A_686 : vector<16xf32>
        %add3A_688 = arith.constant 1 : i32
        %add3A_689 = vector.broadcast %add3A_688 : i32 to vector<16xi32>
        %add3A_690 = arith.addi %get3A_673, %add3A_689 : vector<16xi32>
        %gather3A_691 = tpu.vector_load_idx %arg12[%add3A_665, %add3A_690] : memref<4096x8xf32, #tpu.memory_space<vmem>>[vector<16xi32>, vector<16xi32>], vector<16xf32>,
        %add3A_692 = arith.constant 1 : i32
        %add3A_693 = vector.broadcast %add3A_692 : i32 to vector<16xi32>
        %add3A_694 = arith.addi %get3A_677, %add3A_693 : vector<16xi32>
        %gather3A_695 = tpu.vector_load_idx %arg13[%add3A_665, %add3A_694] : memref<4096x8xf32, #tpu.memory_space<vmem>>[vector<16xi32>, vector<16xi32>], vector<16xf32>,
        %add3A_696 = arith.addf %gather3A_691, %gather3A_695 : vector<16xf32>
        %add3A_697 = arith.addf %broadcast_in_dim3A_658, %add3A_696 : vector<16xf32>
        %add3A_698 = arith.constant 2 : i32
        %add3A_699 = vector.broadcast %add3A_698 : i32 to vector<16xi32>
        %add3A_700 = arith.addi %get3A_673, %add3A_699 : vector<16xi32>
        %gather3A_701 = tpu.vector_load_idx %arg12[%add3A_665, %add3A_700] : memref<4096x8xf32, #tpu.memory_space<vmem>>[vector<16xi32>, vector<16xi32>], vector<16xf32>,
        %add3A_702 = arith.constant 2 : i32
        %add3A_703 = vector.broadcast %add3A_702 : i32 to vector<16xi32>
        %add3A_704 = arith.addi %get3A_677, %add3A_703 : vector<16xi32>
        %gather3A_705 = tpu.vector_load_idx %arg13[%add3A_665, %add3A_704] : memref<4096x8xf32, #tpu.memory_space<vmem>>[vector<16xi32>, vector<16xi32>], vector<16xf32>,
        %add3A_706 = arith.addf %gather3A_701, %gather3A_705 : vector<16xf32>
        %add3A_707 = arith.addf %broadcast_in_dim3A_660, %add3A_706 : vector<16xf32>
        %add3A_708 = arith.constant 3 : i32
        %add3A_709 = vector.broadcast %add3A_708 : i32 to vector<16xi32>
        %add3A_710 = arith.addi %get3A_673, %add3A_709 : vector<16xi32>
        %gather3A_711 = tpu.vector_load_idx %arg12[%add3A_665, %add3A_710] : memref<4096x8xf32, #tpu.memory_space<vmem>>[vector<16xi32>, vector<16xi32>], vector<16xf32>,
        %add3A_712 = arith.constant 3 : i32
        %add3A_713 = vector.broadcast %add3A_712 : i32 to vector<16xi32>
        %add3A_714 = arith.addi %get3A_677, %add3A_713 : vector<16xi32>
        %gather3A_715 = tpu.vector_load_idx %arg13[%add3A_665, %add3A_714] : memref<4096x8xf32, #tpu.memory_space<vmem>>[vector<16xi32>, vector<16xi32>], vector<16xf32>,
        %add3A_716 = arith.addf %gather3A_711, %gather3A_715 : vector<16xf32>
        %add3A_717 = arith.addf %broadcast_in_dim3A_662, %add3A_716 : vector<16xf32>
        %add3A_718 = arith.constant 2560 : i32
        %add3A_719 = vector.broadcast %add3A_718 : i32 to vector<16xi32>
        %add3A_720 = arith.addi %add3A_719, %add3A_654 : vector<16xi32>
        %add3A_721 = arith.constant 512 : i32
        %add3A_722 = arith.addi %add3A_721, %mul3A_652 : i32
        %mul3A_723 = arith.constant 2 : i32
        %mul3A_724 = arith.muli %mul3A_723, %add3A_722 : i32
        %add3A_725 = arith.constant 4096 : i32
        %add3A_726 = arith.addi %add3A_725, %mul3A_724 : i32
        %get3A_727 = arith.index_cast %add3A_726 : i32 to index
        %get3A_728 = tpu.vector_load %arg11[%get3A_727] {strides = array<i32>} : memref<8192xi32, #tpu.memory_space<vmem>>, vector<16xi32>,
        %add3A_729 = arith.constant 16 : i32
        %add3A_730 = arith.addi %add3A_726, %add3A_729 : i32
        %get3A_731 = arith.index_cast %add3A_730 : i32 to index
        %get3A_732 = tpu.vector_load %arg11[%get3A_731] {strides = array<i32>} : memref<8192xi32, #tpu.memory_space<vmem>>, vector<16xi32>,
        %add3A_733 = arith.constant 2 : i32
        %add3A_734 = vector.broadcast %add3A_733 : i32 to vector<16xi32>
        %add3A_735 = arith.addi %get3A_728, %add3A_734 : vector<16xi32>
        %gather3A_736 = tpu.vector_load_idx %arg12[%add3A_720, %add3A_735] : memref<4096x8xf32, #tpu.memory_space<vmem>>[vector<16xi32>, vector<16xi32>], vector<16xf32>,
        %add3A_737 = arith.constant 2 : i32
        %add3A_738 = vector.broadcast %add3A_737 : i32 to vector<16xi32>
        %add3A_739 = arith.addi %get3A_732, %add3A_738 : vector<16xi32>
        %gather3A_740 = tpu.vector_load_idx %arg13[%add3A_720, %add3A_739] : memref<4096x8xf32, #tpu.memory_space<vmem>>[vector<16xi32>, vector<16xi32>], vector<16xf32>,
        %add3A_741 = arith.addf %gather3A_736, %gather3A_740 : vector<16xf32>
        %add3A_742 = arith.addf %add3A_687, %add3A_741 : vector<16xf32>
        %add3A_743 = arith.constant 0 : i32
        %add3A_744 = vector.broadcast %add3A_743 : i32 to vector<16xi32>
        %add3A_745 = arith.addi %get3A_728, %add3A_744 : vector<16xi32>
        %gather3A_746 = tpu.vector_load_idx %arg12[%add3A_720, %add3A_745] : memref<4096x8xf32, #tpu.memory_space<vmem>>[vector<16xi32>, vector<16xi32>], vector<16xf32>,
        %add3A_747 = arith.constant 0 : i32
        %add3A_748 = vector.broadcast %add3A_747 : i32 to vector<16xi32>
        %add3A_749 = arith.addi %get3A_732, %add3A_748 : vector<16xi32>
        %gather3A_750 = tpu.vector_load_idx %arg13[%add3A_720, %add3A_749] : memref<4096x8xf32, #tpu.memory_space<vmem>>[vector<16xi32>, vector<16xi32>], vector<16xf32>,
        %add3A_751 = arith.addf %gather3A_746, %gather3A_750 : vector<16xf32>
        %add3A_752 = arith.addf %add3A_697, %add3A_751 : vector<16xf32>
        %add3A_753 = arith.constant 3 : i32
        %add3A_754 = vector.broadcast %add3A_753 : i32 to vector<16xi32>
        %add3A_755 = arith.addi %get3A_728, %add3A_754 : vector<16xi32>
        %gather3A_756 = tpu.vector_load_idx %arg12[%add3A_720, %add3A_755] : memref<4096x8xf32, #tpu.memory_space<vmem>>[vector<16xi32>, vector<16xi32>], vector<16xf32>,
        %add3A_757 = arith.constant 3 : i32
        %add3A_758 = vector.broadcast %add3A_757 : i32 to vector<16xi32>
        %add3A_759 = arith.addi %get3A_732, %add3A_758 : vector<16xi32>
        %gather3A_760 = tpu.vector_load_idx %arg13[%add3A_720, %add3A_759] : memref<4096x8xf32, #tpu.memory_space<vmem>>[vector<16xi32>, vector<16xi32>], vector<16xf32>,
        %add3A_761 = arith.addf %gather3A_756, %gather3A_760 : vector<16xf32>
        %add3A_762 = arith.addf %add3A_707, %add3A_761 : vector<16xf32>
        %add3A_763 = arith.constant 1 : i32
        %add3A_764 = vector.broadcast %add3A_763 : i32 to vector<16xi32>
        %add3A_765 = arith.addi %get3A_728, %add3A_764 : vector<16xi32>
        %gather3A_766 = tpu.vector_load_idx %arg12[%add3A_720, %add3A_765] : memref<4096x8xf32, #tpu.memory_space<vmem>>[vector<16xi32>, vector<16xi32>], vector<16xf32>,
        %add3A_767 = arith.constant 1 : i32
        %add3A_768 = vector.broadcast %add3A_767 : i32 to vector<16xi32>
        %add3A_769 = arith.addi %get3A_732, %add3A_768 : vector<16xi32>
        %gather3A_770 = tpu.vector_load_idx %arg13[%add3A_720, %add3A_769] : memref<4096x8xf32, #tpu.memory_space<vmem>>[vector<16xi32>, vector<16xi32>], vector<16xf32>,
        %add3A_771 = arith.addf %gather3A_766, %gather3A_770 : vector<16xf32>
        %add3A_772 = arith.addf %add3A_717, %add3A_771 : vector<16xf32>
        %add3A_773 = arith.constant 3072 : i32
        %add3A_774 = vector.broadcast %add3A_773 : i32 to vector<16xi32>
        %add3A_775 = arith.addi %add3A_774, %add3A_654 : vector<16xi32>
        %add3A_776 = arith.constant 1024 : i32
        %add3A_777 = arith.addi %add3A_776, %mul3A_652 : i32
        %mul3A_778 = arith.constant 2 : i32
        %mul3A_779 = arith.muli %mul3A_778, %add3A_777 : i32
        %add3A_780 = arith.constant 4096 : i32
        %add3A_781 = arith.addi %add3A_780, %mul3A_779 : i32
        %get3A_782 = arith.index_cast %add3A_781 : i32 to index
        %get3A_783 = tpu.vector_load %arg11[%get3A_782] {strides = array<i32>} : memref<8192xi32, #tpu.memory_space<vmem>>, vector<16xi32>,
        %add3A_784 = arith.constant 16 : i32
        %add3A_785 = arith.addi %add3A_781, %add3A_784 : i32
        %get3A_786 = arith.index_cast %add3A_785 : i32 to index
        %get3A_787 = tpu.vector_load %arg11[%get3A_786] {strides = array<i32>} : memref<8192xi32, #tpu.memory_space<vmem>>, vector<16xi32>,
        %add3A_788 = arith.constant 3 : i32
        %add3A_789 = vector.broadcast %add3A_788 : i32 to vector<16xi32>
        %add3A_790 = arith.addi %get3A_783, %add3A_789 : vector<16xi32>
        %gather3A_791 = tpu.vector_load_idx %arg12[%add3A_775, %add3A_790] : memref<4096x8xf32, #tpu.memory_space<vmem>>[vector<16xi32>, vector<16xi32>], vector<16xf32>,
        %add3A_792 = arith.constant 3 : i32
        %add3A_793 = vector.broadcast %add3A_792 : i32 to vector<16xi32>
        %add3A_794 = arith.addi %get3A_787, %add3A_793 : vector<16xi32>
        %gather3A_795 = tpu.vector_load_idx %arg13[%add3A_775, %add3A_794] : memref<4096x8xf32, #tpu.memory_space<vmem>>[vector<16xi32>, vector<16xi32>], vector<16xf32>,
        %add3A_796 = arith.addf %gather3A_791, %gather3A_795 : vector<16xf32>
        %add3A_797 = arith.addf %add3A_742, %add3A_796 : vector<16xf32>
        %add3A_798 = arith.constant 2 : i32
        %add3A_799 = vector.broadcast %add3A_798 : i32 to vector<16xi32>
        %add3A_800 = arith.addi %get3A_783, %add3A_799 : vector<16xi32>
        %gather3A_801 = tpu.vector_load_idx %arg12[%add3A_775, %add3A_800] : memref<4096x8xf32, #tpu.memory_space<vmem>>[vector<16xi32>, vector<16xi32>], vector<16xf32>,
        %add3A_802 = arith.constant 2 : i32
        %add3A_803 = vector.broadcast %add3A_802 : i32 to vector<16xi32>
        %add3A_804 = arith.addi %get3A_787, %add3A_803 : vector<16xi32>
        %gather3A_805 = tpu.vector_load_idx %arg13[%add3A_775, %add3A_804] : memref<4096x8xf32, #tpu.memory_space<vmem>>[vector<16xi32>, vector<16xi32>], vector<16xf32>,
        %add3A_806 = arith.addf %gather3A_801, %gather3A_805 : vector<16xf32>
        %add3A_807 = arith.addf %add3A_752, %add3A_806 : vector<16xf32>
        %add3A_808 = arith.constant 1 : i32
        %add3A_809 = vector.broadcast %add3A_808 : i32 to vector<16xi32>
        %add3A_810 = arith.addi %get3A_783, %add3A_809 : vector<16xi32>
        %gather3A_811 = tpu.vector_load_idx %arg12[%add3A_775, %add3A_810] : memref<4096x8xf32, #tpu.memory_space<vmem>>[vector<16xi32>, vector<16xi32>], vector<16xf32>,
        %add3A_812 = arith.constant 1 : i32
        %add3A_813 = vector.broadcast %add3A_812 : i32 to vector<16xi32>
        %add3A_814 = arith.addi %get3A_787, %add3A_813 : vector<16xi32>
        %gather3A_815 = tpu.vector_load_idx %arg13[%add3A_775, %add3A_814] : memref<4096x8xf32, #tpu.memory_space<vmem>>[vector<16xi32>, vector<16xi32>], vector<16xf32>,
        %add3A_816 = arith.addf %gather3A_811, %gather3A_815 : vector<16xf32>
        %add3A_817 = arith.addf %add3A_762, %add3A_816 : vector<16xf32>
        %add3A_818 = arith.constant 0 : i32
        %add3A_819 = vector.broadcast %add3A_818 : i32 to vector<16xi32>
        %add3A_820 = arith.addi %get3A_783, %add3A_819 : vector<16xi32>
        %gather3A_821 = tpu.vector_load_idx %arg12[%add3A_775, %add3A_820] : memref<4096x8xf32, #tpu.memory_space<vmem>>[vector<16xi32>, vector<16xi32>], vector<16xf32>,
        %add3A_822 = arith.constant 0 : i32
        %add3A_823 = vector.broadcast %add3A_822 : i32 to vector<16xi32>
        %add3A_824 = arith.addi %get3A_787, %add3A_823 : vector<16xi32>
        %gather3A_825 = tpu.vector_load_idx %arg13[%add3A_775, %add3A_824] : memref<4096x8xf32, #tpu.memory_space<vmem>>[vector<16xi32>, vector<16xi32>], vector<16xf32>,
        %add3A_826 = arith.addf %gather3A_821, %gather3A_825 : vector<16xf32>
        %add3A_827 = arith.addf %add3A_772, %add3A_826 : vector<16xf32>
        %add3A_828 = arith.constant 3584 : i32
        %add3A_829 = vector.broadcast %add3A_828 : i32 to vector<16xi32>
        %add3A_830 = arith.addi %add3A_829, %add3A_654 : vector<16xi32>
        %add3A_831 = arith.constant 1536 : i32
        %add3A_832 = arith.addi %add3A_831, %mul3A_652 : i32
        %mul3A_833 = arith.constant 2 : i32
        %mul3A_834 = arith.muli %mul3A_833, %add3A_832 : i32
        %add3A_835 = arith.constant 4096 : i32
        %add3A_836 = arith.addi %add3A_835, %mul3A_834 : i32
        %get3A_837 = arith.index_cast %add3A_836 : i32 to index
        %get3A_838 = tpu.vector_load %arg11[%get3A_837] {strides = array<i32>} : memref<8192xi32, #tpu.memory_space<vmem>>, vector<16xi32>,
        %add3A_839 = arith.constant 16 : i32
        %add3A_840 = arith.addi %add3A_836, %add3A_839 : i32
        %get3A_841 = arith.index_cast %add3A_840 : i32 to index
        %get3A_842 = tpu.vector_load %arg11[%get3A_841] {strides = array<i32>} : memref<8192xi32, #tpu.memory_space<vmem>>, vector<16xi32>,
        %add3A_843 = arith.constant 1 : i32
        %add3A_844 = vector.broadcast %add3A_843 : i32 to vector<16xi32>
        %add3A_845 = arith.addi %get3A_838, %add3A_844 : vector<16xi32>
        %gather3A_846 = tpu.vector_load_idx %arg12[%add3A_830, %add3A_845] : memref<4096x8xf32, #tpu.memory_space<vmem>>[vector<16xi32>, vector<16xi32>], vector<16xf32>,
        %add3A_847 = arith.constant 1 : i32
        %add3A_848 = vector.broadcast %add3A_847 : i32 to vector<16xi32>
        %add3A_849 = arith.addi %get3A_842, %add3A_848 : vector<16xi32>
        %gather3A_850 = tpu.vector_load_idx %arg13[%add3A_830, %add3A_849] : memref<4096x8xf32, #tpu.memory_space<vmem>>[vector<16xi32>, vector<16xi32>], vector<16xf32>,
        %add3A_851 = arith.addf %gather3A_846, %gather3A_850 : vector<16xf32>
        %add3A_852 = arith.addf %add3A_797, %add3A_851 : vector<16xf32>
        %add3A_853 = arith.constant 3 : i32
        %add3A_854 = vector.broadcast %add3A_853 : i32 to vector<16xi32>
        %add3A_855 = arith.addi %get3A_838, %add3A_854 : vector<16xi32>
        %gather3A_856 = tpu.vector_load_idx %arg12[%add3A_830, %add3A_855] : memref<4096x8xf32, #tpu.memory_space<vmem>>[vector<16xi32>, vector<16xi32>], vector<16xf32>,
        %add3A_857 = arith.constant 3 : i32
        %add3A_858 = vector.broadcast %add3A_857 : i32 to vector<16xi32>
        %add3A_859 = arith.addi %get3A_842, %add3A_858 : vector<16xi32>
        %gather3A_860 = tpu.vector_load_idx %arg13[%add3A_830, %add3A_859] : memref<4096x8xf32, #tpu.memory_space<vmem>>[vector<16xi32>, vector<16xi32>], vector<16xf32>,
        %add3A_861 = arith.addf %gather3A_856, %gather3A_860 : vector<16xf32>
        %add3A_862 = arith.addf %add3A_807, %add3A_861 : vector<16xf32>
        %add3A_863 = arith.constant 0 : i32
        %add3A_864 = vector.broadcast %add3A_863 : i32 to vector<16xi32>
        %add3A_865 = arith.addi %get3A_838, %add3A_864 : vector<16xi32>
        %gather3A_866 = tpu.vector_load_idx %arg12[%add3A_830, %add3A_865] : memref<4096x8xf32, #tpu.memory_space<vmem>>[vector<16xi32>, vector<16xi32>], vector<16xf32>,
        %add3A_867 = arith.constant 0 : i32
        %add3A_868 = vector.broadcast %add3A_867 : i32 to vector<16xi32>
        %add3A_869 = arith.addi %get3A_842, %add3A_868 : vector<16xi32>
        %gather3A_870 = tpu.vector_load_idx %arg13[%add3A_830, %add3A_869] : memref<4096x8xf32, #tpu.memory_space<vmem>>[vector<16xi32>, vector<16xi32>], vector<16xf32>,
        %add3A_871 = arith.addf %gather3A_866, %gather3A_870 : vector<16xf32>
        %add3A_872 = arith.addf %add3A_817, %add3A_871 : vector<16xf32>
        %add3A_873 = arith.constant 2 : i32
        %add3A_874 = vector.broadcast %add3A_873 : i32 to vector<16xi32>
        %add3A_875 = arith.addi %get3A_838, %add3A_874 : vector<16xi32>
        %gather3A_876 = tpu.vector_load_idx %arg12[%add3A_830, %add3A_875] : memref<4096x8xf32, #tpu.memory_space<vmem>>[vector<16xi32>, vector<16xi32>], vector<16xf32>,
        %add3A_877 = arith.constant 2 : i32
        %add3A_878 = vector.broadcast %add3A_877 : i32 to vector<16xi32>
        %add3A_879 = arith.addi %get3A_842, %add3A_878 : vector<16xi32>
        %gather3A_880 = tpu.vector_load_idx %arg13[%add3A_830, %add3A_879] : memref<4096x8xf32, #tpu.memory_space<vmem>>[vector<16xi32>, vector<16xi32>], vector<16xf32>,
        %add3A_881 = arith.addf %gather3A_876, %gather3A_880 : vector<16xf32>
        %add3A_882 = arith.addf %add3A_827, %add3A_881 : vector<16xf32>
        %mul3A_883 = arith.constant 2 : i32
        %mul3A_884 = vector.broadcast %mul3A_883 : i32 to vector<16xi32>
        %mul3A_885 = arith.muli %add3A_654, %mul3A_884 : vector<16xi32>
        %add3A_886 = arith.constant 2048 : i32
        %add3A_887 = vector.broadcast %add3A_886 : i32 to vector<16xi32>
        %add3A_888 = arith.addi %add3A_887, %mul3A_885 : vector<16xi32>
        %mul3A_889 = arith.constant 5.000000e-01 : f32
        %mul3A_890 = vector.broadcast %mul3A_889 : f32 to vector<16xf32>
        %mul3A_891 = arith.mulf %add3A_852, %mul3A_890 : vector<16xf32>
        tpu.vector_store_idx %arg14[%add3A_888], %mul3A_891 : memref<4096xf32, #tpu.memory_space<vmem>>[vector<16xi32>], vector<16xf32>,
        %add3A_892 = arith.constant 1 : i32
        %add3A_893 = vector.broadcast %add3A_892 : i32 to vector<16xi32>
        %add3A_894 = arith.addi %add3A_888, %add3A_893 : vector<16xi32>
        %mul3A_895 = arith.constant 5.000000e-01 : f32
        %mul3A_896 = vector.broadcast %mul3A_895 : f32 to vector<16xf32>
        %mul3A_897 = arith.mulf %add3A_862, %mul3A_896 : vector<16xf32>
        tpu.vector_store_idx %arg14[%add3A_894], %mul3A_897 : memref<4096xf32, #tpu.memory_space<vmem>>[vector<16xi32>], vector<16xf32>,
        %add3A_898 = arith.constant 1024 : i32
        %add3A_899 = vector.broadcast %add3A_898 : i32 to vector<16xi32>
        %add3A_900 = arith.addi %add3A_888, %add3A_899 : vector<16xi32>
        %mul3A_901 = arith.constant 5.000000e-01 : f32
        %mul3A_902 = vector.broadcast %mul3A_901 : f32 to vector<16xf32>
        %mul3A_903 = arith.mulf %add3A_872, %mul3A_902 : vector<16xf32>
        tpu.vector_store_idx %arg14[%add3A_900], %mul3A_903 : memref<4096xf32, #tpu.memory_space<vmem>>[vector<16xi32>], vector<16xf32>,
        %add3A_904 = arith.constant 1025 : i32
        %add3A_905 = vector.broadcast %add3A_904 : i32 to vector<16xi32>
        %add3A_906 = arith.addi %add3A_888, %add3A_905 : vector<16xi32>
        %mul3A_907 = arith.constant 5.000000e-01 : f32
        %mul3A_908 = vector.broadcast %mul3A_907 : f32 to vector<16xf32>
        %mul3A_909 = arith.mulf %add3A_882, %mul3A_908 : vector<16xf32>
        tpu.vector_store_idx %arg14[%add3A_906], %mul3A_909 : memref<4096xf32, #tpu.memory_space<vmem>>[vector<16xi32>], vector<16xf32>,
      }
      %scan3A_380 = arith.constant 32 : i32
      %mul3A_381 = arith.constant 192 : i32
      %mul3A_382 = arith.muli %add3A, %mul3A_381 : i32
      %add3A_383 = arith.addi %mul3A_382, %add3A_369 : i32
      %mul3A_384 = arith.constant 2048 : i32
      %mul3A_385 = arith.muli %add3A_383, %mul3A_384 : i32
      %dma_start3A_386 = arith.constant 2048 : i32
      %dma_start3A_387 = tpu.memref_slice %arg14[%dma_start3A_386] : memref<4096xf32, #tpu.memory_space<vmem>> -> memref<2048xf32, #tpu.memory_space<vmem>>
      %dma_start3A_388 = tpu.memref_slice %arg5[%mul3A_385] : memref<12582912xf32, #tpu.memory_space<hbm>> -> memref<2048xf32, #tpu.memory_space<hbm>>
      %dma_start3A_389 = tpu.memref_slice %arg5[%mul3A_385] : memref<12582912xf32, #tpu.memory_space<hbm>> -> memref<2048xf32, #tpu.memory_space<hbm>>
      %dma_start3A_390 = arith.constant 2048 : i32
      %dma_start3A_391 = tpu.memref_slice %arg14[%dma_start3A_390] : memref<4096xf32, #tpu.memory_space<vmem>> -> memref<2048xf32, #tpu.memory_space<vmem>>
      tpu.enqueue_dma source(%dma_start3A_391 : memref<2048xf32, #tpu.memory_space<vmem>>) target(%dma_start3A_389 : memref<2048xf32, #tpu.memory_space<hbm>>) target_semaphore(%arg20 : memref<!tpu.dma_semaphore, #tpu.memory_space<semaphore_mem>>)
    }
    %scan3A_235 = arith.constant 96 : i32
    %dma_wait3A_236 = arith.constant 0 : i32
    %dma_wait3A_237 = tpu.memref_slice %arg14[%dma_wait3A_236] : memref<4096xf32, #tpu.memory_space<vmem>> -> memref<2048xf32, #tpu.memory_space<vmem>>
    %dma_wait3A_238 = arith.constant 0 : i32
    %dma_wait3A_239 = tpu.memref_slice %arg5[%dma_wait3A_238] : memref<12582912xf32, #tpu.memory_space<hbm>> -> memref<2048xf32, #tpu.memory_space<hbm>>
    %dma_wait3A_240 = arith.constant 0 : i32
    %dma_wait3A_241 = tpu.memref_slice %arg14[%dma_wait3A_240] : memref<4096xf32, #tpu.memory_space<vmem>> -> memref<2048xf32, #tpu.memory_space<vmem>>
    %dma_wait3A_242 = arith.constant 0 : i32
    %dma_wait3A_243 = tpu.memref_slice %arg5[%dma_wait3A_242] : memref<12582912xf32, #tpu.memory_space<hbm>> -> memref<2048xf32, #tpu.memory_space<hbm>>
    tpu.wait_dma2 semaphore(%arg19 : memref<!tpu.dma_semaphore, #tpu.memory_space<semaphore_mem>>) src(%dma_wait3A_243 : memref<2048xf32, #tpu.memory_space<hbm>>) dst(%dma_wait3A_241 : memref<2048xf32, #tpu.memory_space<vmem>>)
    %dma_wait3A_244 = arith.constant 2048 : i32
    %dma_wait3A_245 = tpu.memref_slice %arg14[%dma_wait3A_244] : memref<4096xf32, #tpu.memory_space<vmem>> -> memref<2048xf32, #tpu.memory_space<vmem>>
    %dma_wait3A_246 = arith.constant 0 : i32
    %dma_wait3A_247 = tpu.memref_slice %arg5[%dma_wait3A_246] : memref<12582912xf32, #tpu.memory_space<hbm>> -> memref<2048xf32, #tpu.memory_space<hbm>>
    %dma_wait3A_248 = arith.constant 2048 : i32
    %dma_wait3A_249 = tpu.memref_slice %arg14[%dma_wait3A_248] : memref<4096xf32, #tpu.memory_space<vmem>> -> memref<2048xf32, #tpu.memory_space<vmem>>
    %dma_wait3A_250 = arith.constant 0 : i32
    %dma_wait3A_251 = tpu.memref_slice %arg5[%dma_wait3A_250] : memref<12582912xf32, #tpu.memory_space<hbm>> -> memref<2048xf32, #tpu.memory_space<hbm>>
    tpu.wait_dma2 semaphore(%arg20 : memref<!tpu.dma_semaphore, #tpu.memory_space<semaphore_mem>>) src(%dma_wait3A_251 : memref<2048xf32, #tpu.memory_space<hbm>>) dst(%dma_wait3A_249 : memref<2048xf32, #tpu.memory_space<vmem>>)
    return
  }
}

</mosaic_0001>

<sc_bundles>
// kernel: kernel.4.cloned.1.call-start
scs
__scs_entry_jumppad:
0x0: {  	(pc) =	sbr.rel $0x88, $3  }
0x1: {  	(tag) =	ssettag $0x0;
	lr =	simm.s32 $0x1  }
0x2: {  	[smem:$0x3F9E] =	sst lr;
	_ =	strace $0xD0000000  }
0x3: {  	_ = 	snop  }
0x4: {  	_ = 	snop  }
0x5: {  	_ = 	snop  }
0x6: {  	_ = 	snop  }
0x7: {  	_ = 	snop  }
__scs_overlays_trampoline_lowered:
0x8: {  	[smem:$0x3FAD] =	sst s0  }
0x9: {  	[smem:$0x3FAE] =	sst s1  }
0xa: {  	[smem:$0x3FAF] =	sst s2  }
0xb: {  	[smem:$0x3FB0] =	sst s3  }
0xc: {  	[smem:$0x3FB1] =	sst s4  }
0xd: {  	[smem:$0x3FB2] =	sst s5  }
0xe: {  	[smem:$0x3FB3] =	sst s6  }
0xf: {  	[smem:$0x3FB4] =	sst s7  }
0x10: {  	[smem:$0x3FB5] =	sst s8  }
0x11: {  	[smem:$0x3FB6] =	sst s9;
	s0 =	simm.s32 @!p0 $0x0  }
0x12: {  	s1 =	sld [smem:$0x3F9C];
	s0 =	simm.s32 @p0 $0x1  }
0x13: {  	[smem:$0x3FB7] =	sst s0;
	s0 =	simm.s32 @!p1 $0x0  }
0x14: {  	s2 =	sld [smem:$0x3F9B];
	s0 =	simm.s32 @p1 $0x1  }
0x15: {  	[smem:$0x3FB8] =	sst s0;
	s0 =	simm.s32 @!p2 $0x0  }
0x16: {  	s3 =	sld [smem:$0x3FDB];
	s0 =	simm.s32 @p2 $0x1  }
0x17: {  	s4 =	simm.s32 $0x1BF5;
	[smem:$0x3FBA] =	sst s0  }
0x18: {  	s0 =	sld [smem:$0x3F9D];
	_ =	swait.ge [sflag:s4], $0x0  }
0x19: {  	s7 =	sld [smem:$0x3F9E]  }
0x1a: {  	s8 =	sadd.s32 $0xFFFFE003, lr  }
0x1b: {  	s9 =	sadd.s32 $0xFFFFFEF7, lr;
	s5 =	simm.s32 $0xFFFFFFFF;
	p2 =	slt.u32 s8, $0xFFFFF086  }
0x1c: {  	p1 =	slt.u32 s9, $0xF7A;
	s5 =	simm.s32 @!p2 $0x0  }
0x1d: {  	s5 =	simm.s32 @p1 $0x1;
	p0 =	seq.s32 s7, s2  }
0x1e: {  	s7 =	smul.u32 @!p0 $0xF7A, s2;
	p2 =	seq.s32 @!p0 s5, $0x0  }
0x1f: {  	s9 =	smul.u32 $0xF7A, s1;
	s8 =	simm.s32 @!p0 $0x1BF5;
	p2 =	por !p2, p0  }
0x20: {  	[sflag:s8] =	ssyncset.s32 @!p0 $0xFFFFF086;
	s6 =	sadd.s32 @!p0 s3, s7;
	s7 =	simm.s32 @!p0 $0x108  }
0x21: {  	s3 =	sadd.s32 s3, s9;
	s6 =	sadd.s32 @!p0 $0x88, s6;
	s7 =	simm.s32 @p2 $0x1082  }
0x22: {  	[simem:s7], [sflag:s8] =	dma.local @!p0 [hbm:s6], $0xF7A  }
0x23: {  	s9 =	sor.u32 $0xD0000000, s2;
	s6 =	simm.s32 $0x108;
	_ =	swait.ge @!p0 [sflag:s8], $0x0  }
0x24: {  	s3 =	sadd.s32 $0x88, s3;
	s6 =	simm.s32 @!p1 $0x1082;
	[sflag:s4] =	ssyncset.s32 $0xFFFFF086  }
0x25: {  	[simem:s6], [sflag:s4] =	dma.local [hbm:s3], $0xF7A  }
0x26: {  	[smem:$0x3F9E] =	sst s1;
	(tag) =	ssettag s2;
	_ =	strace s9  }
0x27: {  	s1 =	sld [smem:$0x3FAE]  }
0x28: {  	s2 =	sld [smem:$0x3FAF]  }
0x29: {  	s4 =	sld [smem:$0x3FB1]  }
0x2a: {  	p0 =	seq.s32 s5, $0x0;
	s5 =	sld [smem:$0x3FB2]  }
0x2b: {  	s6 =	sld [smem:$0x3FB3]  }
0x2c: {  	s7 =	sld [smem:$0x3FB4]  }
0x2d: {  	s3 =	simm.s32 $0x108;
	s8 =	sld [smem:$0x3FB5]  }
0x2e: {  	s3 =	simm.s32 @!p0 $0x1082;
	s9 =	sld [smem:$0x3FB6]  }
0x2f: {  	lr =	sadd.s32 s0, s3;
	s0 =	sld [smem:$0x3FAD]  }
0x30: {  	s3 =	sld [smem:$0x3FB0]  }
0x31: {  	[smem:$0x3FB9] =	sst s10  }
0x32: {  	s10 =	sld [smem:$0x3FB7];
	_ =	sdelay $0x3  }
0x33: {  	p0 =	seq.s32 s10, $0x1;
	s10 =	sld [smem:$0x3FB9];
	_ =	sdelay $0x3  }
0x34: {  	[smem:$0x3FB9] =	sst s10  }
0x35: {  	s10 =	sld [smem:$0x3FB8];
	_ =	sdelay $0x3  }
0x36: {  	p1 =	seq.s32 s10, $0x1;
	s10 =	sld [smem:$0x3FB9];
	_ =	sdelay $0x3  }
0x37: {  	[smem:$0x3FB9] =	sst s10  }
0x38: {  	s10 =	sld [smem:$0x3FBA]  }
0x39: {  	_ = 	snop;
	(pc) =	sbr.ind lr, $3  }
0x3a: {  	_ = 	snop  }
0x3b: {  	_ = 	snop  }
0x3c: {  	p2 =	seq.s32 s10, $0x1;
	s10 =	sld [smem:$0x3FB9]  }
0x3d: {  	_ =	shalt  }
0x3e: {  	_ =	shalt  }
0x3f: {  	_ =	shalt  }
0x40: {  	_ =	shalt  }
0x41: {  	_ =	shalt  }
0x42: {  	_ =	shalt  }
0x43: {  	_ =	shalt  }
0x44: {  	_ =	shalt  }
0x45: {  	_ =	shalt  }
0x46: {  	_ =	shalt  }
0x47: {  	_ =	shalt  }
0x48: {  	_ =	shalt  }
0x49: {  	_ =	shalt  }
0x4a: {  	_ =	shalt  }
0x4b: {  	_ =	shalt  }
0x4c: {  	_ =	shalt  }
0x4d: {  	_ =	shalt  }
0x4e: {  	_ =	shalt  }
0x4f: {  	_ =	shalt  }
0x50: {  	_ =	shalt  }
0x51: {  	_ =	shalt  }
0x52: {  	_ =	shalt  }
0x53: {  	_ =	shalt  }
0x54: {  	_ =	shalt  }
0x55: {  	_ =	shalt  }
0x56: {  	_ =	shalt  }
0x57: {  	_ =	shalt  }
0x58: {  	_ =	shalt  }
0x59: {  	_ =	shalt  }
0x5a: {  	_ =	shalt  }
0x5b: {  	_ =	shalt  }
0x5c: {  	_ =	shalt  }
0x5d: {  	_ =	shalt  }
0x5e: {  	_ =	shalt  }
0x5f: {  	_ =	shalt  }
0x60: {  	_ =	shalt  }
0x61: {  	_ =	shalt  }
0x62: {  	_ =	shalt  }
0x63: {  	_ =	shalt  }
0x64: {  	_ =	shalt  }
0x65: {  	_ =	shalt  }
0x66: {  	_ =	shalt  }
0x67: {  	_ =	shalt  }
0x68: {  	_ =	shalt  }
0x69: {  	_ =	shalt  }
0x6a: {  	_ =	shalt  }
0x6b: {  	_ =	shalt  }
0x6c: {  	_ =	shalt  }
0x6d: {  	_ =	shalt  }
0x6e: {  	_ =	shalt  }
0x6f: {  	_ =	shalt  }
0x70: {  	_ =	shalt  }
0x71: {  	_ =	shalt  }
0x72: {  	_ =	shalt  }
0x73: {  	_ =	shalt  }
0x74: {  	_ =	shalt  }
0x75: {  	_ =	shalt  }
0x76: {  	_ =	shalt  }
0x77: {  	_ =	shalt  }
0x78: {  	_ =	shalt  }
0x79: {  	_ =	shalt  }
0x7a: {  	_ =	shalt  }
0x7b: {  	_ =	shalt  }
0x7c: {  	_ =	shalt  }
0x7d: {  	_ =	shalt  }
0x7e: {  	_ =	shalt  }
0x7f: {  	_ =	shalt  }
0x80: {  	_ =	shalt  }
0x81: {  	_ =	shalt  }
0x82: {  	_ =	shalt  }
0x83: {  	_ =	shalt  }
0x84: {  	_ =	shalt  }
0x85: {  	_ =	shalt  }
0x86: {  	_ =	shalt  }
0x87: {  	_ =	shalt  }
.Lfunc_end0:
.L_simem_size_0:
called_computation_lowered:
.L_overlay_start_0:
0x88: {  	s2 =	sld [smem:$0x3FD9]  }
0x89: {  	s3 =	sld [smem:$0x3FFE];
	_ =	sdelay $0x1  }
0x8a: {  	s1 =	srdreg.scid  }
0x8b: {  	s0 =	sand.u32 $0x1, s1  }
0x8c: {  	s17 =	sshll.u32 s0, $0xA;
	s2 =	sadd.s32 s3, s2  }
0x8d: {  	s2 =	sadd.s32 s2, s17  }
0x8e: {  	[smem:$0x3FC5] =	sst s2  }
0x8f: {  	_ = 	snop  }
0x90: {  	s2 =	sld [smem:$0x3FC8]  }
0x91: {  	s18 =	sld [smem:$0x3FC7]  }
0x92: {  	s4 =	sld [smem:$0x3FD0];
	(tm) =	ssettm $0x1  }
0x93: {  	s5 =	sld [smem:$0x3FFB];
	_ =	sdelay $0x3  }
0x94: {  	_ =	strace s5  }
0x95: {  	s5 =	sld [smem:$0x3FFC];
	_ =	sdelay $0x3  }
0x96: {  	_ =	strace s5  }
0x97: {  	s5 =	sld [smem:$0x3FFD];
	_ =	sdelay $0x3  }
0x98: {  	_ =	strace s5  }
0x99: {  	_ =	strace $0x8FFFFFFF  }
0x9a: {  	s19 =	sld [smem:$0x3FDB];
	_ =	sdelay $0x1  }
0x9b: {  	s6 =	simm.s32 $_scs_section_size  }
0x9c: {  	s7 =	simm.s32 $_size__tile_overlayer_lowered;
	s8 =	simm.s32 $_tile_overlayer_lowered  }
0x9d: {  	s22 =	simm.s32 $0x1BFF;
	s21 =	sshll.u32 s8, $0x1;
	s5 =	sadd.s32 s6, s19  }
0x9e: {  	s9 =	simm.s32 $0x0;
	s20 =	sshll.u32 s7, $0x1;
	s7 =	sadd.s32 s21, s5  }
0x9f: {  	[timem:s9], [sflag:s22] =	dma.local [hbm:s7], s20  }
0xa0: {  	_ =	swait.ge [sflag:s22], s20  }
0xa1: {  	s6 =	ssub.s32 $0x0, s20;
	[sflag:s22] =	ssyncset.done $0x0  }
0xa2: {  	[sflag:s22] =	ssyncadd.s32 s6;
	_ =	sdelay $0x1  }
0xa3: {  	s23 =	simm.s32 $0x1B8B  }
0xa4: {  	_ =	swait.ge [sflag:s23], $0x1  }
0xa5: {  	[sflag:s23] =	ssyncset.done $0x0  }
0xa6: {  	s25 =	simm.s32 $0x1B8E;
	s24 =	sld [smem:$0x3FFE];
	[sflag:s23] =	ssyncadd.s32 $0xFFFFFFFF  }
0xa7: {  	s26 =	simm.s32 $execute0_lowered;
	[smem:$0x3FD2] =	sst s25  }
0xa8: {  	s7 =	sshll.u32 s26, $0x1;
	_ =	strace $0x80000046;
	[dreg:$0x1] =	wrdreg $0xFFFFFFFF  }
0xa9: {  	s28 =	simm.s32 $_size_execute0_lowered;
	s5 =	sadd.s32 s5, s7;
	[dreg:$0x0] =	wrdreg $0x0  }
0xaa: {  	s7 =	sshll.u32 s28, $0x1;
	[dreg:$0x2] =	wrdreg s5  }
0xab: {  	[dreg:$0x3] =	wrdreg s7  }
0xac: {  	[dreg:$0x4] =	wrdreg $0xC0  }
0xad: {  	_ =	task [dreg:s9], $0x5FFFF  }
0xae: {  	[dreg:$0x1] =	wrdreg $0xFFFFFFFF  }
0xaf: {  	[dreg:$0x0] =	wrdreg $0x60  }
0xb0: {  	[dreg:$0x2] =	wrdreg s2  }
0xb1: {  	[dreg:$0x3] =	wrdreg s18  }
0xb2: {  	[dreg:$0x4] =	wrdreg s4  }
0xb3: {  	[dreg:$0x5] =	wrdreg s24  }
0xb4: {  	[dreg:$0x6] =	wrdreg $0x9  }
0xb5: {  	_ =	task.clear_ibuf [dreg:s9], $0x7FFFF;
	_ =	strace $0x90000046  }
0xb6: {  	s29 =	simm.s32 $0x9;
	_ =	strace $0x80000048  }
0xb7: {  	_ =	swait.ge [sflag:s29], $0x1  }
0xb8: {  	[sflag:s29] =	ssyncadd.s32 $0xFFFFFFFF  }
0xb9: {  	_ =	strace $0x90000048  }
0xba: {  	_ =	sfence  }
0xbb: {  	s30 =	sld [smem:$0x0];
	_ =	sdelay $0x2  }
0xbc: {  	s31 =	sshll.u32 s1, $0xD;
	s1 =	sshrl.u32 s1, $0x2  }
0xbd: {  	s3 =	sand.u32 $0x4000, s31;
	s1 =	sadd.s32 s1, s30  }
0xbe: {  	s0 =	sor.u32 s3, s0;
	s1 =	sshll.u32 s1, $0x11  }
0xbf: {  	s0 =	sor.u32 s1, s0  }
0xc0: {  	s0 =	sadd.s32 $0x8F2B, s0  }
0xc1: {  	[sflag:s0] =	ssyncadd.remote.s32 $0x1  }
0xc2: {  	_ =	sfence.sel $0xFFFF  }
0xc3: {  	[dreg:$0x0] =	wrdreg $0xFFFFFFFF;
	(pc) =	sbr.abs _section_cstart, $3  }
0xc4: {  	[dreg:$0x1] =	wrdreg $0xFFFFFFFF  }
0xc5: {  	_ =	task.clear_ibuf [dreg:s9], $0x2FFFF;
	_ =	strace $0x9FFFFFFF  }
0xc6: {  	(tm) =	ssettm $0x7FFFFFFF  }
0xc7: {  	_ =	shalt  }
tec
execute0_lowered:
.L_overlay_start_1:
0x0: {  	(tag) =	ssettag $0x1  }
0x1: {  	s1 =	rddreg [dreg:$0x0]  }
0x2: {  	s2 =	rddreg [dreg:$0x1]  }
0x3: {  	s3 =	rddreg [dreg:$0x2]  }
0x4: {  	s0 =	rddreg [dreg:$0x3];
	s4 =	srdreg.scid;
	s5 =	simm.s32 $0x0  }
0x5: {  	s6 =	stileid.u32;
	s18 =	simm.s32 $0x1000;
	s19 =	simm.s32 $0x2000  }
0x6: {  	s20 =	simm.s32 $0x3000;
	s21 =	simm.s32 $0x1;
	s22 =	simm.s32 $0x4000  }
0x7: {  	s23 =	simm.s32 $0x2;
	s24 =	simm.s32 $0x4;
	s28 =	simm.s32 $0x0  }
0x8: {  	s4 =	sand.u32 $0x1, s4;
	[smem:$0x7FF] =	sst s5;
	s6 =	sshll.u32 s6, $0x1  }
0x9: {  	s14 =	sadd.s32 $0x80000, s2;
	s7 =	ssub.s32 $0x2, s4;
	_ =	strace $0x80000047  }
0xa: {  	s4 =	sor.u32 s4, s6;
	s6 =	sadd.s32 $0xE00, s0;
	s8 =	sshrl.u32 s7, $0x1  }
0xb: {  	s26 =	sshll.u32 s4, $0xE;
	s29 =	sshll.u32 s4, $0x9;
	s4 =	sshll.u32 s4, $0xF  }
0xc: {  	s25 =	ssub.s32 s7, s8;
	s9 =	sadd.s32 s1, s26;
	s12 =	sor.u32 $0x80000, s26  }
0xd: {  	s10 =	sadd.s32 s3, s4;
	s11 =	sor.u32 $0x20, s29;
	s7 =	sadd.s32 s2, s26  }
0xe: {  	v0 =	vlaneseq.u32;
	s15 =	sadd.s32 s6, s4;
	s17 =	sor.u32 $0x10, s29;
	[dreg:$0x5] =	wrdreg s9  }
0xf: {  	v0 =	vmul.u32 $0x4, v0;
	s26 =	simm.s32 $0x3;
	s30 =	sadd.s32 s1, s12;
	[dreg:$0x7] =	wrdreg s7  }
0x10: {  	s9 =	sadd.s32 $0x80000, s1;
	s31 =	sadd.s32 s2, s12;
	[dreg:$0x6] =	wrdreg s30  }
0x11: {  	v1 =	vor.u32 $0x1, v0;
	v2 =	vor.u32 $0x2, v0;
	v3 =	vor.u32 $0x3, v0;
	s16 =	smax.u32 s25, $0x1;
	s25 =	simm.s32 $0x6000;
	[dreg:$0x8] =	wrdreg s31  }
.LBB2_1:
0x12: {  	s0 =	rddreg [dreg:$0x5]  }
0x13: {  	[tilespmem:s5], [sflag:$0x1] =	stream.linear.gather [hbm4b:s0+s5], $0x1000, $0x38;
	[tilespmem:$0x8000] =	vst v63  }
0x14: {  	s31 =	rddreg [dreg:$0x6];
	s29 =	simm.s32 $0x0  }
0x15: {  	[tilespmem:s18], [sflag:$0x1] =	stream.linear.gather [hbm4b:s31+s5], $0x1000, $0x38;
	[tilespmem:$0x8000] =	vst v63  }
.LBB2_2:
0x16: {  	s31 =	sshll.u32 s29, $0x5  }
0x17: {  	s30 =	sor.u32 s17, s31  }
0x18: {  	s0 =	sshll.u32 s30, $0x5  }
0x19: {  	s4 =	sand.u32 $0x1FFFFE00, s0  }
0x1a: {  	s4 =	sadd.s32 s1, s4  }
0x1b: {  	[tilespmem:s19], [sflag:$0x2] =	stream.linear.gather [hbm4b:s4+s5], $0x1000, $0x38;
	[tilespmem:$0x8000] =	vst v63  }
0x1c: {  	s0 =	sadd.s32 s0, s9  }
0x1d: {  	[tilespmem:s20], [sflag:$0x2] =	stream.linear.gather [hbm4b:s0+s5], $0x1000, $0x38;
	[tilespmem:$0x8000] =	vst v63  }
0x1e: {  	_ =	swait.ge [sflag:s21], $0x2000  }
0x1f: {  	p0 =	seq.s32 s29, $0x0;
	[sflag:s21] =	ssyncset.done $0x0  }
0x20: {  	s0 =	simm.s32 @!p0 $0x3;
	[sflag:s21] =	ssyncadd.s32 $0xFFFFE000  }
0x21: {  	s13 =	simm.s32 $0x0;
	_ =	swait.ge @!p0 [sflag:s0], $0x2000  }
0x22: {  	s4 =	sand.u32 $0x3FFFFF80, s13;
	[sflag:s0] =	ssyncset.done @!p0 $0x0  }
0x23: {  	s7 =	sadd.s32 $0x0, s4;
	[sflag:s0] =	ssyncadd.s32 @!p0 $0xFFFFE000;
	s0 =	simm.s32 $0x0  }
0x24: {  	v4 =	vor.u32 s0, v0;
	v5 =	vld [tilespmem:s7+$0x0];
	_ =	sdelay $0x4  }
0x25: {  	[tilespmem:v4+s22+$0x0] =	vst.idx.msk $0xffff, v5  }
0x26: {  	v5 =	vor.u32 s0, v1;
	v4 =	vld [tilespmem:s7+$0x80];
	_ =	sdelay $0x4  }
0x27: {  	[tilespmem:v5+s22+$0x0] =	vst.idx.msk $0xffff, v4  }
0x28: {  	v5 =	vor.u32 s0, v2;
	v4 =	vld [tilespmem:s7+$0x1000];
	_ =	sdelay $0x4  }
0x29: {  	[tilespmem:v5+s22+$0x0] =	vst.idx.msk $0xffff, v4  }
0x2a: {  	v5 =	vor.u32 s0, v3;
	v4 =	vld [tilespmem:s7+$0x1080];
	_ =	sdelay $0x4  }
0x2b: {  	s8 =	simm.s32 $0x40;
	[tilespmem:v5+s22+$0x0] =	vst.idx.msk $0xffff, v4  }
0x2c: {  	v4 =	vor.u32 s8, v0;
	v5 =	vld [tilespmem:s7+$0x10];
	_ =	sdelay $0x4  }
0x2d: {  	[tilespmem:v4+s22+$0x0] =	vst.idx.msk $0xffff, v5  }
0x2e: {  	v5 =	vor.u32 s8, v1;
	v4 =	vld [tilespmem:s7+$0x90];
	_ =	sdelay $0x4  }
0x2f: {  	[tilespmem:v5+s22+$0x0] =	vst.idx.msk $0xffff, v4  }
0x30: {  	v5 =	vor.u32 s8, v2;
	v4 =	vld [tilespmem:s7+$0x1010];
	_ =	sdelay $0x4  }
0x31: {  	[tilespmem:v5+s22+$0x0] =	vst.idx.msk $0xffff, v4  }
0x32: {  	v5 =	vor.u32 s8, v3;
	v4 =	vld [tilespmem:s7+$0x1090];
	_ =	sdelay $0x1  }
0x33: {  	s4 =	simm.s32 $0x0;
	s7 =	simm.s32 $0x2  }
.LBB2_3:
0x34: {  	s8 =	sshll.u32 s7, $0x4;
	s4 =	sadd.s32 $0x2, s4;
	s0 =	sadd.s32 $0x80, s0  }
0x35: {  	s8 =	sand.u32 $0x3FFFFF80, s8;
	s12 =	sshra.s32 s0, $0x2;
	p1 =	slt.u32 s4, $0x7E  }
0x36: {  	s8 =	sadd.s32 s12, s8;
	[tilespmem:v5+s22+$0x0] =	vst.idx.msk $0xffff, v4  }
0x37: {  	v4 =	vor.u32 s0, v0;
	v5 =	vld [tilespmem:s8+$0x0];
	_ =	sdelay $0x4  }
0x38: {  	[tilespmem:v4+s22+$0x0] =	vst.idx.msk $0xffff, v5  }
0x39: {  	v5 =	vor.u32 s0, v1;
	v4 =	vld [tilespmem:s8+$0x80];
	_ =	sdelay $0x4  }
0x3a: {  	[tilespmem:v5+s22+$0x0] =	vst.idx.msk $0xffff, v4  }
0x3b: {  	v5 =	vor.u32 s0, v2;
	v4 =	vld [tilespmem:s8+$0x1000];
	_ =	sdelay $0x4  }
0x3c: {  	[tilespmem:v5+s22+$0x0] =	vst.idx.msk $0xffff, v4  }
0x3d: {  	v5 =	vor.u32 s0, v3;
	v4 =	vld [tilespmem:s8+$0x1080];
	_ =	sdelay $0x4  }
0x3e: {  	s12 =	sadd.s32 $0x40, s0;
	[tilespmem:v5+s22+$0x0] =	vst.idx.msk $0xffff, v4  }
0x3f: {  	v4 =	vor.u32 s12, v0;
	v5 =	vld [tilespmem:s8+$0x10];
	_ =	sdelay $0x4  }
0x40: {  	[tilespmem:v4+s22+$0x0] =	vst.idx.msk $0xffff, v5  }
0x41: {  	v5 =	vor.u32 s12, v1;
	v4 =	vld [tilespmem:s8+$0x90];
	_ =	sdelay $0x4  }
0x42: {  	[tilespmem:v5+s22+$0x0] =	vst.idx.msk $0xffff, v4  }
0x43: {  	v5 =	vor.u32 s12, v2;
	v4 =	vld [tilespmem:s8+$0x1010];
	_ =	sdelay $0x3  }
.Ltmp0:
0x44: {  	(pc) =	sbr.rel @p1 .LBB2_3-.Ltmp0, $3  }
0x45: {  	[tilespmem:v5+s22+$0x0] =	vst.idx.msk $0xffff, v4  }
0x46: {  	v5 =	vor.u32 s12, v3;
	v4 =	vld [tilespmem:s8+$0x1090];
	_ =	sdelay $0x1  }
0x47: {  	s7 =	sadd.s32 $0x2, s7  }
0x48: {  	p1 =	sne.s32 s29, $0xF  }
.Ltmp1:
0x49: {  	_ = 	snop;
	(pc) =	sbr.rel @p1 .LBB2_6-.Ltmp1, $4  }
0x4a: {  	_ = 	snop  }
0x4b: {  	s0 =	sshll.u32 s29, $0xB  }
0x4c: {  	s0 =	sadd.s32 s0, s10;
	[tilespmem:v5+s22+$0x0] =	vst.idx.msk $0xffff, v4  }
0x4d: {  	[hbm4b:s0+s5] =	stream.linear.scatter [tilespmem:s22], [sflag:$0x3], $0x2000, $0x38;
	[tilespmem:$0x8000] =	vst v63  }
.Ltmp2:
0x4e: {  	(pc) =	sbr.rel .LBB2_7-.Ltmp2, $4  }
0x4f: {  	_ = 	snop  }
0x50: {  	_ =	swait.ge [sflag:s23], $0x2000  }
0x51: {  	[sflag:s23] =	ssyncset.done $0x0  }
0x52: {  	[sflag:s23] =	ssyncadd.s32 $0xFFFFE000  }
.LBB2_6:
0x53: {  	s0 =	sadd.s32 s31, s11  }
0x54: {  	s0 =	sshll.u32 s0, $0x5  }
0x55: {  	s4 =	sand.u32 $0x1FFFFC00, s0  }
0x56: {  	s4 =	sadd.s32 s1, s4  }
0x57: {  	[tilespmem:s5], [sflag:$0x1] =	stream.linear.gather [hbm4b:s4+s5], $0x1000, $0x38;
	[tilespmem:$0x8000] =	vst v63  }
.Ltmp3:
0x58: {  	s0 =	sadd.s32 s0, s9;
	(pc) =	sbr.rel @p0 .LBB2_8-.Ltmp3, $4  }
0x59: {  	[tilespmem:s18], [sflag:$0x1] =	stream.linear.gather [hbm4b:s0+s5], $0x1000, $0x38;
	[tilespmem:$0x8000] =	vst v63  }
0x5a: {  	_ =	swait.ge [sflag:s23], $0x2000  }
0x5b: {  	[sflag:s23] =	ssyncset.done $0x0  }
0x5c: {  	[sflag:s23] =	ssyncadd.s32 $0xFFFFE000  }
.LBB2_7:
0x5d: {  	_ =	swait.ge [sflag:s24], $0x2000  }
0x5e: {  	[sflag:s24] =	ssyncset.done $0x0  }
0x5f: {  	[sflag:s24] =	ssyncadd.s32 $0xFFFFE000  }
.LBB2_8:
0x60: {  	s0 =	simm.s32 $0x0  }
0x61: {  	s0 =	sand.u32 $0x3FFFFF80, s0  }
0x62: {  	s4 =	simm.s32 $0x2000;
	s7 =	sadd.s32 $0x0, s0  }
0x63: {  	v4 =	vor.u32 s4, v0;
	v5 =	vld [tilespmem:s7+$0x2000];
	_ =	sdelay $0x4  }
0x64: {  	[tilespmem:v4+s22+$0x0] =	vst.idx.msk $0xffff, v5  }
0x65: {  	v5 =	vor.u32 s4, v1;
	v4 =	vld [tilespmem:s7+$0x2080];
	_ =	sdelay $0x4  }
0x66: {  	[tilespmem:v5+s22+$0x0] =	vst.idx.msk $0xffff, v4  }
0x67: {  	v5 =	vor.u32 s4, v2;
	v4 =	vld [tilespmem:s7+$0x3000];
	_ =	sdelay $0x4  }
0x68: {  	[tilespmem:v5+s22+$0x0] =	vst.idx.msk $0xffff, v4  }
0x69: {  	v5 =	vor.u32 s4, v3;
	v4 =	vld [tilespmem:s7+$0x3080];
	_ =	sdelay $0x4  }
0x6a: {  	s13 =	simm.s32 $0x2040;
	[tilespmem:v5+s22+$0x0] =	vst.idx.msk $0xffff, v4  }
0x6b: {  	v4 =	vor.u32 s13, v0;
	v5 =	vld [tilespmem:s7+$0x2010];
	_ =	sdelay $0x4  }
0x6c: {  	[tilespmem:v4+s22+$0x0] =	vst.idx.msk $0xffff, v5  }
0x6d: {  	v5 =	vor.u32 s13, v1;
	v4 =	vld [tilespmem:s7+$0x2090];
	_ =	sdelay $0x4  }
0x6e: {  	[tilespmem:v5+s22+$0x0] =	vst.idx.msk $0xffff, v4  }
0x6f: {  	v5 =	vor.u32 s13, v2;
	v4 =	vld [tilespmem:s7+$0x3010];
	_ =	sdelay $0x4  }
0x70: {  	[tilespmem:v5+s22+$0x0] =	vst.idx.msk $0xffff, v4  }
0x71: {  	v5 =	vor.u32 s13, v3;
	v4 =	vld [tilespmem:s7+$0x3090];
	_ =	sdelay $0x1  }
0x72: {  	s31 =	simm.s32 $0x0;
	s0 =	simm.s32 $0x0;
	s4 =	simm.s32 $0x2  }
.LBB2_9:
0x73: {  	s7 =	sshll.u32 s4, $0x4;
	s31 =	sadd.s32 $0x2, s31;
	s0 =	sadd.s32 $0x80, s0  }
0x74: {  	s7 =	sand.u32 $0x3FFFFF80, s7;
	s8 =	sshra.s32 s0, $0x2;
	p0 =	slt.u32 s31, $0x7E  }
0x75: {  	s12 =	sadd.s32 $0x2000, s0;
	s7 =	sadd.s32 s8, s7;
	[tilespmem:v5+s22+$0x0] =	vst.idx.msk $0xffff, v4  }
0x76: {  	v4 =	vor.u32 s12, v0;
	v5 =	vld [tilespmem:s7+$0x2000];
	_ =	sdelay $0x4  }
0x77: {  	[tilespmem:v4+s22+$0x0] =	vst.idx.msk $0xffff, v5  }
0x78: {  	v5 =	vor.u32 s12, v1;
	v4 =	vld [tilespmem:s7+$0x2080];
	_ =	sdelay $0x4  }
0x79: {  	[tilespmem:v5+s22+$0x0] =	vst.idx.msk $0xffff, v4  }
0x7a: {  	v5 =	vor.u32 s12, v2;
	v4 =	vld [tilespmem:s7+$0x3000];
	_ =	sdelay $0x4  }
0x7b: {  	[tilespmem:v5+s22+$0x0] =	vst.idx.msk $0xffff, v4  }
0x7c: {  	v5 =	vor.u32 s12, v3;
	v4 =	vld [tilespmem:s7+$0x3080];
	_ =	sdelay $0x4  }
0x7d: {  	s8 =	sadd.s32 $0x2040, s0;
	[tilespmem:v5+s22+$0x0] =	vst.idx.msk $0xffff, v4  }
0x7e: {  	v4 =	vor.u32 s8, v0;
	v5 =	vld [tilespmem:s7+$0x2010];
	_ =	sdelay $0x4  }
0x7f: {  	[tilespmem:v4+s22+$0x0] =	vst.idx.msk $0xffff, v5  }
0x80: {  	v5 =	vor.u32 s8, v1;
	v4 =	vld [tilespmem:s7+$0x2090];
	_ =	sdelay $0x4  }
0x81: {  	[tilespmem:v5+s22+$0x0] =	vst.idx.msk $0xffff, v4  }
0x82: {  	v5 =	vor.u32 s8, v2;
	v4 =	vld [tilespmem:s7+$0x3010];
	_ =	sdelay $0x3  }
.Ltmp4:
0x83: {  	(pc) =	sbr.rel @p0 .LBB2_9-.Ltmp4, $3  }
0x84: {  	[tilespmem:v5+s22+$0x0] =	vst.idx.msk $0xffff, v4  }
0x85: {  	v5 =	vor.u32 s8, v3;
	v4 =	vld [tilespmem:s7+$0x3090];
	_ =	sdelay $0x1  }
0x86: {  	s4 =	sadd.s32 $0x2, s4  }
0x87: {  	s29 =	sadd.s32 $0x1, s29  }
0x88: {  	p0 =	sne.s32 s29, $0x10  }
.Ltmp5:
0x89: {  	_ = 	snop;
	(pc) =	sbr.rel @p0 .LBB2_2-.Ltmp5, $4  }
0x8a: {  	s0 =	sshll.u32 s30, $0x6  }
0x8b: {  	s0 =	sand.u32 $0x1FFFFC00, s0  }
0x8c: {  	[tilespmem:v5+s22+$0x0] =	vst.idx.msk $0xffff, v4;
	s0 =	sadd.s32 s3, s0  }
0x8d: {  	[hbm4b:s0+s5] =	stream.linear.scatter [tilespmem:s25], [sflag:$0x4], $0x2000, $0x38;
	[tilespmem:$0x8000] =	vst v63  }
0x8e: {  	_ =	swait.ge [sflag:s26], $0x2000  }
0x8f: {  	[sflag:s26] =	ssyncset.done $0x0  }
0x90: {  	[sflag:s26] =	ssyncadd.s32 $0xFFFFE000  }
0x91: {  	_ =	swait.ge [sflag:s24], $0x2000  }
0x92: {  	[sflag:s24] =	ssyncset.done $0x0  }
0x93: {  	s29 =	simm.s32 $0x0;
	s0 =	rddreg [dreg:$0x7];
	[sflag:s24] =	ssyncadd.s32 $0xFFFFE000  }
0x94: {  	[tilespmem:s29], [sflag:$0x1] =	stream.linear.gather [hbm4b:s0+s29], $0x1000, $0x38;
	[tilespmem:$0x8000] =	vst v63  }
0x95: {  	s30 =	simm.s32 $0x0;
	s31 =	rddreg [dreg:$0x8]  }
0x96: {  	[tilespmem:s18], [sflag:$0x1] =	stream.linear.gather [hbm4b:s31+s29], $0x1000, $0x38;
	[tilespmem:$0x8000] =	vst v63  }
.LBB2_12:
0x97: {  	s0 =	sshll.u32 s30, $0x5  }
0x98: {  	s31 =	sor.u32 s17, s0  }
0x99: {  	s4 =	sshll.u32 s31, $0x5  }
0x9a: {  	s7 =	sand.u32 $0x1FFFFE00, s4  }
0x9b: {  	s7 =	sadd.s32 s2, s7  }
0x9c: {  	[tilespmem:s19], [sflag:$0x2] =	stream.linear.gather [hbm4b:s7+s5], $0x1000, $0x38;
	[tilespmem:$0x8000] =	vst v63  }
0x9d: {  	s4 =	sadd.s32 s4, s14  }
0x9e: {  	[tilespmem:s20], [sflag:$0x2] =	stream.linear.gather [hbm4b:s4+s5], $0x1000, $0x38;
	[tilespmem:$0x8000] =	vst v63  }
0x9f: {  	_ =	swait.ge [sflag:s21], $0x2000  }
0xa0: {  	p0 =	seq.s32 s30, $0x0;
	[sflag:s21] =	ssyncset.done $0x0  }
0xa1: {  	s4 =	simm.s32 @!p0 $0x3;
	[sflag:s21] =	ssyncadd.s32 $0xFFFFE000  }
0xa2: {  	s13 =	simm.s32 $0x0;
	_ =	swait.ge @!p0 [sflag:s4], $0x2000  }
0xa3: {  	s7 =	sand.u32 $0x3FFFFF80, s13;
	[sflag:s4] =	ssyncset.done @!p0 $0x0  }
0xa4: {  	s7 =	sadd.s32 $0x0, s7;
	[sflag:s4] =	ssyncadd.s32 @!p0 $0xFFFFE000  }
0xa5: {  	v4 =	vor.u32 s29, v0;
	v5 =	vld [tilespmem:s7+$0x0];
	_ =	sdelay $0x4  }
0xa6: {  	[tilespmem:v4+s22+$0x0] =	vst.idx.msk $0xffff, v5  }
0xa7: {  	v5 =	vor.u32 s29, v1;
	v4 =	vld [tilespmem:s7+$0x80];
	_ =	sdelay $0x4  }
0xa8: {  	[tilespmem:v5+s22+$0x0] =	vst.idx.msk $0xffff, v4  }
0xa9: {  	v5 =	vor.u32 s29, v2;
	v4 =	vld [tilespmem:s7+$0x1000];
	_ =	sdelay $0x4  }
0xaa: {  	[tilespmem:v5+s22+$0x0] =	vst.idx.msk $0xffff, v4  }
0xab: {  	v5 =	vor.u32 s29, v3;
	v4 =	vld [tilespmem:s7+$0x1080];
	_ =	sdelay $0x4  }
0xac: {  	s8 =	simm.s32 $0x40;
	[tilespmem:v5+s22+$0x0] =	vst.idx.msk $0xffff, v4  }
0xad: {  	v4 =	vor.u32 s8, v0;
	v5 =	vld [tilespmem:s7+$0x10];
	_ =	sdelay $0x4  }
0xae: {  	[tilespmem:v4+s22+$0x0] =	vst.idx.msk $0xffff, v5  }
0xaf: {  	v5 =	vor.u32 s8, v1;
	v4 =	vld [tilespmem:s7+$0x90];
	_ =	sdelay $0x4  }
0xb0: {  	[tilespmem:v5+s22+$0x0] =	vst.idx.msk $0xffff, v4  }
0xb1: {  	v5 =	vor.u32 s8, v2;
	v4 =	vld [tilespmem:s7+$0x1010];
	_ =	sdelay $0x4  }
0xb2: {  	[tilespmem:v5+s22+$0x0] =	vst.idx.msk $0xffff, v4  }
0xb3: {  	v5 =	vor.u32 s8, v3;
	v4 =	vld [tilespmem:s7+$0x1090];
	_ =	sdelay $0x1  }
0xb4: {  	s4 =	simm.s32 $0x0;
	s8 =	simm.s32 $0x0;
	s7 =	simm.s32 $0x2  }
.LBB2_13:
0xb5: {  	s12 =	sshll.u32 s7, $0x4;
	s4 =	sadd.s32 $0x2, s4;
	s8 =	sadd.s32 $0x80, s8  }
0xb6: {  	s12 =	sand.u32 $0x3FFFFF80, s12;
	s13 =	sshra.s32 s8, $0x2;
	p1 =	slt.u32 s4, $0x7E  }
0xb7: {  	s12 =	sadd.s32 s13, s12;
	[tilespmem:v5+s22+$0x0] =	vst.idx.msk $0xffff, v4  }
0xb8: {  	v4 =	vor.u32 s8, v0;
	v5 =	vld [tilespmem:s12+$0x0];
	_ =	sdelay $0x4  }
0xb9: {  	[tilespmem:v4+s22+$0x0] =	vst.idx.msk $0xffff, v5  }
0xba: {  	v5 =	vor.u32 s8, v1;
	v4 =	vld [tilespmem:s12+$0x80];
	_ =	sdelay $0x4  }
0xbb: {  	[tilespmem:v5+s22+$0x0] =	vst.idx.msk $0xffff, v4  }
0xbc: {  	v5 =	vor.u32 s8, v2;
	v4 =	vld [tilespmem:s12+$0x1000];
	_ =	sdelay $0x4  }
0xbd: {  	[tilespmem:v5+s22+$0x0] =	vst.idx.msk $0xffff, v4  }
0xbe: {  	v5 =	vor.u32 s8, v3;
	v4 =	vld [tilespmem:s12+$0x1080];
	_ =	sdelay $0x4  }
0xbf: {  	s13 =	sadd.s32 $0x40, s8;
	[tilespmem:v5+s22+$0x0] =	vst.idx.msk $0xffff, v4  }
0xc0: {  	v4 =	vor.u32 s13, v0;
	v5 =	vld [tilespmem:s12+$0x10];
	_ =	sdelay $0x4  }
0xc1: {  	[tilespmem:v4+s22+$0x0] =	vst.idx.msk $0xffff, v5  }
0xc2: {  	v5 =	vor.u32 s13, v1;
	v4 =	vld [tilespmem:s12+$0x90];
	_ =	sdelay $0x4  }
0xc3: {  	[tilespmem:v5+s22+$0x0] =	vst.idx.msk $0xffff, v4  }
0xc4: {  	v5 =	vor.u32 s13, v2;
	v4 =	vld [tilespmem:s12+$0x1010];
	_ =	sdelay $0x3  }
.Ltmp6:
0xc5: {  	(pc) =	sbr.rel @p1 .LBB2_13-.Ltmp6, $3  }
0xc6: {  	[tilespmem:v5+s22+$0x0] =	vst.idx.msk $0xffff, v4  }
0xc7: {  	v5 =	vor.u32 s13, v3;
	v4 =	vld [tilespmem:s12+$0x1090];
	_ =	sdelay $0x1  }
0xc8: {  	s7 =	sadd.s32 $0x2, s7  }
0xc9: {  	p1 =	sne.s32 s30, $0xF  }
.Ltmp7:
0xca: {  	_ = 	snop;
	(pc) =	sbr.rel @p1 .LBB2_16-.Ltmp7, $4  }
0xcb: {  	_ = 	snop  }
0xcc: {  	s4 =	sshll.u32 s30, $0xB  }
0xcd: {  	s4 =	sadd.s32 s4, s15;
	[tilespmem:v5+s22+$0x0] =	vst.idx.msk $0xffff, v4  }
0xce: {  	[hbm4b:s4+s5] =	stream.linear.scatter [tilespmem:s22], [sflag:$0x3], $0x2000, $0x38;
	[tilespmem:$0x8000] =	vst v63  }
.Ltmp8:
0xcf: {  	(pc) =	sbr.rel .LBB2_17-.Ltmp8, $4  }
0xd0: {  	_ = 	snop  }
0xd1: {  	_ =	swait.ge [sflag:s23], $0x2000  }
0xd2: {  	[sflag:s23] =	ssyncset.done $0x0  }
0xd3: {  	[sflag:s23] =	ssyncadd.s32 $0xFFFFE000  }
.LBB2_16:
0xd4: {  	s0 =	sadd.s32 s0, s11  }
0xd5: {  	s0 =	sshll.u32 s0, $0x5  }
0xd6: {  	s4 =	sand.u32 $0x1FFFFC00, s0  }
0xd7: {  	s4 =	sadd.s32 s2, s4  }
0xd8: {  	[tilespmem:s5], [sflag:$0x1] =	stream.linear.gather [hbm4b:s4+s5], $0x1000, $0x38;
	[tilespmem:$0x8000] =	vst v63  }
.Ltmp9:
0xd9: {  	s0 =	sadd.s32 s0, s14;
	(pc) =	sbr.rel @p0 .LBB2_18-.Ltmp9, $4  }
0xda: {  	[tilespmem:s18], [sflag:$0x1] =	stream.linear.gather [hbm4b:s0+s5], $0x1000, $0x38;
	[tilespmem:$0x8000] =	vst v63  }
0xdb: {  	_ =	swait.ge [sflag:s23], $0x2000  }
0xdc: {  	[sflag:s23] =	ssyncset.done $0x0  }
0xdd: {  	[sflag:s23] =	ssyncadd.s32 $0xFFFFE000  }
.LBB2_17:
0xde: {  	_ =	swait.ge [sflag:s24], $0x2000  }
0xdf: {  	[sflag:s24] =	ssyncset.done $0x0  }
0xe0: {  	[sflag:s24] =	ssyncadd.s32 $0xFFFFE000  }
.LBB2_18:
0xe1: {  	s0 =	simm.s32 $0x0  }
0xe2: {  	s0 =	sand.u32 $0x3FFFFF80, s0  }
0xe3: {  	s4 =	simm.s32 $0x2000;
	s7 =	sadd.s32 $0x0, s0  }
0xe4: {  	v4 =	vor.u32 s4, v0;
	v5 =	vld [tilespmem:s7+$0x2000];
	_ =	sdelay $0x4  }
0xe5: {  	[tilespmem:v4+s22+$0x0] =	vst.idx.msk $0xffff, v5  }
0xe6: {  	v5 =	vor.u32 s4, v1;
	v4 =	vld [tilespmem:s7+$0x2080];
	_ =	sdelay $0x4  }
0xe7: {  	[tilespmem:v5+s22+$0x0] =	vst.idx.msk $0xffff, v4  }
0xe8: {  	v5 =	vor.u32 s4, v2;
	v4 =	vld [tilespmem:s7+$0x3000];
	_ =	sdelay $0x4  }
0xe9: {  	[tilespmem:v5+s22+$0x0] =	vst.idx.msk $0xffff, v4  }
0xea: {  	v5 =	vor.u32 s4, v3;
	v4 =	vld [tilespmem:s7+$0x3080];
	_ =	sdelay $0x4  }
0xeb: {  	s8 =	simm.s32 $0x2040;
	[tilespmem:v5+s22+$0x0] =	vst.idx.msk $0xffff, v4  }
0xec: {  	v4 =	vor.u32 s8, v0;
	v5 =	vld [tilespmem:s7+$0x2010];
	_ =	sdelay $0x4  }
0xed: {  	[tilespmem:v4+s22+$0x0] =	vst.idx.msk $0xffff, v5  }
0xee: {  	v5 =	vor.u32 s8, v1;
	v4 =	vld [tilespmem:s7+$0x2090];
	_ =	sdelay $0x4  }
0xef: {  	[tilespmem:v5+s22+$0x0] =	vst.idx.msk $0xffff, v4  }
0xf0: {  	v5 =	vor.u32 s8, v2;
	v4 =	vld [tilespmem:s7+$0x3010];
	_ =	sdelay $0x4  }
0xf1: {  	[tilespmem:v5+s22+$0x0] =	vst.idx.msk $0xffff, v4  }
0xf2: {  	v5 =	vor.u32 s8, v3;
	v4 =	vld [tilespmem:s7+$0x3090];
	_ =	sdelay $0x1  }
0xf3: {  	s0 =	simm.s32 $0x0;
	s4 =	simm.s32 $0x0;
	s7 =	simm.s32 $0x2  }
.LBB2_19:
0xf4: {  	s8 =	sshll.u32 s7, $0x4;
	s4 =	sadd.s32 $0x2, s4;
	s0 =	sadd.s32 $0x80, s0  }
0xf5: {  	s8 =	sand.u32 $0x3FFFFF80, s8;
	s12 =	sshra.s32 s0, $0x2;
	p0 =	slt.u32 s4, $0x7E  }
0xf6: {  	s13 =	sadd.s32 $0x2000, s0;
	s8 =	sadd.s32 s12, s8;
	[tilespmem:v5+s22+$0x0] =	vst.idx.msk $0xffff, v4  }
0xf7: {  	v4 =	vor.u32 s13, v0;
	v5 =	vld [tilespmem:s8+$0x2000];
	_ =	sdelay $0x4  }
0xf8: {  	[tilespmem:v4+s22+$0x0] =	vst.idx.msk $0xffff, v5  }
0xf9: {  	v5 =	vor.u32 s13, v1;
	v4 =	vld [tilespmem:s8+$0x2080];
	_ =	sdelay $0x4  }
0xfa: {  	[tilespmem:v5+s22+$0x0] =	vst.idx.msk $0xffff, v4  }
0xfb: {  	v5 =	vor.u32 s13, v2;
	v4 =	vld [tilespmem:s8+$0x3000];
	_ =	sdelay $0x4  }
0xfc: {  	[tilespmem:v5+s22+$0x0] =	vst.idx.msk $0xffff, v4  }
0xfd: {  	v5 =	vor.u32 s13, v3;
	v4 =	vld [tilespmem:s8+$0x3080];
	_ =	sdelay $0x4  }
0xfe: {  	s12 =	sadd.s32 $0x2040, s0;
	[tilespmem:v5+s22+$0x0] =	vst.idx.msk $0xffff, v4  }
0xff: {  	v4 =	vor.u32 s12, v0;
	v5 =	vld [tilespmem:s8+$0x2010];
	_ =	sdelay $0x4  }
0x100: {  	[tilespmem:v4+s22+$0x0] =	vst.idx.msk $0xffff, v5  }
0x101: {  	v5 =	vor.u32 s12, v1;
	v4 =	vld [tilespmem:s8+$0x2090];
	_ =	sdelay $0x4  }
0x102: {  	[tilespmem:v5+s22+$0x0] =	vst.idx.msk $0xffff, v4  }
0x103: {  	v5 =	vor.u32 s12, v2;
	v4 =	vld [tilespmem:s8+$0x3010];
	_ =	sdelay $0x3  }
.Ltmp10:
0x104: {  	(pc) =	sbr.rel @p0 .LBB2_19-.Ltmp10, $3  }
0x105: {  	[tilespmem:v5+s22+$0x0] =	vst.idx.msk $0xffff, v4  }
0x106: {  	v5 =	vor.u32 s12, v3;
	v4 =	vld [tilespmem:s8+$0x3090];
	_ =	sdelay $0x1  }
0x107: {  	s7 =	sadd.s32 $0x2, s7  }
0x108: {  	s30 =	sadd.s32 $0x1, s30  }
0x109: {  	p0 =	sne.s32 s30, $0x10  }
.Ltmp11:
0x10a: {  	_ = 	snop;
	(pc) =	sbr.rel @p0 .LBB2_12-.Ltmp11, $4  }
0x10b: {  	s0 =	sshll.u32 s31, $0x6  }
0x10c: {  	s0 =	sand.u32 $0x1FFFFC00, s0  }
0x10d: {  	[tilespmem:v5+s22+$0x0] =	vst.idx.msk $0xffff, v4;
	s0 =	sadd.s32 s6, s0  }
0x10e: {  	[hbm4b:s0+s5] =	stream.linear.scatter [tilespmem:s25], [sflag:$0x4], $0x2000, $0x38;
	[tilespmem:$0x8000] =	vst v63  }
0x10f: {  	s28 =	sadd.s32 $0x1, s28  }
0x110: {  	_ =	swait.ge [sflag:s26], $0x2000;
	p0 =	sne.s32 s28, s16  }
.Ltmp12:
0x111: {  	[sflag:s26] =	ssyncset.done $0x0;
	(pc) =	sbr.rel @p0 .LBB2_1-.Ltmp12, $4  }
0x112: {  	[sflag:s26] =	ssyncadd.s32 $0xFFFFE000  }
0x113: {  	_ =	swait.ge [sflag:s24], $0x2000  }
0x114: {  	[sflag:s24] =	ssyncset.done $0x0  }
0x115: {  	[sflag:s24] =	ssyncadd.s32 $0xFFFFE000  }
0x116: {  	_ =	sfence.sel $0x180000  }
0x117: {  	[bflag:$0x0] =	sbarrier.arrive $0xFFFF  }
0x118: {  	_ =	strace $0x90000047  }
0x119: {  	s0 =	stileid.u32;
	[bflag:$0x2] =	sbarrier.arrive $0xFFFF  }
0x11a: {  	p0 =	sne.s32 s0, $0x0;
	s0 =	rddreg [dreg:$0x4]  }
0x11b: {  	s0 =	sadd.s32 @!p0 $0x100000, s0  }
0x11c: {  	[sflag:s0] =	ssyncadd.tile.s32 @!p0 $0x1;
	_ =	shalt  }
.Lfunc_end2:
_tile_overlayer_lowered:
.L_overlay_start_2:
0x11d: {  	(tag) =	ssettag $0x2  }
0x11e: {  	s0 =	rddreg [dreg:$0x0];
	s2 =	stileid.u32  }
0x11f: {  	s1 =	rddreg [dreg:$0x1];
	p0 =	sne.s32 s2, $0x0  }
0x120: {  	s3 =	rddreg [dreg:$0x2];
	[bflag:$0x3] =	sbarrier.arrive $0xFFFF;
	s2 =	simm.s32 @!p0 $0x1C05  }
0x121: {  	[timem:s3], [sflag:s2] =	dma.local @!p0 [hbm:s0], s1  }
0x122: {  	s0 =	simm.s32 @!p0 $0x5  }
0x123: {  	_ =	swait.ge @!p0 [sflag:s0], s1  }
0x124: {  	s1 =	ssub.s32 @!p0 $0x0, s1;
	[sflag:s0] =	ssyncset.done @!p0 $0x0  }
0x125: {  	[sflag:s0] =	ssyncadd.s32 @!p0 s1  }
0x126: {  	[bflag:$0x3] =	sbarrier.arrive $0xFFFF  }
0x127: {  	_ =	shalt  }

// kernel: kernel.7.cloned.1.call-start
scs
__scs_entry_jumppad:
0x0: {  	(pc) =	sbr.rel $0x88, $3  }
0x1: {  	(tag) =	ssettag $0x0;
	lr =	simm.s32 $0x1  }
0x2: {  	[smem:$0x3F9E] =	sst lr;
	_ =	strace $0xD0000000  }
0x3: {  	_ = 	snop  }
0x4: {  	_ = 	snop  }
0x5: {  	_ = 	snop  }
0x6: {  	_ = 	snop  }
0x7: {  	_ = 	snop  }
__scs_overlays_trampoline_lowered:
0x8: {  	[smem:$0x3FAD] =	sst s0  }
0x9: {  	[smem:$0x3FAE] =	sst s1  }
0xa: {  	[smem:$0x3FAF] =	sst s2  }
0xb: {  	[smem:$0x3FB0] =	sst s3  }
0xc: {  	[smem:$0x3FB1] =	sst s4  }
0xd: {  	[smem:$0x3FB2] =	sst s5  }
0xe: {  	[smem:$0x3FB3] =	sst s6  }
0xf: {  	[smem:$0x3FB4] =	sst s7  }
0x10: {  	[smem:$0x3FB5] =	sst s8  }
0x11: {  	[smem:$0x3FB6] =	sst s9;
	s0 =	simm.s32 @!p0 $0x0  }
0x12: {  	s1 =	sld [smem:$0x3F9C];
	s0 =	simm.s32 @p0 $0x1  }
0x13: {  	[smem:$0x3FB7] =	sst s0;
	s0 =	simm.s32 @!p1 $0x0  }
0x14: {  	s2 =	sld [smem:$0x3F9B];
	s0 =	simm.s32 @p1 $0x1  }
0x15: {  	[smem:$0x3FB8] =	sst s0;
	s0 =	simm.s32 @!p2 $0x0  }
0x16: {  	s3 =	sld [smem:$0x3FDB];
	s0 =	simm.s32 @p2 $0x1  }
0x17: {  	s4 =	simm.s32 $0x1BF5;
	[smem:$0x3FBA] =	sst s0  }
0x18: {  	s0 =	sld [smem:$0x3F9D];
	_ =	swait.ge [sflag:s4], $0x0  }
0x19: {  	s7 =	sld [smem:$0x3F9E]  }
0x1a: {  	s8 =	sadd.s32 $0xFFFFE003, lr  }
0x1b: {  	s9 =	sadd.s32 $0xFFFFFEF7, lr;
	s5 =	simm.s32 $0xFFFFFFFF;
	p2 =	slt.u32 s8, $0xFFFFF086  }
0x1c: {  	p1 =	slt.u32 s9, $0xF7A;
	s5 =	simm.s32 @!p2 $0x0  }
0x1d: {  	s5 =	simm.s32 @p1 $0x1;
	p0 =	seq.s32 s7, s2  }
0x1e: {  	s7 =	smul.u32 @!p0 $0xF7A, s2;
	p2 =	seq.s32 @!p0 s5, $0x0  }
0x1f: {  	s9 =	smul.u32 $0xF7A, s1;
	s8 =	simm.s32 @!p0 $0x1BF5;
	p2 =	por !p2, p0  }
0x20: {  	[sflag:s8] =	ssyncset.s32 @!p0 $0xFFFFF086;
	s6 =	sadd.s32 @!p0 s3, s7;
	s7 =	simm.s32 @!p0 $0x108  }
0x21: {  	s3 =	sadd.s32 s3, s9;
	s6 =	sadd.s32 @!p0 $0x88, s6;
	s7 =	simm.s32 @p2 $0x1082  }
0x22: {  	[simem:s7], [sflag:s8] =	dma.local @!p0 [hbm:s6], $0xF7A  }
0x23: {  	s9 =	sor.u32 $0xD0000000, s2;
	s6 =	simm.s32 $0x108;
	_ =	swait.ge @!p0 [sflag:s8], $0x0  }
0x24: {  	s3 =	sadd.s32 $0x88, s3;
	s6 =	simm.s32 @!p1 $0x1082;
	[sflag:s4] =	ssyncset.s32 $0xFFFFF086  }
0x25: {  	[simem:s6], [sflag:s4] =	dma.local [hbm:s3], $0xF7A  }
0x26: {  	[smem:$0x3F9E] =	sst s1;
	(tag) =	ssettag s2;
	_ =	strace s9  }
0x27: {  	s1 =	sld [smem:$0x3FAE]  }
0x28: {  	s2 =	sld [smem:$0x3FAF]  }
0x29: {  	s4 =	sld [smem:$0x3FB1]  }
0x2a: {  	p0 =	seq.s32 s5, $0x0;
	s5 =	sld [smem:$0x3FB2]  }
0x2b: {  	s6 =	sld [smem:$0x3FB3]  }
0x2c: {  	s7 =	sld [smem:$0x3FB4]  }
0x2d: {  	s3 =	simm.s32 $0x108;
	s8 =	sld [smem:$0x3FB5]  }
0x2e: {  	s3 =	simm.s32 @!p0 $0x1082;
	s9 =	sld [smem:$0x3FB6]  }
0x2f: {  	lr =	sadd.s32 s0, s3;
	s0 =	sld [smem:$0x3FAD]  }
0x30: {  	s3 =	sld [smem:$0x3FB0]  }
0x31: {  	[smem:$0x3FB9] =	sst s10  }
0x32: {  	s10 =	sld [smem:$0x3FB7];
	_ =	sdelay $0x3  }
0x33: {  	p0 =	seq.s32 s10, $0x1;
	s10 =	sld [smem:$0x3FB9];
	_ =	sdelay $0x3  }
0x34: {  	[smem:$0x3FB9] =	sst s10  }
0x35: {  	s10 =	sld [smem:$0x3FB8];
	_ =	sdelay $0x3  }
0x36: {  	p1 =	seq.s32 s10, $0x1;
	s10 =	sld [smem:$0x3FB9];
	_ =	sdelay $0x3  }
0x37: {  	[smem:$0x3FB9] =	sst s10  }
0x38: {  	s10 =	sld [smem:$0x3FBA]  }
0x39: {  	_ = 	snop;
	(pc) =	sbr.ind lr, $3  }
0x3a: {  	_ = 	snop  }
0x3b: {  	_ = 	snop  }
0x3c: {  	p2 =	seq.s32 s10, $0x1;
	s10 =	sld [smem:$0x3FB9]  }
0x3d: {  	_ =	shalt  }
0x3e: {  	_ =	shalt  }
0x3f: {  	_ =	shalt  }
0x40: {  	_ =	shalt  }
0x41: {  	_ =	shalt  }
0x42: {  	_ =	shalt  }
0x43: {  	_ =	shalt  }
0x44: {  	_ =	shalt  }
0x45: {  	_ =	shalt  }
0x46: {  	_ =	shalt  }
0x47: {  	_ =	shalt  }
0x48: {  	_ =	shalt  }
0x49: {  	_ =	shalt  }
0x4a: {  	_ =	shalt  }
0x4b: {  	_ =	shalt  }
0x4c: {  	_ =	shalt  }
0x4d: {  	_ =	shalt  }
0x4e: {  	_ =	shalt  }
0x4f: {  	_ =	shalt  }
0x50: {  	_ =	shalt  }
0x51: {  	_ =	shalt  }
0x52: {  	_ =	shalt  }
0x53: {  	_ =	shalt  }
0x54: {  	_ =	shalt  }
0x55: {  	_ =	shalt  }
0x56: {  	_ =	shalt  }
0x57: {  	_ =	shalt  }
0x58: {  	_ =	shalt  }
0x59: {  	_ =	shalt  }
0x5a: {  	_ =	shalt  }
0x5b: {  	_ =	shalt  }
0x5c: {  	_ =	shalt  }
0x5d: {  	_ =	shalt  }
0x5e: {  	_ =	shalt  }
0x5f: {  	_ =	shalt  }
0x60: {  	_ =	shalt  }
0x61: {  	_ =	shalt  }
0x62: {  	_ =	shalt  }
0x63: {  	_ =	shalt  }
0x64: {  	_ =	shalt  }
0x65: {  	_ =	shalt  }
0x66: {  	_ =	shalt  }
0x67: {  	_ =	shalt  }
0x68: {  	_ =	shalt  }
0x69: {  	_ =	shalt  }
0x6a: {  	_ =	shalt  }
0x6b: {  	_ =	shalt  }
0x6c: {  	_ =	shalt  }
0x6d: {  	_ =	shalt  }
0x6e: {  	_ =	shalt  }
0x6f: {  	_ =	shalt  }
0x70: {  	_ =	shalt  }
0x71: {  	_ =	shalt  }
0x72: {  	_ =	shalt  }
0x73: {  	_ =	shalt  }
0x74: {  	_ =	shalt  }
0x75: {  	_ =	shalt  }
0x76: {  	_ =	shalt  }
0x77: {  	_ =	shalt  }
0x78: {  	_ =	shalt  }
0x79: {  	_ =	shalt  }
0x7a: {  	_ =	shalt  }
0x7b: {  	_ =	shalt  }
0x7c: {  	_ =	shalt  }
0x7d: {  	_ =	shalt  }
0x7e: {  	_ =	shalt  }
0x7f: {  	_ =	shalt  }
0x80: {  	_ =	shalt  }
0x81: {  	_ =	shalt  }
0x82: {  	_ =	shalt  }
0x83: {  	_ =	shalt  }
0x84: {  	_ =	shalt  }
0x85: {  	_ =	shalt  }
0x86: {  	_ =	shalt  }
0x87: {  	_ =	shalt  }
.Lfunc_end0:
.L_simem_size_0:
called_computation.1_lowered:
.L_overlay_start_0:
0x88: {  	s2 =	sld [smem:$0x3FD9]  }
0x89: {  	s3 =	sld [smem:$0x3FFE];
	_ =	sdelay $0x1  }
0x8a: {  	s1 =	srdreg.scid  }
0x8b: {  	s0 =	sand.u32 $0x1, s1  }
0x8c: {  	s17 =	sshll.u32 s0, $0xA;
	s2 =	sadd.s32 s3, s2  }
0x8d: {  	s2 =	sadd.s32 s2, s17  }
0x8e: {  	[smem:$0x3FC5] =	sst s2  }
0x8f: {  	_ = 	snop  }
0x90: {  	s2 =	sld [smem:$0x3FD0];
	(tm) =	ssettm $0x1  }
0x91: {  	s18 =	sld [smem:$0x3FFB];
	_ =	sdelay $0x3  }
0x92: {  	_ =	strace s18  }
0x93: {  	s3 =	sld [smem:$0x3FFC];
	_ =	sdelay $0x3  }
0x94: {  	_ =	strace s3  }
0x95: {  	s3 =	sld [smem:$0x3FFD];
	_ =	sdelay $0x3  }
0x96: {  	_ =	strace s3  }
0x97: {  	_ =	strace $0x8FFFFFFF  }
0x98: {  	s19 =	sld [smem:$0x3FDB];
	_ =	sdelay $0x1  }
0x99: {  	s4 =	simm.s32 $_scs_section_size  }
0x9a: {  	s5 =	simm.s32 $_size__tile_overlayer_lowered;
	s6 =	simm.s32 $_tile_overlayer_lowered  }
0x9b: {  	s22 =	simm.s32 $0x1BFF;
	s21 =	sshll.u32 s6, $0x1;
	s3 =	sadd.s32 s4, s19  }
0x9c: {  	s7 =	simm.s32 $0x0;
	s20 =	sshll.u32 s5, $0x1;
	s5 =	sadd.s32 s21, s3  }
0x9d: {  	[timem:s7], [sflag:s22] =	dma.local [hbm:s5], s20  }
0x9e: {  	_ =	swait.ge [sflag:s22], s20  }
0x9f: {  	s4 =	ssub.s32 $0x0, s20;
	[sflag:s22] =	ssyncset.done $0x0  }
0xa0: {  	[sflag:s22] =	ssyncadd.s32 s4;
	_ =	sdelay $0x1  }
0xa1: {  	s23 =	simm.s32 $0x1B8B  }
0xa2: {  	_ =	swait.ge [sflag:s23], $0x1  }
0xa3: {  	[sflag:s23] =	ssyncset.done $0x0  }
0xa4: {  	s25 =	simm.s32 $0x1B8E;
	s24 =	sld [smem:$0x3FFE];
	[sflag:s23] =	ssyncadd.s32 $0xFFFFFFFF  }
0xa5: {  	s26 =	simm.s32 $execute0_lowered;
	[smem:$0x3FD2] =	sst s25  }
0xa6: {  	s5 =	sshll.u32 s26, $0x1;
	_ =	strace $0x80000049;
	[dreg:$0x1] =	wrdreg $0xFFFFFFFF  }
0xa7: {  	s28 =	simm.s32 $_size_execute0_lowered;
	s3 =	sadd.s32 s3, s5;
	[dreg:$0x0] =	wrdreg $0x0  }
0xa8: {  	s5 =	sshll.u32 s28, $0x1;
	[dreg:$0x2] =	wrdreg s3  }
0xa9: {  	[dreg:$0x3] =	wrdreg s5  }
0xaa: {  	[dreg:$0x4] =	wrdreg $0xC0  }
0xab: {  	_ =	task [dreg:s7], $0x5FFFF  }
0xac: {  	[dreg:$0x1] =	wrdreg $0xFFFFFFFF  }
0xad: {  	[dreg:$0x0] =	wrdreg $0x60  }
0xae: {  	[dreg:$0x2] =	wrdreg s24  }
0xaf: {  	[dreg:$0x3] =	wrdreg s2  }
0xb0: {  	[dreg:$0x4] =	wrdreg $0x9  }
0xb1: {  	_ =	task.clear_ibuf [dreg:s7], $0x5FFFF;
	_ =	strace $0x90000049  }
0xb2: {  	s29 =	simm.s32 $0x9;
	_ =	strace $0x8000004B  }
0xb3: {  	_ =	swait.ge [sflag:s29], $0x1  }
0xb4: {  	[sflag:s29] =	ssyncadd.s32 $0xFFFFFFFF  }
0xb5: {  	_ =	strace $0x9000004B  }
0xb6: {  	_ =	sfence  }
0xb7: {  	s30 =	sld [smem:$0x0];
	_ =	sdelay $0x2  }
0xb8: {  	s31 =	sshll.u32 s1, $0xD;
	s1 =	sshrl.u32 s1, $0x2  }
0xb9: {  	s3 =	sand.u32 $0x4000, s31;
	s1 =	sadd.s32 s1, s30  }
0xba: {  	s0 =	sor.u32 s3, s0;
	s1 =	sshll.u32 s1, $0x11  }
0xbb: {  	s0 =	sor.u32 s1, s0  }
0xbc: {  	s0 =	sadd.s32 $0x8F2B, s0  }
0xbd: {  	[sflag:s0] =	ssyncadd.remote.s32 $0x1  }
0xbe: {  	_ =	sfence.sel $0xFFFF  }
0xbf: {  	[dreg:$0x0] =	wrdreg $0xFFFFFFFF;
	(pc) =	sbr.abs _section_cstart, $3  }
0xc0: {  	[dreg:$0x1] =	wrdreg $0xFFFFFFFF  }
0xc1: {  	_ =	task.clear_ibuf [dreg:s7], $0x2FFFF;
	_ =	strace $0x9FFFFFFF  }
0xc2: {  	(tm) =	ssettm $0x7FFFFFFF  }
0xc3: {  	_ =	shalt  }
tec
execute0_lowered:
.L_overlay_start_1:
0x0: {  	(tag) =	ssettag $0x1  }
0x1: {  	s0 =	rddreg [dreg:$0x0]  }
0x2: {  	s2 =	rddreg [dreg:$0x1]  }
0x3: {  	s1 =	srdreg.scid;
	s4 =	stileid.u32;
	s3 =	simm.s32 $0x0  }
0x4: {  	s15 =	simm.s32 $0x3;
	s16 =	simm.s32 $0x15400;
	s17 =	simm.s32 $0x4  }
0x5: {  	s18 =	simm.s32 $0x15C00;
	s1 =	sand.u32 $0x1, s1;
	s4 =	sshll.u32 s4, $0x1  }
0x6: {  	[smem:$0x7FF] =	sst s3;
	s5 =	sadd.s32 $0x100E00, s0;
	s9 =	sor.u32 s1, s4  }
0x7: {  	s6 =	sadd.s32 $0xE00, s0;
	s1 =	ssub.s32 $0x2, s1;
	s4 =	smul.u32 $0xC0, s9  }
0x8: {  	s7 =	sadd.s32 $0x160E00, s0;
	s19 =	sshrl.u32 s1, $0x1;
	s9 =	smul.u32 $0x3000, s9  }
0x9: {  	_ =	strace $0x8000004A;
	s0 =	ssub.s32 s1, s19;
	s8 =	sand.u32 $0x1C0, s4  }
0xa: {  	s10 =	sand.u32 $0x1E00, s4;
	s22 =	sadd.s32 s5, s9;
	s19 =	sor.u32 $0x2, s4  }
0xb: {  	s31 =	sor.u32 $0x3, s4;
	s0 =	smax.u32 s0, $0x1;
	[dreg:$0x5] =	wrdreg s22  }
0xc: {  	s20 =	smax.u32 s8, $0x2;
	s8 =	smax.u32 s8, $0x1;
	[dreg:$0xd] =	wrdreg s31  }
0xd: {  	s25 =	sadd.s32 $0x40, s22;
	[dreg:$0xe] =	wrdreg s0;
	s0 =	simm.s32 $0x1  }
0xe: {  	s1 =	sadd.s32 $0x7FFFFE, s20;
	s8 =	sadd.s32 $0xFFFFFFFF, s8;
	[dreg:$0x6] =	wrdreg s25  }
0xf: {  	s25 =	simm.s32 $0x800;
	s1 =	sor.u32 s10, s1;
	s11 =	sor.u32 s10, s8  }
0x10: {  	s8 =	sor.u32 $0x1, s4;
	s1 =	sshll.u32 s1, $0x6;
	s11 =	sshll.u32 s11, $0x6  }
0x11: {  	s12 =	ssub.s32 s8, s10;
	s1 =	sand.u32 $0x1FFFFF80, s1;
	s11 =	sand.u32 $0x1FFFFFC0, s11  }
0x12: {  	p0 =	sgt.s32 s12, $0x2;
	s13 =	smov.u32 s12;
	s14 =	smov.u32 s12  }
0x13: {  	s26 =	sshra.s32 s12, $0x1F;
	s13 =	simm.s32 @!p0 $0x2;
	s1 =	sadd.s32 s5, s1  }
0x14: {  	p0 =	sgt.s32 s12, $0x1;
	s21 =	sadd.s32 s5, s11;
	[dreg:$0x3] =	wrdreg s1  }
0x15: {  	s11 =	sadd.s32 $0x80, s22;
	s22 =	simm.s32 $0x5400;
	[dreg:$0x4] =	wrdreg s21  }
0x16: {  	s14 =	simm.s32 @!p0 $0x1;
	s23 =	smin.u32 s13, $0x201;
	[dreg:$0x7] =	wrdreg s11  }
0x17: {  	s11 =	sor.u32 s26, s12;
	s24 =	smin.u32 s14, $0x200;
	s1 =	sadd.s32 s10, s23  }
0x18: {  	p0 =	slt.s32 s11, $0x1FE;
	s14 =	simm.s32 $0x11400;
	s1 =	sshll.u32 s1, $0x6  }
0x19: {  	s9 =	sadd.s32 s24, s10;
	s11 =	simm.s32 @!p0 $0x1FE;
	s1 =	sadd.s32 $0xFFFFFF80, s1  }
0x1a: {  	p0 =	sgt.s32 s12, $0x0;
	s9 =	sshll.u32 s9, $0x6;
	s1 =	sand.u32 $0x1FFFFFC0, s1  }
0x1b: {  	s11 =	sadd.s32 s10, s11;
	s9 =	sadd.s32 $0xFFFFFFC0, s9;
	s1 =	sadd.s32 s5, s1  }
0x1c: {  	s11 =	sshll.u32 s11, $0x6;
	s9 =	sand.u32 $0x1FFFFFC0, s9;
	[dreg:$0x8] =	wrdreg s1  }
0x1d: {  	s28 =	sadd.s32 s5, s9;
	s1 =	smov.u32 s12;
	s9 =	sor.u32 $0x2, s12  }
0x1e: {  	s11 =	sadd.s32 $0x40, s11;
	s1 =	simm.s32 @!p0 $0x0;
	p0 =	sgt.s32 s9, $0x0  }
0x1f: {  	s11 =	sand.u32 $0x1FFFFFC0, s11;
	s1 =	smin.u32 s1, $0x1FF;
	s9 =	simm.s32 @!p0 $0x0  }
0x20: {  	v0 =	vlaneseq.u32;
	[dreg:$0x9] =	wrdreg s28;
	s1 =	sor.u32 s10, s1;
	s9 =	smin.u32 s9, $0x1FF  }
0x21: {  	v1 =	vadd.s32 $0xFFFFFFFF, v0;
	v2 =	vadd.s32 $0xFFFFFFFE, v0;
	v3 =	vadd.s32 $0x401, v0;
	s29 =	sadd.s32 s5, s11;
	s1 =	sshll.u32 s1, $0x6;
	s9 =	sor.u32 s10, s9  }
0x22: {  	v4 =	vadd.s32 $0x402, v0;
	v5 =	vadd.s32 $0x601, v0;
	v6 =	vadd.s32 $0x201, v0;
	[dreg:$0xb] =	wrdreg s29;
	s1 =	sadd.s32 s5, s1;
	s30 =	sshll.u32 s9, $0x6  }
0x23: {  	v7 =	vadd.s32 $0x1, v0;
	v8 =	vadd.s32 $0x2, v0;
	v9 =	vadd.s32 $0xE01, v0;
	s24 =	simm.s32 $0xD400;
	[dreg:$0xa] =	wrdreg s1;
	s1 =	sadd.s32 s5, s30  }
0x24: {  	v10 =	vadd.s32 $0xE02, v0;
	v11 =	vadd.s32 $0x1001, v0;
	v12 =	vadd.s32 $0xC01, v0;
	s11 =	simm.s32 $0x0;
	s9 =	simm.s32 $0x2;
	[dreg:$0xc] =	wrdreg s1  }
.LBB2_1:
0x25: {  	[dreg:$0xf] =	wrdreg s11  }
0x26: {  	s1 =	rddreg [dreg:$0x3]  }
0x27: {  	[tilespmem:s3], [sflag:$0x1] =	stream.linear.gather [hbm4b:s1+s3], $0x200, $0x38;
	[tilespmem:$0x16400] =	vst v63  }
0x28: {  	s12 =	rddreg [dreg:$0x4];
	s10 =	simm.s32 $0x200  }
0x29: {  	[tilespmem:s10], [sflag:$0x1] =	stream.linear.gather [hbm4b:s12+s3], $0x200, $0x38;
	[tilespmem:$0x16400] =	vst v63  }
0x2a: {  	s13 =	rddreg [dreg:$0x5];
	s20 =	simm.s32 $0x400  }
0x2b: {  	[tilespmem:s20], [sflag:$0x1] =	stream.linear.gather [hbm4b:s13+s3], $0x200, $0x38;
	[tilespmem:$0x16400] =	vst v63  }
0x2c: {  	s21 =	rddreg [dreg:$0x6];
	s23 =	simm.s32 $0x600  }
0x2d: {  	[tilespmem:s23], [sflag:$0x1] =	stream.linear.gather [hbm4b:s21+s3], $0x200, $0x38;
	[tilespmem:$0x16400] =	vst v63  }
0x2e: {  	s26 =	rddreg [dreg:$0x7]  }
0x2f: {  	[tilespmem:s25], [sflag:$0x1] =	stream.linear.gather [hbm4b:s26+s3], $0x200, $0x38;
	[tilespmem:$0x16400] =	vst v63  }
0x30: {  	s30 =	rddreg [dreg:$0x8];
	s31 =	simm.s32 $0xA00  }
0x31: {  	[tilespmem:s31], [sflag:$0x2] =	stream.linear.gather [hbm4b:s30+s3], $0x200, $0x38;
	[tilespmem:$0x16400] =	vst v63  }
0x32: {  	s11 =	rddreg [dreg:$0x9];
	s12 =	simm.s32 $0xC00  }
0x33: {  	[tilespmem:s12], [sflag:$0x2] =	stream.linear.gather [hbm4b:s11+s3], $0x200, $0x38;
	[tilespmem:$0x16400] =	vst v63  }
0x34: {  	s13 =	rddreg [dreg:$0xa];
	s20 =	simm.s32 $0xE00  }
0x35: {  	[tilespmem:s20], [sflag:$0x2] =	stream.linear.gather [hbm4b:s13+s3], $0x200, $0x38;
	[tilespmem:$0x16400] =	vst v63  }
0x36: {  	s21 =	rddreg [dreg:$0xb];
	s23 =	simm.s32 $0x1000  }
0x37: {  	[tilespmem:s23], [sflag:$0x2] =	stream.linear.gather [hbm4b:s21+s3], $0x200, $0x38;
	[tilespmem:$0x16400] =	vst v63  }
0x38: {  	v13 =	vor.u32 s3, v3;
	s26 =	rddreg [dreg:$0xc];
	s30 =	simm.s32 $0x1200  }
0x39: {  	[tilespmem:s30], [sflag:$0x2] =	stream.linear.gather [hbm4b:s26+s3], $0x200, $0x38;
	[tilespmem:$0x16400] =	vst v63  }
0x3a: {  	_ =	swait.ge [sflag:s0], $0xA00  }
0x3b: {  	v14 =	vor.u32 s3, v4;
	[sflag:s0] =	ssyncset.done $0x0  }
0x3c: {  	v15 =	vor.u32 s3, v5;
	[sflag:s0] =	ssyncadd.s32 $0xFFFFF600  }
0x3d: {  	s11 =	simm.s32 $0x410;
	v13 =	vld.idx.msk [tilespmem:v13+s3+$0x0], $0xffff  }
0x3e: {  	v16 =	vld [tilespmem:s11+$0xFFFFFFF0];
	_ =	sdelay $0x1  }
0x3f: {  	v14 =	vld.idx.msk [tilespmem:v14+s3+$0x0], $0xffff  }
0x40: {  	v15 =	vld.idx.msk [tilespmem:v15+s3+$0x0], $0xffff;
	_ =	sdelay $0x1  }
0x41: {  	v16 =	vshll.u32 v16, $0xE;
	v13 =	vshll.u32 v13, $0x7  }
0x42: {  	v13 =	vadd.s32 v16, v13  }
0x43: {  	v17 =	vadd.s32 v14, v13  }
0x44: {  	s28 =	simm.s32 $0x1800;
	v18 =	vadd.s32 s3, v1;
	v13 =	vadd.s32 v15, v13;
	v17 =	vshra.s32 v17, $0x1  }
0x45: {  	vm0 =	vgt.s32 v18, $0x0;
	s21 =	simm.s32 $0x2800;
	v14 =	vshll.u32 v14, $0x2;
	v13 =	vshra.s32 v13, $0x1;
	[tilespmem:s28+$0xFFFFFC00] =	vst v17  }
0x46: {  	s26 =	simm.s32 $0x3C00;
	v17 =	vnsel vm0, $0x0, v18;
	[tilespmem:s21+$0xFFFFFC00] =	vst v13;
	v13 =	vand.u32 $0x4, v14;
	v14 =	vshll.u32 v15, $0x2  }
0x47: {  	v15 =	vadd.s32 $0x600, v17;
	[tilespmem:s26+$0xFFFFF800] =	vst v13;
	v13 =	vand.u32 $0x4, v14  }
0x48: {  	[tilespmem:s26+$0xFFFFF810] =	vst v13  }
0x49: {  	v13 =	vld [tilespmem:s11+$0x1F0];
	_ =	sdelay $0x1  }
0x4a: {  	v14 =	vld [tilespmem:s11+$0x3F0]  }
0x4b: {  	v15 =	vld.idx.msk [tilespmem:v15+s3+$0x0], $0xffff;
	_ =	sdelay $0x1  }
0x4c: {  	v13 =	vshll.u32 v13, $0x7  }
0x4d: {  	v18 =	vadd.s32 s3, v2;
	v13 =	vadd.s32 v16, v13  }
0x4e: {  	vm11 =	vgt.s32 v18, $0x0;
	v19 =	vadd.s32 v14, v13  }
0x4f: {  	v20 =	vadd.s32 $0x400, v17;
	v13 =	vadd.s32 v15, v13;
	v19 =	vshra.s32 v19, $0x1  }
0x50: {  	v18 =	vnsel vm11, $0x0, v18;
	v14 =	vshll.u32 v14, $0x2;
	v13 =	vshra.s32 v13, $0x1;
	[tilespmem:s28+$0xFFFFFE00] =	vst v19  }
0x51: {  	v18 =	vadd.s32 $0x400, v18;
	[tilespmem:s21+$0xFFFFFE00] =	vst v13;
	v13 =	vand.u32 $0x4, v14;
	v14 =	vshll.u32 v15, $0x2  }
0x52: {  	v15 =	vadd.s32 $0x200, v17;
	[tilespmem:s26+$0xFFFFFC00] =	vst v13;
	v13 =	vand.u32 $0x4, v14  }
0x53: {  	[tilespmem:s26+$0xFFFFFC10] =	vst v13  }
0x54: {  	v13 =	vld.idx.msk [tilespmem:v20+s3+$0x0], $0xffff;
	_ =	sdelay $0x1  }
0x55: {  	v14 =	vld.idx.msk [tilespmem:v18+s3+$0x0], $0xffff  }
0x56: {  	v15 =	vld.idx.msk [tilespmem:v15+s3+$0x0], $0xffff;
	_ =	sdelay $0x1  }
0x57: {  	v13 =	vshll.u32 v13, $0x7  }
0x58: {  	v13 =	vadd.s32 v16, v13  }
0x59: {  	v17 =	vadd.s32 v14, v13  }
0x5a: {  	v13 =	vadd.s32 v15, v13;
	v17 =	vshra.s32 v17, $0x1  }
0x5b: {  	v14 =	vshll.u32 v14, $0x2;
	v13 =	vshra.s32 v13, $0x1;
	[tilespmem:s28+$0x0] =	vst v17  }
0x5c: {  	v15 =	vshll.u32 v15, $0x2;
	[tilespmem:s21+$0x0] =	vst v13;
	v13 =	vand.u32 $0x4, v14  }
0x5d: {  	v14 =	vor.u32 s3, v6;
	[tilespmem:s26+$0x0] =	vst v13;
	v13 =	vand.u32 $0x4, v15  }
0x5e: {  	[tilespmem:s26+$0x10] =	vst v13  }
0x5f: {  	v13 =	vld [tilespmem:s11+$0xFFFFFDF0];
	_ =	sdelay $0x1  }
0x60: {  	v15 =	vld [tilespmem:s11+$0xFFFFFBF0]  }
0x61: {  	s31 =	simm.s32 $0x10;
	v14 =	vld.idx.msk [tilespmem:v14+s3+$0x0], $0xffff  }
0x62: {  	v17 =	vadd.s32 s31, v7  }
0x63: {  	vm12 =	vlt.s32 v17, $0x1FF;
	v13 =	vshll.u32 v13, $0x7  }
0x64: {  	v17 =	vnsel vm12, $0x1FF, v17;
	v13 =	vadd.s32 v16, v13  }
0x65: {  	v19 =	vor.u32 $0x400, v17;
	v18 =	vadd.s32 v15, v13  }
0x66: {  	v16 =	vadd.s32 s31, v8;
	v13 =	vadd.s32 v14, v13;
	v18 =	vshra.s32 v18, $0x1  }
0x67: {  	vm13 =	vlt.s32 v16, $0x1FF;
	v15 =	vshll.u32 v15, $0x2;
	v13 =	vshra.s32 v13, $0x1;
	[tilespmem:s28+$0x200] =	vst v18  }
0x68: {  	v14 =	vshll.u32 v14, $0x2;
	v16 =	vnsel vm13, $0x1FF, v16;
	[tilespmem:s21+$0x200] =	vst v13;
	v13 =	vand.u32 $0x4, v15  }
0x69: {  	v15 =	vor.u32 $0x400, v16;
	[tilespmem:s26+$0x400] =	vst v13;
	v13 =	vand.u32 $0x4, v14  }
0x6a: {  	v14 =	vor.u32 $0x600, v17;
	[tilespmem:s26+$0x410] =	vst v13  }
0x6b: {  	v16 =	vld.idx.msk [tilespmem:v19+s3+$0x0], $0xffff  }
0x6c: {  	v13 =	vld [tilespmem:s11+$0x0];
	_ =	sdelay $0x1  }
0x6d: {  	v15 =	vld.idx.msk [tilespmem:v15+s3+$0x0], $0xffff  }
0x6e: {  	v14 =	vld.idx.msk [tilespmem:v14+s3+$0x0], $0xffff;
	_ =	sdelay $0x1  }
0x6f: {  	v13 =	vshll.u32 v13, $0xE;
	v16 =	vshll.u32 v16, $0x7  }
0x70: {  	v16 =	vadd.s32 v13, v16  }
0x71: {  	v18 =	vadd.s32 v15, v16  }
0x72: {  	v19 =	vadd.s32 s31, v1;
	v16 =	vadd.s32 v14, v16;
	v18 =	vshra.s32 v18, $0x1  }
0x73: {  	vm14 =	vgt.s32 v19, $0x0;
	v15 =	vshll.u32 v15, $0x2;
	[tilespmem:s28+$0xFFFFFC10] =	vst v18;
	v16 =	vshra.s32 v16, $0x1  }
0x74: {  	v14 =	vshll.u32 v14, $0x2;
	v15 =	vand.u32 $0x4, v15;
	v18 =	vnsel vm14, $0x0, v19;
	[tilespmem:s21+$0xFFFFFC10] =	vst v16  }
0x75: {  	v14 =	vand.u32 $0x4, v14;
	v16 =	vadd.s32 $0x600, v18;
	[tilespmem:s26+$0xFFFFF820] =	vst v15  }
0x76: {  	[tilespmem:s26+$0xFFFFF830] =	vst v14  }
0x77: {  	v14 =	vld [tilespmem:s11+$0x200];
	_ =	sdelay $0x1  }
0x78: {  	v15 =	vld [tilespmem:s11+$0x400]  }
0x79: {  	v16 =	vld.idx.msk [tilespmem:v16+s3+$0x0], $0xffff;
	_ =	sdelay $0x1  }
0x7a: {  	v14 =	vshll.u32 v14, $0x7  }
0x7b: {  	v19 =	vadd.s32 s31, v2;
	v14 =	vadd.s32 v13, v14  }
0x7c: {  	vm15 =	vgt.s32 v19, $0x0;
	v63 =	vadd.s32 v15, v14  }
0x7d: {  	v21 =	vadd.s32 $0x400, v18;
	v14 =	vadd.s32 v16, v14;
	v20 =	vshra.s32 v63, $0x1  }
0x7e: {  	v19 =	vnsel vm15, $0x0, v19;
	v15 =	vshll.u32 v15, $0x2;
	[tilespmem:s28+$0xFFFFFE10] =	vst v20;
	v14 =	vshra.s32 v14, $0x1  }
0x7f: {  	v16 =	vshll.u32 v16, $0x2;
	[tilespmem:s21+$0xFFFFFE10] =	vst v14;
	v14 =	vand.u32 $0x4, v15;
	v15 =	vadd.s32 $0x400, v19  }
0x80: {  	v18 =	vadd.s32 $0x200, v18;
	[tilespmem:s26+$0xFFFFFC20] =	vst v14;
	v14 =	vand.u32 $0x4, v16  }
0x81: {  	[tilespmem:s26+$0xFFFFFC30] =	vst v14  }
0x82: {  	v14 =	vld.idx.msk [tilespmem:v21+s3+$0x0], $0xffff;
	_ =	sdelay $0x1  }
0x83: {  	v15 =	vld.idx.msk [tilespmem:v15+s3+$0x0], $0xffff  }
0x84: {  	v16 =	vld.idx.msk [tilespmem:v18+s3+$0x0], $0xffff;
	_ =	sdelay $0x1  }
0x85: {  	v14 =	vshll.u32 v14, $0x7  }
0x86: {  	v14 =	vadd.s32 v13, v14  }
0x87: {  	v18 =	vadd.s32 v15, v14  }
0x88: {  	v14 =	vadd.s32 v16, v14;
	v18 =	vshra.s32 v18, $0x1  }
0x89: {  	v17 =	vor.u32 $0x200, v17;
	v15 =	vshll.u32 v15, $0x2;
	v14 =	vshra.s32 v14, $0x1;
	[tilespmem:s28+$0x10] =	vst v18  }
0x8a: {  	v16 =	vshll.u32 v16, $0x2;
	[tilespmem:s21+$0x10] =	vst v14;
	v14 =	vand.u32 $0x4, v15  }
0x8b: {  	[tilespmem:s26+$0x20] =	vst v14;
	v14 =	vand.u32 $0x4, v16  }
0x8c: {  	[tilespmem:s26+$0x30] =	vst v14  }
0x8d: {  	v16 =	vld [tilespmem:s11+$0xFFFFFE00]  }
0x8e: {  	s29 =	simm.s32 $0x2820;
	s1 =	simm.s32 $0x0;
	v14 =	vld.idx.msk [tilespmem:v17+s3+$0x0], $0xffff  }
0x8f: {  	s10 =	simm.s32 $0x0;
	s20 =	simm.s32 $0x3C40;
	s23 =	simm.s32 $0x1820;
	v15 =	vld [tilespmem:s11+$0xFFFFFC00]  }
.LBB2_2:
0x90: {  	s1 =	sadd.s32 $0x2, s1;
	s10 =	sadd.s32 $0x20, s10;
	s11 =	sadd.s32 $0x20, s11  }
0x91: {  	p0 =	slt.u32 s1, $0x1E  }
0x92: {  	v16 =	vshll.u32 v16, $0x7  }
0x93: {  	v13 =	vadd.s32 v13, v16  }
0x94: {  	v16 =	vor.u32 s10, v3;
	v17 =	vadd.s32 v15, v13;
	v13 =	vadd.s32 v14, v13  }
0x95: {  	v18 =	vor.u32 s10, v5;
	v14 =	vshll.u32 v14, $0x2;
	v17 =	vshra.s32 v17, $0x1  }
0x96: {  	v15 =	vshll.u32 v15, $0x2;
	v13 =	vshra.s32 v13, $0x1;
	[tilespmem:s28+$0x210] =	vst v17;
	s28 =	smov.u32 s23  }
0x97: {  	v17 =	vor.u32 s10, v4;
	[tilespmem:s21+$0x210] =	vst v13;
	v13 =	vand.u32 $0x4, v15;
	s21 =	smov.u32 s29  }
0x98: {  	[tilespmem:s26+$0x420] =	vst v13;
	v13 =	vand.u32 $0x4, v14  }
0x99: {  	[tilespmem:s26+$0x430] =	vst v13;
	s26 =	smov.u32 s20  }
0x9a: {  	v13 =	vld.idx.msk [tilespmem:v16+s3+$0x0], $0xffff  }
0x9b: {  	v14 =	vld [tilespmem:s11+$0xFFFFFFF0]  }
0x9c: {  	v15 =	vld.idx.msk [tilespmem:v17+s3+$0x0], $0xffff  }
0x9d: {  	v16 =	vld.idx.msk [tilespmem:v18+s3+$0x0], $0xffff;
	_ =	sdelay $0x2  }
0x9e: {  	v13 =	vshll.u32 v13, $0x7;
	v14 =	vshll.u32 v14, $0xE  }
0x9f: {  	v17 =	vadd.s32 s10, v1;
	v13 =	vadd.s32 v14, v13  }
0xa0: {  	vm0 =	vgt.s32 v17, $0x0;
	v18 =	vadd.s32 v15, v13;
	v15 =	vshll.u32 v15, $0x2  }
0xa1: {  	v17 =	vnsel vm0, $0x0, v17;
	v13 =	vadd.s32 v16, v13;
	v18 =	vshra.s32 v18, $0x1  }
0xa2: {  	v13 =	vshra.s32 v13, $0x1;
	[tilespmem:s23+$0xFFFFFC00] =	vst v18;
	v18 =	vadd.s32 $0x600, v17  }
0xa3: {  	[tilespmem:s29+$0xFFFFFC00] =	vst v13;
	v13 =	vand.u32 $0x4, v15;
	v15 =	vshll.u32 v16, $0x2  }
0xa4: {  	[tilespmem:s20+$0xFFFFF800] =	vst v13;
	v13 =	vand.u32 $0x4, v15  }
0xa5: {  	[tilespmem:s20+$0xFFFFF810] =	vst v13  }
0xa6: {  	v13 =	vld [tilespmem:s11+$0x1F0]  }
0xa7: {  	v15 =	vld.idx.msk [tilespmem:v18+s3+$0x0], $0xffff  }
0xa8: {  	v16 =	vld [tilespmem:s11+$0x3F0];
	_ =	sdelay $0x2  }
0xa9: {  	v13 =	vshll.u32 v13, $0x7  }
0xaa: {  	v18 =	vadd.s32 s10, v2;
	v13 =	vadd.s32 v14, v13  }
0xab: {  	vm0 =	vgt.s32 v18, $0x0;
	v19 =	vadd.s32 v16, v13;
	v13 =	vadd.s32 v15, v13  }
0xac: {  	v20 =	vadd.s32 $0x400, v17;
	v18 =	vnsel vm0, $0x0, v18;
	v19 =	vshra.s32 v19, $0x1  }
0xad: {  	v18 =	vadd.s32 $0x400, v18;
	v16 =	vshll.u32 v16, $0x2;
	v13 =	vshra.s32 v13, $0x1;
	[tilespmem:s23+$0xFFFFFE00] =	vst v19  }
0xae: {  	v15 =	vshll.u32 v15, $0x2;
	[tilespmem:s29+$0xFFFFFE00] =	vst v13;
	v13 =	vand.u32 $0x4, v16;
	v16 =	vadd.s32 $0x200, v17  }
0xaf: {  	[tilespmem:s20+$0xFFFFFC00] =	vst v13;
	v13 =	vand.u32 $0x4, v15  }
0xb0: {  	[tilespmem:s20+$0xFFFFFC10] =	vst v13  }
0xb1: {  	v13 =	vld.idx.msk [tilespmem:v20+s3+$0x0], $0xffff  }
0xb2: {  	v15 =	vld.idx.msk [tilespmem:v18+s3+$0x0], $0xffff  }
0xb3: {  	v16 =	vld.idx.msk [tilespmem:v16+s3+$0x0], $0xffff;
	_ =	sdelay $0x3  }
0xb4: {  	v13 =	vshll.u32 v13, $0x7  }
0xb5: {  	v13 =	vadd.s32 v14, v13  }
0xb6: {  	v17 =	vadd.s32 v15, v13;
	v18 =	vshll.u32 v16, $0x2  }
0xb7: {  	v13 =	vadd.s32 v16, v13;
	v16 =	vshra.s32 v17, $0x1  }
0xb8: {  	v15 =	vshll.u32 v15, $0x2;
	v13 =	vshra.s32 v13, $0x1;
	[tilespmem:s23+$0x0] =	vst v16;
	v16 =	vor.u32 s10, v6  }
0xb9: {  	[tilespmem:s29+$0x0] =	vst v13;
	v13 =	vand.u32 $0x4, v15  }
0xba: {  	[tilespmem:s20+$0x0] =	vst v13;
	v13 =	vand.u32 $0x4, v18  }
0xbb: {  	[tilespmem:s20+$0x10] =	vst v13  }
0xbc: {  	v13 =	vld [tilespmem:s11+$0xFFFFFDF0]  }
0xbd: {  	v15 =	vld.idx.msk [tilespmem:v16+s3+$0x0], $0xffff  }
0xbe: {  	v16 =	vld [tilespmem:s11+$0xFFFFFBF0];
	_ =	sdelay $0x1  }
0xbf: {  	s12 =	sadd.s32 $0x10, s10  }
0xc0: {  	v17 =	vadd.s32 s12, v7;
	v18 =	vadd.s32 s12, v8;
	v13 =	vshll.u32 v13, $0x7  }
0xc1: {  	vm0 =	vlt.s32 v17, $0x1FF;
	vm1 =	vlt.s32 v18, $0x1FF;
	v13 =	vadd.s32 v14, v13  }
0xc2: {  	v17 =	vnsel vm0, $0x1FF, v17;
	v19 =	vshll.u32 v15, $0x2;
	v14 =	vadd.s32 v16, v13  }
0xc3: {  	v13 =	vadd.s32 v15, v13;
	v15 =	vor.u32 $0x400, v17;
	v14 =	vshra.s32 v14, $0x1  }
0xc4: {  	v13 =	vshra.s32 v13, $0x1;
	[tilespmem:s23+$0x200] =	vst v14;
	v14 =	vshll.u32 v16, $0x2;
	v16 =	vnsel vm1, $0x1FF, v18  }
0xc5: {  	[tilespmem:s29+$0x200] =	vst v13;
	v13 =	vand.u32 $0x4, v14;
	v14 =	vadd.s32 s12, v1;
	v16 =	vor.u32 $0x400, v16  }
0xc6: {  	v18 =	vor.u32 $0x600, v17;
	[tilespmem:s20+$0x400] =	vst v13;
	v13 =	vand.u32 $0x4, v19;
	vm0 =	vgt.s32 v14, $0x0  }
0xc7: {  	[tilespmem:s20+$0x410] =	vst v13;
	v14 =	vnsel vm0, $0x0, v14;
	v13 =	vadd.s32 s12, v2  }
0xc8: {  	vm0 =	vgt.s32 v13, $0x0;
	v15 =	vld.idx.msk [tilespmem:v15+s3+$0x0], $0xffff  }
0xc9: {  	v19 =	vnsel vm0, $0x0, v13;
	v13 =	vld [tilespmem:s11+$0x0]  }
0xca: {  	v16 =	vld.idx.msk [tilespmem:v16+s3+$0x0], $0xffff  }
0xcb: {  	v18 =	vld.idx.msk [tilespmem:v18+s3+$0x0], $0xffff;
	_ =	sdelay $0x2  }
0xcc: {  	v15 =	vshll.u32 v15, $0x7;
	v13 =	vshll.u32 v13, $0xE  }
0xcd: {  	v15 =	vadd.s32 v13, v15  }
0xce: {  	v20 =	vadd.s32 v16, v15;
	v16 =	vshll.u32 v16, $0x2  }
0xcf: {  	v15 =	vadd.s32 v18, v15;
	v18 =	vshll.u32 v18, $0x2;
	v20 =	vshra.s32 v20, $0x1  }
0xd0: {  	v15 =	vshra.s32 v15, $0x1;
	[tilespmem:s23+$0xFFFFFC10] =	vst v20  }
0xd1: {  	[tilespmem:s29+$0xFFFFFC10] =	vst v15;
	v15 =	vand.u32 $0x4, v16;
	v16 =	vadd.s32 $0x600, v14  }
0xd2: {  	[tilespmem:s20+$0xFFFFF820] =	vst v15;
	v15 =	vand.u32 $0x4, v18  }
0xd3: {  	[tilespmem:s20+$0xFFFFF830] =	vst v15  }
0xd4: {  	v15 =	vld [tilespmem:s11+$0x200]  }
0xd5: {  	v18 =	vld [tilespmem:s11+$0x400]  }
0xd6: {  	v16 =	vld.idx.msk [tilespmem:v16+s3+$0x0], $0xffff;
	_ =	sdelay $0x2  }
0xd7: {  	v15 =	vshll.u32 v15, $0x7  }
0xd8: {  	v15 =	vadd.s32 v13, v15;
	v20 =	vshll.u32 v18, $0x2  }
0xd9: {  	v21 =	vadd.s32 $0x400, v14;
	v18 =	vadd.s32 v18, v15  }
0xda: {  	v15 =	vadd.s32 v16, v15;
	v16 =	vshll.u32 v16, $0x2;
	v18 =	vshra.s32 v18, $0x1  }
0xdb: {  	v14 =	vadd.s32 $0x200, v14;
	v15 =	vshra.s32 v15, $0x1;
	[tilespmem:s23+$0xFFFFFE10] =	vst v18  }
0xdc: {  	v18 =	vadd.s32 $0x400, v19;
	[tilespmem:s29+$0xFFFFFE10] =	vst v15;
	v15 =	vand.u32 $0x4, v20  }
0xdd: {  	[tilespmem:s20+$0xFFFFFC20] =	vst v15;
	v15 =	vand.u32 $0x4, v16  }
0xde: {  	[tilespmem:s20+$0xFFFFFC30] =	vst v15  }
0xdf: {  	v15 =	vld.idx.msk [tilespmem:v21+s3+$0x0], $0xffff  }
0xe0: {  	v14 =	vld.idx.msk [tilespmem:v14+s3+$0x0], $0xffff  }
0xe1: {  	v16 =	vld.idx.msk [tilespmem:v18+s3+$0x0], $0xffff;
	_ =	sdelay $0x3  }
0xe2: {  	v15 =	vshll.u32 v15, $0x7  }
0xe3: {  	v15 =	vadd.s32 v13, v15;
	v18 =	vshll.u32 v14, $0x2  }
0xe4: {  	v19 =	vadd.s32 v16, v15;
	v14 =	vadd.s32 v14, v15;
	v15 =	vshll.u32 v16, $0x2  }
0xe5: {  	v16 =	vshra.s32 v19, $0x1  }
0xe6: {  	v17 =	vor.u32 $0x200, v17;
	v14 =	vshra.s32 v14, $0x1;
	[tilespmem:s23+$0x10] =	vst v16  }
0xe7: {  	[tilespmem:s29+$0x10] =	vst v14;
	v14 =	vand.u32 $0x4, v15  }
.Ltmp0:
0xe8: {  	[tilespmem:s20+$0x20] =	vst v14;
	v14 =	vand.u32 $0x4, v18;
	(pc) =	sbr.rel @p0 .LBB2_2-.Ltmp0, $4  }
0xe9: {  	[tilespmem:s20+$0x30] =	vst v14  }
0xea: {  	v16 =	vld [tilespmem:s11+$0xFFFFFE00]  }
0xeb: {  	v14 =	vld.idx.msk [tilespmem:v17+s3+$0x0], $0xffff  }
0xec: {  	s23 =	sadd.s32 $0x20, s23;
	s29 =	sadd.s32 $0x20, s29;
	s20 =	sadd.s32 $0x40, s20;
	v15 =	vld [tilespmem:s11+$0xFFFFFC00]  }
0xed: {  	_ =	sdelay $0x1  }
0xee: {  	v16 =	vshll.u32 v16, $0x7  }
0xef: {  	v13 =	vadd.s32 v13, v16  }
0xf0: {  	v16 =	vadd.s32 v15, v13  }
0xf1: {  	v13 =	vadd.s32 v14, v13;
	v16 =	vshra.s32 v16, $0x1  }
0xf2: {  	v15 =	vshll.u32 v15, $0x2;
	v13 =	vshra.s32 v13, $0x1;
	[tilespmem:s28+$0x210] =	vst v16  }
0xf3: {  	v14 =	vshll.u32 v14, $0x2;
	[tilespmem:s21+$0x210] =	vst v13;
	v13 =	vand.u32 $0x4, v15  }
0xf4: {  	[tilespmem:s26+$0x420] =	vst v13;
	v13 =	vand.u32 $0x4, v14  }
0xf5: {  	s1 =	simm.s32 $0x1400;
	[tilespmem:s26+$0x430] =	vst v13  }
0xf6: {  	[tilespmem:s22], [sflag:$0x3] =	stream.indirect.gather [hbm4b:s2+s25], $0x8, s1, s25, $0xb8;
	[tilespmem:$0x16400] =	vst v63  }
0xf7: {  	s31 =	simm.s32 $0x2400;
	s11 =	simm.s32 $0x0;
	s21 =	simm.s32 $0x0  }
0xf8: {  	[tilespmem:s24], [sflag:$0x3] =	stream.indirect.gather [hbm4b:s6+s25], $0x8, s31, s25, $0xb8;
	[tilespmem:$0x16400] =	vst v63  }
.LBB2_4:
0xf9: {  	s26 =	sshll.u32 s21, $0x1;
	p1 =	seq.s32 s21, $0x5F  }
0xfa: {  	s1 =	sadd.s32 @!p1 s26, s19  }
0xfb: {  	s10 =	sand.u32 @!p1 $0x1FE, s1  }
0xfc: {  	s12 =	smax.u32 @!p1 s10, $0x2  }
0xfd: {  	s20 =	sand.u32 @!p1 $0x3E00, s1;
	s12 =	sadd.s32 @!p1 $0x7FFFFE, s12  }
0xfe: {  	s12 =	sor.u32 @!p1 s20, s12  }
0xff: {  	s12 =	sshll.u32 @!p1 s12, $0x6  }
0x100: {  	s12 =	sand.u32 @!p1 $0x1FFFFF80, s12  }
0x101: {  	s23 =	simm.s32 @!p1 $0x0;
	s12 =	sadd.s32 @!p1 s5, s12  }
0x102: {  	[tilespmem:s23], [sflag:$0x1] =	stream.linear.gather @!p1 [hbm4b:s12+s23], $0x200, $0x38;
	[tilespmem:$0x16400] =	vst v63  }
0x103: {  	s12 =	smax.u32 @!p1 s10, $0x1  }
0x104: {  	s12 =	sadd.s32 @!p1 $0xFFFFFFFF, s12  }
0x105: {  	s12 =	sor.u32 @!p1 s20, s12  }
0x106: {  	s12 =	sshll.u32 @!p1 s12, $0x6  }
0x107: {  	s12 =	sand.u32 @!p1 $0x1FFFFFC0, s12  }
0x108: {  	s28 =	simm.s32 @!p1 $0x200;
	s1 =	sshll.u32 @!p1 s1, $0x6;
	s12 =	sadd.s32 @!p1 s5, s12  }
0x109: {  	[tilespmem:s28], [sflag:$0x1] =	stream.linear.gather @!p1 [hbm4b:s12+s23], $0x200, $0x38;
	[tilespmem:$0x16400] =	vst v63  }
0x10a: {  	s12 =	sand.u32 @!p1 $0x1FFFFF80, s1;
	s1 =	sand.u32 @!p1 $0xFFF80, s1  }
0x10b: {  	s28 =	simm.s32 @!p1 $0x400;
	s12 =	sadd.s32 @!p1 s5, s12;
	s1 =	sadd.s32 @!p1 s1, s5  }
0x10c: {  	[tilespmem:s28], [sflag:$0x1] =	stream.linear.gather @!p1 [hbm4b:s12+s23], $0x200, $0x38;
	[tilespmem:$0x16400] =	vst v63  }
0x10d: {  	s1 =	sadd.s32 @!p1 $0x40, s1;
	s12 =	simm.s32 @!p1 $0x600  }
0x10e: {  	[tilespmem:s12], [sflag:$0x1] =	stream.linear.gather @!p1 [hbm4b:s1+s23], $0x200, $0x38;
	[tilespmem:$0x16400] =	vst v63  }
0x10f: {  	s1 =	smin.u32 @!p1 s10, $0x1FD  }
0x110: {  	s1 =	sor.u32 @!p1 s20, s1  }
0x111: {  	s1 =	sshll.u32 @!p1 s1, $0x6  }
0x112: {  	s1 =	sadd.s32 @!p1 s5, s1  }
0x113: {  	v13 =	vor.u32 s11, v9;
	s10 =	simm.s32 @!p1 $0x800;
	s1 =	sadd.s32 @!p1 $0x80, s1  }
0x114: {  	[tilespmem:s10], [sflag:$0x1] =	stream.linear.gather @!p1 [hbm4b:s1+s23], $0x200, $0x38;
	[tilespmem:$0x16400] =	vst v63  }
0x115: {  	_ =	swait.ge [sflag:s9], $0xA00  }
0x116: {  	v14 =	vor.u32 s11, v10;
	[sflag:s9] =	ssyncset.done $0x0  }
0x117: {  	v15 =	vor.u32 s11, v11;
	[sflag:s9] =	ssyncadd.s32 $0xFFFFF600  }
0x118: {  	s28 =	simm.s32 $0x1210;
	v13 =	vld.idx.msk [tilespmem:v13+s3+$0x0], $0xffff  }
0x119: {  	v16 =	vld [tilespmem:s28+$0xFFFFFBF0];
	_ =	sdelay $0x1  }
0x11a: {  	v14 =	vld.idx.msk [tilespmem:v14+s3+$0x0], $0xffff  }
0x11b: {  	v15 =	vld.idx.msk [tilespmem:v15+s3+$0x0], $0xffff;
	_ =	sdelay $0x1  }
0x11c: {  	v16 =	vshll.u32 v16, $0xE;
	v13 =	vshll.u32 v13, $0x7  }
0x11d: {  	v13 =	vadd.s32 v16, v13  }
0x11e: {  	v17 =	vadd.s32 v14, v13  }
0x11f: {  	s31 =	simm.s32 $0x2000;
	v18 =	vadd.s32 s11, v1;
	v13 =	vadd.s32 v15, v13;
	v17 =	vshra.s32 v17, $0x1  }
0x120: {  	s29 =	simm.s32 $0x3000;
	vm0 =	vgt.s32 v18, $0x0;
	v14 =	vshll.u32 v14, $0x2;
	v13 =	vshra.s32 v13, $0x1;
	[tilespmem:s31+$0xFFFFFC00] =	vst v17  }
0x121: {  	s30 =	simm.s32 $0x5030;
	v17 =	vnsel vm0, $0x0, v18;
	[tilespmem:s29+$0xFFFFFC00] =	vst v13;
	v13 =	vand.u32 $0x4, v14;
	v14 =	vshll.u32 v15, $0x2  }
0x122: {  	v15 =	vadd.s32 $0x1000, v17;
	[tilespmem:s30+$0xFFFFF3D0] =	vst v13;
	v13 =	vand.u32 $0x4, v14  }
0x123: {  	[tilespmem:s30+$0xFFFFF3E0] =	vst v13  }
0x124: {  	v13 =	vld [tilespmem:s28+$0xFFFFFDF0];
	_ =	sdelay $0x1  }
0x125: {  	v14 =	vld [tilespmem:s28+$0xFFFFFFF0]  }
0x126: {  	v15 =	vld.idx.msk [tilespmem:v15+s3+$0x0], $0xffff;
	_ =	sdelay $0x1  }
0x127: {  	v13 =	vshll.u32 v13, $0x7  }
0x128: {  	v18 =	vadd.s32 s11, v2;
	v13 =	vadd.s32 v16, v13  }
0x129: {  	vm11 =	vgt.s32 v18, $0x0;
	v19 =	vadd.s32 v14, v13  }
0x12a: {  	v20 =	vadd.s32 $0xE00, v17;
	v13 =	vadd.s32 v15, v13;
	v19 =	vshra.s32 v19, $0x1  }
0x12b: {  	v18 =	vnsel vm11, $0x0, v18;
	v14 =	vshll.u32 v14, $0x2;
	v13 =	vshra.s32 v13, $0x1;
	[tilespmem:s31+$0xFFFFFE00] =	vst v19  }
0x12c: {  	v18 =	vadd.s32 $0xE00, v18;
	[tilespmem:s29+$0xFFFFFE00] =	vst v13;
	v13 =	vand.u32 $0x4, v14;
	v14 =	vshll.u32 v15, $0x2  }
0x12d: {  	v15 =	vadd.s32 $0xC00, v17;
	[tilespmem:s30+$0xFFFFF7D0] =	vst v13;
	v13 =	vand.u32 $0x4, v14  }
0x12e: {  	[tilespmem:s30+$0xFFFFF7E0] =	vst v13  }
0x12f: {  	v13 =	vld.idx.msk [tilespmem:v20+s3+$0x0], $0xffff;
	_ =	sdelay $0x1  }
0x130: {  	v14 =	vld.idx.msk [tilespmem:v18+s3+$0x0], $0xffff  }
0x131: {  	v15 =	vld.idx.msk [tilespmem:v15+s3+$0x0], $0xffff;
	_ =	sdelay $0x1  }
0x132: {  	v13 =	vshll.u32 v13, $0x7  }
0x133: {  	v13 =	vadd.s32 v16, v13  }
0x134: {  	v17 =	vadd.s32 v14, v13  }
0x135: {  	v13 =	vadd.s32 v15, v13;
	v17 =	vshra.s32 v17, $0x1  }
0x136: {  	v14 =	vshll.u32 v14, $0x2;
	v13 =	vshra.s32 v13, $0x1;
	[tilespmem:s31+$0x0] =	vst v17  }
0x137: {  	v15 =	vshll.u32 v15, $0x2;
	[tilespmem:s29+$0x0] =	vst v13;
	v13 =	vand.u32 $0x4, v14  }
0x138: {  	v14 =	vor.u32 s11, v12;
	[tilespmem:s30+$0xFFFFFBD0] =	vst v13;
	v13 =	vand.u32 $0x4, v15  }
0x139: {  	[tilespmem:s30+$0xFFFFFBE0] =	vst v13  }
0x13a: {  	v13 =	vld [tilespmem:s28+$0xFFFFF9F0];
	_ =	sdelay $0x1  }
0x13b: {  	v15 =	vld [tilespmem:s28+$0xFFFFF7F0]  }
0x13c: {  	s23 =	simm.s32 $0x10;
	v14 =	vld.idx.msk [tilespmem:v14+s3+$0x0], $0xffff  }
0x13d: {  	v17 =	vadd.s32 s23, v7  }
0x13e: {  	vm12 =	vlt.s32 v17, $0x1FF;
	v13 =	vshll.u32 v13, $0x7  }
0x13f: {  	v17 =	vnsel vm12, $0x1FF, v17;
	v13 =	vadd.s32 v16, v13  }
0x140: {  	v19 =	vor.u32 $0xE00, v17;
	v18 =	vadd.s32 v15, v13  }
0x141: {  	v16 =	vadd.s32 s23, v8;
	v13 =	vadd.s32 v14, v13;
	v18 =	vshra.s32 v18, $0x1  }
0x142: {  	vm13 =	vlt.s32 v16, $0x1FF;
	v15 =	vshll.u32 v15, $0x2;
	v13 =	vshra.s32 v13, $0x1;
	[tilespmem:s31+$0x200] =	vst v18  }
0x143: {  	v14 =	vshll.u32 v14, $0x2;
	v16 =	vnsel vm13, $0x1FF, v16;
	[tilespmem:s29+$0x200] =	vst v13;
	v13 =	vand.u32 $0x4, v15  }
0x144: {  	v15 =	vor.u32 $0xE00, v16;
	[tilespmem:s30+$0xFFFFFFD0] =	vst v13;
	v13 =	vand.u32 $0x4, v14  }
0x145: {  	v14 =	vor.u32 $0x1000, v17;
	[tilespmem:s30+$0xFFFFFFE0] =	vst v13  }
0x146: {  	v16 =	vld.idx.msk [tilespmem:v19+s3+$0x0], $0xffff  }
0x147: {  	v13 =	vld [tilespmem:s28+$0xFFFFFC00];
	_ =	sdelay $0x1  }
0x148: {  	v15 =	vld.idx.msk [tilespmem:v15+s3+$0x0], $0xffff  }
0x149: {  	v14 =	vld.idx.msk [tilespmem:v14+s3+$0x0], $0xffff;
	_ =	sdelay $0x1  }
0x14a: {  	v13 =	vshll.u32 v13, $0xE;
	v16 =	vshll.u32 v16, $0x7  }
0x14b: {  	v16 =	vadd.s32 v13, v16  }
0x14c: {  	v18 =	vadd.s32 v15, v16  }
0x14d: {  	v19 =	vadd.s32 s23, v1;
	v16 =	vadd.s32 v14, v16;
	v18 =	vshra.s32 v18, $0x1  }
0x14e: {  	vm14 =	vgt.s32 v19, $0x0;
	v15 =	vshll.u32 v15, $0x2;
	[tilespmem:s31+$0xFFFFFC10] =	vst v18;
	v16 =	vshra.s32 v16, $0x1  }
0x14f: {  	v14 =	vshll.u32 v14, $0x2;
	v15 =	vand.u32 $0x4, v15;
	v18 =	vnsel vm14, $0x0, v19;
	[tilespmem:s29+$0xFFFFFC10] =	vst v16  }
0x150: {  	v14 =	vand.u32 $0x4, v14;
	v16 =	vadd.s32 $0x1000, v18;
	[tilespmem:s30+$0xFFFFF3F0] =	vst v15  }
0x151: {  	[tilespmem:s30+$0xFFFFF400] =	vst v14  }
0x152: {  	v14 =	vld [tilespmem:s28+$0xFFFFFE00];
	_ =	sdelay $0x1  }
0x153: {  	v15 =	vld [tilespmem:s28+$0x0]  }
0x154: {  	v16 =	vld.idx.msk [tilespmem:v16+s3+$0x0], $0xffff;
	_ =	sdelay $0x1  }
0x155: {  	v14 =	vshll.u32 v14, $0x7  }
0x156: {  	v19 =	vadd.s32 s23, v2;
	v14 =	vadd.s32 v13, v14  }
0x157: {  	vm15 =	vgt.s32 v19, $0x0;
	v63 =	vadd.s32 v15, v14  }
0x158: {  	v21 =	vadd.s32 $0xE00, v18;
	v14 =	vadd.s32 v16, v14;
	v20 =	vshra.s32 v63, $0x1  }
0x159: {  	v19 =	vnsel vm15, $0x0, v19;
	v15 =	vshll.u32 v15, $0x2;
	[tilespmem:s31+$0xFFFFFE10] =	vst v20;
	v14 =	vshra.s32 v14, $0x1  }
0x15a: {  	v16 =	vshll.u32 v16, $0x2;
	[tilespmem:s29+$0xFFFFFE10] =	vst v14;
	v14 =	vand.u32 $0x4, v15;
	v15 =	vadd.s32 $0xE00, v19  }
0x15b: {  	v18 =	vadd.s32 $0xC00, v18;
	[tilespmem:s30+$0xFFFFF7F0] =	vst v14;
	v14 =	vand.u32 $0x4, v16  }
0x15c: {  	[tilespmem:s30+$0xFFFFF800] =	vst v14  }
0x15d: {  	v14 =	vld.idx.msk [tilespmem:v21+s3+$0x0], $0xffff;
	_ =	sdelay $0x1  }
0x15e: {  	v15 =	vld.idx.msk [tilespmem:v15+s3+$0x0], $0xffff  }
0x15f: {  	v16 =	vld.idx.msk [tilespmem:v18+s3+$0x0], $0xffff;
	_ =	sdelay $0x1  }
0x160: {  	v14 =	vshll.u32 v14, $0x7  }
0x161: {  	v14 =	vadd.s32 v13, v14  }
0x162: {  	v18 =	vadd.s32 v15, v14  }
0x163: {  	v14 =	vadd.s32 v16, v14;
	v18 =	vshra.s32 v18, $0x1  }
0x164: {  	v17 =	vor.u32 $0xC00, v17;
	v15 =	vshll.u32 v15, $0x2;
	v14 =	vshra.s32 v14, $0x1;
	[tilespmem:s31+$0x10] =	vst v18  }
0x165: {  	v16 =	vshll.u32 v16, $0x2;
	[tilespmem:s29+$0x10] =	vst v14;
	v14 =	vand.u32 $0x4, v15  }
0x166: {  	[tilespmem:s30+$0xFFFFFBF0] =	vst v14;
	v14 =	vand.u32 $0x4, v16  }
0x167: {  	[tilespmem:s30+$0xFFFFFC00] =	vst v14  }
0x168: {  	v16 =	vld [tilespmem:s28+$0xFFFFFA00]  }
0x169: {  	s12 =	simm.s32 $0x0;
	s20 =	simm.s32 $0x3020;
	v14 =	vld.idx.msk [tilespmem:v17+s3+$0x0], $0xffff  }
0x16a: {  	s1 =	simm.s32 $0x0;
	s10 =	simm.s32 $0x2020;
	s23 =	simm.s32 $0x5070;
	v15 =	vld [tilespmem:s28+$0xFFFFF800]  }
.LBB2_5:
0x16b: {  	s1 =	sadd.s32 $0x2, s1;
	s12 =	sadd.s32 $0x20, s12;
	s28 =	sadd.s32 $0x20, s28  }
0x16c: {  	p0 =	slt.u32 s1, $0x1E  }
0x16d: {  	v16 =	vshll.u32 v16, $0x7  }
0x16e: {  	v13 =	vadd.s32 v13, v16  }
0x16f: {  	v16 =	vor.u32 s12, v9;
	v17 =	vadd.s32 v15, v13;
	v13 =	vadd.s32 v14, v13  }
0x170: {  	v18 =	vor.u32 s12, v11;
	v14 =	vshll.u32 v14, $0x2;
	v17 =	vshra.s32 v17, $0x1  }
0x171: {  	v15 =	vshll.u32 v15, $0x2;
	v13 =	vshra.s32 v13, $0x1;
	[tilespmem:s31+$0x210] =	vst v17;
	s31 =	smov.u32 s10  }
0x172: {  	v17 =	vor.u32 s12, v10;
	[tilespmem:s29+$0x210] =	vst v13;
	v13 =	vand.u32 $0x4, v15;
	s29 =	smov.u32 s20  }
0x173: {  	[tilespmem:s30+$0xFFFFFFF0] =	vst v13;
	v13 =	vand.u32 $0x4, v14  }
0x174: {  	[tilespmem:s30+$0x0] =	vst v13;
	s30 =	smov.u32 s23  }
0x175: {  	v13 =	vld.idx.msk [tilespmem:v16+s3+$0x0], $0xffff  }
0x176: {  	v14 =	vld [tilespmem:s28+$0xFFFFFBF0]  }
0x177: {  	v15 =	vld.idx.msk [tilespmem:v17+s3+$0x0], $0xffff  }
0x178: {  	v16 =	vld.idx.msk [tilespmem:v18+s3+$0x0], $0xffff;
	_ =	sdelay $0x2  }
0x179: {  	v13 =	vshll.u32 v13, $0x7;
	v14 =	vshll.u32 v14, $0xE  }
0x17a: {  	v17 =	vadd.s32 s12, v1;
	v13 =	vadd.s32 v14, v13  }
0x17b: {  	vm0 =	vgt.s32 v17, $0x0;
	v18 =	vadd.s32 v15, v13;
	v15 =	vshll.u32 v15, $0x2  }
0x17c: {  	v17 =	vnsel vm0, $0x0, v17;
	v13 =	vadd.s32 v16, v13;
	v18 =	vshra.s32 v18, $0x1  }
0x17d: {  	v13 =	vshra.s32 v13, $0x1;
	[tilespmem:s10+$0xFFFFFC00] =	vst v18;
	v18 =	vadd.s32 $0x1000, v17  }
0x17e: {  	[tilespmem:s20+$0xFFFFFC00] =	vst v13;
	v13 =	vand.u32 $0x4, v15;
	v15 =	vshll.u32 v16, $0x2  }
0x17f: {  	[tilespmem:s23+$0xFFFFF3D0] =	vst v13;
	v13 =	vand.u32 $0x4, v15  }
0x180: {  	[tilespmem:s23+$0xFFFFF3E0] =	vst v13  }
0x181: {  	v13 =	vld [tilespmem:s28+$0xFFFFFDF0]  }
0x182: {  	v15 =	vld.idx.msk [tilespmem:v18+s3+$0x0], $0xffff  }
0x183: {  	v16 =	vld [tilespmem:s28+$0xFFFFFFF0];
	_ =	sdelay $0x2  }
0x184: {  	v13 =	vshll.u32 v13, $0x7  }
0x185: {  	v18 =	vadd.s32 s12, v2;
	v13 =	vadd.s32 v14, v13  }
0x186: {  	vm0 =	vgt.s32 v18, $0x0;
	v19 =	vadd.s32 v16, v13;
	v13 =	vadd.s32 v15, v13  }
0x187: {  	v20 =	vadd.s32 $0xE00, v17;
	v18 =	vnsel vm0, $0x0, v18;
	v19 =	vshra.s32 v19, $0x1  }
0x188: {  	v18 =	vadd.s32 $0xE00, v18;
	v16 =	vshll.u32 v16, $0x2;
	v13 =	vshra.s32 v13, $0x1;
	[tilespmem:s10+$0xFFFFFE00] =	vst v19  }
0x189: {  	v15 =	vshll.u32 v15, $0x2;
	[tilespmem:s20+$0xFFFFFE00] =	vst v13;
	v13 =	vand.u32 $0x4, v16;
	v16 =	vadd.s32 $0xC00, v17  }
0x18a: {  	[tilespmem:s23+$0xFFFFF7D0] =	vst v13;
	v13 =	vand.u32 $0x4, v15  }
0x18b: {  	[tilespmem:s23+$0xFFFFF7E0] =	vst v13  }
0x18c: {  	v13 =	vld.idx.msk [tilespmem:v20+s3+$0x0], $0xffff  }
0x18d: {  	v15 =	vld.idx.msk [tilespmem:v18+s3+$0x0], $0xffff  }
0x18e: {  	v16 =	vld.idx.msk [tilespmem:v16+s3+$0x0], $0xffff;
	_ =	sdelay $0x3  }
0x18f: {  	v13 =	vshll.u32 v13, $0x7  }
0x190: {  	v13 =	vadd.s32 v14, v13  }
0x191: {  	v17 =	vadd.s32 v15, v13;
	v18 =	vshll.u32 v16, $0x2  }
0x192: {  	v13 =	vadd.s32 v16, v13;
	v16 =	vshra.s32 v17, $0x1  }
0x193: {  	v15 =	vshll.u32 v15, $0x2;
	v13 =	vshra.s32 v13, $0x1;
	[tilespmem:s10+$0x0] =	vst v16;
	v16 =	vor.u32 s12, v12  }
0x194: {  	[tilespmem:s20+$0x0] =	vst v13;
	v13 =	vand.u32 $0x4, v15  }
0x195: {  	[tilespmem:s23+$0xFFFFFBD0] =	vst v13;
	v13 =	vand.u32 $0x4, v18  }
0x196: {  	[tilespmem:s23+$0xFFFFFBE0] =	vst v13  }
0x197: {  	v13 =	vld [tilespmem:s28+$0xFFFFF9F0]  }
0x198: {  	v15 =	vld.idx.msk [tilespmem:v16+s3+$0x0], $0xffff  }
0x199: {  	v16 =	vld [tilespmem:s28+$0xFFFFF7F0];
	_ =	sdelay $0x1  }
0x19a: {  	s13 =	sadd.s32 $0x10, s12  }
0x19b: {  	v17 =	vadd.s32 s13, v7;
	v18 =	vadd.s32 s13, v8;
	v13 =	vshll.u32 v13, $0x7  }
0x19c: {  	vm0 =	vlt.s32 v17, $0x1FF;
	vm1 =	vlt.s32 v18, $0x1FF;
	v13 =	vadd.s32 v14, v13  }
0x19d: {  	v17 =	vnsel vm0, $0x1FF, v17;
	v19 =	vshll.u32 v15, $0x2;
	v14 =	vadd.s32 v16, v13  }
0x19e: {  	v13 =	vadd.s32 v15, v13;
	v15 =	vor.u32 $0xE00, v17;
	v14 =	vshra.s32 v14, $0x1  }
0x19f: {  	v13 =	vshra.s32 v13, $0x1;
	[tilespmem:s10+$0x200] =	vst v14;
	v14 =	vshll.u32 v16, $0x2;
	v16 =	vnsel vm1, $0x1FF, v18  }
0x1a0: {  	[tilespmem:s20+$0x200] =	vst v13;
	v13 =	vand.u32 $0x4, v14;
	v14 =	vadd.s32 s13, v1;
	v16 =	vor.u32 $0xE00, v16  }
0x1a1: {  	v18 =	vor.u32 $0x1000, v17;
	[tilespmem:s23+$0xFFFFFFD0] =	vst v13;
	v13 =	vand.u32 $0x4, v19;
	vm0 =	vgt.s32 v14, $0x0  }
0x1a2: {  	[tilespmem:s23+$0xFFFFFFE0] =	vst v13;
	v14 =	vnsel vm0, $0x0, v14;
	v13 =	vadd.s32 s13, v2  }
0x1a3: {  	vm0 =	vgt.s32 v13, $0x0;
	v15 =	vld.idx.msk [tilespmem:v15+s3+$0x0], $0xffff  }
0x1a4: {  	v19 =	vnsel vm0, $0x0, v13;
	v13 =	vld [tilespmem:s28+$0xFFFFFC00]  }
0x1a5: {  	v16 =	vld.idx.msk [tilespmem:v16+s3+$0x0], $0xffff  }
0x1a6: {  	v18 =	vld.idx.msk [tilespmem:v18+s3+$0x0], $0xffff;
	_ =	sdelay $0x2  }
0x1a7: {  	v15 =	vshll.u32 v15, $0x7;
	v13 =	vshll.u32 v13, $0xE  }
0x1a8: {  	v15 =	vadd.s32 v13, v15  }
0x1a9: {  	v20 =	vadd.s32 v16, v15;
	v16 =	vshll.u32 v16, $0x2  }
0x1aa: {  	v15 =	vadd.s32 v18, v15;
	v18 =	vshll.u32 v18, $0x2;
	v20 =	vshra.s32 v20, $0x1  }
0x1ab: {  	v15 =	vshra.s32 v15, $0x1;
	[tilespmem:s10+$0xFFFFFC10] =	vst v20  }
0x1ac: {  	[tilespmem:s20+$0xFFFFFC10] =	vst v15;
	v15 =	vand.u32 $0x4, v16;
	v16 =	vadd.s32 $0x1000, v14  }
0x1ad: {  	[tilespmem:s23+$0xFFFFF3F0] =	vst v15;
	v15 =	vand.u32 $0x4, v18  }
0x1ae: {  	[tilespmem:s23+$0xFFFFF400] =	vst v15  }
0x1af: {  	v15 =	vld [tilespmem:s28+$0xFFFFFE00]  }
0x1b0: {  	v18 =	vld [tilespmem:s28+$0x0]  }
0x1b1: {  	v16 =	vld.idx.msk [tilespmem:v16+s3+$0x0], $0xffff;
	_ =	sdelay $0x2  }
0x1b2: {  	v15 =	vshll.u32 v15, $0x7  }
0x1b3: {  	v15 =	vadd.s32 v13, v15;
	v20 =	vshll.u32 v18, $0x2  }
0x1b4: {  	v21 =	vadd.s32 $0xE00, v14;
	v18 =	vadd.s32 v18, v15  }
0x1b5: {  	v15 =	vadd.s32 v16, v15;
	v16 =	vshll.u32 v16, $0x2;
	v18 =	vshra.s32 v18, $0x1  }
0x1b6: {  	v14 =	vadd.s32 $0xC00, v14;
	v15 =	vshra.s32 v15, $0x1;
	[tilespmem:s10+$0xFFFFFE10] =	vst v18  }
0x1b7: {  	v18 =	vadd.s32 $0xE00, v19;
	[tilespmem:s20+$0xFFFFFE10] =	vst v15;
	v15 =	vand.u32 $0x4, v20  }
0x1b8: {  	[tilespmem:s23+$0xFFFFF7F0] =	vst v15;
	v15 =	vand.u32 $0x4, v16  }
0x1b9: {  	[tilespmem:s23+$0xFFFFF800] =	vst v15  }
0x1ba: {  	v15 =	vld.idx.msk [tilespmem:v21+s3+$0x0], $0xffff  }
0x1bb: {  	v14 =	vld.idx.msk [tilespmem:v14+s3+$0x0], $0xffff  }
0x1bc: {  	v16 =	vld.idx.msk [tilespmem:v18+s3+$0x0], $0xffff;
	_ =	sdelay $0x3  }
0x1bd: {  	v15 =	vshll.u32 v15, $0x7  }
0x1be: {  	v15 =	vadd.s32 v13, v15;
	v18 =	vshll.u32 v14, $0x2  }
0x1bf: {  	v19 =	vadd.s32 v16, v15;
	v14 =	vadd.s32 v14, v15;
	v15 =	vshll.u32 v16, $0x2  }
0x1c0: {  	v16 =	vshra.s32 v19, $0x1  }
0x1c1: {  	v17 =	vor.u32 $0xC00, v17;
	v14 =	vshra.s32 v14, $0x1;
	[tilespmem:s10+$0x10] =	vst v16  }
0x1c2: {  	[tilespmem:s20+$0x10] =	vst v14;
	v14 =	vand.u32 $0x4, v15  }
.Ltmp1:
0x1c3: {  	[tilespmem:s23+$0xFFFFFBF0] =	vst v14;
	v14 =	vand.u32 $0x4, v18;
	(pc) =	sbr.rel @p0 .LBB2_5-.Ltmp1, $4  }
0x1c4: {  	[tilespmem:s23+$0xFFFFFC00] =	vst v14  }
0x1c5: {  	v16 =	vld [tilespmem:s28+$0xFFFFFA00]  }
0x1c6: {  	v14 =	vld.idx.msk [tilespmem:v17+s3+$0x0], $0xffff  }
0x1c7: {  	s10 =	sadd.s32 $0x20, s10;
	s20 =	sadd.s32 $0x20, s20;
	s23 =	sadd.s32 $0x40, s23;
	v15 =	vld [tilespmem:s28+$0xFFFFF800]  }
0x1c8: {  	_ =	sdelay $0x1  }
0x1c9: {  	v16 =	vshll.u32 v16, $0x7  }
0x1ca: {  	v13 =	vadd.s32 v13, v16  }
0x1cb: {  	v16 =	vadd.s32 v15, v13  }
0x1cc: {  	v13 =	vadd.s32 v14, v13;
	v16 =	vshra.s32 v16, $0x1  }
0x1cd: {  	v15 =	vshll.u32 v15, $0x2;
	v13 =	vshra.s32 v13, $0x1;
	[tilespmem:s31+$0x210] =	vst v16  }
0x1ce: {  	v14 =	vshll.u32 v14, $0x2;
	[tilespmem:s29+$0x210] =	vst v13;
	v13 =	vand.u32 $0x4, v15  }
0x1cf: {  	[tilespmem:s30+$0xFFFFFFF0] =	vst v13;
	v13 =	vand.u32 $0x4, v14  }
0x1d0: {  	s1 =	simm.s32 $0x1C00;
	s10 =	simm.s32 $0x9400;
	[tilespmem:s30+$0x0] =	vst v13  }
0x1d1: {  	[tilespmem:s10], [sflag:$0x4] =	stream.indirect.gather [hbm4b:s2+s25], $0x8, s1, s25, $0xb8;
	[tilespmem:$0x16400] =	vst v63  }
0x1d2: {  	s31 =	simm.s32 $0x2C00  }
0x1d3: {  	[tilespmem:s14], [sflag:$0x4] =	stream.indirect.gather [hbm4b:s6+s25], $0x8, s31, s25, $0xb8;
	[tilespmem:$0x16400] =	vst v63  }
0x1d4: {  	_ =	swait.ge [sflag:s15], $0x4000  }
0x1d5: {  	[sflag:s15] =	ssyncset.done $0x0  }
0x1d6: {  	[sflag:s15] =	ssyncadd.s32 $0xFFFFC000  }
0x1d7: {  	_ =	swait.ge [sflag:s15], $0x4000  }
0x1d8: {  	p0 =	seq.s32 s21, $0x0;
	[sflag:s15] =	ssyncset.done $0x0  }
0x1d9: {  	s1 =	simm.s32 @!p0 $0x5;
	[sflag:s15] =	ssyncadd.s32 $0xFFFFC000  }
0x1da: {  	_ =	swait.ge @!p0 [sflag:s1], $0x800  }
0x1db: {  	s28 =	simm.s32 $0xFFFFFFFE;
	[sflag:s1] =	ssyncset.done @!p0 $0x0  }
0x1dc: {  	s29 =	simm.s32 $0x0;
	s30 =	simm.s32 $0x3C00;
	[sflag:s1] =	ssyncadd.s32 @!p0 $0xFFFFF800  }
.LBB2_7:
0x1dd: {  	v14 =	vld [tilespmem:s30+$0xFFFFF800]  }
0x1de: {  	v16 =	vld [tilespmem:s30+$0xFFFFF810]  }
0x1df: {  	v13 =	vmul.u32 $0x8, v0  }
0x1e0: {  	v18 =	vmov s29;
	v28 =	vld [tilespmem:s30+$0xFFFFFC00]  }
0x1e1: {  	v17 =	vor.u32 s29, v0;
	v46 =	vld [tilespmem:s30+$0xFFFFFC10];
	v18 =	vshll.u32 v18, $0x3;
	v15 =	vor.u32 $0x1000, v13  }
0x1e2: {  	v20 =	vshll.u32 v17, $0x3;
	v30 =	vor.u32 v15, v18;
	v19 =	vand.u32 $0xFFFFFFF8, v14  }
0x1e3: {  	v60 =	vld [tilespmem:s30+$0x0];
	v21 =	vand.u32 $0x7, v14;
	v39 =	vand.u32 $0xFFFFFFF8, v16;
	v22 =	vadd.s32 $0x1, v14  }
0x1e4: {  	v63 =	vld [tilespmem:s30+$0x10];
	v23 =	vand.u32 $0x7, v16;
	v25 =	vadd.s32 $0x1, v16;
	v42 =	vadd.s32 $0x2, v14  }
0x1e5: {  	v26 =	vadd.s32 $0x2, v16;
	v14 =	vadd.s32 $0x3, v14;
	v16 =	vadd.s32 $0x3, v16  }
0x1e6: {  	v48 =	vadd.s32 $0x2, v28;
	v50 =	vadd.s32 $0x2, v46;
	v52 =	vand.u32 $0xFFFFFFF8, v28  }
0x1e7: {  	v53 =	vand.u32 $0x7, v28;
	v32 =	vand.u32 $0xFFFFFFF8, v46;
	v54 =	vand.u32 $0x7, v46  }
0x1e8: {  	v56 =	vadd.s32 $0x3, v28;
	v58 =	vadd.s32 $0x3, v46;
	v28 =	vadd.s32 $0x1, v28  }
0x1e9: {  	v34 =	vadd.s32 $0x3, v63;
	v36 =	vadd.s32 $0x2, v60;
	v37 =	vadd.s32 $0x1, v60  }
0x1ea: {  	v38 =	vadd.s32 $0x1, v63;
	v19 =	vadd.s32 v20, v19;
	v24 =	vand.u32 $0xFFFFFFF8, v22  }
0x1eb: {  	v22 =	vand.u32 $0x7, v22;
	v40 =	vand.u32 $0xFFFFFFF8, v25;
	v41 =	vand.u32 $0x7, v25  }
0x1ec: {  	v43 =	vand.u32 $0xFFFFFFF8, v42;
	v25 =	vand.u32 $0x7, v42;
	v27 =	vand.u32 $0xFFFFFFF8, v26  }
0x1ed: {  	v44 =	vand.u32 $0x7, v26;
	v47 =	vand.u32 $0xFFFFFFF8, v14;
	v14 =	vand.u32 $0x7, v14  }
0x1ee: {  	v29 =	vand.u32 $0xFFFFFFF8, v16;
	v16 =	vand.u32 $0x7, v16;
	v49 =	vand.u32 $0xFFFFFFF8, v48  }
0x1ef: {  	v31 =	vand.u32 $0xFFFFFFF8, v50;
	v32 =	vadd.s32 v30, v32;
	v57 =	vand.u32 $0xFFFFFFF8, v56  }
0x1f0: {  	v59 =	vand.u32 $0xFFFFFFF8, v58;
	v61 =	vand.u32 $0x7, v58;
	v35 =	vand.u32 $0xFFFFFFF8, v34  }
0x1f1: {  	v34 =	vand.u32 $0x7, v34;
	v58 =	vand.u32 $0xFFFFFFF8, v63;
	v19 =	vor.u32 v21, v19  }
0x1f2: {  	v21 =	vadd.s32 v20, v39;
	v24 =	vadd.s32 v20, v24;
	v45 =	vadd.s32 v20, v27  }
0x1f3: {  	v26 =	vadd.s32 v20, v47;
	v31 =	vadd.s32 v30, v31;
	v62 =	vadd.s32 v30, v59  }
0x1f4: {  	v27 =	vadd.s32 $0x1, v46;
	v47 =	vadd.s32 $0x3, v60;
	v21 =	vor.u32 v23, v21  }
0x1f5: {  	v39 =	vand.u32 $0xFFFFFFF8, v37;
	v37 =	vand.u32 $0x7, v37;
	v22 =	vor.u32 v22, v24  }
0x1f6: {  	v42 =	vld [tilespmem:s30+$0x410];
	v23 =	vadd.s32 v20, v40;
	v24 =	vadd.s32 v20, v43;
	v14 =	vor.u32 v14, v26  }
0x1f7: {  	v20 =	vadd.s32 v20, v29;
	v26 =	vadd.s32 v30, v49;
	v23 =	vor.u32 v41, v23;
	v41 =	vld [tilespmem:s30+$0x400]  }
0x1f8: {  	v29 =	vand.u32 $0x7, v50;
	v46 =	vand.u32 $0xFFFFFFF8, v27;
	v24 =	vor.u32 v25, v24;
	v19 =	vld.idx.msk [tilespmem:v19+s22+$0x0], $0xffff  }
0x1f9: {  	v27 =	vand.u32 $0x7, v27;
	v40 =	vand.u32 $0xFFFFFFF8, v38;
	v16 =	vor.u32 v16, v20;
	v21 =	vld.idx.msk [tilespmem:v21+s24+$0x0], $0xffff  }
0x1fa: {  	v38 =	vand.u32 $0x7, v38;
	v25 =	vor.u32 v44, v45;
	v51 =	vor.u32 v29, v31;
	v22 =	vld.idx.msk [tilespmem:v22+s22+$0x0], $0xffff  }
0x1fb: {  	v20 =	vand.u32 $0x7, v48;
	v29 =	vadd.s32 v30, v52;
	v45 =	vand.u32 $0xFFFFFFF8, v28;
	v33 =	vld.idx.msk [tilespmem:v14+s22+$0x0], $0xffff  }
0x1fc: {  	v28 =	vand.u32 $0x7, v28;
	v48 =	vand.u32 $0xFFFFFFF8, v47;
	v52 =	vand.u32 $0x7, v36;
	v23 =	vld.idx.msk [tilespmem:v23+s24+$0x0], $0xffff  }
0x1fd: {  	v20 =	vor.u32 v20, v26;
	v29 =	vor.u32 v53, v29;
	v53 =	vadd.s32 $0x2, v63;
	v24 =	vld.idx.msk [tilespmem:v24+s22+$0x0], $0xffff  }
0x1fe: {  	v31 =	vand.u32 $0x7, v63;
	v14 =	vor.u32 v54, v32;
	v54 =	vand.u32 $0xFFFFFFF8, v53;
	v55 =	vld.idx.msk [tilespmem:v16+s24+$0x0], $0xffff  }
0x1ff: {  	v26 =	vld.idx.msk [tilespmem:v51+s24+$0x0], $0xffff;
	v16 =	vor.u32 $0x2000, v13;
	v51 =	vand.u32 $0xFFFFFFF8, v36;
	v36 =	vand.u32 $0x7, v53  }
0x200: {  	v25 =	vld.idx.msk [tilespmem:v25+s24+$0x0], $0xffff;
	v59 =	vadd.s32 $0x1, v41;
	v43 =	vadd.s32 $0x3, v41;
	v49 =	vor.u32 v16, v18  }
0x201: {  	v53 =	vand.u32 $0xFFFFFFF8, v42;
	v35 =	vadd.s32 v49, v35;
	v39 =	vadd.s32 v49, v39  }
0x202: {  	v20 =	vld.idx.msk [tilespmem:v20+s22+$0x0], $0xffff;
	v40 =	vadd.s32 v49, v40;
	v50 =	vor.u32 v34, v35;
	v34 =	vadd.s32 v49, v51  }
0x203: {  	v35 =	vadd.s32 v49, v54;
	v54 =	vand.u32 $0x7, v42;
	v32 =	vld.idx.msk [tilespmem:v14+s24+$0x0], $0xffff;
	v14 =	vor.u32 $0x3000, v13  }
0x204: {  	v19 =	vadd.f32 v21, v19;
	v34 =	vor.u32 v52, v34;
	v21 =	vadd.f32 v23, v22  }
0x205: {  	v35 =	vor.u32 v36, v35;
	v22 =	vadd.f32 v25, v24;
	v23 =	vadd.f32 v55, v33  }
0x206: {  	v24 =	vand.u32 $0x7, v56;
	v55 =	vor.u32 v37, v39;
	v56 =	vor.u32 v38, v40  }
0x207: {  	v29 =	vld.idx.msk [tilespmem:v29+s22+$0x0], $0xffff;
	v33 =	vadd.s32 v49, v58;
	v18 =	vor.u32 v14, v18;
	v20 =	vadd.f32 v26, v20  }
0x208: {  	v26 =	vadd.s32 v30, v57;
	v57 =	vand.u32 $0xFFFFFFF8, v60;
	v31 =	vor.u32 v31, v33  }
0x209: {  	v33 =	vand.u32 $0x7, v59;
	v19 =	vadd.f32 $0.0e+00, v19;
	v24 =	vor.u32 v24, v26  }
0x20a: {  	v26 =	vor.u32 v61, v62;
	v38 =	vadd.s32 v49, v57;
	v61 =	vadd.s32 $0x1, v42  }
0x20b: {  	v21 =	vadd.f32 $0.0e+00, v21;
	v62 =	vand.u32 $0xFFFFFFF8, v61;
	v39 =	vand.u32 $0x7, v61;
	v34 =	vld.idx.msk [tilespmem:v34+s22+$0x0], $0xffff  }
0x20c: {  	v25 =	vadd.f32 v32, v29;
	v29 =	vadd.s32 v30, v45;
	v30 =	vadd.s32 v30, v46;
	v35 =	vld.idx.msk [tilespmem:v35+s24+$0x0], $0xffff  }
0x20d: {  	v32 =	vand.u32 $0x7, v60;
	v60 =	vand.u32 $0xFFFFFFF8, v59;
	v28 =	vor.u32 v28, v29;
	v36 =	vld.idx.msk [tilespmem:v55+s22+$0x0], $0xffff  }
0x20e: {  	v27 =	vor.u32 v27, v30;
	v29 =	vand.u32 $0x7, v47;
	v30 =	vadd.s32 v49, v48;
	v37 =	vld.idx.msk [tilespmem:v56+s24+$0x0], $0xffff  }
0x20f: {  	v40 =	vadd.s32 v18, v62;
	v45 =	vand.u32 $0xFFFFFFF8, v41;
	v29 =	vor.u32 v29, v30;
	v30 =	vld.idx.msk [tilespmem:v50+s24+$0x0], $0xffff  }
0x210: {  	v46 =	vand.u32 $0x7, v41;
	v41 =	vadd.s32 $0x2, v41;
	v32 =	vor.u32 v32, v38;
	v31 =	vld.idx.msk [tilespmem:v31+s24+$0x0], $0xffff  }
0x211: {  	v38 =	vadd.s32 v18, v60;
	v63 =	vor.u32 v39, v40;
	v48 =	vand.u32 $0xFFFFFFF8, v43;
	v24 =	vld.idx.msk [tilespmem:v24+s22+$0x0], $0xffff  }
0x212: {  	v49 =	vand.u32 $0x7, v43;
	v45 =	vadd.s32 v18, v45;
	v55 =	vand.u32 $0xFFFFFFF8, v41;
	v26 =	vld.idx.msk [tilespmem:v26+s24+$0x0], $0xffff  }
0x213: {  	v41 =	vand.u32 $0x7, v41;
	v33 =	vor.u32 v33, v38;
	v39 =	vadd.s32 v18, v48;
	v28 =	vld.idx.msk [tilespmem:v28+s22+$0x0], $0xffff  }
0x214: {  	v50 =	vadd.s32 $0x3, v42;
	v52 =	vor.u32 v46, v45;
	v42 =	vadd.s32 $0x2, v42;
	v27 =	vld.idx.msk [tilespmem:v27+s24+$0x0], $0xffff  }
0x215: {  	v46 =	vadd.s32 v18, v55;
	v44 =	vand.u32 $0xFFFFFFF8, v50;
	v39 =	vor.u32 v49, v39;
	v32 =	vld.idx.msk [tilespmem:v32+s22+$0x0], $0xffff  }
0x216: {  	v43 =	vand.u32 $0x7, v50;
	v41 =	vor.u32 v41, v46;
	v44 =	vadd.s32 v18, v44;
	v38 =	vld.idx.msk [tilespmem:v63+s24+$0x0], $0xffff  }
0x217: {  	v47 =	vand.u32 $0xFFFFFFF8, v42;
	v51 =	vor.u32 v43, v44;
	v44 =	vadd.s32 v18, v53;
	v29 =	vld.idx.msk [tilespmem:v29+s22+$0x0], $0xffff  }
0x218: {  	v42 =	vand.u32 $0x7, v42;
	v18 =	vadd.s32 v18, v47;
	v44 =	vor.u32 v54, v44;
	v33 =	vld.idx.msk [tilespmem:v33+s22+$0x0], $0xffff  }
0x219: {  	v22 =	vadd.f32 $0.0e+00, v22;
	v21 =	vadd.f32 v25, v21;
	v18 =	vor.u32 v42, v18;
	v59 =	vld.idx.msk [tilespmem:v52+s22+$0x0], $0xffff  }
0x21a: {  	v62 =	vadd.f32 v35, v34;
	v39 =	vld.idx.msk [tilespmem:v39+s22+$0x0], $0xffff;
	v56 =	vadd.f32 v26, v24  }
0x21b: {  	v23 =	vadd.f32 $0.0e+00, v23;
	v19 =	vadd.f32 v20, v19;
	v63 =	vld.idx.msk [tilespmem:v41+s22+$0x0], $0xffff  }
0x21c: {  	v21 =	vadd.f32 v62, v21;
	v57 =	vld.idx.msk [tilespmem:v51+s24+$0x0], $0xffff;
	v20 =	vadd.f32 v56, v22  }
0x21d: {  	v58 =	vadd.f32 v27, v28;
	v61 =	vld.idx.msk [tilespmem:v44+s24+$0x0], $0xffff;
	v32 =	vadd.f32 v31, v32  }
0x21e: {  	v18 =	vld.idx.msk [tilespmem:v18+s24+$0x0], $0xffff;
	v60 =	vadd.f32 v30, v29;
	v30 =	vadd.f32 v37, v36  }
0x21f: {  	v34 =	vadd.f32 v38, v33;
	v23 =	vadd.f32 v58, v23  }
0x220: {  	v19 =	vadd.f32 v60, v19;
	v20 =	vadd.f32 v30, v20  }
0x221: {  	v17 =	vshll.u32 v17, $0x1;
	v23 =	vadd.f32 v32, v23;
	v24 =	vadd.f32 v57, v39  }
0x222: {  	v36 =	vor.u32 $0x1, v17;
	v19 =	vadd.f32 v34, v19;
	v35 =	vadd.f32 v61, v59  }
0x223: {  	v37 =	vor.u32 $0x400, v17;
	v18 =	vadd.f32 v18, v63;
	v21 =	vadd.f32 v24, v21  }
0x224: {  	v38 =	vor.u32 $0x401, v17;
	v20 =	vadd.f32 v35, v20;
	v19 =	vmul.f32 $5.000000000e-01, v19  }
0x225: {  	v18 =	vadd.f32 v18, v23;
	v21 =	vmul.f32 $5.000000000e-01, v21  }
0x226: {  	[tilespmem:v17+s16+$0x0] =	vst.idx.msk $0xffff, v19;
	v39 =	vmul.f32 $5.000000000e-01, v20  }
0x227: {  	v18 =	vmul.f32 $5.000000000e-01, v18;
	[tilespmem:v36+s16+$0x0] =	vst.idx.msk $0xffff, v21  }
0x228: {  	[tilespmem:v37+s16+$0x0] =	vst.idx.msk $0xffff, v39  }
0x229: {  	[tilespmem:v38+s16+$0x0] =	vst.idx.msk $0xffff, v18  }
0x22a: {  	v18 =	vld [tilespmem:s30+$0xFFFFF820]  }
0x22b: {  	s1 =	sadd.s32 $0x10, s29;
	v19 =	vld [tilespmem:s30+$0xFFFFF830]  }
0x22c: {  	v42 =	vmov s1  }
0x22d: {  	v22 =	vshll.u32 v42, $0x3;
	v55 =	vld [tilespmem:s30+$0xFFFFFC20]  }
0x22e: {  	v15 =	vor.u32 v15, v22;
	v17 =	vor.u32 s1, v0;
	v58 =	vld [tilespmem:s30+$0xFFFFFC30]  }
0x22f: {  	v16 =	vor.u32 v16, v22;
	v14 =	vor.u32 v14, v22;
	v41 =	vshll.u32 v17, $0x3  }
0x230: {  	v40 =	vand.u32 $0xFFFFFFF8, v18;
	v43 =	vand.u32 $0x7, v18;
	v44 =	vand.u32 $0xFFFFFFF8, v19  }
0x231: {  	v45 =	vadd.s32 $0x1, v18;
	v46 =	vand.u32 $0x7, v19;
	v48 =	vadd.s32 $0x1, v19  }
0x232: {  	v51 =	vadd.s32 $0x2, v18;
	v53 =	vadd.s32 $0x2, v19;
	v18 =	vadd.s32 $0x3, v18  }
0x233: {  	v19 =	vadd.s32 $0x3, v19;
	v61 =	vadd.s32 $0x2, v55;
	v63 =	vadd.s32 $0x2, v58  }
0x234: {  	v38 =	vand.u32 $0xFFFFFFF8, v55;
	v39 =	vand.u32 $0x7, v55;
	v29 =	vadd.s32 $0x1, v58  }
0x235: {  	v20 =	vadd.s32 v41, v40;
	v23 =	vadd.s32 v41, v44;
	v47 =	vand.u32 $0xFFFFFFF8, v45  }
0x236: {  	v24 =	vand.u32 $0x7, v45;
	v49 =	vand.u32 $0xFFFFFFF8, v48;
	v50 =	vand.u32 $0x7, v48  }
0x237: {  	v52 =	vand.u32 $0xFFFFFFF8, v51;
	v27 =	vand.u32 $0x7, v51;
	v54 =	vand.u32 $0xFFFFFFF8, v53  }
0x238: {  	v59 =	vand.u32 $0xFFFFFFF8, v18;
	v18 =	vand.u32 $0x7, v18;
	v20 =	vor.u32 v43, v20  }
0x239: {  	v60 =	vand.u32 $0xFFFFFFF8, v19;
	v26 =	vadd.s32 v41, v47;
	v23 =	vor.u32 v46, v23  }
0x23a: {  	v36 =	vand.u32 $0xFFFFFFF8, v63;
	v25 =	vadd.s32 v41, v49;
	v24 =	vor.u32 v24, v26  }
0x23b: {  	v31 =	vand.u32 $0x7, v63;
	v63 =	vld [tilespmem:s30+$0x420];
	v28 =	vadd.s32 v41, v59;
	v25 =	vor.u32 v50, v25  }
0x23c: {  	v19 =	vand.u32 $0x7, v19;
	v21 =	vadd.s32 v41, v60;
	v49 =	vld [tilespmem:s30+$0x30];
	v18 =	vor.u32 v18, v28  }
0x23d: {  	v56 =	vand.u32 $0x7, v53;
	v32 =	vadd.s32 v15, v36;
	v19 =	vor.u32 v19, v21;
	v20 =	vld.idx.msk [tilespmem:v20+s22+$0x0], $0xffff  }
0x23e: {  	v62 =	vand.u32 $0xFFFFFFF8, v61;
	v26 =	vadd.s32 v41, v52;
	v37 =	vor.u32 v31, v32;
	v23 =	vld.idx.msk [tilespmem:v23+s24+$0x0], $0xffff  }
0x23f: {  	v40 =	vand.u32 $0xFFFFFFF8, v58;
	v57 =	vadd.s32 v41, v54;
	v26 =	vor.u32 v27, v26;
	v24 =	vld.idx.msk [tilespmem:v24+s22+$0x0], $0xffff  }
0x240: {  	v21 =	vand.u32 $0x7, v61;
	v28 =	vadd.s32 v15, v62;
	v27 =	vor.u32 v56, v57;
	v25 =	vld.idx.msk [tilespmem:v25+s24+$0x0], $0xffff  }
0x241: {  	v45 =	vadd.s32 $0x3, v58;
	v31 =	vadd.s32 v15, v38;
	v21 =	vor.u32 v21, v28;
	v18 =	vld.idx.msk [tilespmem:v18+s22+$0x0], $0xffff  }
0x242: {  	v33 =	vadd.s32 v15, v40;
	v41 =	vand.u32 $0x7, v58;
	v31 =	vor.u32 v39, v31;
	v19 =	vld.idx.msk [tilespmem:v19+s24+$0x0], $0xffff  }
0x243: {  	v43 =	vadd.s32 $0x3, v55;
	v46 =	vadd.s32 $0x1, v55;
	v32 =	vor.u32 v41, v33;
	v28 =	vld.idx.msk [tilespmem:v37+s24+$0x0], $0xffff  }
0x244: {  	v47 =	vand.u32 $0xFFFFFFF8, v45;
	v44 =	vand.u32 $0xFFFFFFF8, v43;
	v48 =	vand.u32 $0xFFFFFFF8, v46;
	v26 =	vld.idx.msk [tilespmem:v26+s22+$0x0], $0xffff  }
0x245: {  	v30 =	vadd.s32 v15, v47;
	v50 =	vand.u32 $0xFFFFFFF8, v29;
	v29 =	vand.u32 $0x7, v29;
	v27 =	vld.idx.msk [tilespmem:v27+s24+$0x0], $0xffff  }
0x246: {  	v53 =	vadd.s32 $0x3, v49;
	v58 =	vadd.s32 $0x2, v49;
	v47 =	vand.u32 $0xFFFFFFF8, v49;
	v21 =	vld.idx.msk [tilespmem:v21+s22+$0x0], $0xffff  }
0x247: {  	v54 =	vand.u32 $0xFFFFFFF8, v53;
	v55 =	vand.u32 $0x7, v53;
	v59 =	vand.u32 $0xFFFFFFF8, v58;
	v31 =	vld.idx.msk [tilespmem:v31+s22+$0x0], $0xffff  }
0x248: {  	v34 =	vand.u32 $0x7, v58;
	v53 =	vadd.s32 $0x3, v63;
	v58 =	vand.u32 $0xFFFFFFF8, v63;
	v42 =	vld.idx.msk [tilespmem:v32+s24+$0x0], $0xffff  }
0x249: {  	v35 =	vadd.s32 v16, v59;
	v32 =	vand.u32 $0x7, v49;
	v20 =	vadd.f32 v23, v20  }
0x24a: {  	v59 =	vand.u32 $0x7, v63;
	v41 =	vadd.s32 v14, v58;
	v24 =	vadd.f32 v25, v24  }
0x24b: {  	v61 =	vor.u32 v34, v35;
	v18 =	vadd.f32 v19, v18;
	v20 =	vadd.f32 $0.0e+00, v20  }
0x24c: {  	v35 =	vadd.s32 $0x2, v63;
	v25 =	vadd.f32 v27, v26;
	v19 =	vadd.f32 v28, v21  }
0x24d: {  	v23 =	vadd.f32 v42, v31;
	v26 =	vand.u32 $0x7, v43;
	v21 =	vadd.s32 v15, v44  }
0x24e: {  	v28 =	vand.u32 $0x7, v46;
	v31 =	vadd.s32 v15, v48;
	v15 =	vadd.s32 v15, v50  }
0x24f: {  	v27 =	vld [tilespmem:s30+$0x20];
	v42 =	vadd.s32 $0x1, v49;
	v48 =	vadd.s32 $0x1, v63;
	v63 =	vand.u32 $0xFFFFFFF8, v35  }
0x250: {  	v35 =	vand.u32 $0x7, v35;
	v21 =	vor.u32 v26, v21;
	v26 =	vand.u32 $0x7, v45  }
0x251: {  	v28 =	vor.u32 v28, v31;
	v15 =	vor.u32 v29, v15;
	v43 =	vand.u32 $0xFFFFFFF8, v42  }
0x252: {  	v37 =	vand.u32 $0x7, v42;
	v49 =	vand.u32 $0xFFFFFFF8, v48;
	v50 =	vand.u32 $0x7, v48  }
0x253: {  	v42 =	vadd.s32 v14, v63;
	v26 =	vor.u32 v26, v30;
	v38 =	vadd.s32 v16, v43  }
0x254: {  	v35 =	vor.u32 v35, v42;
	v46 =	vor.u32 v37, v38;
	v51 =	vadd.s32 $0x3, v27  }
0x255: {  	v45 =	vld [tilespmem:s30+$0x430];
	v56 =	vadd.s32 $0x2, v27;
	v60 =	vadd.s32 $0x1, v27;
	v44 =	vand.u32 $0xFFFFFFF8, v27  }
0x256: {  	v27 =	vand.u32 $0x7, v27;
	v52 =	vand.u32 $0xFFFFFFF8, v51;
	v31 =	vand.u32 $0x7, v51  }
0x257: {  	v57 =	vand.u32 $0xFFFFFFF8, v56;
	v33 =	vand.u32 $0x7, v56;
	v62 =	vand.u32 $0xFFFFFFF8, v60;
	v21 =	vld.idx.msk [tilespmem:v21+s22+$0x0], $0xffff  }
0x258: {  	v36 =	vand.u32 $0x7, v60;
	v39 =	vadd.s32 v16, v44;
	v22 =	vld.idx.msk [tilespmem:v28+s22+$0x0], $0xffff;
	v51 =	vadd.s32 v14, v49  }
0x259: {  	v15 =	vld.idx.msk [tilespmem:v15+s24+$0x0], $0xffff;
	v60 =	vor.u32 v59, v41;
	v30 =	vadd.s32 v16, v52;
	v34 =	vadd.s32 v16, v62  }
0x25a: {  	v27 =	vor.u32 v27, v39;
	v26 =	vld.idx.msk [tilespmem:v26+s24+$0x0], $0xffff;
	v28 =	vor.u32 v50, v51;
	v52 =	vadd.s32 $0x1, v45  }
0x25b: {  	v29 =	vor.u32 v31, v30;
	v31 =	vadd.s32 v16, v57;
	v34 =	vor.u32 v36, v34;
	v36 =	vld.idx.msk [tilespmem:v46+s24+$0x0], $0xffff  }
0x25c: {  	v30 =	vadd.s32 v16, v54;
	v54 =	vand.u32 $0xFFFFFFF8, v52;
	v31 =	vor.u32 v33, v31;
	v33 =	vld.idx.msk [tilespmem:v61+s24+$0x0], $0xffff  }
0x25d: {  	v24 =	vadd.f32 $0.0e+00, v24;
	v37 =	vand.u32 $0x7, v53;
	v38 =	vadd.s32 v14, v54;
	v54 =	vld.idx.msk [tilespmem:v35+s22+$0x0], $0xffff  }
0x25e: {  	v56 =	vadd.s32 $0x3, v45;
	v40 =	vadd.s32 $0x2, v45;
	v30 =	vor.u32 v55, v30;
	v50 =	vld.idx.msk [tilespmem:v60+s22+$0x0], $0xffff  }
0x25f: {  	v62 =	vand.u32 $0x7, v45;
	v16 =	vadd.s32 v16, v47;
	v57 =	vand.u32 $0xFFFFFFF8, v56;
	v27 =	vld.idx.msk [tilespmem:v27+s22+$0x0], $0xffff  }
0x260: {  	v16 =	vor.u32 v32, v16;
	v32 =	vand.u32 $0x7, v52;
	v55 =	vand.u32 $0xFFFFFFF8, v53;
	v28 =	vld.idx.msk [tilespmem:v28+s22+$0x0], $0xffff  }
0x261: {  	v61 =	vand.u32 $0xFFFFFFF8, v45;
	v39 =	vadd.s32 v14, v55;
	v32 =	vor.u32 v32, v38;
	v29 =	vld.idx.msk [tilespmem:v29+s22+$0x0], $0xffff  }
0x262: {  	v38 =	vand.u32 $0x7, v56;
	v37 =	vor.u32 v37, v39;
	v39 =	vadd.s32 v14, v57;
	v34 =	vld.idx.msk [tilespmem:v34+s22+$0x0], $0xffff  }
0x263: {  	v45 =	vand.u32 $0xFFFFFFF8, v40;
	v41 =	vadd.s32 v14, v61;
	v38 =	vor.u32 v38, v39;
	v30 =	vld.idx.msk [tilespmem:v30+s24+$0x0], $0xffff  }
0x264: {  	v40 =	vand.u32 $0x7, v40;
	v41 =	vor.u32 v62, v41;
	v14 =	vadd.s32 v14, v45;
	v31 =	vld.idx.msk [tilespmem:v31+s22+$0x0], $0xffff  }
0x265: {  	v18 =	vadd.f32 $0.0e+00, v18;
	v48 =	vadd.f32 $0.0e+00, v25;
	v14 =	vor.u32 v40, v14;
	v16 =	vld.idx.msk [tilespmem:v16+s24+$0x0], $0xffff  }
0x266: {  	v15 =	vadd.f32 v15, v22;
	v21 =	vadd.f32 v26, v21;
	v32 =	vld.idx.msk [tilespmem:v32+s24+$0x0], $0xffff  }
0x267: {  	v19 =	vadd.f32 v19, v20;
	v46 =	vadd.f32 v23, v24;
	v47 =	vld.idx.msk [tilespmem:v37+s22+$0x0], $0xffff  }
0x268: {  	v15 =	vadd.f32 v15, v18;
	v21 =	vadd.f32 v21, v48;
	v49 =	vld.idx.msk [tilespmem:v38+s24+$0x0], $0xffff  }
0x269: {  	v52 =	vld.idx.msk [tilespmem:v41+s24+$0x0], $0xffff;
	v55 =	vadd.f32 v36, v34;
	v51 =	vadd.f32 v30, v29  }
0x26a: {  	v14 =	vld.idx.msk [tilespmem:v14+s24+$0x0], $0xffff;
	v53 =	vadd.f32 v33, v31;
	v16 =	vadd.f32 v16, v27  }
0x26b: {  	v56 =	vadd.f32 v55, v21;
	v57 =	vadd.f32 v32, v28  }
0x26c: {  	v19 =	vadd.f32 v51, v19;
	v18 =	vadd.f32 v53, v46  }
0x26d: {  	v17 =	vshll.u32 v17, $0x1;
	v15 =	vadd.f32 v16, v15;
	v58 =	vadd.f32 v49, v47  }
0x26e: {  	v60 =	vor.u32 $0x1, v17;
	v59 =	vadd.f32 v52, v50;
	v19 =	vadd.f32 v57, v19  }
0x26f: {  	s28 =	sadd.s32 $0x2, s28;
	v61 =	vadd.s32 $0x400, v17;
	v14 =	vadd.f32 v14, v54;
	v16 =	vadd.f32 v58, v18  }
0x270: {  	p2 =	slt.u32 s28, $0x1E;
	v62 =	vor.u32 $0x401, v17;
	v20 =	vadd.f32 v59, v56;
	v19 =	vmul.f32 $5.000000000e-01, v19  }
.Ltmp2:
0x271: {  	v14 =	vadd.f32 v14, v15;
	v15 =	vmul.f32 $5.000000000e-01, v16;
	(pc) =	sbr.rel @p2 .LBB2_7-.Ltmp2, $4  }
0x272: {  	v63 =	vmul.f32 $5.000000000e-01, v20;
	[tilespmem:v17+s16+$0x0] =	vst.idx.msk $0xffff, v19  }
0x273: {  	v14 =	vmul.f32 $5.000000000e-01, v14;
	[tilespmem:v60+s16+$0x0] =	vst.idx.msk $0xffff, v15  }
0x274: {  	[tilespmem:v61+s16+$0x0] =	vst.idx.msk $0xffff, v63  }
0x275: {  	s29 =	sadd.s32 $0x20, s29;
	s30 =	sadd.s32 $0x40, s30;
	[tilespmem:v62+s16+$0x0] =	vst.idx.msk $0xffff, v14  }
.Ltmp3:
0x276: {  	(pc) =	sbr.rel @p1 .LBB2_12-.Ltmp3, $4  }
0x277: {  	s1 =	sadd.s32 s4, s26  }
0x278: {  	s1 =	sshll.u32 s1, $0x8  }
0x279: {  	s1 =	sadd.s32 s7, s1  }
0x27a: {  	[hbm4b:s1+s3] =	stream.linear.scatter [tilespmem:s16], [sflag:$0x5], $0x800, $0x38;
	[tilespmem:$0x16400] =	vst v63  }
0x27b: {  	s1 =	rddreg [dreg:$0xd]  }
0x27c: {  	s1 =	sadd.s32 s26, s1  }
0x27d: {  	s10 =	sand.u32 $0x1FF, s1  }
0x27e: {  	s12 =	smax.u32 s10, $0x2  }
0x27f: {  	s13 =	sand.u32 $0x3E00, s1;
	s12 =	sadd.s32 $0x7FFFFE, s12  }
0x280: {  	s12 =	sor.u32 s13, s12  }
0x281: {  	s12 =	sshll.u32 s12, $0x6  }
0x282: {  	s12 =	sand.u32 $0x1FFFFFC0, s12  }
0x283: {  	s28 =	simm.s32 $0x0;
	s20 =	simm.s32 $0xA00;
	s12 =	sadd.s32 s5, s12  }
0x284: {  	[tilespmem:s20], [sflag:$0x2] =	stream.linear.gather [hbm4b:s12+s28], $0x200, $0x38;
	[tilespmem:$0x16400] =	vst v63  }
0x285: {  	s20 =	sadd.s32 $0xFFFFFFFF, s10  }
0x286: {  	s12 =	sor.u32 s13, s20  }
0x287: {  	s12 =	sshll.u32 s12, $0x6  }
0x288: {  	s1 =	sshll.u32 s1, $0x6;
	s12 =	sand.u32 $0x1FFFFFC0, s12  }
0x289: {  	s23 =	simm.s32 $0xC00;
	s1 =	sand.u32 $0x1FFFFFC0, s1;
	s12 =	sadd.s32 s5, s12  }
0x28a: {  	[tilespmem:s23], [sflag:$0x2] =	stream.linear.gather [hbm4b:s12+s28], $0x200, $0x38;
	[tilespmem:$0x16400] =	vst v63  }
0x28b: {  	s1 =	sadd.s32 s5, s1;
	s20 =	smin.u32 s10, $0x1FE;
	s23 =	simm.s32 $0xE00  }
0x28c: {  	[tilespmem:s23], [sflag:$0x2] =	stream.linear.gather [hbm4b:s1+s28], $0x200, $0x38;
	[tilespmem:$0x16400] =	vst v63  }
0x28d: {  	s1 =	sor.u32 s13, s20  }
0x28e: {  	s1 =	sshll.u32 s1, $0x6  }
0x28f: {  	s1 =	sadd.s32 s5, s1  }
0x290: {  	s12 =	smin.u32 s10, $0x1FD;
	s23 =	simm.s32 $0x1000;
	s1 =	sadd.s32 $0x40, s1  }
0x291: {  	[tilespmem:s23], [sflag:$0x2] =	stream.linear.gather [hbm4b:s1+s28], $0x200, $0x38;
	[tilespmem:$0x16400] =	vst v63  }
0x292: {  	s1 =	sor.u32 s13, s12  }
0x293: {  	s1 =	sshll.u32 s1, $0x6  }
0x294: {  	s1 =	sadd.s32 s5, s1  }
0x295: {  	v14 =	vor.u32 s28, v3;
	s20 =	simm.s32 $0x1200;
	s1 =	sadd.s32 $0x80, s1  }
0x296: {  	[tilespmem:s20], [sflag:$0x2] =	stream.linear.gather [hbm4b:s1+s28], $0x200, $0x38;
	[tilespmem:$0x16400] =	vst v63  }
0x297: {  	_ =	swait.ge [sflag:s0], $0xA00  }
0x298: {  	v15 =	vor.u32 s28, v4;
	[sflag:s0] =	ssyncset.done $0x0  }
0x299: {  	v16 =	vor.u32 s28, v5;
	[sflag:s0] =	ssyncadd.s32 $0xFFFFF600  }
0x29a: {  	s29 =	simm.s32 $0x410;
	v14 =	vld.idx.msk [tilespmem:v14+s3+$0x0], $0xffff  }
0x29b: {  	v17 =	vld [tilespmem:s29+$0xFFFFFFF0];
	_ =	sdelay $0x1  }
0x29c: {  	v15 =	vld.idx.msk [tilespmem:v15+s3+$0x0], $0xffff  }
0x29d: {  	v16 =	vld.idx.msk [tilespmem:v16+s3+$0x0], $0xffff;
	_ =	sdelay $0x1  }
0x29e: {  	v17 =	vshll.u32 v17, $0xE;
	v14 =	vshll.u32 v14, $0x7  }
0x29f: {  	v14 =	vadd.s32 v17, v14  }
0x2a0: {  	v18 =	vadd.s32 v15, v14  }
0x2a1: {  	v19 =	vadd.s32 s28, v1;
	s1 =	simm.s32 $0x1800;
	v14 =	vadd.s32 v16, v14;
	v18 =	vshra.s32 v18, $0x1  }
0x2a2: {  	s30 =	simm.s32 $0x2800;
	vm0 =	vgt.s32 v19, $0x0;
	v15 =	vshll.u32 v15, $0x2;
	v14 =	vshra.s32 v14, $0x1;
	[tilespmem:s1+$0xFFFFFC00] =	vst v18  }
0x2a3: {  	s31 =	simm.s32 $0x3C00;
	v18 =	vnsel vm0, $0x0, v19;
	[tilespmem:s30+$0xFFFFFC00] =	vst v14;
	v14 =	vand.u32 $0x4, v15;
	v15 =	vshll.u32 v16, $0x2  }
0x2a4: {  	v16 =	vadd.s32 $0x600, v18;
	[tilespmem:s31+$0xFFFFF800] =	vst v14;
	v14 =	vand.u32 $0x4, v15  }
0x2a5: {  	[tilespmem:s31+$0xFFFFF810] =	vst v14  }
0x2a6: {  	v14 =	vld [tilespmem:s29+$0x1F0];
	_ =	sdelay $0x1  }
0x2a7: {  	v15 =	vld [tilespmem:s29+$0x3F0]  }
0x2a8: {  	v16 =	vld.idx.msk [tilespmem:v16+s3+$0x0], $0xffff;
	_ =	sdelay $0x1  }
0x2a9: {  	v14 =	vshll.u32 v14, $0x7  }
0x2aa: {  	v19 =	vadd.s32 s28, v2;
	v14 =	vadd.s32 v17, v14  }
0x2ab: {  	vm11 =	vgt.s32 v19, $0x0;
	v20 =	vadd.s32 v15, v14  }
0x2ac: {  	v21 =	vadd.s32 $0x400, v18;
	v14 =	vadd.s32 v16, v14;
	v20 =	vshra.s32 v20, $0x1  }
0x2ad: {  	v19 =	vnsel vm11, $0x0, v19;
	v15 =	vshll.u32 v15, $0x2;
	v14 =	vshra.s32 v14, $0x1;
	[tilespmem:s1+$0xFFFFFE00] =	vst v20  }
0x2ae: {  	v19 =	vadd.s32 $0x400, v19;
	[tilespmem:s30+$0xFFFFFE00] =	vst v14;
	v14 =	vand.u32 $0x4, v15;
	v15 =	vshll.u32 v16, $0x2  }
0x2af: {  	v16 =	vadd.s32 $0x200, v18;
	[tilespmem:s31+$0xFFFFFC00] =	vst v14;
	v14 =	vand.u32 $0x4, v15  }
0x2b0: {  	[tilespmem:s31+$0xFFFFFC10] =	vst v14  }
0x2b1: {  	v14 =	vld.idx.msk [tilespmem:v21+s3+$0x0], $0xffff;
	_ =	sdelay $0x1  }
0x2b2: {  	v15 =	vld.idx.msk [tilespmem:v19+s3+$0x0], $0xffff  }
0x2b3: {  	v16 =	vld.idx.msk [tilespmem:v16+s3+$0x0], $0xffff;
	_ =	sdelay $0x1  }
0x2b4: {  	v14 =	vshll.u32 v14, $0x7  }
0x2b5: {  	v14 =	vadd.s32 v17, v14  }
0x2b6: {  	v18 =	vadd.s32 v15, v14  }
0x2b7: {  	v14 =	vadd.s32 v16, v14;
	v18 =	vshra.s32 v18, $0x1  }
0x2b8: {  	v15 =	vshll.u32 v15, $0x2;
	v14 =	vshra.s32 v14, $0x1;
	[tilespmem:s1+$0x0] =	vst v18  }
0x2b9: {  	v16 =	vshll.u32 v16, $0x2;
	[tilespmem:s30+$0x0] =	vst v14;
	v14 =	vand.u32 $0x4, v15  }
0x2ba: {  	v15 =	vor.u32 s28, v6;
	[tilespmem:s31+$0x0] =	vst v14;
	v14 =	vand.u32 $0x4, v16  }
0x2bb: {  	[tilespmem:s31+$0x10] =	vst v14  }
0x2bc: {  	v14 =	vld [tilespmem:s29+$0xFFFFFDF0];
	_ =	sdelay $0x1  }
0x2bd: {  	v16 =	vld [tilespmem:s29+$0xFFFFFBF0]  }
0x2be: {  	s23 =	simm.s32 $0x10;
	v15 =	vld.idx.msk [tilespmem:v15+s3+$0x0], $0xffff  }
0x2bf: {  	v18 =	vadd.s32 s23, v7  }
0x2c0: {  	vm12 =	vlt.s32 v18, $0x1FF;
	v14 =	vshll.u32 v14, $0x7  }
0x2c1: {  	v18 =	vnsel vm12, $0x1FF, v18;
	v14 =	vadd.s32 v17, v14  }
0x2c2: {  	v60 =	vor.u32 $0x400, v18;
	v19 =	vadd.s32 v16, v14  }
0x2c3: {  	v17 =	vadd.s32 s23, v8;
	v14 =	vadd.s32 v15, v14;
	v19 =	vshra.s32 v19, $0x1  }
0x2c4: {  	vm13 =	vlt.s32 v17, $0x1FF;
	v16 =	vshll.u32 v16, $0x2;
	v14 =	vshra.s32 v14, $0x1;
	[tilespmem:s1+$0x200] =	vst v19  }
0x2c5: {  	v15 =	vshll.u32 v15, $0x2;
	v17 =	vnsel vm13, $0x1FF, v17;
	[tilespmem:s30+$0x200] =	vst v14;
	v14 =	vand.u32 $0x4, v16  }
0x2c6: {  	v16 =	vor.u32 $0x400, v17;
	[tilespmem:s31+$0x400] =	vst v14;
	v14 =	vand.u32 $0x4, v15  }
0x2c7: {  	v15 =	vor.u32 $0x600, v18;
	[tilespmem:s31+$0x410] =	vst v14  }
0x2c8: {  	v17 =	vld.idx.msk [tilespmem:v60+s3+$0x0], $0xffff  }
0x2c9: {  	v14 =	vld [tilespmem:s29+$0x0];
	_ =	sdelay $0x1  }
0x2ca: {  	v16 =	vld.idx.msk [tilespmem:v16+s3+$0x0], $0xffff  }
0x2cb: {  	v15 =	vld.idx.msk [tilespmem:v15+s3+$0x0], $0xffff;
	_ =	sdelay $0x1  }
0x2cc: {  	v14 =	vshll.u32 v14, $0xE;
	v17 =	vshll.u32 v17, $0x7  }
0x2cd: {  	v17 =	vadd.s32 v14, v17  }
0x2ce: {  	v19 =	vadd.s32 v16, v17  }
0x2cf: {  	v61 =	vadd.s32 s23, v1;
	v17 =	vadd.s32 v15, v17;
	v19 =	vshra.s32 v19, $0x1  }
0x2d0: {  	vm14 =	vgt.s32 v61, $0x0;
	v16 =	vshll.u32 v16, $0x2;
	[tilespmem:s1+$0xFFFFFC10] =	vst v19;
	v17 =	vshra.s32 v17, $0x1  }
0x2d1: {  	v15 =	vshll.u32 v15, $0x2;
	v16 =	vand.u32 $0x4, v16;
	v19 =	vnsel vm14, $0x0, v61;
	[tilespmem:s30+$0xFFFFFC10] =	vst v17  }
0x2d2: {  	v15 =	vand.u32 $0x4, v15;
	v17 =	vadd.s32 $0x600, v19;
	[tilespmem:s31+$0xFFFFF820] =	vst v16  }
0x2d3: {  	[tilespmem:s31+$0xFFFFF830] =	vst v15  }
0x2d4: {  	v15 =	vld [tilespmem:s29+$0x200];
	_ =	sdelay $0x1  }
0x2d5: {  	v16 =	vld [tilespmem:s29+$0x400]  }
0x2d6: {  	v17 =	vld.idx.msk [tilespmem:v17+s3+$0x0], $0xffff;
	_ =	sdelay $0x1  }
0x2d7: {  	v15 =	vshll.u32 v15, $0x7  }
0x2d8: {  	v62 =	vadd.s32 s23, v2;
	v15 =	vadd.s32 v14, v15  }
0x2d9: {  	vm15 =	vgt.s32 v62, $0x0;
	v63 =	vadd.s32 v16, v15  }
0x2da: {  	v22 =	vadd.s32 $0x400, v19;
	v15 =	vadd.s32 v17, v15;
	v21 =	vshra.s32 v63, $0x1  }
0x2db: {  	v20 =	vnsel vm15, $0x0, v62;
	v16 =	vshll.u32 v16, $0x2;
	[tilespmem:s1+$0xFFFFFE10] =	vst v21;
	v15 =	vshra.s32 v15, $0x1  }
0x2dc: {  	v17 =	vshll.u32 v17, $0x2;
	[tilespmem:s30+$0xFFFFFE10] =	vst v15;
	v15 =	vand.u32 $0x4, v16;
	v16 =	vadd.s32 $0x400, v20  }
0x2dd: {  	v19 =	vadd.s32 $0x200, v19;
	[tilespmem:s31+$0xFFFFFC20] =	vst v15;
	v15 =	vand.u32 $0x4, v17  }
0x2de: {  	[tilespmem:s31+$0xFFFFFC30] =	vst v15  }
0x2df: {  	v15 =	vld.idx.msk [tilespmem:v22+s3+$0x0], $0xffff;
	_ =	sdelay $0x1  }
0x2e0: {  	v16 =	vld.idx.msk [tilespmem:v16+s3+$0x0], $0xffff  }
0x2e1: {  	v17 =	vld.idx.msk [tilespmem:v19+s3+$0x0], $0xffff;
	_ =	sdelay $0x1  }
0x2e2: {  	v15 =	vshll.u32 v15, $0x7  }
0x2e3: {  	v15 =	vadd.s32 v14, v15  }
0x2e4: {  	v19 =	vadd.s32 v16, v15  }
0x2e5: {  	v15 =	vadd.s32 v17, v15;
	v19 =	vshra.s32 v19, $0x1  }
0x2e6: {  	v18 =	vor.u32 $0x200, v18;
	v16 =	vshll.u32 v16, $0x2;
	v15 =	vshra.s32 v15, $0x1;
	[tilespmem:s1+$0x10] =	vst v19  }
0x2e7: {  	v17 =	vshll.u32 v17, $0x2;
	[tilespmem:s30+$0x10] =	vst v15;
	v15 =	vand.u32 $0x4, v16  }
0x2e8: {  	[tilespmem:s31+$0x20] =	vst v15;
	v15 =	vand.u32 $0x4, v17  }
0x2e9: {  	[tilespmem:s31+$0x30] =	vst v15  }
0x2ea: {  	v17 =	vld [tilespmem:s29+$0xFFFFFE00]  }
0x2eb: {  	s10 =	simm.s32 $0x2820;
	v16 =	vld.idx.msk [tilespmem:v18+s3+$0x0], $0xffff  }
0x2ec: {  	s12 =	simm.s32 $0x3C40;
	s20 =	simm.s32 $0x1820;
	s23 =	simm.s32 $0x0;
	v15 =	vld [tilespmem:s29+$0xFFFFFC00]  }
.LBB2_10:
0x2ed: {  	s23 =	sadd.s32 $0x2, s23;
	s28 =	sadd.s32 $0x20, s28;
	s29 =	sadd.s32 $0x20, s29  }
0x2ee: {  	p1 =	slt.u32 s23, $0x1E  }
0x2ef: {  	v17 =	vshll.u32 v17, $0x7  }
0x2f0: {  	v14 =	vadd.s32 v14, v17  }
0x2f1: {  	v17 =	vor.u32 s28, v3;
	v18 =	vadd.s32 v15, v14;
	v14 =	vadd.s32 v16, v14  }
0x2f2: {  	v19 =	vor.u32 s28, v5;
	v16 =	vshll.u32 v16, $0x2;
	v18 =	vshra.s32 v18, $0x1  }
0x2f3: {  	v15 =	vshll.u32 v15, $0x2;
	v14 =	vshra.s32 v14, $0x1;
	[tilespmem:s1+$0x210] =	vst v18;
	s1 =	smov.u32 s20  }
0x2f4: {  	v18 =	vor.u32 s28, v4;
	[tilespmem:s30+$0x210] =	vst v14;
	v14 =	vand.u32 $0x4, v15;
	s30 =	smov.u32 s10  }
0x2f5: {  	[tilespmem:s31+$0x420] =	vst v14;
	v14 =	vand.u32 $0x4, v16  }
0x2f6: {  	[tilespmem:s31+$0x430] =	vst v14;
	s31 =	smov.u32 s12  }
0x2f7: {  	v14 =	vld.idx.msk [tilespmem:v17+s3+$0x0], $0xffff  }
0x2f8: {  	v15 =	vld [tilespmem:s29+$0xFFFFFFF0]  }
0x2f9: {  	v16 =	vld.idx.msk [tilespmem:v18+s3+$0x0], $0xffff  }
0x2fa: {  	v17 =	vld.idx.msk [tilespmem:v19+s3+$0x0], $0xffff;
	_ =	sdelay $0x2  }
0x2fb: {  	v14 =	vshll.u32 v14, $0x7;
	v15 =	vshll.u32 v15, $0xE  }
0x2fc: {  	v18 =	vadd.s32 s28, v1;
	v14 =	vadd.s32 v15, v14  }
0x2fd: {  	vm0 =	vgt.s32 v18, $0x0;
	v19 =	vadd.s32 v16, v14;
	v16 =	vshll.u32 v16, $0x2  }
0x2fe: {  	v18 =	vnsel vm0, $0x0, v18;
	v14 =	vadd.s32 v17, v14;
	v19 =	vshra.s32 v19, $0x1  }
0x2ff: {  	v14 =	vshra.s32 v14, $0x1;
	[tilespmem:s20+$0xFFFFFC00] =	vst v19;
	v19 =	vadd.s32 $0x600, v18  }
0x300: {  	[tilespmem:s10+$0xFFFFFC00] =	vst v14;
	v14 =	vand.u32 $0x4, v16;
	v16 =	vshll.u32 v17, $0x2  }
0x301: {  	[tilespmem:s12+$0xFFFFF800] =	vst v14;
	v14 =	vand.u32 $0x4, v16  }
0x302: {  	[tilespmem:s12+$0xFFFFF810] =	vst v14  }
0x303: {  	v14 =	vld [tilespmem:s29+$0x1F0]  }
0x304: {  	v16 =	vld.idx.msk [tilespmem:v19+s3+$0x0], $0xffff  }
0x305: {  	v17 =	vld [tilespmem:s29+$0x3F0];
	_ =	sdelay $0x2  }
0x306: {  	v14 =	vshll.u32 v14, $0x7  }
0x307: {  	v19 =	vadd.s32 s28, v2;
	v14 =	vadd.s32 v15, v14  }
0x308: {  	vm0 =	vgt.s32 v19, $0x0;
	v20 =	vadd.s32 v17, v14;
	v14 =	vadd.s32 v16, v14  }
0x309: {  	v21 =	vadd.s32 $0x400, v18;
	v19 =	vnsel vm0, $0x0, v19;
	v20 =	vshra.s32 v20, $0x1  }
0x30a: {  	v19 =	vadd.s32 $0x400, v19;
	v17 =	vshll.u32 v17, $0x2;
	v14 =	vshra.s32 v14, $0x1;
	[tilespmem:s20+$0xFFFFFE00] =	vst v20  }
0x30b: {  	v16 =	vshll.u32 v16, $0x2;
	[tilespmem:s10+$0xFFFFFE00] =	vst v14;
	v14 =	vand.u32 $0x4, v17;
	v17 =	vadd.s32 $0x200, v18  }
0x30c: {  	[tilespmem:s12+$0xFFFFFC00] =	vst v14;
	v14 =	vand.u32 $0x4, v16  }
0x30d: {  	[tilespmem:s12+$0xFFFFFC10] =	vst v14  }
0x30e: {  	v14 =	vld.idx.msk [tilespmem:v21+s3+$0x0], $0xffff  }
0x30f: {  	v16 =	vld.idx.msk [tilespmem:v19+s3+$0x0], $0xffff  }
0x310: {  	v17 =	vld.idx.msk [tilespmem:v17+s3+$0x0], $0xffff;
	_ =	sdelay $0x3  }
0x311: {  	v14 =	vshll.u32 v14, $0x7  }
0x312: {  	v14 =	vadd.s32 v15, v14  }
0x313: {  	v18 =	vadd.s32 v16, v14;
	v19 =	vshll.u32 v17, $0x2  }
0x314: {  	v14 =	vadd.s32 v17, v14;
	v17 =	vshra.s32 v18, $0x1  }
0x315: {  	v16 =	vshll.u32 v16, $0x2;
	v14 =	vshra.s32 v14, $0x1;
	[tilespmem:s20+$0x0] =	vst v17;
	v17 =	vor.u32 s28, v6  }
0x316: {  	[tilespmem:s10+$0x0] =	vst v14;
	v14 =	vand.u32 $0x4, v16  }
0x317: {  	[tilespmem:s12+$0x0] =	vst v14;
	v14 =	vand.u32 $0x4, v19  }
0x318: {  	[tilespmem:s12+$0x10] =	vst v14  }
0x319: {  	v14 =	vld [tilespmem:s29+$0xFFFFFDF0]  }
0x31a: {  	v16 =	vld.idx.msk [tilespmem:v17+s3+$0x0], $0xffff  }
0x31b: {  	v17 =	vld [tilespmem:s29+$0xFFFFFBF0];
	_ =	sdelay $0x1  }
0x31c: {  	s13 =	sadd.s32 $0x10, s28  }
0x31d: {  	v18 =	vadd.s32 s13, v7;
	v19 =	vadd.s32 s13, v8;
	v14 =	vshll.u32 v14, $0x7  }
0x31e: {  	vm0 =	vlt.s32 v18, $0x1FF;
	vm1 =	vlt.s32 v19, $0x1FF;
	v14 =	vadd.s32 v15, v14  }
0x31f: {  	v18 =	vnsel vm0, $0x1FF, v18;
	v20 =	vshll.u32 v16, $0x2;
	v15 =	vadd.s32 v17, v14  }
0x320: {  	v14 =	vadd.s32 v16, v14;
	v16 =	vor.u32 $0x400, v18;
	v15 =	vshra.s32 v15, $0x1  }
0x321: {  	v14 =	vshra.s32 v14, $0x1;
	[tilespmem:s20+$0x200] =	vst v15;
	v15 =	vshll.u32 v17, $0x2;
	v17 =	vnsel vm1, $0x1FF, v19  }
0x322: {  	[tilespmem:s10+$0x200] =	vst v14;
	v14 =	vand.u32 $0x4, v15;
	v15 =	vadd.s32 s13, v1;
	v17 =	vor.u32 $0x400, v17  }
0x323: {  	v19 =	vor.u32 $0x600, v18;
	[tilespmem:s12+$0x400] =	vst v14;
	v14 =	vand.u32 $0x4, v20;
	vm0 =	vgt.s32 v15, $0x0  }
0x324: {  	[tilespmem:s12+$0x410] =	vst v14;
	v15 =	vnsel vm0, $0x0, v15;
	v14 =	vadd.s32 s13, v2  }
0x325: {  	vm0 =	vgt.s32 v14, $0x0;
	v16 =	vld.idx.msk [tilespmem:v16+s3+$0x0], $0xffff  }
0x326: {  	v20 =	vnsel vm0, $0x0, v14;
	v14 =	vld [tilespmem:s29+$0x0]  }
0x327: {  	v17 =	vld.idx.msk [tilespmem:v17+s3+$0x0], $0xffff  }
0x328: {  	v19 =	vld.idx.msk [tilespmem:v19+s3+$0x0], $0xffff;
	_ =	sdelay $0x2  }
0x329: {  	v16 =	vshll.u32 v16, $0x7;
	v14 =	vshll.u32 v14, $0xE  }
0x32a: {  	v16 =	vadd.s32 v14, v16  }
0x32b: {  	v21 =	vadd.s32 v17, v16;
	v17 =	vshll.u32 v17, $0x2  }
0x32c: {  	v16 =	vadd.s32 v19, v16;
	v19 =	vshll.u32 v19, $0x2;
	v21 =	vshra.s32 v21, $0x1  }
0x32d: {  	v16 =	vshra.s32 v16, $0x1;
	[tilespmem:s20+$0xFFFFFC10] =	vst v21  }
0x32e: {  	[tilespmem:s10+$0xFFFFFC10] =	vst v16;
	v16 =	vand.u32 $0x4, v17;
	v17 =	vadd.s32 $0x600, v15  }
0x32f: {  	[tilespmem:s12+$0xFFFFF820] =	vst v16;
	v16 =	vand.u32 $0x4, v19  }
0x330: {  	[tilespmem:s12+$0xFFFFF830] =	vst v16  }
0x331: {  	v16 =	vld [tilespmem:s29+$0x200]  }
0x332: {  	v19 =	vld [tilespmem:s29+$0x400]  }
0x333: {  	v17 =	vld.idx.msk [tilespmem:v17+s3+$0x0], $0xffff;
	_ =	sdelay $0x2  }
0x334: {  	v16 =	vshll.u32 v16, $0x7  }
0x335: {  	v16 =	vadd.s32 v14, v16;
	v21 =	vshll.u32 v19, $0x2  }
0x336: {  	v22 =	vadd.s32 $0x400, v15;
	v19 =	vadd.s32 v19, v16  }
0x337: {  	v16 =	vadd.s32 v17, v16;
	v17 =	vshll.u32 v17, $0x2;
	v19 =	vshra.s32 v19, $0x1  }
0x338: {  	v15 =	vadd.s32 $0x200, v15;
	v16 =	vshra.s32 v16, $0x1;
	[tilespmem:s20+$0xFFFFFE10] =	vst v19  }
0x339: {  	v19 =	vadd.s32 $0x400, v20;
	[tilespmem:s10+$0xFFFFFE10] =	vst v16;
	v16 =	vand.u32 $0x4, v21  }
0x33a: {  	[tilespmem:s12+$0xFFFFFC20] =	vst v16;
	v16 =	vand.u32 $0x4, v17  }
0x33b: {  	[tilespmem:s12+$0xFFFFFC30] =	vst v16  }
0x33c: {  	v16 =	vld.idx.msk [tilespmem:v22+s3+$0x0], $0xffff  }
0x33d: {  	v15 =	vld.idx.msk [tilespmem:v15+s3+$0x0], $0xffff  }
0x33e: {  	v17 =	vld.idx.msk [tilespmem:v19+s3+$0x0], $0xffff;
	_ =	sdelay $0x3  }
0x33f: {  	v16 =	vshll.u32 v16, $0x7  }
0x340: {  	v16 =	vadd.s32 v14, v16;
	v19 =	vshll.u32 v15, $0x2  }
0x341: {  	v20 =	vadd.s32 v17, v16;
	v15 =	vadd.s32 v15, v16;
	v16 =	vshll.u32 v17, $0x2  }
0x342: {  	v17 =	vshra.s32 v20, $0x1  }
0x343: {  	v18 =	vor.u32 $0x200, v18;
	v15 =	vshra.s32 v15, $0x1;
	[tilespmem:s20+$0x10] =	vst v17  }
0x344: {  	[tilespmem:s10+$0x10] =	vst v15;
	v15 =	vand.u32 $0x4, v16  }
.Ltmp4:
0x345: {  	[tilespmem:s12+$0x20] =	vst v15;
	v15 =	vand.u32 $0x4, v19;
	(pc) =	sbr.rel @p1 .LBB2_10-.Ltmp4, $4  }
0x346: {  	[tilespmem:s12+$0x30] =	vst v15  }
0x347: {  	v17 =	vld [tilespmem:s29+$0xFFFFFE00]  }
0x348: {  	v16 =	vld.idx.msk [tilespmem:v18+s3+$0x0], $0xffff  }
0x349: {  	s20 =	sadd.s32 $0x20, s20;
	s10 =	sadd.s32 $0x20, s10;
	s12 =	sadd.s32 $0x40, s12;
	v15 =	vld [tilespmem:s29+$0xFFFFFC00]  }
0x34a: {  	_ =	sdelay $0x1  }
0x34b: {  	v17 =	vshll.u32 v17, $0x7  }
0x34c: {  	v14 =	vadd.s32 v14, v17  }
0x34d: {  	v17 =	vadd.s32 v15, v14  }
0x34e: {  	v14 =	vadd.s32 v16, v14;
	v17 =	vshra.s32 v17, $0x1  }
0x34f: {  	v15 =	vshll.u32 v15, $0x2;
	v14 =	vshra.s32 v14, $0x1;
	[tilespmem:s1+$0x210] =	vst v17  }
0x350: {  	v63 =	vshll.u32 v16, $0x2;
	[tilespmem:s30+$0x210] =	vst v14;
	v14 =	vand.u32 $0x4, v15  }
0x351: {  	[tilespmem:s31+$0x420] =	vst v14;
	v14 =	vand.u32 $0x4, v63  }
0x352: {  	s30 =	simm.s32 $0x1400;
	[tilespmem:s31+$0x430] =	vst v14  }
0x353: {  	[tilespmem:s22], [sflag:$0x3] =	stream.indirect.gather [hbm4b:s2+s25], $0x8, s30, s25, $0xb8;
	[tilespmem:$0x16400] =	vst v63  }
0x354: {  	s31 =	simm.s32 $0x2400  }
0x355: {  	[tilespmem:s24], [sflag:$0x3] =	stream.indirect.gather [hbm4b:s6+s25], $0x8, s31, s25, $0xb8;
	[tilespmem:$0x16400] =	vst v63  }
.LBB2_12:
0x356: {  	_ =	swait.ge [sflag:s17], $0x4000  }
0x357: {  	[sflag:s17] =	ssyncset.done $0x0  }
0x358: {  	[sflag:s17] =	ssyncadd.s32 $0xFFFFC000  }
0x359: {  	_ =	swait.ge [sflag:s17], $0x4000  }
0x35a: {  	[sflag:s17] =	ssyncset.done $0x0  }
0x35b: {  	s1 =	simm.s32 @!p0 $0x6;
	[sflag:s17] =	ssyncadd.s32 $0xFFFFC000  }
0x35c: {  	_ =	swait.ge @!p0 [sflag:s1], $0x800  }
0x35d: {  	s28 =	simm.s32 $0xFFFFFFFE;
	[sflag:s1] =	ssyncset.done @!p0 $0x0  }
0x35e: {  	s29 =	simm.s32 $0x0;
	s30 =	simm.s32 $0x5030;
	[sflag:s1] =	ssyncadd.s32 @!p0 $0xFFFFF800  }
.LBB2_13:
0x35f: {  	v14 =	vld [tilespmem:s30+$0xFFFFF3D0]  }
0x360: {  	v16 =	vld [tilespmem:s30+$0xFFFFF3E0];
	_ =	sdelay $0x1  }
0x361: {  	v19 =	vmov s29;
	v28 =	vld [tilespmem:s30+$0xFFFFF7D0]  }
0x362: {  	v18 =	vor.u32 $0x4000, v13;
	v29 =	vld [tilespmem:s30+$0xFFFFF7E0];
	v17 =	vshll.u32 v19, $0x3  }
0x363: {  	v20 =	vor.u32 v18, v17  }
0x364: {  	v15 =	vand.u32 $0xFFFFFFF8, v14;
	v21 =	vand.u32 $0x7, v14;
	v34 =	vand.u32 $0xFFFFFFF8, v16  }
0x365: {  	v54 =	vld [tilespmem:s30+$0xFFFFFBD0];
	v23 =	vand.u32 $0x7, v16;
	v24 =	vadd.s32 $0x1, v14;
	v25 =	vadd.s32 $0x1, v16  }
0x366: {  	v27 =	vadd.s32 $0x2, v14;
	v39 =	vadd.s32 $0x2, v16;
	v14 =	vadd.s32 $0x3, v14  }
0x367: {  	v16 =	vadd.s32 $0x3, v16;
	v42 =	vadd.s32 $0x2, v28;
	v44 =	vadd.s32 $0x2, v29  }
0x368: {  	v46 =	vand.u32 $0xFFFFFFF8, v28;
	v47 =	vand.u32 $0x7, v28;
	v33 =	vand.u32 $0xFFFFFFF8, v29  }
0x369: {  	v48 =	vand.u32 $0x7, v29;
	v50 =	vadd.s32 $0x3, v28;
	v52 =	vadd.s32 $0x3, v29  }
0x36a: {  	v28 =	vadd.s32 $0x1, v28;
	v29 =	vadd.s32 $0x1, v29;
	v60 =	vadd.s32 $0x3, v54  }
0x36b: {  	v22 =	vadd.s32 v20, v15;
	v15 =	vor.u32 $0x5000, v13;
	v35 =	vand.u32 $0xFFFFFFF8, v24  }
0x36c: {  	v24 =	vand.u32 $0x7, v24;
	v26 =	vand.u32 $0xFFFFFFF8, v25;
	v25 =	vand.u32 $0x7, v25  }
0x36d: {  	v37 =	vand.u32 $0xFFFFFFF8, v27;
	v38 =	vand.u32 $0x7, v27;
	v40 =	vand.u32 $0xFFFFFFF8, v39  }
0x36e: {  	v57 =	vld [tilespmem:s30+$0xFFFFFBE0];
	v27 =	vand.u32 $0x7, v39;
	v30 =	vand.u32 $0xFFFFFFF8, v14;
	v14 =	vand.u32 $0x7, v14  }
0x36f: {  	v41 =	vand.u32 $0xFFFFFFF8, v16;
	v16 =	vand.u32 $0x7, v16;
	v43 =	vand.u32 $0xFFFFFFF8, v42  }
0x370: {  	v32 =	vand.u32 $0xFFFFFFF8, v44;
	v51 =	vand.u32 $0xFFFFFFF8, v50;
	v53 =	vand.u32 $0xFFFFFFF8, v52  }
0x371: {  	v55 =	vand.u32 $0x7, v52;
	v58 =	vand.u32 $0xFFFFFFF8, v28;
	v28 =	vand.u32 $0x7, v28  }
0x372: {  	v59 =	vand.u32 $0xFFFFFFF8, v29;
	v29 =	vand.u32 $0x7, v29;
	v61 =	vand.u32 $0xFFFFFFF8, v60  }
0x373: {  	v39 =	vadd.s32 $0x1, v57;
	v21 =	vor.u32 v21, v22;
	v22 =	vadd.s32 v20, v34  }
0x374: {  	v26 =	vadd.s32 v20, v26;
	v30 =	vadd.s32 v20, v30;
	v31 =	vor.u32 v15, v17  }
0x375: {  	v22 =	vor.u32 v23, v22;
	v23 =	vadd.s32 v20, v35;
	v36 =	vor.u32 v25, v26  }
0x376: {  	v25 =	vadd.s32 v20, v37;
	v26 =	vadd.s32 v20, v40;
	v14 =	vor.u32 v14, v30  }
0x377: {  	v20 =	vadd.s32 v20, v41;
	v30 =	vand.u32 $0x7, v44;
	v32 =	vadd.s32 v31, v32  }
0x378: {  	v33 =	vadd.s32 v31, v33;
	v56 =	vadd.s32 v31, v53;
	v35 =	vadd.s32 $0x3, v57  }
0x379: {  	v37 =	vadd.s32 $0x2, v54;
	v41 =	vand.u32 $0xFFFFFFF8, v39;
	v39 =	vand.u32 $0x7, v39  }
0x37a: {  	v23 =	vor.u32 v24, v23;
	v26 =	vor.u32 v27, v26;
	v27 =	vand.u32 $0x7, v42;
	v42 =	vld [tilespmem:s30+$0xFFFFFFD0]  }
0x37b: {  	v25 =	vor.u32 v38, v25;
	v16 =	vor.u32 v16, v20;
	v20 =	vadd.s32 v31, v43;
	v21 =	vld.idx.msk [tilespmem:v21+s22+$0x0], $0xffff  }
0x37c: {  	v45 =	vor.u32 v30, v32;
	v30 =	vadd.s32 v31, v46;
	v44 =	vand.u32 $0xFFFFFFF8, v37;
	v22 =	vld.idx.msk [tilespmem:v22+s24+$0x0], $0xffff  }
0x37d: {  	v46 =	vadd.s32 $0x2, v57;
	v38 =	vadd.s32 $0x1, v54;
	v32 =	vand.u32 $0x7, v57;
	v24 =	vld.idx.msk [tilespmem:v36+s24+$0x0], $0xffff  }
0x37e: {  	v20 =	vor.u32 v27, v20;
	v30 =	vor.u32 v47, v30;
	v47 =	vand.u32 $0xFFFFFFF8, v46;
	v34 =	vld.idx.msk [tilespmem:v14+s22+$0x0], $0xffff  }
0x37f: {  	v40 =	vand.u32 $0xFFFFFFF8, v38;
	v38 =	vand.u32 $0x7, v38;
	v14 =	vor.u32 v48, v33;
	v23 =	vld.idx.msk [tilespmem:v23+s22+$0x0], $0xffff  }
0x380: {  	v36 =	vand.u32 $0xFFFFFFF8, v35;
	v35 =	vand.u32 $0x7, v35;
	v49 =	vld.idx.msk [tilespmem:v16+s24+$0x0], $0xffff;
	v16 =	vor.u32 $0x6000, v13  }
0x381: {  	v27 =	vld.idx.msk [tilespmem:v45+s24+$0x0], $0xffff;
	v45 =	vand.u32 $0x7, v37;
	v37 =	vand.u32 $0x7, v46;
	v52 =	vadd.s32 $0x1, v42  }
0x382: {  	v25 =	vld.idx.msk [tilespmem:v25+s22+$0x0], $0xffff;
	v46 =	vand.u32 $0xFFFFFFF8, v42;
	v62 =	vor.u32 v16, v17;
	v53 =	vand.u32 $0xFFFFFFF8, v52  }
0x383: {  	v26 =	vld.idx.msk [tilespmem:v26+s24+$0x0], $0xffff;
	v36 =	vadd.s32 v62, v36;
	v40 =	vadd.s32 v62, v40;
	v41 =	vadd.s32 v62, v41  }
0x384: {  	v63 =	vor.u32 v35, v36;
	v35 =	vadd.s32 v62, v44;
	v36 =	vadd.s32 v62, v47  }
0x385: {  	v20 =	vld.idx.msk [tilespmem:v20+s22+$0x0], $0xffff;
	v48 =	vor.u32 v38, v40;
	v44 =	vadd.s32 $0x3, v42;
	v47 =	vand.u32 $0x7, v42  }
0x386: {  	v42 =	vadd.s32 $0x2, v42;
	v33 =	vld.idx.msk [tilespmem:v14+s24+$0x0], $0xffff;
	v14 =	vor.u32 $0x7000, v13;
	v21 =	vadd.f32 v22, v21  }
0x387: {  	v35 =	vor.u32 v45, v35;
	v36 =	vor.u32 v37, v36;
	v22 =	vadd.f32 v24, v23  }
0x388: {  	v23 =	vadd.f32 v26, v25;
	v24 =	vadd.f32 v49, v34;
	v25 =	vand.u32 $0x7, v50  }
0x389: {  	v30 =	vld.idx.msk [tilespmem:v30+s22+$0x0], $0xffff;
	v49 =	vor.u32 v39, v41;
	v50 =	vand.u32 $0xFFFFFFF8, v54;
	v17 =	vor.u32 v14, v17  }
0x38a: {  	v20 =	vadd.f32 v27, v20;
	v27 =	vadd.s32 v31, v51;
	v51 =	vand.u32 $0xFFFFFFF8, v57  }
0x38b: {  	v39 =	vadd.s32 v62, v50;
	v57 =	vand.u32 $0xFFFFFFF8, v44;
	v46 =	vadd.s32 v17, v46  }
0x38c: {  	v43 =	vld [tilespmem:s30+$0xFFFFFFE0];
	v21 =	vadd.f32 $0.0e+00, v21;
	v25 =	vor.u32 v25, v27;
	v27 =	vor.u32 v55, v56  }
0x38d: {  	v34 =	vadd.s32 v62, v51;
	v51 =	vand.u32 $0xFFFFFFF8, v42;
	v42 =	vand.u32 $0x7, v42;
	v37 =	vld.idx.msk [tilespmem:v48+s22+$0x0], $0xffff  }
0x38e: {  	v22 =	vadd.f32 $0.0e+00, v22;
	v26 =	vadd.f32 v33, v30;
	v30 =	vadd.s32 v31, v58;
	v35 =	vld.idx.msk [tilespmem:v35+s22+$0x0], $0xffff  }
0x38f: {  	v32 =	vor.u32 v32, v34;
	v31 =	vadd.s32 v31, v59;
	v36 =	vld.idx.msk [tilespmem:v36+s24+$0x0], $0xffff;
	v28 =	vor.u32 v28, v30  }
0x390: {  	v29 =	vor.u32 v29, v31;
	v30 =	vand.u32 $0x7, v60;
	v31 =	vadd.s32 v62, v61;
	v38 =	vld.idx.msk [tilespmem:v49+s24+$0x0], $0xffff  }
0x391: {  	v34 =	vand.u32 $0x7, v52;
	v33 =	vand.u32 $0x7, v54;
	v30 =	vor.u32 v30, v31;
	v31 =	vld.idx.msk [tilespmem:v63+s24+$0x0], $0xffff  }
0x392: {  	v54 =	vadd.s32 $0x1, v43;
	v58 =	vand.u32 $0x7, v44;
	v33 =	vor.u32 v33, v39;
	v25 =	vld.idx.msk [tilespmem:v25+s22+$0x0], $0xffff  }
0x393: {  	v59 =	vadd.s32 $0x3, v43;
	v39 =	vadd.s32 v17, v53;
	v61 =	vor.u32 v47, v46;
	v27 =	vld.idx.msk [tilespmem:v27+s24+$0x0], $0xffff  }
0x394: {  	v55 =	vand.u32 $0xFFFFFFF8, v54;
	v40 =	vand.u32 $0x7, v54;
	v45 =	vand.u32 $0xFFFFFFF8, v59;
	v32 =	vld.idx.msk [tilespmem:v32+s24+$0x0], $0xffff  }
0x395: {  	v44 =	vand.u32 $0x7, v59;
	v41 =	vadd.s32 v17, v55;
	v34 =	vor.u32 v34, v39;
	v28 =	vld.idx.msk [tilespmem:v28+s22+$0x0], $0xffff  }
0x396: {  	v62 =	vand.u32 $0xFFFFFFF8, v43;
	v45 =	vadd.s32 v17, v45;
	v56 =	vor.u32 v40, v41;
	v29 =	vld.idx.msk [tilespmem:v29+s24+$0x0], $0xffff  }
0x397: {  	v63 =	vand.u32 $0x7, v43;
	v40 =	vadd.s32 v17, v57;
	v60 =	vor.u32 v44, v45;
	v33 =	vld.idx.msk [tilespmem:v33+s22+$0x0], $0xffff  }
0x398: {  	v43 =	vadd.s32 $0x2, v43;
	v45 =	vadd.s32 v17, v62;
	v40 =	vor.u32 v58, v40;
	v58 =	vld.idx.msk [tilespmem:v61+s22+$0x0], $0xffff  }
0x399: {  	v47 =	vadd.s32 v17, v51;
	v48 =	vand.u32 $0xFFFFFFF8, v43;
	v45 =	vor.u32 v63, v45;
	v30 =	vld.idx.msk [tilespmem:v30+s22+$0x0], $0xffff  }
0x39a: {  	v42 =	vor.u32 v42, v47;
	v43 =	vand.u32 $0x7, v43;
	v17 =	vadd.s32 v17, v48;
	v34 =	vld.idx.msk [tilespmem:v34+s22+$0x0], $0xffff  }
0x39b: {  	v52 =	vadd.f32 $0.0e+00, v23;
	v20 =	vadd.f32 v20, v21;
	v43 =	vor.u32 v43, v17;
	v39 =	vld.idx.msk [tilespmem:v56+s24+$0x0], $0xffff  }
0x39c: {  	v22 =	vadd.f32 v26, v22;
	v61 =	vadd.f32 v36, v35;
	v56 =	vld.idx.msk [tilespmem:v60+s24+$0x0], $0xffff  }
0x39d: {  	v53 =	vadd.f32 $0.0e+00, v24;
	v55 =	vadd.f32 v27, v25;
	v54 =	vld.idx.msk [tilespmem:v40+s22+$0x0], $0xffff  }
0x39e: {  	v63 =	vadd.f32 v38, v37;
	v22 =	vadd.f32 v61, v22;
	v60 =	vld.idx.msk [tilespmem:v45+s24+$0x0], $0xffff  }
0x39f: {  	v62 =	vld.idx.msk [tilespmem:v42+s22+$0x0], $0xffff;
	v21 =	vadd.f32 v55, v52;
	v57 =	vadd.f32 v29, v28  }
0x3a0: {  	v17 =	vmul.u32 $0x2, v0;
	v35 =	vld.idx.msk [tilespmem:v43+s24+$0x0], $0xffff;
	v36 =	vadd.f32 v32, v33;
	v59 =	vadd.f32 v31, v30  }
0x3a1: {  	v19 =	vshll.u32 v19, $0x1;
	v21 =	vadd.f32 v63, v21;
	v23 =	vadd.f32 v57, v53  }
0x3a2: {  	v19 =	vor.u32 v17, v19;
	v37 =	vadd.f32 v39, v34;
	v20 =	vadd.f32 v59, v20  }
0x3a3: {  	v38 =	vor.u32 $0x800, v19;
	v24 =	vadd.f32 v56, v54;
	v39 =	vadd.f32 v60, v58  }
0x3a4: {  	v40 =	vor.u32 $0x801, v19;
	v23 =	vadd.f32 v36, v23;
	v20 =	vadd.f32 v37, v20  }
0x3a5: {  	v42 =	vor.u32 $0xC00, v19;
	v41 =	vadd.f32 v35, v62;
	v22 =	vadd.f32 v24, v22  }
0x3a6: {  	v19 =	vor.u32 $0xC01, v19;
	v21 =	vadd.f32 v39, v21;
	v20 =	vmul.f32 $5.000000000e-01, v20  }
0x3a7: {  	v23 =	vadd.f32 v41, v23;
	v22 =	vmul.f32 $5.000000000e-01, v22  }
0x3a8: {  	v43 =	vmul.f32 $5.000000000e-01, v21;
	[tilespmem:v38+s16+$0x0] =	vst.idx.msk $0xffff, v20  }
0x3a9: {  	v44 =	vmul.f32 $5.000000000e-01, v23;
	[tilespmem:v40+s16+$0x0] =	vst.idx.msk $0xffff, v22  }
0x3aa: {  	[tilespmem:v42+s16+$0x0] =	vst.idx.msk $0xffff, v43  }
0x3ab: {  	[tilespmem:v19+s16+$0x0] =	vst.idx.msk $0xffff, v44  }
0x3ac: {  	v21 =	vld [tilespmem:s30+$0xFFFFF3F0]  }
0x3ad: {  	s1 =	sadd.s32 $0x10, s29;
	v22 =	vld [tilespmem:s30+$0xFFFFF400]  }
0x3ae: {  	v19 =	vmov s1  }
0x3af: {  	v20 =	vshll.u32 v19, $0x3;
	v58 =	vld [tilespmem:s30+$0xFFFFF7F0]  }
0x3b0: {  	v60 =	vld [tilespmem:s30+$0xFFFFF800];
	v18 =	vor.u32 v18, v20  }
0x3b1: {  	v15 =	vor.u32 v15, v20;
	v45 =	vand.u32 $0xFFFFFFF8, v21;
	v46 =	vand.u32 $0x7, v21  }
0x3b2: {  	v47 =	vand.u32 $0xFFFFFFF8, v22;
	v48 =	vand.u32 $0x7, v22;
	v49 =	vadd.s32 $0x1, v21  }
0x3b3: {  	v51 =	vadd.s32 $0x1, v22;
	v53 =	vadd.s32 $0x2, v21;
	v57 =	vadd.s32 $0x2, v22  }
0x3b4: {  	v21 =	vadd.s32 $0x3, v21;
	v22 =	vadd.s32 $0x3, v22;
	v63 =	vadd.s32 $0x2, v58  }
0x3b5: {  	v37 =	vadd.s32 $0x2, v60;
	v42 =	vand.u32 $0xFFFFFFF8, v60;
	v23 =	vadd.s32 v18, v45  }
0x3b6: {  	v24 =	vadd.s32 v18, v47;
	v50 =	vand.u32 $0xFFFFFFF8, v49;
	v26 =	vand.u32 $0x7, v49  }
0x3b7: {  	v52 =	vand.u32 $0xFFFFFFF8, v51;
	v27 =	vand.u32 $0x7, v51;
	v55 =	vand.u32 $0xFFFFFFF8, v53  }
0x3b8: {  	v56 =	vand.u32 $0x7, v53;
	v59 =	vand.u32 $0xFFFFFFF8, v57;
	v23 =	vor.u32 v46, v23  }
0x3b9: {  	v29 =	vand.u32 $0x7, v57;
	v24 =	vor.u32 v48, v24;
	v25 =	vadd.s32 v18, v50  }
0x3ba: {  	v61 =	vand.u32 $0xFFFFFFF8, v21;
	v28 =	vadd.s32 v18, v52;
	v25 =	vor.u32 v26, v25  }
0x3bb: {  	v21 =	vand.u32 $0x7, v21;
	v32 =	vadd.s32 v18, v61;
	v54 =	vor.u32 v27, v28  }
0x3bc: {  	v62 =	vand.u32 $0xFFFFFFF8, v22;
	v51 =	vld [tilespmem:s30+$0xFFFFFC00];
	v27 =	vadd.s32 v18, v55;
	v21 =	vor.u32 v21, v32  }
0x3bd: {  	v22 =	vand.u32 $0x7, v22;
	v28 =	vadd.s32 v18, v59;
	v27 =	vor.u32 v56, v27;
	v23 =	vld.idx.msk [tilespmem:v23+s22+$0x0], $0xffff  }
0x3be: {  	v38 =	vand.u32 $0xFFFFFFF8, v37;
	v18 =	vadd.s32 v18, v62;
	v28 =	vor.u32 v29, v28;
	v24 =	vld.idx.msk [tilespmem:v24+s24+$0x0], $0xffff  }
0x3bf: {  	v33 =	vadd.s32 v15, v38;
	v32 =	vand.u32 $0x7, v37;
	v18 =	vor.u32 v22, v18;
	v25 =	vld.idx.msk [tilespmem:v25+s22+$0x0], $0xffff  }
0x3c0: {  	v43 =	vand.u32 $0x7, v60;
	v34 =	vadd.s32 v15, v42;
	v39 =	vor.u32 v32, v33;
	v26 =	vld.idx.msk [tilespmem:v54+s24+$0x0], $0xffff  }
0x3c1: {  	v40 =	vand.u32 $0xFFFFFFF8, v58;
	v36 =	vand.u32 $0xFFFFFFF8, v63;
	v33 =	vor.u32 v43, v34;
	v21 =	vld.idx.msk [tilespmem:v21+s22+$0x0], $0xffff  }
0x3c2: {  	v41 =	vand.u32 $0x7, v58;
	v29 =	vand.u32 $0x7, v63;
	v22 =	vadd.s32 v15, v36;
	v27 =	vld.idx.msk [tilespmem:v27+s22+$0x0], $0xffff  }
0x3c3: {  	v47 =	vadd.s32 $0x3, v60;
	v32 =	vadd.s32 v15, v40;
	v22 =	vor.u32 v29, v22;
	v28 =	vld.idx.msk [tilespmem:v28+s24+$0x0], $0xffff  }
0x3c4: {  	v52 =	vadd.s32 $0x1, v60;
	v32 =	vor.u32 v41, v32;
	v60 =	vadd.s32 $0x2, v51;
	v18 =	vld.idx.msk [tilespmem:v18+s24+$0x0], $0xffff  }
0x3c5: {  	v16 =	vor.u32 v16, v20;
	v14 =	vor.u32 v14, v20;
	v61 =	vand.u32 $0xFFFFFFF8, v60;
	v29 =	vld.idx.msk [tilespmem:v39+s24+$0x0], $0xffff  }
0x3c6: {  	v45 =	vadd.s32 $0x3, v58;
	v35 =	vand.u32 $0x7, v60;
	v36 =	vadd.s32 v16, v61;
	v44 =	vld.idx.msk [tilespmem:v33+s24+$0x0], $0xffff  }
0x3c7: {  	v48 =	vadd.s32 $0x1, v58;
	v49 =	vand.u32 $0xFFFFFFF8, v47;
	v63 =	vor.u32 v35, v36;
	v36 =	vld [tilespmem:s30+$0xFFFFFFF0]  }
0x3c8: {  	v46 =	vand.u32 $0xFFFFFFF8, v45;
	v50 =	vand.u32 $0xFFFFFFF8, v48;
	v30 =	vadd.s32 v15, v49;
	v22 =	vld.idx.msk [tilespmem:v22+s22+$0x0], $0xffff  }
0x3c9: {  	v31 =	vand.u32 $0xFFFFFFF8, v52;
	v55 =	vadd.s32 $0x3, v51;
	v32 =	vld.idx.msk [tilespmem:v32+s22+$0x0], $0xffff;
	v23 =	vadd.f32 v24, v23  }
0x3ca: {  	v56 =	vand.u32 $0xFFFFFFF8, v55;
	v57 =	vand.u32 $0x7, v55;
	v25 =	vadd.f32 v26, v25  }
0x3cb: {  	v33 =	vand.u32 $0x7, v51;
	v23 =	vadd.f32 $0.0e+00, v23;
	v26 =	vadd.f32 v28, v27  }
0x3cc: {  	v18 =	vadd.f32 v18, v21;
	v27 =	vand.u32 $0x7, v45;
	v45 =	vadd.s32 $0x1, v51  }
0x3cd: {  	v61 =	vand.u32 $0xFFFFFFF8, v36;
	v25 =	vadd.f32 $0.0e+00, v25;
	v21 =	vadd.f32 v29, v22  }
0x3ce: {  	v24 =	vadd.f32 v44, v32;
	v22 =	vadd.s32 v15, v46;
	v29 =	vand.u32 $0x7, v48  }
0x3cf: {  	v28 =	vld [tilespmem:s30+$0xFFFFFBF0];
	v32 =	vadd.s32 v15, v50;
	v15 =	vadd.s32 v15, v31;
	v46 =	vand.u32 $0xFFFFFFF8, v45  }
0x3d0: {  	v38 =	vand.u32 $0x7, v45;
	v50 =	vand.u32 $0xFFFFFFF8, v51;
	v51 =	vadd.s32 $0x1, v36  }
0x3d1: {  	v42 =	vadd.s32 v14, v61;
	v22 =	vor.u32 v27, v22;
	v27 =	vand.u32 $0x7, v47  }
0x3d2: {  	v29 =	vor.u32 v29, v32;
	v39 =	vadd.s32 v16, v46;
	v27 =	vor.u32 v27, v30  }
0x3d3: {  	v48 =	vld [tilespmem:s30+$0x0];
	v30 =	vand.u32 $0x7, v52;
	v49 =	vor.u32 v38, v39;
	v52 =	vand.u32 $0xFFFFFFF8, v51  }
0x3d4: {  	v15 =	vor.u32 v30, v15;
	v53 =	vadd.s32 $0x3, v28;
	v58 =	vadd.s32 $0x2, v28  }
0x3d5: {  	v62 =	vadd.s32 $0x1, v28;
	v47 =	vand.u32 $0xFFFFFFF8, v28;
	v28 =	vand.u32 $0x7, v28  }
0x3d6: {  	v54 =	vand.u32 $0xFFFFFFF8, v53;
	v32 =	vand.u32 $0x7, v53;
	v59 =	vand.u32 $0xFFFFFFF8, v58  }
0x3d7: {  	v34 =	vand.u32 $0x7, v58;
	v44 =	vand.u32 $0xFFFFFFF8, v62;
	v37 =	vand.u32 $0x7, v62  }
0x3d8: {  	v40 =	vadd.s32 v16, v47;
	v53 =	vand.u32 $0x7, v51;
	v55 =	vadd.s32 $0x1, v48  }
0x3d9: {  	v62 =	vand.u32 $0x7, v36;
	v45 =	vand.u32 $0xFFFFFFF8, v48;
	v46 =	vand.u32 $0x7, v48;
	v22 =	vld.idx.msk [tilespmem:v22+s22+$0x0], $0xffff  }
0x3da: {  	v41 =	vadd.s32 $0x2, v48;
	v31 =	vadd.s32 v16, v54;
	v28 =	vor.u32 v28, v40;
	v20 =	vld.idx.msk [tilespmem:v29+s22+$0x0], $0xffff  }
0x3db: {  	v35 =	vadd.s32 v16, v44;
	v54 =	vadd.s32 v14, v52;
	v30 =	vor.u32 v32, v31;
	v27 =	vld.idx.msk [tilespmem:v27+s24+$0x0], $0xffff  }
0x3dc: {  	v31 =	vadd.s32 v16, v56;
	v32 =	vadd.s32 v16, v59;
	v35 =	vor.u32 v37, v35;
	v37 =	vld.idx.msk [tilespmem:v49+s24+$0x0], $0xffff  }
0x3dd: {  	v16 =	vadd.s32 v16, v50;
	v29 =	vor.u32 v53, v54;
	v56 =	vadd.s32 $0x3, v36;
	v15 =	vld.idx.msk [tilespmem:v15+s24+$0x0], $0xffff  }
0x3de: {  	v59 =	vadd.s32 $0x3, v48;
	v31 =	vor.u32 v57, v31;
	v32 =	vor.u32 v34, v32;
	v34 =	vld.idx.msk [tilespmem:v63+s24+$0x0], $0xffff  }
0x3df: {  	v36 =	vadd.s32 $0x2, v36;
	v48 =	vand.u32 $0xFFFFFFF8, v41;
	v16 =	vor.u32 v33, v16;
	v28 =	vld.idx.msk [tilespmem:v28+s22+$0x0], $0xffff  }
0x3e0: {  	v57 =	vand.u32 $0xFFFFFFF8, v55;
	v33 =	vand.u32 $0x7, v55;
	v58 =	vand.u32 $0xFFFFFFF8, v56;
	v30 =	vld.idx.msk [tilespmem:v30+s22+$0x0], $0xffff  }
0x3e1: {  	v38 =	vand.u32 $0x7, v56;
	v63 =	vor.u32 v62, v42;
	v42 =	vadd.s32 v14, v45;
	v35 =	vld.idx.msk [tilespmem:v35+s22+$0x0], $0xffff  }
0x3e2: {  	v60 =	vand.u32 $0xFFFFFFF8, v59;
	v39 =	vadd.s32 v14, v57;
	v42 =	vor.u32 v46, v42;
	v29 =	vld.idx.msk [tilespmem:v29+s22+$0x0], $0xffff  }
0x3e3: {  	v47 =	vand.u32 $0xFFFFFFF8, v36;
	v40 =	vadd.s32 v14, v58;
	v33 =	vor.u32 v33, v39;
	v31 =	vld.idx.msk [tilespmem:v31+s24+$0x0], $0xffff  }
0x3e4: {  	v38 =	vor.u32 v38, v40;
	v39 =	vand.u32 $0x7, v59;
	v40 =	vadd.s32 v14, v60;
	v32 =	vld.idx.msk [tilespmem:v32+s22+$0x0], $0xffff  }
0x3e5: {  	v36 =	vand.u32 $0x7, v36;
	v43 =	vadd.s32 v14, v47;
	v39 =	vor.u32 v39, v40;
	v16 =	vld.idx.msk [tilespmem:v16+s24+$0x0], $0xffff  }
0x3e6: {  	v41 =	vand.u32 $0x7, v41;
	v36 =	vor.u32 v36, v43;
	v14 =	vadd.s32 v14, v48;
	v53 =	vld.idx.msk [tilespmem:v63+s22+$0x0], $0xffff  }
0x3e7: {  	v18 =	vadd.f32 $0.0e+00, v18;
	v51 =	vadd.f32 $0.0e+00, v26;
	v14 =	vor.u32 v41, v14;
	v55 =	vld.idx.msk [tilespmem:v42+s24+$0x0], $0xffff  }
0x3e8: {  	v22 =	vadd.f32 v27, v22;
	v15 =	vadd.f32 v15, v20;
	v33 =	vld.idx.msk [tilespmem:v33+s24+$0x0], $0xffff  }
0x3e9: {  	v21 =	vadd.f32 v21, v23;
	v49 =	vadd.f32 v24, v25;
	v50 =	vld.idx.msk [tilespmem:v38+s22+$0x0], $0xffff  }
0x3ea: {  	v22 =	vadd.f32 v22, v51;
	v15 =	vadd.f32 v15, v18;
	v52 =	vld.idx.msk [tilespmem:v39+s24+$0x0], $0xffff  }
0x3eb: {  	v57 =	vld.idx.msk [tilespmem:v36+s22+$0x0], $0xffff;
	v58 =	vadd.f32 v37, v35;
	v54 =	vadd.f32 v31, v30  }
0x3ec: {  	v14 =	vld.idx.msk [tilespmem:v14+s24+$0x0], $0xffff;
	v56 =	vadd.f32 v34, v32;
	v16 =	vadd.f32 v16, v28  }
0x3ed: {  	v19 =	vshll.u32 v19, $0x1;
	v22 =	vadd.f32 v58, v22;
	v20 =	vadd.f32 v55, v53  }
0x3ee: {  	v17 =	vor.u32 v17, v19;
	v21 =	vadd.f32 v54, v21;
	v59 =	vadd.f32 v33, v29  }
0x3ef: {  	v19 =	vadd.s32 $0x800, v17;
	v18 =	vadd.f32 v56, v49;
	v60 =	vadd.f32 v52, v50  }
0x3f0: {  	v61 =	vor.u32 $0x801, v17;
	v15 =	vadd.f32 v16, v15;
	v21 =	vadd.f32 v59, v21  }
0x3f1: {  	s28 =	sadd.s32 $0x2, s28;
	v62 =	vadd.s32 $0xC00, v17;
	v14 =	vadd.f32 v14, v57;
	v16 =	vadd.f32 v60, v18  }
0x3f2: {  	p0 =	slt.u32 s28, $0x1E;
	v17 =	vor.u32 $0xC01, v17;
	v20 =	vadd.f32 v20, v22;
	v21 =	vmul.f32 $5.000000000e-01, v21  }
.Ltmp5:
0x3f3: {  	v14 =	vadd.f32 v14, v15;
	v15 =	vmul.f32 $5.000000000e-01, v16;
	(pc) =	sbr.rel @p0 .LBB2_13-.Ltmp5, $4  }
0x3f4: {  	v63 =	vmul.f32 $5.000000000e-01, v20;
	[tilespmem:v19+s16+$0x0] =	vst.idx.msk $0xffff, v21  }
0x3f5: {  	v14 =	vmul.f32 $5.000000000e-01, v14;
	[tilespmem:v61+s16+$0x0] =	vst.idx.msk $0xffff, v15  }
0x3f6: {  	[tilespmem:v62+s16+$0x0] =	vst.idx.msk $0xffff, v63  }
0x3f7: {  	s29 =	sadd.s32 $0x20, s29;
	s30 =	sadd.s32 $0x40, s30;
	[tilespmem:v17+s16+$0x0] =	vst.idx.msk $0xffff, v14  }
0x3f8: {  	s21 =	sadd.s32 $0x1, s21  }
0x3f9: {  	p0 =	sne.s32 s21, $0x60  }
.Ltmp6:
0x3fa: {  	s1 =	sadd.s32 s26, s8;
	(pc) =	sbr.rel @p0 .LBB2_4-.Ltmp6, $4  }
0x3fb: {  	s1 =	sshll.u32 s1, $0x8  }
0x3fc: {  	s1 =	sand.u32 $0x1FFFFF00, s1  }
0x3fd: {  	s1 =	sadd.s32 s7, s1  }
0x3fe: {  	[hbm4b:s1+s3] =	stream.linear.scatter [tilespmem:s18], [sflag:$0x6], $0x800, $0x38;
	[tilespmem:$0x16400] =	vst v63  }
0x3ff: {  	s1 =	simm.s32 $0x5  }
0x400: {  	_ =	swait.ge [sflag:s1], $0x800  }
0x401: {  	[sflag:s1] =	ssyncset.done $0x0  }
0x402: {  	s10 =	simm.s32 $0x6;
	[sflag:s1] =	ssyncadd.s32 $0xFFFFF800  }
0x403: {  	_ =	swait.ge [sflag:s10], $0x800  }
0x404: {  	s11 =	rddreg [dreg:$0xf]  }
0x405: {  	s31 =	rddreg [dreg:$0xe];
	s11 =	sadd.s32 $0x1, s11  }
0x406: {  	p0 =	sne.s32 s11, s31  }
.Ltmp7:
0x407: {  	_ = 	snop;
	(pc) =	sbr.rel @p0 .LBB2_1-.Ltmp7, $3  }
0x408: {  	_ =	sdelay $0x1  }
0x409: {  	[sflag:s10] =	ssyncset.done $0x0  }
0x40a: {  	[sflag:s10] =	ssyncadd.s32 $0xFFFFF800  }
0x40b: {  	_ =	sfence.sel $0x180000  }
0x40c: {  	[bflag:$0x0] =	sbarrier.arrive $0xFFFF  }
0x40d: {  	_ =	strace $0x9000004A  }
0x40e: {  	s0 =	stileid.u32;
	[bflag:$0x2] =	sbarrier.arrive $0xFFFF  }
0x40f: {  	p0 =	sne.s32 s0, $0x0;
	s0 =	rddreg [dreg:$0x2]  }
0x410: {  	s0 =	sadd.s32 @!p0 $0x100000, s0  }
0x411: {  	[sflag:s0] =	ssyncadd.tile.s32 @!p0 $0x1;
	_ =	shalt  }
.Lfunc_end2:
_tile_overlayer_lowered:
.L_overlay_start_2:
0x412: {  	(tag) =	ssettag $0x2  }
0x413: {  	s0 =	rddreg [dreg:$0x0];
	s2 =	stileid.u32  }
0x414: {  	s1 =	rddreg [dreg:$0x1];
	p0 =	sne.s32 s2, $0x0  }
0x415: {  	s3 =	rddreg [dreg:$0x2];
	[bflag:$0x3] =	sbarrier.arrive $0xFFFF;
	s2 =	simm.s32 @!p0 $0x1C07  }
0x416: {  	[timem:s3], [sflag:s2] =	dma.local @!p0 [hbm:s0], s1  }
0x417: {  	s0 =	simm.s32 @!p0 $0x7  }
0x418: {  	_ =	swait.ge @!p0 [sflag:s0], s1  }
0x419: {  	s1 =	ssub.s32 @!p0 $0x0, s1;
	[sflag:s0] =	ssyncset.done @!p0 $0x0  }
0x41a: {  	[sflag:s0] =	ssyncadd.s32 @!p0 s1  }
0x41b: {  	[bflag:$0x3] =	sbarrier.arrive $0xFFFF  }
0x41c: {  	_ =	shalt  }

</sc_bundles>
